<compile_context>
chip_gen: v7x
topology: tpu7x:2x2x1
jax: 0.10.2.dev20260603
libtpu: 0.0.44.dev20260713+nightly
codegen_flags: <defaults>
</compile_context>

<pallas_src>
import functools

import jax
import jax.numpy as jnp
from jax import lax
from jax.experimental import pallas as pl
from jax.experimental.pallas import tpu as pltpu
from jax.experimental.pallas import tpu_sc as plsc

N_TYPES = 100000
ROW_PAD = 100_096
HALF = ROW_PAD // 2
SUBA = 195 * 128
SUBB = 196 * 128
SEQ_LEN = 200
NUM_CORES = 2
NUM_SUBCORES = 16
NW = NUM_CORES * NUM_SUBCORES
NFULL = 12
ZBUF = 25_088
LANES = 16
OWIN = 128
SEQ_PAD = 224

_mesh = plsc.VectorSubcoreMesh(core_axis_name="c", subcore_axis_name="s")


@functools.partial(
    pl.kernel,
    out_type=jax.ShapeDtypeStruct((SEQ_LEN, 1, N_TYPES), jnp.float32),
    mesh=_mesh,
    scratch_types=[
        pltpu.VMEM((ZBUF,), jnp.float32),
        pltpu.VMEM((NFULL + 1, OWIN), jnp.float32),
        pltpu.VMEM((SEQ_PAD,), jnp.int32),
        pltpu.VMEM((LANES,), jnp.float32),
        pltpu.SemaphoreType.DMA,
        pltpu.SemaphoreType.DMA,
    ],
    compiler_params=pltpu.CompilerParams(needs_layout_passes=False),
)
def _bow_sc(tokens_hbm, scale_hbm, out_hbm, zbuf, obuf, tbuf, vbuf, zsem, osem):
    wid = lax.axis_index("c") * NUM_SUBCORES + lax.axis_index("s")

    zv = jnp.zeros((LANES,), jnp.float32)

    def zbody(i, carry):
        b = i * (32 * LANES)
        for k in range(32):
            zbuf[pl.ds(b + k * LANES, LANES)] = zv
        return carry

    lax.fori_loop(0, ZBUF // (32 * LANES), zbody, 0)

    rows, sides = [], []
    for j in range(NFULL):
        rows.append(6 * wid + j // 2)
        sides.append(j % 2)
    t_row = 192 + wid // 4
    t_side = (wid // 2) % 2
    is_upper = wid % 2
    rows.append(t_row)
    sides.append(t_side)

    copies = []
    for j in range(NFULL):
        base = pl.multiple_of(sides[j] * HALF, OWIN)
        cp_a = pltpu.make_async_copy(
            zbuf.at[pl.ds(0, SUBA)],
            out_hbm.at[rows[j], 0, pl.ds(base, SUBA)],
            zsem,
        )
        cp_a.start()
        copies.append(cp_a)
        cp_b = pltpu.make_async_copy(
            zbuf.at[pl.ds(0, SUBB)],
            out_hbm.at[rows[j], 0, pl.ds(base + SUBA, SUBB)],
            zsem,
        )
        cp_b.start()
        copies.append(cp_b)
    tbase = pl.multiple_of(t_side * HALF, OWIN)
    cp_lo = pltpu.make_async_copy(
        zbuf.at[pl.ds(0, SUBA)],
        out_hbm.at[t_row, 0, pl.ds(tbase, SUBA)],
        zsem,
    )
    pl.when(is_upper == 0)(cp_lo.start)
    cp_hi = pltpu.make_async_copy(
        zbuf.at[pl.ds(0, SUBB)],
        out_hbm.at[t_row, 0, pl.ds(tbase + SUBA, SUBB)],
        zsem,
    )
    pl.when(is_upper == 1)(cp_hi.start)

    pltpu.sync_copy(tokens_hbm, tbuf.at[pl.ds(0, SEQ_LEN)])
    pltpu.sync_copy(scale_hbm, vbuf.at[pl.ds(0, 1)])
    scale_v = vbuf[pl.ds(0, LANES)][0]
    offs, owns = [], []
    for j in range(NFULL + 1):
        t = tbuf[pl.ds(rows[j], LANES)][0]
        off = pl.multiple_of((t // OWIN) * OWIN, OWIN)
        pos = t - off
        for g in range(OWIN // LANES):
            lane = g * LANES + lax.iota(jnp.int32, LANES)
            obuf[j, pl.ds(g * LANES, LANES)] = jnp.where(
                lane == pos, scale_v, 0.0)
        offs.append(off)
        own = (t // HALF) == sides[j]
        if j == NFULL:
            within = t // OWIN - t_side * (HALF // OWIN)
            own = own & ((within >= 195) == (is_upper == 1))
        owns.append(own)

    for cp in copies:
        cp.wait()
    pl.when(is_upper == 0)(cp_lo.wait)
    pl.when(is_upper == 1)(cp_hi.wait)
    ocopies = []
    for j in range(NFULL + 1):
        ocp = pltpu.make_async_copy(
            obuf.at[j],
            out_hbm.at[rows[j], 0, pl.ds(offs[j], OWIN)],
            osem,
        )
        pl.when(owns[j])(ocp.start)
        ocopies.append(ocp)
    for j, ocp in enumerate(ocopies):
        pl.when(owns[j])(ocp.wait)


def kernel(tokens, scale):
    return _bow_sc(tokens.astype(jnp.int32), scale.astype(jnp.float32))

# --- scband reference (transcript-rebuilt; emitter-appended) ---
"""Pipeline reference for scband-bowfeatures-24687472017544 (READ-ONLY COPY).

The authoritative reference and input builder live on the scoring server;
editing this copy changes nothing except your own understanding.
"""

import jax, jax.numpy as jnp
import numpy as np

N_TYPES = 100000
WINDOW_SIZE = 0
DIM = (1 + 2 * WINDOW_SIZE) * N_TYPES
SEQ_LEN = 200


def setup_inputs(seed: int = 0) -> dict:
    key = jax.random.key(seed)
    tokens = jax.random.randint(key, (SEQ_LEN,), 0, N_TYPES, dtype=jnp.int64 if jax.config.jax_enable_x64 else jnp.int32)
    # 'scale' is a constant 1.0 standing in for the one-hot write value (kept as a
    # float tensor so the fwdbwd variant has a differentiable primal).
    scale = jnp.ones((1,), dtype=jnp.float32)
    return {"tokens": tokens, "scale": scale}


def reference(tokens, scale):
    # Faithful translation of BOWFeatures._forward:
    # for each position n with token w, output[n, 0, w] = 1.0 (scatter-overwrite
    # into a zero tensor of shape [len(tokens), 1, dim]).
    L = tokens.shape[0]
    out = jnp.zeros((L, 1, DIM), dtype=jnp.float32)
    out = out.at[jnp.arange(L), 0, tokens].set(scale[0])
    return out

if __name__ == "__main__":
    import jax
    _d = setup_inputs()
    print(jax.jit(kernel)(*tuple(_d.values())))

</pallas_src>

<mosaic_0001>
#map = affine_map<(d0, d1) -> (0)>
#map1 = affine_map<(d0, d1) -> (0, 0, 0)>
module attributes {stable_mosaic.version = 14 : i64} {
  func.func @_bow_sc(%arg0: i32, %arg1: i32, %arg2: memref<200xi32, #tpu.memory_space<hbm>>, %arg3: memref<1xf32, #tpu.memory_space<hbm>>, %arg4: memref<200x1x100000xf32, #tpu.memory_space<hbm>>, %arg5: memref<25088xf32, #tpu.memory_space<vmem>>, %arg6: memref<13x128xf32, #tpu.memory_space<vmem>>, %arg7: memref<224xi32, #tpu.memory_space<vmem>>, %arg8: memref<16xf32, #tpu.memory_space<vmem>>, %arg9: memref<!tpu.dma_semaphore, #tpu.memory_space<semaphore_mem>>, %arg10: memref<!tpu.dma_semaphore, #tpu.memory_space<semaphore_mem>>) attributes {dimension_semantics = [#tpu.dimension_semantics<core_parallel>, #tpu.dimension_semantics<subcore_parallel>], iteration_bounds = array<i64: 2, 16>, scalar_prefetch = 0 : i64, scratch_operands = 6 : i64, tpu.core_type = #tpu.core_type<sc_vector_subcore>, window_params = [{transform_indices = #map}, {transform_indices = #map}, {transform_indices = #map1}]} {
    %mul3A = arith.constant 16 : i32
    %mul3A_0 = arith.muli %arg0, %mul3A : i32
    %add3A = arith.addi %mul3A_0, %arg1 : i32
    %broadcast_in_dim3A = arith.constant 0.000000e+00 : f32
    %broadcast_in_dim3A_1 = vector.broadcast %broadcast_in_dim3A : f32 to vector<16xf32>
    %scan3A = arith.constant 0 : i32
    %scan3A_2 = arith.constant 0 : i32
    %scan3A_3 = arith.constant 49 : i32
    %scan3A_4 = arith.addi %scan3A_2, %scan3A_3 : i32
    %scan3A_5 = arith.constant 1 : i32
    scf.for %scan3A_3003 = %scan3A_2 to %scan3A_4 step %scan3A_5  : i32 {
      %mul3A_3004 = arith.constant 512 : i32
      %mul3A_3005 = arith.muli %scan3A_3003, %mul3A_3004 : i32
      %add3A_3006 = arith.constant 0 : i32
      %add3A_3007 = arith.addi %mul3A_3005, %add3A_3006 : i32
      %swap3A_3008 = arith.index_cast %add3A_3007 : i32 to index
      %swap3A_3009 = tpu.vector_load %arg5[%swap3A_3008] {strides = array<i32>} : memref<25088xf32, #tpu.memory_space<vmem>>, vector<16xf32>,
      tpu.vector_store %arg5[%swap3A_3008], %broadcast_in_dim3A_1 {strides = array<i32>} : memref<25088xf32, #tpu.memory_space<vmem>>, vector<16xf32>,
      %add3A_3010 = arith.constant 16 : i32
      %add3A_3011 = arith.addi %mul3A_3005, %add3A_3010 : i32
      %swap3A_3012 = arith.index_cast %add3A_3011 : i32 to index
      %swap3A_3013 = tpu.vector_load %arg5[%swap3A_3012] {strides = array<i32>} : memref<25088xf32, #tpu.memory_space<vmem>>, vector<16xf32>,
      tpu.vector_store %arg5[%swap3A_3012], %broadcast_in_dim3A_1 {strides = array<i32>} : memref<25088xf32, #tpu.memory_space<vmem>>, vector<16xf32>,
      %add3A_3014 = arith.constant 32 : i32
      %add3A_3015 = arith.addi %mul3A_3005, %add3A_3014 : i32
      %swap3A_3016 = arith.index_cast %add3A_3015 : i32 to index
      %swap3A_3017 = tpu.vector_load %arg5[%swap3A_3016] {strides = array<i32>} : memref<25088xf32, #tpu.memory_space<vmem>>, vector<16xf32>,
      tpu.vector_store %arg5[%swap3A_3016], %broadcast_in_dim3A_1 {strides = array<i32>} : memref<25088xf32, #tpu.memory_space<vmem>>, vector<16xf32>,
      %add3A_3018 = arith.constant 48 : i32
      %add3A_3019 = arith.addi %mul3A_3005, %add3A_3018 : i32
      %swap3A_3020 = arith.index_cast %add3A_3019 : i32 to index
      %swap3A_3021 = tpu.vector_load %arg5[%swap3A_3020] {strides = array<i32>} : memref<25088xf32, #tpu.memory_space<vmem>>, vector<16xf32>,
      tpu.vector_store %arg5[%swap3A_3020], %broadcast_in_dim3A_1 {strides = array<i32>} : memref<25088xf32, #tpu.memory_space<vmem>>, vector<16xf32>,
      %add3A_3022 = arith.constant 64 : i32
      %add3A_3023 = arith.addi %mul3A_3005, %add3A_3022 : i32
      %swap3A_3024 = arith.index_cast %add3A_3023 : i32 to index
      %swap3A_3025 = tpu.vector_load %arg5[%swap3A_3024] {strides = array<i32>} : memref<25088xf32, #tpu.memory_space<vmem>>, vector<16xf32>,
      tpu.vector_store %arg5[%swap3A_3024], %broadcast_in_dim3A_1 {strides = array<i32>} : memref<25088xf32, #tpu.memory_space<vmem>>, vector<16xf32>,
      %add3A_3026 = arith.constant 80 : i32
      %add3A_3027 = arith.addi %mul3A_3005, %add3A_3026 : i32
      %swap3A_3028 = arith.index_cast %add3A_3027 : i32 to index
      %swap3A_3029 = tpu.vector_load %arg5[%swap3A_3028] {strides = array<i32>} : memref<25088xf32, #tpu.memory_space<vmem>>, vector<16xf32>,
      tpu.vector_store %arg5[%swap3A_3028], %broadcast_in_dim3A_1 {strides = array<i32>} : memref<25088xf32, #tpu.memory_space<vmem>>, vector<16xf32>,
      %add3A_3030 = arith.constant 96 : i32
      %add3A_3031 = arith.addi %mul3A_3005, %add3A_3030 : i32
      %swap3A_3032 = arith.index_cast %add3A_3031 : i32 to index
      %swap3A_3033 = tpu.vector_load %arg5[%swap3A_3032] {strides = array<i32>} : memref<25088xf32, #tpu.memory_space<vmem>>, vector<16xf32>,
      tpu.vector_store %arg5[%swap3A_3032], %broadcast_in_dim3A_1 {strides = array<i32>} : memref<25088xf32, #tpu.memory_space<vmem>>, vector<16xf32>,
      %add3A_3034 = arith.constant 112 : i32
      %add3A_3035 = arith.addi %mul3A_3005, %add3A_3034 : i32
      %swap3A_3036 = arith.index_cast %add3A_3035 : i32 to index
      %swap3A_3037 = tpu.vector_load %arg5[%swap3A_3036] {strides = array<i32>} : memref<25088xf32, #tpu.memory_space<vmem>>, vector<16xf32>,
      tpu.vector_store %arg5[%swap3A_3036], %broadcast_in_dim3A_1 {strides = array<i32>} : memref<25088xf32, #tpu.memory_space<vmem>>, vector<16xf32>,
      %add3A_3038 = arith.constant 128 : i32
      %add3A_3039 = arith.addi %mul3A_3005, %add3A_3038 : i32
      %swap3A_3040 = arith.index_cast %add3A_3039 : i32 to index
      %swap3A_3041 = tpu.vector_load %arg5[%swap3A_3040] {strides = array<i32>} : memref<25088xf32, #tpu.memory_space<vmem>>, vector<16xf32>,
      tpu.vector_store %arg5[%swap3A_3040], %broadcast_in_dim3A_1 {strides = array<i32>} : memref<25088xf32, #tpu.memory_space<vmem>>, vector<16xf32>,
      %add3A_3042 = arith.constant 144 : i32
      %add3A_3043 = arith.addi %mul3A_3005, %add3A_3042 : i32
      %swap3A_3044 = arith.index_cast %add3A_3043 : i32 to index
      %swap3A_3045 = tpu.vector_load %arg5[%swap3A_3044] {strides = array<i32>} : memref<25088xf32, #tpu.memory_space<vmem>>, vector<16xf32>,
      tpu.vector_store %arg5[%swap3A_3044], %broadcast_in_dim3A_1 {strides = array<i32>} : memref<25088xf32, #tpu.memory_space<vmem>>, vector<16xf32>,
      %add3A_3046 = arith.constant 160 : i32
      %add3A_3047 = arith.addi %mul3A_3005, %add3A_3046 : i32
      %swap3A_3048 = arith.index_cast %add3A_3047 : i32 to index
      %swap3A_3049 = tpu.vector_load %arg5[%swap3A_3048] {strides = array<i32>} : memref<25088xf32, #tpu.memory_space<vmem>>, vector<16xf32>,
      tpu.vector_store %arg5[%swap3A_3048], %broadcast_in_dim3A_1 {strides = array<i32>} : memref<25088xf32, #tpu.memory_space<vmem>>, vector<16xf32>,
      %add3A_3050 = arith.constant 176 : i32
      %add3A_3051 = arith.addi %mul3A_3005, %add3A_3050 : i32
      %swap3A_3052 = arith.index_cast %add3A_3051 : i32 to index
      %swap3A_3053 = tpu.vector_load %arg5[%swap3A_3052] {strides = array<i32>} : memref<25088xf32, #tpu.memory_space<vmem>>, vector<16xf32>,
      tpu.vector_store %arg5[%swap3A_3052], %broadcast_in_dim3A_1 {strides = array<i32>} : memref<25088xf32, #tpu.memory_space<vmem>>, vector<16xf32>,
      %add3A_3054 = arith.constant 192 : i32
      %add3A_3055 = arith.addi %mul3A_3005, %add3A_3054 : i32
      %swap3A_3056 = arith.index_cast %add3A_3055 : i32 to index
      %swap3A_3057 = tpu.vector_load %arg5[%swap3A_3056] {strides = array<i32>} : memref<25088xf32, #tpu.memory_space<vmem>>, vector<16xf32>,
      tpu.vector_store %arg5[%swap3A_3056], %broadcast_in_dim3A_1 {strides = array<i32>} : memref<25088xf32, #tpu.memory_space<vmem>>, vector<16xf32>,
      %add3A_3058 = arith.constant 208 : i32
      %add3A_3059 = arith.addi %mul3A_3005, %add3A_3058 : i32
      %swap3A_3060 = arith.index_cast %add3A_3059 : i32 to index
      %swap3A_3061 = tpu.vector_load %arg5[%swap3A_3060] {strides = array<i32>} : memref<25088xf32, #tpu.memory_space<vmem>>, vector<16xf32>,
      tpu.vector_store %arg5[%swap3A_3060], %broadcast_in_dim3A_1 {strides = array<i32>} : memref<25088xf32, #tpu.memory_space<vmem>>, vector<16xf32>,
      %add3A_3062 = arith.constant 224 : i32
      %add3A_3063 = arith.addi %mul3A_3005, %add3A_3062 : i32
      %swap3A_3064 = arith.index_cast %add3A_3063 : i32 to index
      %swap3A_3065 = tpu.vector_load %arg5[%swap3A_3064] {strides = array<i32>} : memref<25088xf32, #tpu.memory_space<vmem>>, vector<16xf32>,
      tpu.vector_store %arg5[%swap3A_3064], %broadcast_in_dim3A_1 {strides = array<i32>} : memref<25088xf32, #tpu.memory_space<vmem>>, vector<16xf32>,
      %add3A_3066 = arith.constant 240 : i32
      %add3A_3067 = arith.addi %mul3A_3005, %add3A_3066 : i32
      %swap3A_3068 = arith.index_cast %add3A_3067 : i32 to index
      %swap3A_3069 = tpu.vector_load %arg5[%swap3A_3068] {strides = array<i32>} : memref<25088xf32, #tpu.memory_space<vmem>>, vector<16xf32>,
      tpu.vector_store %arg5[%swap3A_3068], %broadcast_in_dim3A_1 {strides = array<i32>} : memref<25088xf32, #tpu.memory_space<vmem>>, vector<16xf32>,
      %add3A_3070 = arith.constant 256 : i32
      %add3A_3071 = arith.addi %mul3A_3005, %add3A_3070 : i32
      %swap3A_3072 = arith.index_cast %add3A_3071 : i32 to index
      %swap3A_3073 = tpu.vector_load %arg5[%swap3A_3072] {strides = array<i32>} : memref<25088xf32, #tpu.memory_space<vmem>>, vector<16xf32>,
      tpu.vector_store %arg5[%swap3A_3072], %broadcast_in_dim3A_1 {strides = array<i32>} : memref<25088xf32, #tpu.memory_space<vmem>>, vector<16xf32>,
      %add3A_3074 = arith.constant 272 : i32
      %add3A_3075 = arith.addi %mul3A_3005, %add3A_3074 : i32
      %swap3A_3076 = arith.index_cast %add3A_3075 : i32 to index
      %swap3A_3077 = tpu.vector_load %arg5[%swap3A_3076] {strides = array<i32>} : memref<25088xf32, #tpu.memory_space<vmem>>, vector<16xf32>,
      tpu.vector_store %arg5[%swap3A_3076], %broadcast_in_dim3A_1 {strides = array<i32>} : memref<25088xf32, #tpu.memory_space<vmem>>, vector<16xf32>,
      %add3A_3078 = arith.constant 288 : i32
      %add3A_3079 = arith.addi %mul3A_3005, %add3A_3078 : i32
      %swap3A_3080 = arith.index_cast %add3A_3079 : i32 to index
      %swap3A_3081 = tpu.vector_load %arg5[%swap3A_3080] {strides = array<i32>} : memref<25088xf32, #tpu.memory_space<vmem>>, vector<16xf32>,
      tpu.vector_store %arg5[%swap3A_3080], %broadcast_in_dim3A_1 {strides = array<i32>} : memref<25088xf32, #tpu.memory_space<vmem>>, vector<16xf32>,
      %add3A_3082 = arith.constant 304 : i32
      %add3A_3083 = arith.addi %mul3A_3005, %add3A_3082 : i32
      %swap3A_3084 = arith.index_cast %add3A_3083 : i32 to index
      %swap3A_3085 = tpu.vector_load %arg5[%swap3A_3084] {strides = array<i32>} : memref<25088xf32, #tpu.memory_space<vmem>>, vector<16xf32>,
      tpu.vector_store %arg5[%swap3A_3084], %broadcast_in_dim3A_1 {strides = array<i32>} : memref<25088xf32, #tpu.memory_space<vmem>>, vector<16xf32>,
      %add3A_3086 = arith.constant 320 : i32
      %add3A_3087 = arith.addi %mul3A_3005, %add3A_3086 : i32
      %swap3A_3088 = arith.index_cast %add3A_3087 : i32 to index
      %swap3A_3089 = tpu.vector_load %arg5[%swap3A_3088] {strides = array<i32>} : memref<25088xf32, #tpu.memory_space<vmem>>, vector<16xf32>,
      tpu.vector_store %arg5[%swap3A_3088], %broadcast_in_dim3A_1 {strides = array<i32>} : memref<25088xf32, #tpu.memory_space<vmem>>, vector<16xf32>,
      %add3A_3090 = arith.constant 336 : i32
      %add3A_3091 = arith.addi %mul3A_3005, %add3A_3090 : i32
      %swap3A_3092 = arith.index_cast %add3A_3091 : i32 to index
      %swap3A_3093 = tpu.vector_load %arg5[%swap3A_3092] {strides = array<i32>} : memref<25088xf32, #tpu.memory_space<vmem>>, vector<16xf32>,
      tpu.vector_store %arg5[%swap3A_3092], %broadcast_in_dim3A_1 {strides = array<i32>} : memref<25088xf32, #tpu.memory_space<vmem>>, vector<16xf32>,
      %add3A_3094 = arith.constant 352 : i32
      %add3A_3095 = arith.addi %mul3A_3005, %add3A_3094 : i32
      %swap3A_3096 = arith.index_cast %add3A_3095 : i32 to index
      %swap3A_3097 = tpu.vector_load %arg5[%swap3A_3096] {strides = array<i32>} : memref<25088xf32, #tpu.memory_space<vmem>>, vector<16xf32>,
      tpu.vector_store %arg5[%swap3A_3096], %broadcast_in_dim3A_1 {strides = array<i32>} : memref<25088xf32, #tpu.memory_space<vmem>>, vector<16xf32>,
      %add3A_3098 = arith.constant 368 : i32
      %add3A_3099 = arith.addi %mul3A_3005, %add3A_3098 : i32
      %swap3A_3100 = arith.index_cast %add3A_3099 : i32 to index
      %swap3A_3101 = tpu.vector_load %arg5[%swap3A_3100] {strides = array<i32>} : memref<25088xf32, #tpu.memory_space<vmem>>, vector<16xf32>,
      tpu.vector_store %arg5[%swap3A_3100], %broadcast_in_dim3A_1 {strides = array<i32>} : memref<25088xf32, #tpu.memory_space<vmem>>, vector<16xf32>,
      %add3A_3102 = arith.constant 384 : i32
      %add3A_3103 = arith.addi %mul3A_3005, %add3A_3102 : i32
      %swap3A_3104 = arith.index_cast %add3A_3103 : i32 to index
      %swap3A_3105 = tpu.vector_load %arg5[%swap3A_3104] {strides = array<i32>} : memref<25088xf32, #tpu.memory_space<vmem>>, vector<16xf32>,
      tpu.vector_store %arg5[%swap3A_3104], %broadcast_in_dim3A_1 {strides = array<i32>} : memref<25088xf32, #tpu.memory_space<vmem>>, vector<16xf32>,
      %add3A_3106 = arith.constant 400 : i32
      %add3A_3107 = arith.addi %mul3A_3005, %add3A_3106 : i32
      %swap3A_3108 = arith.index_cast %add3A_3107 : i32 to index
      %swap3A_3109 = tpu.vector_load %arg5[%swap3A_3108] {strides = array<i32>} : memref<25088xf32, #tpu.memory_space<vmem>>, vector<16xf32>,
      tpu.vector_store %arg5[%swap3A_3108], %broadcast_in_dim3A_1 {strides = array<i32>} : memref<25088xf32, #tpu.memory_space<vmem>>, vector<16xf32>,
      %add3A_3110 = arith.constant 416 : i32
      %add3A_3111 = arith.addi %mul3A_3005, %add3A_3110 : i32
      %swap3A_3112 = arith.index_cast %add3A_3111 : i32 to index
      %swap3A_3113 = tpu.vector_load %arg5[%swap3A_3112] {strides = array<i32>} : memref<25088xf32, #tpu.memory_space<vmem>>, vector<16xf32>,
      tpu.vector_store %arg5[%swap3A_3112], %broadcast_in_dim3A_1 {strides = array<i32>} : memref<25088xf32, #tpu.memory_space<vmem>>, vector<16xf32>,
      %add3A_3114 = arith.constant 432 : i32
      %add3A_3115 = arith.addi %mul3A_3005, %add3A_3114 : i32
      %swap3A_3116 = arith.index_cast %add3A_3115 : i32 to index
      %swap3A_3117 = tpu.vector_load %arg5[%swap3A_3116] {strides = array<i32>} : memref<25088xf32, #tpu.memory_space<vmem>>, vector<16xf32>,
      tpu.vector_store %arg5[%swap3A_3116], %broadcast_in_dim3A_1 {strides = array<i32>} : memref<25088xf32, #tpu.memory_space<vmem>>, vector<16xf32>,
      %add3A_3118 = arith.constant 448 : i32
      %add3A_3119 = arith.addi %mul3A_3005, %add3A_3118 : i32
      %swap3A_3120 = arith.index_cast %add3A_3119 : i32 to index
      %swap3A_3121 = tpu.vector_load %arg5[%swap3A_3120] {strides = array<i32>} : memref<25088xf32, #tpu.memory_space<vmem>>, vector<16xf32>,
      tpu.vector_store %arg5[%swap3A_3120], %broadcast_in_dim3A_1 {strides = array<i32>} : memref<25088xf32, #tpu.memory_space<vmem>>, vector<16xf32>,
      %add3A_3122 = arith.constant 464 : i32
      %add3A_3123 = arith.addi %mul3A_3005, %add3A_3122 : i32
      %swap3A_3124 = arith.index_cast %add3A_3123 : i32 to index
      %swap3A_3125 = tpu.vector_load %arg5[%swap3A_3124] {strides = array<i32>} : memref<25088xf32, #tpu.memory_space<vmem>>, vector<16xf32>,
      tpu.vector_store %arg5[%swap3A_3124], %broadcast_in_dim3A_1 {strides = array<i32>} : memref<25088xf32, #tpu.memory_space<vmem>>, vector<16xf32>,
      %add3A_3126 = arith.constant 480 : i32
      %add3A_3127 = arith.addi %mul3A_3005, %add3A_3126 : i32
      %swap3A_3128 = arith.index_cast %add3A_3127 : i32 to index
      %swap3A_3129 = tpu.vector_load %arg5[%swap3A_3128] {strides = array<i32>} : memref<25088xf32, #tpu.memory_space<vmem>>, vector<16xf32>,
      tpu.vector_store %arg5[%swap3A_3128], %broadcast_in_dim3A_1 {strides = array<i32>} : memref<25088xf32, #tpu.memory_space<vmem>>, vector<16xf32>,
      %add3A_3130 = arith.constant 496 : i32
      %add3A_3131 = arith.addi %mul3A_3005, %add3A_3130 : i32
      %swap3A_3132 = arith.index_cast %add3A_3131 : i32 to index
      %swap3A_3133 = tpu.vector_load %arg5[%swap3A_3132] {strides = array<i32>} : memref<25088xf32, #tpu.memory_space<vmem>>, vector<16xf32>,
      tpu.vector_store %arg5[%swap3A_3132], %broadcast_in_dim3A_1 {strides = array<i32>} : memref<25088xf32, #tpu.memory_space<vmem>>, vector<16xf32>,
    }
    %scan3A_6 = arith.constant 49 : i32
    %mul3A_7 = arith.constant 6 : i32
    %mul3A_8 = arith.muli %mul3A_7, %add3A : i32
    %add3A_9 = arith.constant 0 : i32
    %add3A_10 = arith.addi %mul3A_8, %add3A_9 : i32
    %mul3A_11 = arith.constant 6 : i32
    %mul3A_12 = arith.muli %mul3A_11, %add3A : i32
    %add3A_13 = arith.constant 0 : i32
    %add3A_14 = arith.addi %mul3A_12, %add3A_13 : i32
    %mul3A_15 = arith.constant 6 : i32
    %mul3A_16 = arith.muli %mul3A_15, %add3A : i32
    %add3A_17 = arith.constant 1 : i32
    %add3A_18 = arith.addi %mul3A_16, %add3A_17 : i32
    %mul3A_19 = arith.constant 6 : i32
    %mul3A_20 = arith.muli %mul3A_19, %add3A : i32
    %add3A_21 = arith.constant 1 : i32
    %add3A_22 = arith.addi %mul3A_20, %add3A_21 : i32
    %mul3A_23 = arith.constant 6 : i32
    %mul3A_24 = arith.muli %mul3A_23, %add3A : i32
    %add3A_25 = arith.constant 2 : i32
    %add3A_26 = arith.addi %mul3A_24, %add3A_25 : i32
    %mul3A_27 = arith.constant 6 : i32
    %mul3A_28 = arith.muli %mul3A_27, %add3A : i32
    %add3A_29 = arith.constant 2 : i32
    %add3A_30 = arith.addi %mul3A_28, %add3A_29 : i32
    %mul3A_31 = arith.constant 6 : i32
    %mul3A_32 = arith.muli %mul3A_31, %add3A : i32
    %add3A_33 = arith.constant 3 : i32
    %add3A_34 = arith.addi %mul3A_32, %add3A_33 : i32
    %mul3A_35 = arith.constant 6 : i32
    %mul3A_36 = arith.muli %mul3A_35, %add3A : i32
    %add3A_37 = arith.constant 3 : i32
    %add3A_38 = arith.addi %mul3A_36, %add3A_37 : i32
    %mul3A_39 = arith.constant 6 : i32
    %mul3A_40 = arith.muli %mul3A_39, %add3A : i32
    %add3A_41 = arith.constant 4 : i32
    %add3A_42 = arith.addi %mul3A_40, %add3A_41 : i32
    %mul3A_43 = arith.constant 6 : i32
    %mul3A_44 = arith.muli %mul3A_43, %add3A : i32
    %add3A_45 = arith.constant 4 : i32
    %add3A_46 = arith.addi %mul3A_44, %add3A_45 : i32
    %mul3A_47 = arith.constant 6 : i32
    %mul3A_48 = arith.muli %mul3A_47, %add3A : i32
    %add3A_49 = arith.constant 5 : i32
    %add3A_50 = arith.addi %mul3A_48, %add3A_49 : i32
    %mul3A_51 = arith.constant 6 : i32
    %mul3A_52 = arith.muli %mul3A_51, %add3A : i32
    %add3A_53 = arith.constant 5 : i32
    %add3A_54 = arith.addi %mul3A_52, %add3A_53 : i32
    %jit3A = arith.constant 4 : i32
    %div3A = arith.divsi %add3A, %jit3A : i32
    %sign3A = arith.constant 0 : i32
    %sign3A_55 = arith.cmpi sgt, %add3A, %sign3A : i32
    %sign3A_56 = arith.extui %sign3A_55 : i1 to i32
    %sign3A_57 = arith.constant 0 : i32
    %sign3A_58 = arith.cmpi slt, %add3A, %sign3A_57 : i32
    %sign3A_59 = arith.extui %sign3A_58 : i1 to i32
    %sign3A_60 = arith.subi %sign3A_56, %sign3A_59 : i32
    %sign3A_61 = arith.constant 0 : i32
    %sign3A_62 = arith.cmpi sgt, %jit3A, %sign3A_61 : i32
    %sign3A_63 = arith.extui %sign3A_62 : i1 to i32
    %sign3A_64 = arith.constant 0 : i32
    %sign3A_65 = arith.cmpi slt, %jit3A, %sign3A_64 : i32
    %sign3A_66 = arith.extui %sign3A_65 : i1 to i32
    %sign3A_67 = arith.subi %sign3A_63, %sign3A_66 : i32
    %ne3A = arith.cmpi ne, %sign3A_60, %sign3A_67 : i32
    %rem3A = arith.remsi %add3A, %jit3A : i32
    %ne3A_68 = arith.constant 0 : i32
    %ne3A_69 = arith.cmpi ne, %rem3A, %ne3A_68 : i32
    %and3A = arith.andi %ne3A, %ne3A_69 : i1
    %sub3A = arith.constant 1 : i32
    %sub3A_70 = arith.subi %div3A, %sub3A : i32
    %select_n3A = arith.select %and3A, %sub3A_70, %div3A : i32
    %add3A_71 = arith.constant 192 : i32
    %add3A_72 = arith.addi %add3A_71, %select_n3A : i32
    %jit3A_73 = arith.constant 2 : i32
    %div3A_74 = arith.divsi %add3A, %jit3A_73 : i32
    %sign3A_75 = arith.constant 0 : i32
    %sign3A_76 = arith.cmpi sgt, %add3A, %sign3A_75 : i32
    %sign3A_77 = arith.extui %sign3A_76 : i1 to i32
    %sign3A_78 = arith.constant 0 : i32
    %sign3A_79 = arith.cmpi slt, %add3A, %sign3A_78 : i32
    %sign3A_80 = arith.extui %sign3A_79 : i1 to i32
    %sign3A_81 = arith.subi %sign3A_77, %sign3A_80 : i32
    %sign3A_82 = arith.constant 0 : i32
    %sign3A_83 = arith.cmpi sgt, %jit3A_73, %sign3A_82 : i32
    %sign3A_84 = arith.extui %sign3A_83 : i1 to i32
    %sign3A_85 = arith.constant 0 : i32
    %sign3A_86 = arith.cmpi slt, %jit3A_73, %sign3A_85 : i32
    %sign3A_87 = arith.extui %sign3A_86 : i1 to i32
    %sign3A_88 = arith.subi %sign3A_84, %sign3A_87 : i32
    %ne3A_89 = arith.cmpi ne, %sign3A_81, %sign3A_88 : i32
    %rem3A_90 = arith.remsi %add3A, %jit3A_73 : i32
    %ne3A_91 = arith.constant 0 : i32
    %ne3A_92 = arith.cmpi ne, %rem3A_90, %ne3A_91 : i32
    %and3A_93 = arith.andi %ne3A_89, %ne3A_92 : i1
    %sub3A_94 = arith.constant 1 : i32
    %sub3A_95 = arith.subi %div3A_74, %sub3A_94 : i32
    %select_n3A_96 = arith.select %and3A_93, %sub3A_95, %div3A_74 : i32
    %jit3A_97 = arith.constant 2 : i32
    %eq3A = arith.constant 0 : i32
    %eq3A_98 = arith.cmpi eq, %jit3A_97, %eq3A : i32
    %jit3A_99 = arith.constant 1 : i32
    %select_n3A_100 = arith.select %eq3A_98, %jit3A_99, %jit3A_97 : i32
    %rem3A_101 = arith.remsi %select_n3A_96, %select_n3A_100 : i32
    %ne3A_102 = arith.constant 0 : i32
    %ne3A_103 = arith.cmpi ne, %rem3A_101, %ne3A_102 : i32
    %lt3A = arith.constant 0 : i32
    %lt3A_104 = arith.cmpi slt, %rem3A_101, %lt3A : i32
    %lt3A_105 = arith.constant 0 : i32
    %lt3A_106 = arith.cmpi slt, %select_n3A_100, %lt3A_105 : i32
    %ne3A_107 = arith.xori %lt3A_104, %lt3A_106 : i1
    %and3A_108 = arith.andi %ne3A_107, %ne3A_103 : i1
    %add3A_109 = arith.addi %rem3A_101, %select_n3A_100 : i32
    %select_n3A_110 = arith.select %and3A_108, %add3A_109, %rem3A_101 : i32
    %jit3A_111 = arith.constant 2 : i32
    %eq3A_112 = arith.constant 0 : i32
    %eq3A_113 = arith.cmpi eq, %jit3A_111, %eq3A_112 : i32
    %jit3A_114 = arith.constant 1 : i32
    %select_n3A_115 = arith.select %eq3A_113, %jit3A_114, %jit3A_111 : i32
    %rem3A_116 = arith.remsi %add3A, %select_n3A_115 : i32
    %ne3A_117 = arith.constant 0 : i32
    %ne3A_118 = arith.cmpi ne, %rem3A_116, %ne3A_117 : i32
    %lt3A_119 = arith.constant 0 : i32
    %lt3A_120 = arith.cmpi slt, %rem3A_116, %lt3A_119 : i32
    %lt3A_121 = arith.constant 0 : i32
    %lt3A_122 = arith.cmpi slt, %select_n3A_115, %lt3A_121 : i32
    %ne3A_123 = arith.xori %lt3A_120, %lt3A_122 : i1
    %and3A_124 = arith.andi %ne3A_123, %ne3A_118 : i1
    %add3A_125 = arith.addi %rem3A_116, %select_n3A_115 : i32
    %select_n3A_126 = arith.select %and3A_124, %add3A_125, %rem3A_116 : i32
    %multiple_of3A = arith.constant 0 : i32
    %multiple_of3A_127 = tpu.assume_multiple %multiple_of3A, 128 : i32
    %dma_start3A = arith.constant 0 : i32
    %dma_start3A_128 = arith.constant 0 : i32
    %dma_start3A_129 = tpu.memref_slice %arg5[%dma_start3A_128] : memref<25088xf32, #tpu.memory_space<vmem>> -> memref<24960xf32, #tpu.memory_space<vmem>>
    %dma_start3A_130 = tpu.memref_slice %arg4[%add3A_10, %dma_start3A, %multiple_of3A_127] : memref<200x1x100000xf32, #tpu.memory_space<hbm>> -> memref<1x1x24960xf32, #tpu.memory_space<hbm>>
    %dma_start3A_131 = tpu.memref_squeeze %dma_start3A_130 : memref<1x1x24960xf32, #tpu.memory_space<hbm>> -> memref<24960xf32, #tpu.memory_space<hbm>>
    %dma_start3A_132 = tpu.memref_slice %arg4[%add3A_10, %dma_start3A, %multiple_of3A_127] : memref<200x1x100000xf32, #tpu.memory_space<hbm>> -> memref<1x1x24960xf32, #tpu.memory_space<hbm>>
    %dma_start3A_133 = tpu.memref_squeeze %dma_start3A_132 : memref<1x1x24960xf32, #tpu.memory_space<hbm>> -> memref<24960xf32, #tpu.memory_space<hbm>>
    %dma_start3A_134 = arith.constant 0 : i32
    %dma_start3A_135 = tpu.memref_slice %arg5[%dma_start3A_134] : memref<25088xf32, #tpu.memory_space<vmem>> -> memref<24960xf32, #tpu.memory_space<vmem>>
    tpu.enqueue_dma source(%dma_start3A_135 : memref<24960xf32, #tpu.memory_space<vmem>>) target(%dma_start3A_133 : memref<24960xf32, #tpu.memory_space<hbm>>) target_semaphore(%arg9 : memref<!tpu.dma_semaphore, #tpu.memory_space<semaphore_mem>>)
    %add3A_136 = arith.constant 24960 : i32
    %add3A_137 = arith.addi %multiple_of3A_127, %add3A_136 : i32
    %dma_start3A_138 = arith.constant 0 : i32
    %dma_start3A_139 = arith.constant 0 : i32
    %dma_start3A_140 = tpu.memref_slice %arg5[%dma_start3A_139] : memref<25088xf32, #tpu.memory_space<vmem>> -> memref<25088xf32, #tpu.memory_space<vmem>>
    %dma_start3A_141 = tpu.memref_slice %arg4[%add3A_10, %dma_start3A_138, %add3A_137] : memref<200x1x100000xf32, #tpu.memory_space<hbm>> -> memref<1x1x25088xf32, #tpu.memory_space<hbm>>
    %dma_start3A_142 = tpu.memref_squeeze %dma_start3A_141 : memref<1x1x25088xf32, #tpu.memory_space<hbm>> -> memref<25088xf32, #tpu.memory_space<hbm>>
    %dma_start3A_143 = tpu.memref_slice %arg4[%add3A_10, %dma_start3A_138, %add3A_137] : memref<200x1x100000xf32, #tpu.memory_space<hbm>> -> memref<1x1x25088xf32, #tpu.memory_space<hbm>>
    %dma_start3A_144 = tpu.memref_squeeze %dma_start3A_143 : memref<1x1x25088xf32, #tpu.memory_space<hbm>> -> memref<25088xf32, #tpu.memory_space<hbm>>
    %dma_start3A_145 = arith.constant 0 : i32
    %dma_start3A_146 = tpu.memref_slice %arg5[%dma_start3A_145] : memref<25088xf32, #tpu.memory_space<vmem>> -> memref<25088xf32, #tpu.memory_space<vmem>>
    tpu.enqueue_dma source(%dma_start3A_146 : memref<25088xf32, #tpu.memory_space<vmem>>) target(%dma_start3A_144 : memref<25088xf32, #tpu.memory_space<hbm>>) target_semaphore(%arg9 : memref<!tpu.dma_semaphore, #tpu.memory_space<semaphore_mem>>)
    %multiple_of3A_147 = arith.constant 50048 : i32
    %multiple_of3A_148 = tpu.assume_multiple %multiple_of3A_147, 128 : i32
    %dma_start3A_149 = arith.constant 0 : i32
    %dma_start3A_150 = arith.constant 0 : i32
    %dma_start3A_151 = tpu.memref_slice %arg5[%dma_start3A_150] : memref<25088xf32, #tpu.memory_space<vmem>> -> memref<24960xf32, #tpu.memory_space<vmem>>
    %dma_start3A_152 = tpu.memref_slice %arg4[%add3A_14, %dma_start3A_149, %multiple_of3A_148] : memref<200x1x100000xf32, #tpu.memory_space<hbm>> -> memref<1x1x24960xf32, #tpu.memory_space<hbm>>
    %dma_start3A_153 = tpu.memref_squeeze %dma_start3A_152 : memref<1x1x24960xf32, #tpu.memory_space<hbm>> -> memref<24960xf32, #tpu.memory_space<hbm>>
    %dma_start3A_154 = tpu.memref_slice %arg4[%add3A_14, %dma_start3A_149, %multiple_of3A_148] : memref<200x1x100000xf32, #tpu.memory_space<hbm>> -> memref<1x1x24960xf32, #tpu.memory_space<hbm>>
    %dma_start3A_155 = tpu.memref_squeeze %dma_start3A_154 : memref<1x1x24960xf32, #tpu.memory_space<hbm>> -> memref<24960xf32, #tpu.memory_space<hbm>>
    %dma_start3A_156 = arith.constant 0 : i32
    %dma_start3A_157 = tpu.memref_slice %arg5[%dma_start3A_156] : memref<25088xf32, #tpu.memory_space<vmem>> -> memref<24960xf32, #tpu.memory_space<vmem>>
    tpu.enqueue_dma source(%dma_start3A_157 : memref<24960xf32, #tpu.memory_space<vmem>>) target(%dma_start3A_155 : memref<24960xf32, #tpu.memory_space<hbm>>) target_semaphore(%arg9 : memref<!tpu.dma_semaphore, #tpu.memory_space<semaphore_mem>>)
    %add3A_158 = arith.constant 24960 : i32
    %add3A_159 = arith.addi %multiple_of3A_148, %add3A_158 : i32
    %dma_start3A_160 = arith.constant 0 : i32
    %dma_start3A_161 = arith.constant 0 : i32
    %dma_start3A_162 = tpu.memref_slice %arg5[%dma_start3A_161] : memref<25088xf32, #tpu.memory_space<vmem>> -> memref<25088xf32, #tpu.memory_space<vmem>>
    %dma_start3A_163 = tpu.memref_slice %arg4[%add3A_14, %dma_start3A_160, %add3A_159] : memref<200x1x100000xf32, #tpu.memory_space<hbm>> -> memref<1x1x25088xf32, #tpu.memory_space<hbm>>
    %dma_start3A_164 = tpu.memref_squeeze %dma_start3A_163 : memref<1x1x25088xf32, #tpu.memory_space<hbm>> -> memref<25088xf32, #tpu.memory_space<hbm>>
    %dma_start3A_165 = tpu.memref_slice %arg4[%add3A_14, %dma_start3A_160, %add3A_159] : memref<200x1x100000xf32, #tpu.memory_space<hbm>> -> memref<1x1x25088xf32, #tpu.memory_space<hbm>>
    %dma_start3A_166 = tpu.memref_squeeze %dma_start3A_165 : memref<1x1x25088xf32, #tpu.memory_space<hbm>> -> memref<25088xf32, #tpu.memory_space<hbm>>
    %dma_start3A_167 = arith.constant 0 : i32
    %dma_start3A_168 = tpu.memref_slice %arg5[%dma_start3A_167] : memref<25088xf32, #tpu.memory_space<vmem>> -> memref<25088xf32, #tpu.memory_space<vmem>>
    tpu.enqueue_dma source(%dma_start3A_168 : memref<25088xf32, #tpu.memory_space<vmem>>) target(%dma_start3A_166 : memref<25088xf32, #tpu.memory_space<hbm>>) target_semaphore(%arg9 : memref<!tpu.dma_semaphore, #tpu.memory_space<semaphore_mem>>)
    %multiple_of3A_169 = arith.constant 0 : i32
    %multiple_of3A_170 = tpu.assume_multiple %multiple_of3A_169, 128 : i32
    %dma_start3A_171 = arith.constant 0 : i32
    %dma_start3A_172 = arith.constant 0 : i32
    %dma_start3A_173 = tpu.memref_slice %arg5[%dma_start3A_172] : memref<25088xf32, #tpu.memory_space<vmem>> -> memref<24960xf32, #tpu.memory_space<vmem>>
    %dma_start3A_174 = tpu.memref_slice %arg4[%add3A_18, %dma_start3A_171, %multiple_of3A_170] : memref<200x1x100000xf32, #tpu.memory_space<hbm>> -> memref<1x1x24960xf32, #tpu.memory_space<hbm>>
    %dma_start3A_175 = tpu.memref_squeeze %dma_start3A_174 : memref<1x1x24960xf32, #tpu.memory_space<hbm>> -> memref<24960xf32, #tpu.memory_space<hbm>>
    %dma_start3A_176 = tpu.memref_slice %arg4[%add3A_18, %dma_start3A_171, %multiple_of3A_170] : memref<200x1x100000xf32, #tpu.memory_space<hbm>> -> memref<1x1x24960xf32, #tpu.memory_space<hbm>>
    %dma_start3A_177 = tpu.memref_squeeze %dma_start3A_176 : memref<1x1x24960xf32, #tpu.memory_space<hbm>> -> memref<24960xf32, #tpu.memory_space<hbm>>
    %dma_start3A_178 = arith.constant 0 : i32
    %dma_start3A_179 = tpu.memref_slice %arg5[%dma_start3A_178] : memref<25088xf32, #tpu.memory_space<vmem>> -> memref<24960xf32, #tpu.memory_space<vmem>>
    tpu.enqueue_dma source(%dma_start3A_179 : memref<24960xf32, #tpu.memory_space<vmem>>) target(%dma_start3A_177 : memref<24960xf32, #tpu.memory_space<hbm>>) target_semaphore(%arg9 : memref<!tpu.dma_semaphore, #tpu.memory_space<semaphore_mem>>)
    %add3A_180 = arith.constant 24960 : i32
    %add3A_181 = arith.addi %multiple_of3A_170, %add3A_180 : i32
    %dma_start3A_182 = arith.constant 0 : i32
    %dma_start3A_183 = arith.constant 0 : i32
    %dma_start3A_184 = tpu.memref_slice %arg5[%dma_start3A_183] : memref<25088xf32, #tpu.memory_space<vmem>> -> memref<25088xf32, #tpu.memory_space<vmem>>
    %dma_start3A_185 = tpu.memref_slice %arg4[%add3A_18, %dma_start3A_182, %add3A_181] : memref<200x1x100000xf32, #tpu.memory_space<hbm>> -> memref<1x1x25088xf32, #tpu.memory_space<hbm>>
    %dma_start3A_186 = tpu.memref_squeeze %dma_start3A_185 : memref<1x1x25088xf32, #tpu.memory_space<hbm>> -> memref<25088xf32, #tpu.memory_space<hbm>>
    %dma_start3A_187 = tpu.memref_slice %arg4[%add3A_18, %dma_start3A_182, %add3A_181] : memref<200x1x100000xf32, #tpu.memory_space<hbm>> -> memref<1x1x25088xf32, #tpu.memory_space<hbm>>
    %dma_start3A_188 = tpu.memref_squeeze %dma_start3A_187 : memref<1x1x25088xf32, #tpu.memory_space<hbm>> -> memref<25088xf32, #tpu.memory_space<hbm>>
    %dma_start3A_189 = arith.constant 0 : i32
    %dma_start3A_190 = tpu.memref_slice %arg5[%dma_start3A_189] : memref<25088xf32, #tpu.memory_space<vmem>> -> memref<25088xf32, #tpu.memory_space<vmem>>
    tpu.enqueue_dma source(%dma_start3A_190 : memref<25088xf32, #tpu.memory_space<vmem>>) target(%dma_start3A_188 : memref<25088xf32, #tpu.memory_space<hbm>>) target_semaphore(%arg9 : memref<!tpu.dma_semaphore, #tpu.memory_space<semaphore_mem>>)
    %multiple_of3A_191 = arith.constant 50048 : i32
    %multiple_of3A_192 = tpu.assume_multiple %multiple_of3A_191, 128 : i32
    %dma_start3A_193 = arith.constant 0 : i32
    %dma_start3A_194 = arith.constant 0 : i32
    %dma_start3A_195 = tpu.memref_slice %arg5[%dma_start3A_194] : memref<25088xf32, #tpu.memory_space<vmem>> -> memref<24960xf32, #tpu.memory_space<vmem>>
    %dma_start3A_196 = tpu.memref_slice %arg4[%add3A_22, %dma_start3A_193, %multiple_of3A_192] : memref<200x1x100000xf32, #tpu.memory_space<hbm>> -> memref<1x1x24960xf32, #tpu.memory_space<hbm>>
    %dma_start3A_197 = tpu.memref_squeeze %dma_start3A_196 : memref<1x1x24960xf32, #tpu.memory_space<hbm>> -> memref<24960xf32, #tpu.memory_space<hbm>>
    %dma_start3A_198 = tpu.memref_slice %arg4[%add3A_22, %dma_start3A_193, %multiple_of3A_192] : memref<200x1x100000xf32, #tpu.memory_space<hbm>> -> memref<1x1x24960xf32, #tpu.memory_space<hbm>>
    %dma_start3A_199 = tpu.memref_squeeze %dma_start3A_198 : memref<1x1x24960xf32, #tpu.memory_space<hbm>> -> memref<24960xf32, #tpu.memory_space<hbm>>
    %dma_start3A_200 = arith.constant 0 : i32
    %dma_start3A_201 = tpu.memref_slice %arg5[%dma_start3A_200] : memref<25088xf32, #tpu.memory_space<vmem>> -> memref<24960xf32, #tpu.memory_space<vmem>>
    tpu.enqueue_dma source(%dma_start3A_201 : memref<24960xf32, #tpu.memory_space<vmem>>) target(%dma_start3A_199 : memref<24960xf32, #tpu.memory_space<hbm>>) target_semaphore(%arg9 : memref<!tpu.dma_semaphore, #tpu.memory_space<semaphore_mem>>)
    %add3A_202 = arith.constant 24960 : i32
    %add3A_203 = arith.addi %multiple_of3A_192, %add3A_202 : i32
    %dma_start3A_204 = arith.constant 0 : i32
    %dma_start3A_205 = arith.constant 0 : i32
    %dma_start3A_206 = tpu.memref_slice %arg5[%dma_start3A_205] : memref<25088xf32, #tpu.memory_space<vmem>> -> memref<25088xf32, #tpu.memory_space<vmem>>
    %dma_start3A_207 = tpu.memref_slice %arg4[%add3A_22, %dma_start3A_204, %add3A_203] : memref<200x1x100000xf32, #tpu.memory_space<hbm>> -> memref<1x1x25088xf32, #tpu.memory_space<hbm>>
    %dma_start3A_208 = tpu.memref_squeeze %dma_start3A_207 : memref<1x1x25088xf32, #tpu.memory_space<hbm>> -> memref<25088xf32, #tpu.memory_space<hbm>>
    %dma_start3A_209 = tpu.memref_slice %arg4[%add3A_22, %dma_start3A_204, %add3A_203] : memref<200x1x100000xf32, #tpu.memory_space<hbm>> -> memref<1x1x25088xf32, #tpu.memory_space<hbm>>
    %dma_start3A_210 = tpu.memref_squeeze %dma_start3A_209 : memref<1x1x25088xf32, #tpu.memory_space<hbm>> -> memref<25088xf32, #tpu.memory_space<hbm>>
    %dma_start3A_211 = arith.constant 0 : i32
    %dma_start3A_212 = tpu.memref_slice %arg5[%dma_start3A_211] : memref<25088xf32, #tpu.memory_space<vmem>> -> memref<25088xf32, #tpu.memory_space<vmem>>
    tpu.enqueue_dma source(%dma_start3A_212 : memref<25088xf32, #tpu.memory_space<vmem>>) target(%dma_start3A_210 : memref<25088xf32, #tpu.memory_space<hbm>>) target_semaphore(%arg9 : memref<!tpu.dma_semaphore, #tpu.memory_space<semaphore_mem>>)
    %multiple_of3A_213 = arith.constant 0 : i32
    %multiple_of3A_214 = tpu.assume_multiple %multiple_of3A_213, 128 : i32
    %dma_start3A_215 = arith.constant 0 : i32
    %dma_start3A_216 = arith.constant 0 : i32
    %dma_start3A_217 = tpu.memref_slice %arg5[%dma_start3A_216] : memref<25088xf32, #tpu.memory_space<vmem>> -> memref<24960xf32, #tpu.memory_space<vmem>>
    %dma_start3A_218 = tpu.memref_slice %arg4[%add3A_26, %dma_start3A_215, %multiple_of3A_214] : memref<200x1x100000xf32, #tpu.memory_space<hbm>> -> memref<1x1x24960xf32, #tpu.memory_space<hbm>>
    %dma_start3A_219 = tpu.memref_squeeze %dma_start3A_218 : memref<1x1x24960xf32, #tpu.memory_space<hbm>> -> memref<24960xf32, #tpu.memory_space<hbm>>
    %dma_start3A_220 = tpu.memref_slice %arg4[%add3A_26, %dma_start3A_215, %multiple_of3A_214] : memref<200x1x100000xf32, #tpu.memory_space<hbm>> -> memref<1x1x24960xf32, #tpu.memory_space<hbm>>
    %dma_start3A_221 = tpu.memref_squeeze %dma_start3A_220 : memref<1x1x24960xf32, #tpu.memory_space<hbm>> -> memref<24960xf32, #tpu.memory_space<hbm>>
    %dma_start3A_222 = arith.constant 0 : i32
    %dma_start3A_223 = tpu.memref_slice %arg5[%dma_start3A_222] : memref<25088xf32, #tpu.memory_space<vmem>> -> memref<24960xf32, #tpu.memory_space<vmem>>
    tpu.enqueue_dma source(%dma_start3A_223 : memref<24960xf32, #tpu.memory_space<vmem>>) target(%dma_start3A_221 : memref<24960xf32, #tpu.memory_space<hbm>>) target_semaphore(%arg9 : memref<!tpu.dma_semaphore, #tpu.memory_space<semaphore_mem>>)
    %add3A_224 = arith.constant 24960 : i32
    %add3A_225 = arith.addi %multiple_of3A_214, %add3A_224 : i32
    %dma_start3A_226 = arith.constant 0 : i32
    %dma_start3A_227 = arith.constant 0 : i32
    %dma_start3A_228 = tpu.memref_slice %arg5[%dma_start3A_227] : memref<25088xf32, #tpu.memory_space<vmem>> -> memref<25088xf32, #tpu.memory_space<vmem>>
    %dma_start3A_229 = tpu.memref_slice %arg4[%add3A_26, %dma_start3A_226, %add3A_225] : memref<200x1x100000xf32, #tpu.memory_space<hbm>> -> memref<1x1x25088xf32, #tpu.memory_space<hbm>>
    %dma_start3A_230 = tpu.memref_squeeze %dma_start3A_229 : memref<1x1x25088xf32, #tpu.memory_space<hbm>> -> memref<25088xf32, #tpu.memory_space<hbm>>
    %dma_start3A_231 = tpu.memref_slice %arg4[%add3A_26, %dma_start3A_226, %add3A_225] : memref<200x1x100000xf32, #tpu.memory_space<hbm>> -> memref<1x1x25088xf32, #tpu.memory_space<hbm>>
    %dma_start3A_232 = tpu.memref_squeeze %dma_start3A_231 : memref<1x1x25088xf32, #tpu.memory_space<hbm>> -> memref<25088xf32, #tpu.memory_space<hbm>>
    %dma_start3A_233 = arith.constant 0 : i32
    %dma_start3A_234 = tpu.memref_slice %arg5[%dma_start3A_233] : memref<25088xf32, #tpu.memory_space<vmem>> -> memref<25088xf32, #tpu.memory_space<vmem>>
    tpu.enqueue_dma source(%dma_start3A_234 : memref<25088xf32, #tpu.memory_space<vmem>>) target(%dma_start3A_232 : memref<25088xf32, #tpu.memory_space<hbm>>) target_semaphore(%arg9 : memref<!tpu.dma_semaphore, #tpu.memory_space<semaphore_mem>>)
    %multiple_of3A_235 = arith.constant 50048 : i32
    %multiple_of3A_236 = tpu.assume_multiple %multiple_of3A_235, 128 : i32
    %dma_start3A_237 = arith.constant 0 : i32
    %dma_start3A_238 = arith.constant 0 : i32
    %dma_start3A_239 = tpu.memref_slice %arg5[%dma_start3A_238] : memref<25088xf32, #tpu.memory_space<vmem>> -> memref<24960xf32, #tpu.memory_space<vmem>>
    %dma_start3A_240 = tpu.memref_slice %arg4[%add3A_30, %dma_start3A_237, %multiple_of3A_236] : memref<200x1x100000xf32, #tpu.memory_space<hbm>> -> memref<1x1x24960xf32, #tpu.memory_space<hbm>>
    %dma_start3A_241 = tpu.memref_squeeze %dma_start3A_240 : memref<1x1x24960xf32, #tpu.memory_space<hbm>> -> memref<24960xf32, #tpu.memory_space<hbm>>
    %dma_start3A_242 = tpu.memref_slice %arg4[%add3A_30, %dma_start3A_237, %multiple_of3A_236] : memref<200x1x100000xf32, #tpu.memory_space<hbm>> -> memref<1x1x24960xf32, #tpu.memory_space<hbm>>
    %dma_start3A_243 = tpu.memref_squeeze %dma_start3A_242 : memref<1x1x24960xf32, #tpu.memory_space<hbm>> -> memref<24960xf32, #tpu.memory_space<hbm>>
    %dma_start3A_244 = arith.constant 0 : i32
    %dma_start3A_245 = tpu.memref_slice %arg5[%dma_start3A_244] : memref<25088xf32, #tpu.memory_space<vmem>> -> memref<24960xf32, #tpu.memory_space<vmem>>
    tpu.enqueue_dma source(%dma_start3A_245 : memref<24960xf32, #tpu.memory_space<vmem>>) target(%dma_start3A_243 : memref<24960xf32, #tpu.memory_space<hbm>>) target_semaphore(%arg9 : memref<!tpu.dma_semaphore, #tpu.memory_space<semaphore_mem>>)
    %add3A_246 = arith.constant 24960 : i32
    %add3A_247 = arith.addi %multiple_of3A_236, %add3A_246 : i32
    %dma_start3A_248 = arith.constant 0 : i32
    %dma_start3A_249 = arith.constant 0 : i32
    %dma_start3A_250 = tpu.memref_slice %arg5[%dma_start3A_249] : memref<25088xf32, #tpu.memory_space<vmem>> -> memref<25088xf32, #tpu.memory_space<vmem>>
    %dma_start3A_251 = tpu.memref_slice %arg4[%add3A_30, %dma_start3A_248, %add3A_247] : memref<200x1x100000xf32, #tpu.memory_space<hbm>> -> memref<1x1x25088xf32, #tpu.memory_space<hbm>>
    %dma_start3A_252 = tpu.memref_squeeze %dma_start3A_251 : memref<1x1x25088xf32, #tpu.memory_space<hbm>> -> memref<25088xf32, #tpu.memory_space<hbm>>
    %dma_start3A_253 = tpu.memref_slice %arg4[%add3A_30, %dma_start3A_248, %add3A_247] : memref<200x1x100000xf32, #tpu.memory_space<hbm>> -> memref<1x1x25088xf32, #tpu.memory_space<hbm>>
    %dma_start3A_254 = tpu.memref_squeeze %dma_start3A_253 : memref<1x1x25088xf32, #tpu.memory_space<hbm>> -> memref<25088xf32, #tpu.memory_space<hbm>>
    %dma_start3A_255 = arith.constant 0 : i32
    %dma_start3A_256 = tpu.memref_slice %arg5[%dma_start3A_255] : memref<25088xf32, #tpu.memory_space<vmem>> -> memref<25088xf32, #tpu.memory_space<vmem>>
    tpu.enqueue_dma source(%dma_start3A_256 : memref<25088xf32, #tpu.memory_space<vmem>>) target(%dma_start3A_254 : memref<25088xf32, #tpu.memory_space<hbm>>) target_semaphore(%arg9 : memref<!tpu.dma_semaphore, #tpu.memory_space<semaphore_mem>>)
    %multiple_of3A_257 = arith.constant 0 : i32
    %multiple_of3A_258 = tpu.assume_multiple %multiple_of3A_257, 128 : i32
    %dma_start3A_259 = arith.constant 0 : i32
    %dma_start3A_260 = arith.constant 0 : i32
    %dma_start3A_261 = tpu.memref_slice %arg5[%dma_start3A_260] : memref<25088xf32, #tpu.memory_space<vmem>> -> memref<24960xf32, #tpu.memory_space<vmem>>
    %dma_start3A_262 = tpu.memref_slice %arg4[%add3A_34, %dma_start3A_259, %multiple_of3A_258] : memref<200x1x100000xf32, #tpu.memory_space<hbm>> -> memref<1x1x24960xf32, #tpu.memory_space<hbm>>
    %dma_start3A_263 = tpu.memref_squeeze %dma_start3A_262 : memref<1x1x24960xf32, #tpu.memory_space<hbm>> -> memref<24960xf32, #tpu.memory_space<hbm>>
    %dma_start3A_264 = tpu.memref_slice %arg4[%add3A_34, %dma_start3A_259, %multiple_of3A_258] : memref<200x1x100000xf32, #tpu.memory_space<hbm>> -> memref<1x1x24960xf32, #tpu.memory_space<hbm>>
    %dma_start3A_265 = tpu.memref_squeeze %dma_start3A_264 : memref<1x1x24960xf32, #tpu.memory_space<hbm>> -> memref<24960xf32, #tpu.memory_space<hbm>>
    %dma_start3A_266 = arith.constant 0 : i32
    %dma_start3A_267 = tpu.memref_slice %arg5[%dma_start3A_266] : memref<25088xf32, #tpu.memory_space<vmem>> -> memref<24960xf32, #tpu.memory_space<vmem>>
    tpu.enqueue_dma source(%dma_start3A_267 : memref<24960xf32, #tpu.memory_space<vmem>>) target(%dma_start3A_265 : memref<24960xf32, #tpu.memory_space<hbm>>) target_semaphore(%arg9 : memref<!tpu.dma_semaphore, #tpu.memory_space<semaphore_mem>>)
    %add3A_268 = arith.constant 24960 : i32
    %add3A_269 = arith.addi %multiple_of3A_258, %add3A_268 : i32
    %dma_start3A_270 = arith.constant 0 : i32
    %dma_start3A_271 = arith.constant 0 : i32
    %dma_start3A_272 = tpu.memref_slice %arg5[%dma_start3A_271] : memref<25088xf32, #tpu.memory_space<vmem>> -> memref<25088xf32, #tpu.memory_space<vmem>>
    %dma_start3A_273 = tpu.memref_slice %arg4[%add3A_34, %dma_start3A_270, %add3A_269] : memref<200x1x100000xf32, #tpu.memory_space<hbm>> -> memref<1x1x25088xf32, #tpu.memory_space<hbm>>
    %dma_start3A_274 = tpu.memref_squeeze %dma_start3A_273 : memref<1x1x25088xf32, #tpu.memory_space<hbm>> -> memref<25088xf32, #tpu.memory_space<hbm>>
    %dma_start3A_275 = tpu.memref_slice %arg4[%add3A_34, %dma_start3A_270, %add3A_269] : memref<200x1x100000xf32, #tpu.memory_space<hbm>> -> memref<1x1x25088xf32, #tpu.memory_space<hbm>>
    %dma_start3A_276 = tpu.memref_squeeze %dma_start3A_275 : memref<1x1x25088xf32, #tpu.memory_space<hbm>> -> memref<25088xf32, #tpu.memory_space<hbm>>
    %dma_start3A_277 = arith.constant 0 : i32
    %dma_start3A_278 = tpu.memref_slice %arg5[%dma_start3A_277] : memref<25088xf32, #tpu.memory_space<vmem>> -> memref<25088xf32, #tpu.memory_space<vmem>>
    tpu.enqueue_dma source(%dma_start3A_278 : memref<25088xf32, #tpu.memory_space<vmem>>) target(%dma_start3A_276 : memref<25088xf32, #tpu.memory_space<hbm>>) target_semaphore(%arg9 : memref<!tpu.dma_semaphore, #tpu.memory_space<semaphore_mem>>)
    %multiple_of3A_279 = arith.constant 50048 : i32
    %multiple_of3A_280 = tpu.assume_multiple %multiple_of3A_279, 128 : i32
    %dma_start3A_281 = arith.constant 0 : i32
    %dma_start3A_282 = arith.constant 0 : i32
    %dma_start3A_283 = tpu.memref_slice %arg5[%dma_start3A_282] : memref<25088xf32, #tpu.memory_space<vmem>> -> memref<24960xf32, #tpu.memory_space<vmem>>
    %dma_start3A_284 = tpu.memref_slice %arg4[%add3A_38, %dma_start3A_281, %multiple_of3A_280] : memref<200x1x100000xf32, #tpu.memory_space<hbm>> -> memref<1x1x24960xf32, #tpu.memory_space<hbm>>
    %dma_start3A_285 = tpu.memref_squeeze %dma_start3A_284 : memref<1x1x24960xf32, #tpu.memory_space<hbm>> -> memref<24960xf32, #tpu.memory_space<hbm>>
    %dma_start3A_286 = tpu.memref_slice %arg4[%add3A_38, %dma_start3A_281, %multiple_of3A_280] : memref<200x1x100000xf32, #tpu.memory_space<hbm>> -> memref<1x1x24960xf32, #tpu.memory_space<hbm>>
    %dma_start3A_287 = tpu.memref_squeeze %dma_start3A_286 : memref<1x1x24960xf32, #tpu.memory_space<hbm>> -> memref<24960xf32, #tpu.memory_space<hbm>>
    %dma_start3A_288 = arith.constant 0 : i32
    %dma_start3A_289 = tpu.memref_slice %arg5[%dma_start3A_288] : memref<25088xf32, #tpu.memory_space<vmem>> -> memref<24960xf32, #tpu.memory_space<vmem>>
    tpu.enqueue_dma source(%dma_start3A_289 : memref<24960xf32, #tpu.memory_space<vmem>>) target(%dma_start3A_287 : memref<24960xf32, #tpu.memory_space<hbm>>) target_semaphore(%arg9 : memref<!tpu.dma_semaphore, #tpu.memory_space<semaphore_mem>>)
    %add3A_290 = arith.constant 24960 : i32
    %add3A_291 = arith.addi %multiple_of3A_280, %add3A_290 : i32
    %dma_start3A_292 = arith.constant 0 : i32
    %dma_start3A_293 = arith.constant 0 : i32
    %dma_start3A_294 = tpu.memref_slice %arg5[%dma_start3A_293] : memref<25088xf32, #tpu.memory_space<vmem>> -> memref<25088xf32, #tpu.memory_space<vmem>>
    %dma_start3A_295 = tpu.memref_slice %arg4[%add3A_38, %dma_start3A_292, %add3A_291] : memref<200x1x100000xf32, #tpu.memory_space<hbm>> -> memref<1x1x25088xf32, #tpu.memory_space<hbm>>
    %dma_start3A_296 = tpu.memref_squeeze %dma_start3A_295 : memref<1x1x25088xf32, #tpu.memory_space<hbm>> -> memref<25088xf32, #tpu.memory_space<hbm>>
    %dma_start3A_297 = tpu.memref_slice %arg4[%add3A_38, %dma_start3A_292, %add3A_291] : memref<200x1x100000xf32, #tpu.memory_space<hbm>> -> memref<1x1x25088xf32, #tpu.memory_space<hbm>>
    %dma_start3A_298 = tpu.memref_squeeze %dma_start3A_297 : memref<1x1x25088xf32, #tpu.memory_space<hbm>> -> memref<25088xf32, #tpu.memory_space<hbm>>
    %dma_start3A_299 = arith.constant 0 : i32
    %dma_start3A_300 = tpu.memref_slice %arg5[%dma_start3A_299] : memref<25088xf32, #tpu.memory_space<vmem>> -> memref<25088xf32, #tpu.memory_space<vmem>>
    tpu.enqueue_dma source(%dma_start3A_300 : memref<25088xf32, #tpu.memory_space<vmem>>) target(%dma_start3A_298 : memref<25088xf32, #tpu.memory_space<hbm>>) target_semaphore(%arg9 : memref<!tpu.dma_semaphore, #tpu.memory_space<semaphore_mem>>)
    %multiple_of3A_301 = arith.constant 0 : i32
    %multiple_of3A_302 = tpu.assume_multiple %multiple_of3A_301, 128 : i32
    %dma_start3A_303 = arith.constant 0 : i32
    %dma_start3A_304 = arith.constant 0 : i32
    %dma_start3A_305 = tpu.memref_slice %arg5[%dma_start3A_304] : memref<25088xf32, #tpu.memory_space<vmem>> -> memref<24960xf32, #tpu.memory_space<vmem>>
    %dma_start3A_306 = tpu.memref_slice %arg4[%add3A_42, %dma_start3A_303, %multiple_of3A_302] : memref<200x1x100000xf32, #tpu.memory_space<hbm>> -> memref<1x1x24960xf32, #tpu.memory_space<hbm>>
    %dma_start3A_307 = tpu.memref_squeeze %dma_start3A_306 : memref<1x1x24960xf32, #tpu.memory_space<hbm>> -> memref<24960xf32, #tpu.memory_space<hbm>>
    %dma_start3A_308 = tpu.memref_slice %arg4[%add3A_42, %dma_start3A_303, %multiple_of3A_302] : memref<200x1x100000xf32, #tpu.memory_space<hbm>> -> memref<1x1x24960xf32, #tpu.memory_space<hbm>>
    %dma_start3A_309 = tpu.memref_squeeze %dma_start3A_308 : memref<1x1x24960xf32, #tpu.memory_space<hbm>> -> memref<24960xf32, #tpu.memory_space<hbm>>
    %dma_start3A_310 = arith.constant 0 : i32
    %dma_start3A_311 = tpu.memref_slice %arg5[%dma_start3A_310] : memref<25088xf32, #tpu.memory_space<vmem>> -> memref<24960xf32, #tpu.memory_space<vmem>>
    tpu.enqueue_dma source(%dma_start3A_311 : memref<24960xf32, #tpu.memory_space<vmem>>) target(%dma_start3A_309 : memref<24960xf32, #tpu.memory_space<hbm>>) target_semaphore(%arg9 : memref<!tpu.dma_semaphore, #tpu.memory_space<semaphore_mem>>)
    %add3A_312 = arith.constant 24960 : i32
    %add3A_313 = arith.addi %multiple_of3A_302, %add3A_312 : i32
    %dma_start3A_314 = arith.constant 0 : i32
    %dma_start3A_315 = arith.constant 0 : i32
    %dma_start3A_316 = tpu.memref_slice %arg5[%dma_start3A_315] : memref<25088xf32, #tpu.memory_space<vmem>> -> memref<25088xf32, #tpu.memory_space<vmem>>
    %dma_start3A_317 = tpu.memref_slice %arg4[%add3A_42, %dma_start3A_314, %add3A_313] : memref<200x1x100000xf32, #tpu.memory_space<hbm>> -> memref<1x1x25088xf32, #tpu.memory_space<hbm>>
    %dma_start3A_318 = tpu.memref_squeeze %dma_start3A_317 : memref<1x1x25088xf32, #tpu.memory_space<hbm>> -> memref<25088xf32, #tpu.memory_space<hbm>>
    %dma_start3A_319 = tpu.memref_slice %arg4[%add3A_42, %dma_start3A_314, %add3A_313] : memref<200x1x100000xf32, #tpu.memory_space<hbm>> -> memref<1x1x25088xf32, #tpu.memory_space<hbm>>
    %dma_start3A_320 = tpu.memref_squeeze %dma_start3A_319 : memref<1x1x25088xf32, #tpu.memory_space<hbm>> -> memref<25088xf32, #tpu.memory_space<hbm>>
    %dma_start3A_321 = arith.constant 0 : i32
    %dma_start3A_322 = tpu.memref_slice %arg5[%dma_start3A_321] : memref<25088xf32, #tpu.memory_space<vmem>> -> memref<25088xf32, #tpu.memory_space<vmem>>
    tpu.enqueue_dma source(%dma_start3A_322 : memref<25088xf32, #tpu.memory_space<vmem>>) target(%dma_start3A_320 : memref<25088xf32, #tpu.memory_space<hbm>>) target_semaphore(%arg9 : memref<!tpu.dma_semaphore, #tpu.memory_space<semaphore_mem>>)
    %multiple_of3A_323 = arith.constant 50048 : i32
    %multiple_of3A_324 = tpu.assume_multiple %multiple_of3A_323, 128 : i32
    %dma_start3A_325 = arith.constant 0 : i32
    %dma_start3A_326 = arith.constant 0 : i32
    %dma_start3A_327 = tpu.memref_slice %arg5[%dma_start3A_326] : memref<25088xf32, #tpu.memory_space<vmem>> -> memref<24960xf32, #tpu.memory_space<vmem>>
    %dma_start3A_328 = tpu.memref_slice %arg4[%add3A_46, %dma_start3A_325, %multiple_of3A_324] : memref<200x1x100000xf32, #tpu.memory_space<hbm>> -> memref<1x1x24960xf32, #tpu.memory_space<hbm>>
    %dma_start3A_329 = tpu.memref_squeeze %dma_start3A_328 : memref<1x1x24960xf32, #tpu.memory_space<hbm>> -> memref<24960xf32, #tpu.memory_space<hbm>>
    %dma_start3A_330 = tpu.memref_slice %arg4[%add3A_46, %dma_start3A_325, %multiple_of3A_324] : memref<200x1x100000xf32, #tpu.memory_space<hbm>> -> memref<1x1x24960xf32, #tpu.memory_space<hbm>>
    %dma_start3A_331 = tpu.memref_squeeze %dma_start3A_330 : memref<1x1x24960xf32, #tpu.memory_space<hbm>> -> memref<24960xf32, #tpu.memory_space<hbm>>
    %dma_start3A_332 = arith.constant 0 : i32
    %dma_start3A_333 = tpu.memref_slice %arg5[%dma_start3A_332] : memref<25088xf32, #tpu.memory_space<vmem>> -> memref<24960xf32, #tpu.memory_space<vmem>>
    tpu.enqueue_dma source(%dma_start3A_333 : memref<24960xf32, #tpu.memory_space<vmem>>) target(%dma_start3A_331 : memref<24960xf32, #tpu.memory_space<hbm>>) target_semaphore(%arg9 : memref<!tpu.dma_semaphore, #tpu.memory_space<semaphore_mem>>)
    %add3A_334 = arith.constant 24960 : i32
    %add3A_335 = arith.addi %multiple_of3A_324, %add3A_334 : i32
    %dma_start3A_336 = arith.constant 0 : i32
    %dma_start3A_337 = arith.constant 0 : i32
    %dma_start3A_338 = tpu.memref_slice %arg5[%dma_start3A_337] : memref<25088xf32, #tpu.memory_space<vmem>> -> memref<25088xf32, #tpu.memory_space<vmem>>
    %dma_start3A_339 = tpu.memref_slice %arg4[%add3A_46, %dma_start3A_336, %add3A_335] : memref<200x1x100000xf32, #tpu.memory_space<hbm>> -> memref<1x1x25088xf32, #tpu.memory_space<hbm>>
    %dma_start3A_340 = tpu.memref_squeeze %dma_start3A_339 : memref<1x1x25088xf32, #tpu.memory_space<hbm>> -> memref<25088xf32, #tpu.memory_space<hbm>>
    %dma_start3A_341 = tpu.memref_slice %arg4[%add3A_46, %dma_start3A_336, %add3A_335] : memref<200x1x100000xf32, #tpu.memory_space<hbm>> -> memref<1x1x25088xf32, #tpu.memory_space<hbm>>
    %dma_start3A_342 = tpu.memref_squeeze %dma_start3A_341 : memref<1x1x25088xf32, #tpu.memory_space<hbm>> -> memref<25088xf32, #tpu.memory_space<hbm>>
    %dma_start3A_343 = arith.constant 0 : i32
    %dma_start3A_344 = tpu.memref_slice %arg5[%dma_start3A_343] : memref<25088xf32, #tpu.memory_space<vmem>> -> memref<25088xf32, #tpu.memory_space<vmem>>
    tpu.enqueue_dma source(%dma_start3A_344 : memref<25088xf32, #tpu.memory_space<vmem>>) target(%dma_start3A_342 : memref<25088xf32, #tpu.memory_space<hbm>>) target_semaphore(%arg9 : memref<!tpu.dma_semaphore, #tpu.memory_space<semaphore_mem>>)
    %multiple_of3A_345 = arith.constant 0 : i32
    %multiple_of3A_346 = tpu.assume_multiple %multiple_of3A_345, 128 : i32
    %dma_start3A_347 = arith.constant 0 : i32
    %dma_start3A_348 = arith.constant 0 : i32
    %dma_start3A_349 = tpu.memref_slice %arg5[%dma_start3A_348] : memref<25088xf32, #tpu.memory_space<vmem>> -> memref<24960xf32, #tpu.memory_space<vmem>>
    %dma_start3A_350 = tpu.memref_slice %arg4[%add3A_50, %dma_start3A_347, %multiple_of3A_346] : memref<200x1x100000xf32, #tpu.memory_space<hbm>> -> memref<1x1x24960xf32, #tpu.memory_space<hbm>>
    %dma_start3A_351 = tpu.memref_squeeze %dma_start3A_350 : memref<1x1x24960xf32, #tpu.memory_space<hbm>> -> memref<24960xf32, #tpu.memory_space<hbm>>
    %dma_start3A_352 = tpu.memref_slice %arg4[%add3A_50, %dma_start3A_347, %multiple_of3A_346] : memref<200x1x100000xf32, #tpu.memory_space<hbm>> -> memref<1x1x24960xf32, #tpu.memory_space<hbm>>
    %dma_start3A_353 = tpu.memref_squeeze %dma_start3A_352 : memref<1x1x24960xf32, #tpu.memory_space<hbm>> -> memref<24960xf32, #tpu.memory_space<hbm>>
    %dma_start3A_354 = arith.constant 0 : i32
    %dma_start3A_355 = tpu.memref_slice %arg5[%dma_start3A_354] : memref<25088xf32, #tpu.memory_space<vmem>> -> memref<24960xf32, #tpu.memory_space<vmem>>
    tpu.enqueue_dma source(%dma_start3A_355 : memref<24960xf32, #tpu.memory_space<vmem>>) target(%dma_start3A_353 : memref<24960xf32, #tpu.memory_space<hbm>>) target_semaphore(%arg9 : memref<!tpu.dma_semaphore, #tpu.memory_space<semaphore_mem>>)
    %add3A_356 = arith.constant 24960 : i32
    %add3A_357 = arith.addi %multiple_of3A_346, %add3A_356 : i32
    %dma_start3A_358 = arith.constant 0 : i32
    %dma_start3A_359 = arith.constant 0 : i32
    %dma_start3A_360 = tpu.memref_slice %arg5[%dma_start3A_359] : memref<25088xf32, #tpu.memory_space<vmem>> -> memref<25088xf32, #tpu.memory_space<vmem>>
    %dma_start3A_361 = tpu.memref_slice %arg4[%add3A_50, %dma_start3A_358, %add3A_357] : memref<200x1x100000xf32, #tpu.memory_space<hbm>> -> memref<1x1x25088xf32, #tpu.memory_space<hbm>>
    %dma_start3A_362 = tpu.memref_squeeze %dma_start3A_361 : memref<1x1x25088xf32, #tpu.memory_space<hbm>> -> memref<25088xf32, #tpu.memory_space<hbm>>
    %dma_start3A_363 = tpu.memref_slice %arg4[%add3A_50, %dma_start3A_358, %add3A_357] : memref<200x1x100000xf32, #tpu.memory_space<hbm>> -> memref<1x1x25088xf32, #tpu.memory_space<hbm>>
    %dma_start3A_364 = tpu.memref_squeeze %dma_start3A_363 : memref<1x1x25088xf32, #tpu.memory_space<hbm>> -> memref<25088xf32, #tpu.memory_space<hbm>>
    %dma_start3A_365 = arith.constant 0 : i32
    %dma_start3A_366 = tpu.memref_slice %arg5[%dma_start3A_365] : memref<25088xf32, #tpu.memory_space<vmem>> -> memref<25088xf32, #tpu.memory_space<vmem>>
    tpu.enqueue_dma source(%dma_start3A_366 : memref<25088xf32, #tpu.memory_space<vmem>>) target(%dma_start3A_364 : memref<25088xf32, #tpu.memory_space<hbm>>) target_semaphore(%arg9 : memref<!tpu.dma_semaphore, #tpu.memory_space<semaphore_mem>>)
    %multiple_of3A_367 = arith.constant 50048 : i32
    %multiple_of3A_368 = tpu.assume_multiple %multiple_of3A_367, 128 : i32
    %dma_start3A_369 = arith.constant 0 : i32
    %dma_start3A_370 = arith.constant 0 : i32
    %dma_start3A_371 = tpu.memref_slice %arg5[%dma_start3A_370] : memref<25088xf32, #tpu.memory_space<vmem>> -> memref<24960xf32, #tpu.memory_space<vmem>>
    %dma_start3A_372 = tpu.memref_slice %arg4[%add3A_54, %dma_start3A_369, %multiple_of3A_368] : memref<200x1x100000xf32, #tpu.memory_space<hbm>> -> memref<1x1x24960xf32, #tpu.memory_space<hbm>>
    %dma_start3A_373 = tpu.memref_squeeze %dma_start3A_372 : memref<1x1x24960xf32, #tpu.memory_space<hbm>> -> memref<24960xf32, #tpu.memory_space<hbm>>
    %dma_start3A_374 = tpu.memref_slice %arg4[%add3A_54, %dma_start3A_369, %multiple_of3A_368] : memref<200x1x100000xf32, #tpu.memory_space<hbm>> -> memref<1x1x24960xf32, #tpu.memory_space<hbm>>
    %dma_start3A_375 = tpu.memref_squeeze %dma_start3A_374 : memref<1x1x24960xf32, #tpu.memory_space<hbm>> -> memref<24960xf32, #tpu.memory_space<hbm>>
    %dma_start3A_376 = arith.constant 0 : i32
    %dma_start3A_377 = tpu.memref_slice %arg5[%dma_start3A_376] : memref<25088xf32, #tpu.memory_space<vmem>> -> memref<24960xf32, #tpu.memory_space<vmem>>
    tpu.enqueue_dma source(%dma_start3A_377 : memref<24960xf32, #tpu.memory_space<vmem>>) target(%dma_start3A_375 : memref<24960xf32, #tpu.memory_space<hbm>>) target_semaphore(%arg9 : memref<!tpu.dma_semaphore, #tpu.memory_space<semaphore_mem>>)
    %add3A_378 = arith.constant 24960 : i32
    %add3A_379 = arith.addi %multiple_of3A_368, %add3A_378 : i32
    %dma_start3A_380 = arith.constant 0 : i32
    %dma_start3A_381 = arith.constant 0 : i32
    %dma_start3A_382 = tpu.memref_slice %arg5[%dma_start3A_381] : memref<25088xf32, #tpu.memory_space<vmem>> -> memref<25088xf32, #tpu.memory_space<vmem>>
    %dma_start3A_383 = tpu.memref_slice %arg4[%add3A_54, %dma_start3A_380, %add3A_379] : memref<200x1x100000xf32, #tpu.memory_space<hbm>> -> memref<1x1x25088xf32, #tpu.memory_space<hbm>>
    %dma_start3A_384 = tpu.memref_squeeze %dma_start3A_383 : memref<1x1x25088xf32, #tpu.memory_space<hbm>> -> memref<25088xf32, #tpu.memory_space<hbm>>
    %dma_start3A_385 = tpu.memref_slice %arg4[%add3A_54, %dma_start3A_380, %add3A_379] : memref<200x1x100000xf32, #tpu.memory_space<hbm>> -> memref<1x1x25088xf32, #tpu.memory_space<hbm>>
    %dma_start3A_386 = tpu.memref_squeeze %dma_start3A_385 : memref<1x1x25088xf32, #tpu.memory_space<hbm>> -> memref<25088xf32, #tpu.memory_space<hbm>>
    %dma_start3A_387 = arith.constant 0 : i32
    %dma_start3A_388 = tpu.memref_slice %arg5[%dma_start3A_387] : memref<25088xf32, #tpu.memory_space<vmem>> -> memref<25088xf32, #tpu.memory_space<vmem>>
    tpu.enqueue_dma source(%dma_start3A_388 : memref<25088xf32, #tpu.memory_space<vmem>>) target(%dma_start3A_386 : memref<25088xf32, #tpu.memory_space<hbm>>) target_semaphore(%arg9 : memref<!tpu.dma_semaphore, #tpu.memory_space<semaphore_mem>>)
    %mul3A_389 = arith.constant 50048 : i32
    %mul3A_390 = arith.muli %select_n3A_110, %mul3A_389 : i32
    %multiple_of3A_391 = tpu.assume_multiple %mul3A_390, 128 : i32
    %eq3A_392 = arith.constant 0 : i32
    %eq3A_393 = arith.cmpi eq, %select_n3A_126, %eq3A_392 : i32
    %convert_element_type3A = arith.extui %eq3A_393 : i1 to i32
    %cond3A = arith.constant 0 : i32
    %cond3A_394 = arith.constant 0 : i32
    %cond3A_395 = arith.cmpi ne, %convert_element_type3A, %cond3A_394 : i32
    scf.if %cond3A_395 {
      %dma_start3A_3003 = arith.constant 0 : i32
      %dma_start3A_3004 = tpu.memref_slice %arg5[%dma_start3A_3003] : memref<25088xf32, #tpu.memory_space<vmem>> -> memref<24960xf32, #tpu.memory_space<vmem>>
      %dma_start3A_3005 = tpu.memref_slice %arg4[%add3A_72, %cond3A, %multiple_of3A_391] : memref<200x1x100000xf32, #tpu.memory_space<hbm>> -> memref<1x1x24960xf32, #tpu.memory_space<hbm>>
      %dma_start3A_3006 = tpu.memref_squeeze %dma_start3A_3005 : memref<1x1x24960xf32, #tpu.memory_space<hbm>> -> memref<24960xf32, #tpu.memory_space<hbm>>
      %dma_start3A_3007 = tpu.memref_slice %arg4[%add3A_72, %cond3A, %multiple_of3A_391] : memref<200x1x100000xf32, #tpu.memory_space<hbm>> -> memref<1x1x24960xf32, #tpu.memory_space<hbm>>
      %dma_start3A_3008 = tpu.memref_squeeze %dma_start3A_3007 : memref<1x1x24960xf32, #tpu.memory_space<hbm>> -> memref<24960xf32, #tpu.memory_space<hbm>>
      %dma_start3A_3009 = arith.constant 0 : i32
      %dma_start3A_3010 = tpu.memref_slice %arg5[%dma_start3A_3009] : memref<25088xf32, #tpu.memory_space<vmem>> -> memref<24960xf32, #tpu.memory_space<vmem>>
      tpu.enqueue_dma source(%dma_start3A_3010 : memref<24960xf32, #tpu.memory_space<vmem>>) target(%dma_start3A_3008 : memref<24960xf32, #tpu.memory_space<hbm>>) target_semaphore(%arg9 : memref<!tpu.dma_semaphore, #tpu.memory_space<semaphore_mem>>)
    } else {
    }
    %add3A_396 = arith.constant 24960 : i32
    %add3A_397 = arith.addi %multiple_of3A_391, %add3A_396 : i32
    %eq3A_398 = arith.constant 1 : i32
    %eq3A_399 = arith.cmpi eq, %select_n3A_126, %eq3A_398 : i32
    %convert_element_type3A_400 = arith.extui %eq3A_399 : i1 to i32
    %cond3A_401 = arith.constant 0 : i32
    %cond3A_402 = arith.constant 0 : i32
    %cond3A_403 = arith.cmpi ne, %convert_element_type3A_400, %cond3A_402 : i32
    scf.if %cond3A_403 {
      %dma_start3A_3003 = arith.constant 0 : i32
      %dma_start3A_3004 = tpu.memref_slice %arg5[%dma_start3A_3003] : memref<25088xf32, #tpu.memory_space<vmem>> -> memref<25088xf32, #tpu.memory_space<vmem>>
      %dma_start3A_3005 = tpu.memref_slice %arg4[%add3A_72, %cond3A_401, %add3A_397] : memref<200x1x100000xf32, #tpu.memory_space<hbm>> -> memref<1x1x25088xf32, #tpu.memory_space<hbm>>
      %dma_start3A_3006 = tpu.memref_squeeze %dma_start3A_3005 : memref<1x1x25088xf32, #tpu.memory_space<hbm>> -> memref<25088xf32, #tpu.memory_space<hbm>>
      %dma_start3A_3007 = tpu.memref_slice %arg4[%add3A_72, %cond3A_401, %add3A_397] : memref<200x1x100000xf32, #tpu.memory_space<hbm>> -> memref<1x1x25088xf32, #tpu.memory_space<hbm>>
      %dma_start3A_3008 = tpu.memref_squeeze %dma_start3A_3007 : memref<1x1x25088xf32, #tpu.memory_space<hbm>> -> memref<25088xf32, #tpu.memory_space<hbm>>
      %dma_start3A_3009 = arith.constant 0 : i32
      %dma_start3A_3010 = tpu.memref_slice %arg5[%dma_start3A_3009] : memref<25088xf32, #tpu.memory_space<vmem>> -> memref<25088xf32, #tpu.memory_space<vmem>>
      tpu.enqueue_dma source(%dma_start3A_3010 : memref<25088xf32, #tpu.memory_space<vmem>>) target(%dma_start3A_3008 : memref<25088xf32, #tpu.memory_space<hbm>>) target_semaphore(%arg9 : memref<!tpu.dma_semaphore, #tpu.memory_space<semaphore_mem>>)
    } else {
    }
    "tpu.region"() ({
      %run_scoped3A = tpu.sem_alloc : memref<!tpu.dma_semaphore, #tpu.memory_space<semaphore_mem>>
      %dma_start3A_3003 = arith.constant 0 : i32
      %dma_start3A_3004 = tpu.memref_slice %arg7[%dma_start3A_3003] : memref<224xi32, #tpu.memory_space<vmem>> -> memref<200xi32, #tpu.memory_space<vmem>>
      %dma_start3A_3005 = arith.constant 0 : i32
      %dma_start3A_3006 = tpu.memref_slice %arg7[%dma_start3A_3005] : memref<224xi32, #tpu.memory_space<vmem>> -> memref<200xi32, #tpu.memory_space<vmem>>
      tpu.enqueue_dma source(%arg2 : memref<200xi32, #tpu.memory_space<hbm>>) target(%dma_start3A_3006 : memref<200xi32, #tpu.memory_space<vmem>>) target_semaphore(%run_scoped3A : memref<!tpu.dma_semaphore, #tpu.memory_space<semaphore_mem>>)
      %dma_wait3A_3007 = arith.constant 0 : i32
      %dma_wait3A_3008 = tpu.memref_slice %arg7[%dma_wait3A_3007] : memref<224xi32, #tpu.memory_space<vmem>> -> memref<200xi32, #tpu.memory_space<vmem>>
      %dma_wait3A_3009 = arith.constant 0 : i32
      %dma_wait3A_3010 = tpu.memref_slice %arg7[%dma_wait3A_3009] : memref<224xi32, #tpu.memory_space<vmem>> -> memref<200xi32, #tpu.memory_space<vmem>>
      tpu.wait_dma2 semaphore(%run_scoped3A : memref<!tpu.dma_semaphore, #tpu.memory_space<semaphore_mem>>) src(%arg2 : memref<200xi32, #tpu.memory_space<hbm>>) dst(%dma_wait3A_3010 : memref<200xi32, #tpu.memory_space<vmem>>)
      tpu.yield
    }) : () -> ()
    "tpu.region"() ({
      %run_scoped3A = tpu.sem_alloc : memref<!tpu.dma_semaphore, #tpu.memory_space<semaphore_mem>>
      %dma_start3A_3003 = arith.constant 0 : i32
      %dma_start3A_3004 = tpu.memref_slice %arg8[%dma_start3A_3003] : memref<16xf32, #tpu.memory_space<vmem>> -> memref<1xf32, #tpu.memory_space<vmem>>
      %dma_start3A_3005 = arith.constant 0 : i32
      %dma_start3A_3006 = tpu.memref_slice %arg8[%dma_start3A_3005] : memref<16xf32, #tpu.memory_space<vmem>> -> memref<1xf32, #tpu.memory_space<vmem>>
      tpu.enqueue_dma source(%arg3 : memref<1xf32, #tpu.memory_space<hbm>>) target(%dma_start3A_3006 : memref<1xf32, #tpu.memory_space<vmem>>) target_semaphore(%run_scoped3A : memref<!tpu.dma_semaphore, #tpu.memory_space<semaphore_mem>>)
      %dma_wait3A_3007 = arith.constant 0 : i32
      %dma_wait3A_3008 = tpu.memref_slice %arg8[%dma_wait3A_3007] : memref<16xf32, #tpu.memory_space<vmem>> -> memref<1xf32, #tpu.memory_space<vmem>>
      %dma_wait3A_3009 = arith.constant 0 : i32
      %dma_wait3A_3010 = tpu.memref_slice %arg8[%dma_wait3A_3009] : memref<16xf32, #tpu.memory_space<vmem>> -> memref<1xf32, #tpu.memory_space<vmem>>
      tpu.wait_dma2 semaphore(%run_scoped3A : memref<!tpu.dma_semaphore, #tpu.memory_space<semaphore_mem>>) src(%arg3 : memref<1xf32, #tpu.memory_space<hbm>>) dst(%dma_wait3A_3010 : memref<1xf32, #tpu.memory_space<vmem>>)
      tpu.yield
    }) : () -> ()
    %get3A = arith.constant 0 : index
    %get3A_404 = tpu.vector_load %arg8[%get3A] {strides = array<i32>} : memref<16xf32, #tpu.memory_space<vmem>>, vector<16xf32>,
    %slice3A = vector.extract_strided_slice %get3A_404 {offsets = [0], sizes = [1], strides = [1]} : vector<16xf32> to vector<1xf32>
    %squeeze3A = vector.extract %slice3A[0] : f32 from vector<1xf32>
    %get3A_405 = arith.index_cast %add3A_10 : i32 to index
    %get3A_406 = tpu.vector_load %arg7[%get3A_405] {strides = array<i32>} : memref<224xi32, #tpu.memory_space<vmem>>, vector<16xi32>,
    %slice3A_407 = vector.extract_strided_slice %get3A_406 {offsets = [0], sizes = [1], strides = [1]} : vector<16xi32> to vector<1xi32>
    %squeeze3A_408 = vector.extract %slice3A_407[0] : i32 from vector<1xi32>
    %jit3A_409 = arith.constant 128 : i32
    %div3A_410 = arith.divsi %squeeze3A_408, %jit3A_409 : i32
    %sign3A_411 = arith.constant 0 : i32
    %sign3A_412 = arith.cmpi sgt, %squeeze3A_408, %sign3A_411 : i32
    %sign3A_413 = arith.extui %sign3A_412 : i1 to i32
    %sign3A_414 = arith.constant 0 : i32
    %sign3A_415 = arith.cmpi slt, %squeeze3A_408, %sign3A_414 : i32
    %sign3A_416 = arith.extui %sign3A_415 : i1 to i32
    %sign3A_417 = arith.subi %sign3A_413, %sign3A_416 : i32
    %sign3A_418 = arith.constant 0 : i32
    %sign3A_419 = arith.cmpi sgt, %jit3A_409, %sign3A_418 : i32
    %sign3A_420 = arith.extui %sign3A_419 : i1 to i32
    %sign3A_421 = arith.constant 0 : i32
    %sign3A_422 = arith.cmpi slt, %jit3A_409, %sign3A_421 : i32
    %sign3A_423 = arith.extui %sign3A_422 : i1 to i32
    %sign3A_424 = arith.subi %sign3A_420, %sign3A_423 : i32
    %ne3A_425 = arith.cmpi ne, %sign3A_417, %sign3A_424 : i32
    %rem3A_426 = arith.remsi %squeeze3A_408, %jit3A_409 : i32
    %ne3A_427 = arith.constant 0 : i32
    %ne3A_428 = arith.cmpi ne, %rem3A_426, %ne3A_427 : i32
    %and3A_429 = arith.andi %ne3A_425, %ne3A_428 : i1
    %sub3A_430 = arith.constant 1 : i32
    %sub3A_431 = arith.subi %div3A_410, %sub3A_430 : i32
    %select_n3A_432 = arith.select %and3A_429, %sub3A_431, %div3A_410 : i32
    %mul3A_433 = arith.constant 128 : i32
    %mul3A_434 = arith.muli %select_n3A_432, %mul3A_433 : i32
    %multiple_of3A_435 = tpu.assume_multiple %mul3A_434, 128 : i32
    %sub3A_436 = arith.subi %squeeze3A_408, %multiple_of3A_435 : i32
    %iota3A = tpu.iota {dimensions = array<i32: 0>} : vector<16xi32>
    %add3A_437 = arith.constant 0 : i32
    %add3A_438 = vector.broadcast %add3A_437 : i32 to vector<16xi32>
    %add3A_439 = arith.addi %add3A_438, %iota3A : vector<16xi32>
    %eq3A_440 = vector.broadcast %sub3A_436 : i32 to vector<16xi32>
    %eq3A_441 = arith.cmpi eq, %add3A_439, %eq3A_440 : vector<16xi32>
    %jit3A_442 = arith.constant 0.000000e+00 : f32
    %broadcast_in_dim3A_443 = vector.broadcast %squeeze3A : f32 to vector<16xf32>
    %broadcast_in_dim3A_444 = vector.broadcast %jit3A_442 : f32 to vector<16xf32>
    %select_n3A_445 = arith.select %eq3A_441, %broadcast_in_dim3A_443, %broadcast_in_dim3A_444 : vector<16xi1>, vector<16xf32>
    %swap3A = arith.constant 0 : i32
    %swap3A_446 = arith.index_cast %swap3A : i32 to index
    %swap3A_447 = arith.constant 0 : index
    %swap3A_448 = tpu.vector_load %arg6[%swap3A_446, %swap3A_447] {strides = array<i32>} : memref<13x128xf32, #tpu.memory_space<vmem>>, vector<16xf32>,
    tpu.vector_store %arg6[%swap3A_446, %swap3A_447], %select_n3A_445 {strides = array<i32>} : memref<13x128xf32, #tpu.memory_space<vmem>>, vector<16xf32>,
    %iota3A_449 = tpu.iota {dimensions = array<i32: 0>} : vector<16xi32>
    %add3A_450 = arith.constant 16 : i32
    %add3A_451 = vector.broadcast %add3A_450 : i32 to vector<16xi32>
    %add3A_452 = arith.addi %add3A_451, %iota3A_449 : vector<16xi32>
    %eq3A_453 = vector.broadcast %sub3A_436 : i32 to vector<16xi32>
    %eq3A_454 = arith.cmpi eq, %add3A_452, %eq3A_453 : vector<16xi32>
    %jit3A_455 = arith.constant 0.000000e+00 : f32
    %broadcast_in_dim3A_456 = vector.broadcast %squeeze3A : f32 to vector<16xf32>
    %broadcast_in_dim3A_457 = vector.broadcast %jit3A_455 : f32 to vector<16xf32>
    %select_n3A_458 = arith.select %eq3A_454, %broadcast_in_dim3A_456, %broadcast_in_dim3A_457 : vector<16xi1>, vector<16xf32>
    %swap3A_459 = arith.constant 0 : i32
    %swap3A_460 = arith.index_cast %swap3A_459 : i32 to index
    %swap3A_461 = arith.constant 16 : index
    %swap3A_462 = tpu.vector_load %arg6[%swap3A_460, %swap3A_461] {strides = array<i32>} : memref<13x128xf32, #tpu.memory_space<vmem>>, vector<16xf32>,
    tpu.vector_store %arg6[%swap3A_460, %swap3A_461], %select_n3A_458 {strides = array<i32>} : memref<13x128xf32, #tpu.memory_space<vmem>>, vector<16xf32>,
    %iota3A_463 = tpu.iota {dimensions = array<i32: 0>} : vector<16xi32>
    %add3A_464 = arith.constant 32 : i32
    %add3A_465 = vector.broadcast %add3A_464 : i32 to vector<16xi32>
    %add3A_466 = arith.addi %add3A_465, %iota3A_463 : vector<16xi32>
    %eq3A_467 = vector.broadcast %sub3A_436 : i32 to vector<16xi32>
    %eq3A_468 = arith.cmpi eq, %add3A_466, %eq3A_467 : vector<16xi32>
    %jit3A_469 = arith.constant 0.000000e+00 : f32
    %broadcast_in_dim3A_470 = vector.broadcast %squeeze3A : f32 to vector<16xf32>
    %broadcast_in_dim3A_471 = vector.broadcast %jit3A_469 : f32 to vector<16xf32>
    %select_n3A_472 = arith.select %eq3A_468, %broadcast_in_dim3A_470, %broadcast_in_dim3A_471 : vector<16xi1>, vector<16xf32>
    %swap3A_473 = arith.constant 0 : i32
    %swap3A_474 = arith.index_cast %swap3A_473 : i32 to index
    %swap3A_475 = arith.constant 32 : index
    %swap3A_476 = tpu.vector_load %arg6[%swap3A_474, %swap3A_475] {strides = array<i32>} : memref<13x128xf32, #tpu.memory_space<vmem>>, vector<16xf32>,
    tpu.vector_store %arg6[%swap3A_474, %swap3A_475], %select_n3A_472 {strides = array<i32>} : memref<13x128xf32, #tpu.memory_space<vmem>>, vector<16xf32>,
    %iota3A_477 = tpu.iota {dimensions = array<i32: 0>} : vector<16xi32>
    %add3A_478 = arith.constant 48 : i32
    %add3A_479 = vector.broadcast %add3A_478 : i32 to vector<16xi32>
    %add3A_480 = arith.addi %add3A_479, %iota3A_477 : vector<16xi32>
    %eq3A_481 = vector.broadcast %sub3A_436 : i32 to vector<16xi32>
    %eq3A_482 = arith.cmpi eq, %add3A_480, %eq3A_481 : vector<16xi32>
    %jit3A_483 = arith.constant 0.000000e+00 : f32
    %broadcast_in_dim3A_484 = vector.broadcast %squeeze3A : f32 to vector<16xf32>
    %broadcast_in_dim3A_485 = vector.broadcast %jit3A_483 : f32 to vector<16xf32>
    %select_n3A_486 = arith.select %eq3A_482, %broadcast_in_dim3A_484, %broadcast_in_dim3A_485 : vector<16xi1>, vector<16xf32>
    %swap3A_487 = arith.constant 0 : i32
    %swap3A_488 = arith.index_cast %swap3A_487 : i32 to index
    %swap3A_489 = arith.constant 48 : index
    %swap3A_490 = tpu.vector_load %arg6[%swap3A_488, %swap3A_489] {strides = array<i32>} : memref<13x128xf32, #tpu.memory_space<vmem>>, vector<16xf32>,
    tpu.vector_store %arg6[%swap3A_488, %swap3A_489], %select_n3A_486 {strides = array<i32>} : memref<13x128xf32, #tpu.memory_space<vmem>>, vector<16xf32>,
    %iota3A_491 = tpu.iota {dimensions = array<i32: 0>} : vector<16xi32>
    %add3A_492 = arith.constant 64 : i32
    %add3A_493 = vector.broadcast %add3A_492 : i32 to vector<16xi32>
    %add3A_494 = arith.addi %add3A_493, %iota3A_491 : vector<16xi32>
    %eq3A_495 = vector.broadcast %sub3A_436 : i32 to vector<16xi32>
    %eq3A_496 = arith.cmpi eq, %add3A_494, %eq3A_495 : vector<16xi32>
    %jit3A_497 = arith.constant 0.000000e+00 : f32
    %broadcast_in_dim3A_498 = vector.broadcast %squeeze3A : f32 to vector<16xf32>
    %broadcast_in_dim3A_499 = vector.broadcast %jit3A_497 : f32 to vector<16xf32>
    %select_n3A_500 = arith.select %eq3A_496, %broadcast_in_dim3A_498, %broadcast_in_dim3A_499 : vector<16xi1>, vector<16xf32>
    %swap3A_501 = arith.constant 0 : i32
    %swap3A_502 = arith.index_cast %swap3A_501 : i32 to index
    %swap3A_503 = arith.constant 64 : index
    %swap3A_504 = tpu.vector_load %arg6[%swap3A_502, %swap3A_503] {strides = array<i32>} : memref<13x128xf32, #tpu.memory_space<vmem>>, vector<16xf32>,
    tpu.vector_store %arg6[%swap3A_502, %swap3A_503], %select_n3A_500 {strides = array<i32>} : memref<13x128xf32, #tpu.memory_space<vmem>>, vector<16xf32>,
    %iota3A_505 = tpu.iota {dimensions = array<i32: 0>} : vector<16xi32>
    %add3A_506 = arith.constant 80 : i32
    %add3A_507 = vector.broadcast %add3A_506 : i32 to vector<16xi32>
    %add3A_508 = arith.addi %add3A_507, %iota3A_505 : vector<16xi32>
    %eq3A_509 = vector.broadcast %sub3A_436 : i32 to vector<16xi32>
    %eq3A_510 = arith.cmpi eq, %add3A_508, %eq3A_509 : vector<16xi32>
    %jit3A_511 = arith.constant 0.000000e+00 : f32
    %broadcast_in_dim3A_512 = vector.broadcast %squeeze3A : f32 to vector<16xf32>
    %broadcast_in_dim3A_513 = vector.broadcast %jit3A_511 : f32 to vector<16xf32>
    %select_n3A_514 = arith.select %eq3A_510, %broadcast_in_dim3A_512, %broadcast_in_dim3A_513 : vector<16xi1>, vector<16xf32>
    %swap3A_515 = arith.constant 0 : i32
    %swap3A_516 = arith.index_cast %swap3A_515 : i32 to index
    %swap3A_517 = arith.constant 80 : index
    %swap3A_518 = tpu.vector_load %arg6[%swap3A_516, %swap3A_517] {strides = array<i32>} : memref<13x128xf32, #tpu.memory_space<vmem>>, vector<16xf32>,
    tpu.vector_store %arg6[%swap3A_516, %swap3A_517], %select_n3A_514 {strides = array<i32>} : memref<13x128xf32, #tpu.memory_space<vmem>>, vector<16xf32>,
    %iota3A_519 = tpu.iota {dimensions = array<i32: 0>} : vector<16xi32>
    %add3A_520 = arith.constant 96 : i32
    %add3A_521 = vector.broadcast %add3A_520 : i32 to vector<16xi32>
    %add3A_522 = arith.addi %add3A_521, %iota3A_519 : vector<16xi32>
    %eq3A_523 = vector.broadcast %sub3A_436 : i32 to vector<16xi32>
    %eq3A_524 = arith.cmpi eq, %add3A_522, %eq3A_523 : vector<16xi32>
    %jit3A_525 = arith.constant 0.000000e+00 : f32
    %broadcast_in_dim3A_526 = vector.broadcast %squeeze3A : f32 to vector<16xf32>
    %broadcast_in_dim3A_527 = vector.broadcast %jit3A_525 : f32 to vector<16xf32>
    %select_n3A_528 = arith.select %eq3A_524, %broadcast_in_dim3A_526, %broadcast_in_dim3A_527 : vector<16xi1>, vector<16xf32>
    %swap3A_529 = arith.constant 0 : i32
    %swap3A_530 = arith.index_cast %swap3A_529 : i32 to index
    %swap3A_531 = arith.constant 96 : index
    %swap3A_532 = tpu.vector_load %arg6[%swap3A_530, %swap3A_531] {strides = array<i32>} : memref<13x128xf32, #tpu.memory_space<vmem>>, vector<16xf32>,
    tpu.vector_store %arg6[%swap3A_530, %swap3A_531], %select_n3A_528 {strides = array<i32>} : memref<13x128xf32, #tpu.memory_space<vmem>>, vector<16xf32>,
    %iota3A_533 = tpu.iota {dimensions = array<i32: 0>} : vector<16xi32>
    %add3A_534 = arith.constant 112 : i32
    %add3A_535 = vector.broadcast %add3A_534 : i32 to vector<16xi32>
    %add3A_536 = arith.addi %add3A_535, %iota3A_533 : vector<16xi32>
    %eq3A_537 = vector.broadcast %sub3A_436 : i32 to vector<16xi32>
    %eq3A_538 = arith.cmpi eq, %add3A_536, %eq3A_537 : vector<16xi32>
    %jit3A_539 = arith.constant 0.000000e+00 : f32
    %broadcast_in_dim3A_540 = vector.broadcast %squeeze3A : f32 to vector<16xf32>
    %broadcast_in_dim3A_541 = vector.broadcast %jit3A_539 : f32 to vector<16xf32>
    %select_n3A_542 = arith.select %eq3A_538, %broadcast_in_dim3A_540, %broadcast_in_dim3A_541 : vector<16xi1>, vector<16xf32>
    %swap3A_543 = arith.constant 0 : i32
    %swap3A_544 = arith.index_cast %swap3A_543 : i32 to index
    %swap3A_545 = arith.constant 112 : index
    %swap3A_546 = tpu.vector_load %arg6[%swap3A_544, %swap3A_545] {strides = array<i32>} : memref<13x128xf32, #tpu.memory_space<vmem>>, vector<16xf32>,
    tpu.vector_store %arg6[%swap3A_544, %swap3A_545], %select_n3A_542 {strides = array<i32>} : memref<13x128xf32, #tpu.memory_space<vmem>>, vector<16xf32>,
    %jit3A_547 = arith.constant 50048 : i32
    %div3A_548 = arith.divsi %squeeze3A_408, %jit3A_547 : i32
    %sign3A_549 = arith.constant 0 : i32
    %sign3A_550 = arith.cmpi sgt, %squeeze3A_408, %sign3A_549 : i32
    %sign3A_551 = arith.extui %sign3A_550 : i1 to i32
    %sign3A_552 = arith.constant 0 : i32
    %sign3A_553 = arith.cmpi slt, %squeeze3A_408, %sign3A_552 : i32
    %sign3A_554 = arith.extui %sign3A_553 : i1 to i32
    %sign3A_555 = arith.subi %sign3A_551, %sign3A_554 : i32
    %sign3A_556 = arith.constant 0 : i32
    %sign3A_557 = arith.cmpi sgt, %jit3A_547, %sign3A_556 : i32
    %sign3A_558 = arith.extui %sign3A_557 : i1 to i32
    %sign3A_559 = arith.constant 0 : i32
    %sign3A_560 = arith.cmpi slt, %jit3A_547, %sign3A_559 : i32
    %sign3A_561 = arith.extui %sign3A_560 : i1 to i32
    %sign3A_562 = arith.subi %sign3A_558, %sign3A_561 : i32
    %ne3A_563 = arith.cmpi ne, %sign3A_555, %sign3A_562 : i32
    %rem3A_564 = arith.remsi %squeeze3A_408, %jit3A_547 : i32
    %ne3A_565 = arith.constant 0 : i32
    %ne3A_566 = arith.cmpi ne, %rem3A_564, %ne3A_565 : i32
    %and3A_567 = arith.andi %ne3A_563, %ne3A_566 : i1
    %sub3A_568 = arith.constant 1 : i32
    %sub3A_569 = arith.subi %div3A_548, %sub3A_568 : i32
    %select_n3A_570 = arith.select %and3A_567, %sub3A_569, %div3A_548 : i32
    %eq3A_571 = arith.constant 0 : i32
    %eq3A_572 = arith.cmpi eq, %select_n3A_570, %eq3A_571 : i32
    %get3A_573 = arith.index_cast %add3A_14 : i32 to index
    %get3A_574 = tpu.vector_load %arg7[%get3A_573] {strides = array<i32>} : memref<224xi32, #tpu.memory_space<vmem>>, vector<16xi32>,
    %slice3A_575 = vector.extract_strided_slice %get3A_574 {offsets = [0], sizes = [1], strides = [1]} : vector<16xi32> to vector<1xi32>
    %squeeze3A_576 = vector.extract %slice3A_575[0] : i32 from vector<1xi32>
    %jit3A_577 = arith.constant 128 : i32
    %div3A_578 = arith.divsi %squeeze3A_576, %jit3A_577 : i32
    %sign3A_579 = arith.constant 0 : i32
    %sign3A_580 = arith.cmpi sgt, %squeeze3A_576, %sign3A_579 : i32
    %sign3A_581 = arith.extui %sign3A_580 : i1 to i32
    %sign3A_582 = arith.constant 0 : i32
    %sign3A_583 = arith.cmpi slt, %squeeze3A_576, %sign3A_582 : i32
    %sign3A_584 = arith.extui %sign3A_583 : i1 to i32
    %sign3A_585 = arith.subi %sign3A_581, %sign3A_584 : i32
    %sign3A_586 = arith.constant 0 : i32
    %sign3A_587 = arith.cmpi sgt, %jit3A_577, %sign3A_586 : i32
    %sign3A_588 = arith.extui %sign3A_587 : i1 to i32
    %sign3A_589 = arith.constant 0 : i32
    %sign3A_590 = arith.cmpi slt, %jit3A_577, %sign3A_589 : i32
    %sign3A_591 = arith.extui %sign3A_590 : i1 to i32
    %sign3A_592 = arith.subi %sign3A_588, %sign3A_591 : i32
    %ne3A_593 = arith.cmpi ne, %sign3A_585, %sign3A_592 : i32
    %rem3A_594 = arith.remsi %squeeze3A_576, %jit3A_577 : i32
    %ne3A_595 = arith.constant 0 : i32
    %ne3A_596 = arith.cmpi ne, %rem3A_594, %ne3A_595 : i32
    %and3A_597 = arith.andi %ne3A_593, %ne3A_596 : i1
    %sub3A_598 = arith.constant 1 : i32
    %sub3A_599 = arith.subi %div3A_578, %sub3A_598 : i32
    %select_n3A_600 = arith.select %and3A_597, %sub3A_599, %div3A_578 : i32
    %mul3A_601 = arith.constant 128 : i32
    %mul3A_602 = arith.muli %select_n3A_600, %mul3A_601 : i32
    %multiple_of3A_603 = tpu.assume_multiple %mul3A_602, 128 : i32
    %sub3A_604 = arith.subi %squeeze3A_576, %multiple_of3A_603 : i32
    %iota3A_605 = tpu.iota {dimensions = array<i32: 0>} : vector<16xi32>
    %add3A_606 = arith.constant 0 : i32
    %add3A_607 = vector.broadcast %add3A_606 : i32 to vector<16xi32>
    %add3A_608 = arith.addi %add3A_607, %iota3A_605 : vector<16xi32>
    %eq3A_609 = vector.broadcast %sub3A_604 : i32 to vector<16xi32>
    %eq3A_610 = arith.cmpi eq, %add3A_608, %eq3A_609 : vector<16xi32>
    %jit3A_611 = arith.constant 0.000000e+00 : f32
    %broadcast_in_dim3A_612 = vector.broadcast %squeeze3A : f32 to vector<16xf32>
    %broadcast_in_dim3A_613 = vector.broadcast %jit3A_611 : f32 to vector<16xf32>
    %select_n3A_614 = arith.select %eq3A_610, %broadcast_in_dim3A_612, %broadcast_in_dim3A_613 : vector<16xi1>, vector<16xf32>
    %swap3A_615 = arith.constant 1 : i32
    %swap3A_616 = arith.index_cast %swap3A_615 : i32 to index
    %swap3A_617 = arith.constant 0 : index
    %swap3A_618 = tpu.vector_load %arg6[%swap3A_616, %swap3A_617] {strides = array<i32>} : memref<13x128xf32, #tpu.memory_space<vmem>>, vector<16xf32>,
    tpu.vector_store %arg6[%swap3A_616, %swap3A_617], %select_n3A_614 {strides = array<i32>} : memref<13x128xf32, #tpu.memory_space<vmem>>, vector<16xf32>,
    %iota3A_619 = tpu.iota {dimensions = array<i32: 0>} : vector<16xi32>
    %add3A_620 = arith.constant 16 : i32
    %add3A_621 = vector.broadcast %add3A_620 : i32 to vector<16xi32>
    %add3A_622 = arith.addi %add3A_621, %iota3A_619 : vector<16xi32>
    %eq3A_623 = vector.broadcast %sub3A_604 : i32 to vector<16xi32>
    %eq3A_624 = arith.cmpi eq, %add3A_622, %eq3A_623 : vector<16xi32>
    %jit3A_625 = arith.constant 0.000000e+00 : f32
    %broadcast_in_dim3A_626 = vector.broadcast %squeeze3A : f32 to vector<16xf32>
    %broadcast_in_dim3A_627 = vector.broadcast %jit3A_625 : f32 to vector<16xf32>
    %select_n3A_628 = arith.select %eq3A_624, %broadcast_in_dim3A_626, %broadcast_in_dim3A_627 : vector<16xi1>, vector<16xf32>
    %swap3A_629 = arith.constant 1 : i32
    %swap3A_630 = arith.index_cast %swap3A_629 : i32 to index
    %swap3A_631 = arith.constant 16 : index
    %swap3A_632 = tpu.vector_load %arg6[%swap3A_630, %swap3A_631] {strides = array<i32>} : memref<13x128xf32, #tpu.memory_space<vmem>>, vector<16xf32>,
    tpu.vector_store %arg6[%swap3A_630, %swap3A_631], %select_n3A_628 {strides = array<i32>} : memref<13x128xf32, #tpu.memory_space<vmem>>, vector<16xf32>,
    %iota3A_633 = tpu.iota {dimensions = array<i32: 0>} : vector<16xi32>
    %add3A_634 = arith.constant 32 : i32
    %add3A_635 = vector.broadcast %add3A_634 : i32 to vector<16xi32>
    %add3A_636 = arith.addi %add3A_635, %iota3A_633 : vector<16xi32>
    %eq3A_637 = vector.broadcast %sub3A_604 : i32 to vector<16xi32>
    %eq3A_638 = arith.cmpi eq, %add3A_636, %eq3A_637 : vector<16xi32>
    %jit3A_639 = arith.constant 0.000000e+00 : f32
    %broadcast_in_dim3A_640 = vector.broadcast %squeeze3A : f32 to vector<16xf32>
    %broadcast_in_dim3A_641 = vector.broadcast %jit3A_639 : f32 to vector<16xf32>
    %select_n3A_642 = arith.select %eq3A_638, %broadcast_in_dim3A_640, %broadcast_in_dim3A_641 : vector<16xi1>, vector<16xf32>
    %swap3A_643 = arith.constant 1 : i32
    %swap3A_644 = arith.index_cast %swap3A_643 : i32 to index
    %swap3A_645 = arith.constant 32 : index
    %swap3A_646 = tpu.vector_load %arg6[%swap3A_644, %swap3A_645] {strides = array<i32>} : memref<13x128xf32, #tpu.memory_space<vmem>>, vector<16xf32>,
    tpu.vector_store %arg6[%swap3A_644, %swap3A_645], %select_n3A_642 {strides = array<i32>} : memref<13x128xf32, #tpu.memory_space<vmem>>, vector<16xf32>,
    %iota3A_647 = tpu.iota {dimensions = array<i32: 0>} : vector<16xi32>
    %add3A_648 = arith.constant 48 : i32
    %add3A_649 = vector.broadcast %add3A_648 : i32 to vector<16xi32>
    %add3A_650 = arith.addi %add3A_649, %iota3A_647 : vector<16xi32>
    %eq3A_651 = vector.broadcast %sub3A_604 : i32 to vector<16xi32>
    %eq3A_652 = arith.cmpi eq, %add3A_650, %eq3A_651 : vector<16xi32>
    %jit3A_653 = arith.constant 0.000000e+00 : f32
    %broadcast_in_dim3A_654 = vector.broadcast %squeeze3A : f32 to vector<16xf32>
    %broadcast_in_dim3A_655 = vector.broadcast %jit3A_653 : f32 to vector<16xf32>
    %select_n3A_656 = arith.select %eq3A_652, %broadcast_in_dim3A_654, %broadcast_in_dim3A_655 : vector<16xi1>, vector<16xf32>
    %swap3A_657 = arith.constant 1 : i32
    %swap3A_658 = arith.index_cast %swap3A_657 : i32 to index
    %swap3A_659 = arith.constant 48 : index
    %swap3A_660 = tpu.vector_load %arg6[%swap3A_658, %swap3A_659] {strides = array<i32>} : memref<13x128xf32, #tpu.memory_space<vmem>>, vector<16xf32>,
    tpu.vector_store %arg6[%swap3A_658, %swap3A_659], %select_n3A_656 {strides = array<i32>} : memref<13x128xf32, #tpu.memory_space<vmem>>, vector<16xf32>,
    %iota3A_661 = tpu.iota {dimensions = array<i32: 0>} : vector<16xi32>
    %add3A_662 = arith.constant 64 : i32
    %add3A_663 = vector.broadcast %add3A_662 : i32 to vector<16xi32>
    %add3A_664 = arith.addi %add3A_663, %iota3A_661 : vector<16xi32>
    %eq3A_665 = vector.broadcast %sub3A_604 : i32 to vector<16xi32>
    %eq3A_666 = arith.cmpi eq, %add3A_664, %eq3A_665 : vector<16xi32>
    %jit3A_667 = arith.constant 0.000000e+00 : f32
    %broadcast_in_dim3A_668 = vector.broadcast %squeeze3A : f32 to vector<16xf32>
    %broadcast_in_dim3A_669 = vector.broadcast %jit3A_667 : f32 to vector<16xf32>
    %select_n3A_670 = arith.select %eq3A_666, %broadcast_in_dim3A_668, %broadcast_in_dim3A_669 : vector<16xi1>, vector<16xf32>
    %swap3A_671 = arith.constant 1 : i32
    %swap3A_672 = arith.index_cast %swap3A_671 : i32 to index
    %swap3A_673 = arith.constant 64 : index
    %swap3A_674 = tpu.vector_load %arg6[%swap3A_672, %swap3A_673] {strides = array<i32>} : memref<13x128xf32, #tpu.memory_space<vmem>>, vector<16xf32>,
    tpu.vector_store %arg6[%swap3A_672, %swap3A_673], %select_n3A_670 {strides = array<i32>} : memref<13x128xf32, #tpu.memory_space<vmem>>, vector<16xf32>,
    %iota3A_675 = tpu.iota {dimensions = array<i32: 0>} : vector<16xi32>
    %add3A_676 = arith.constant 80 : i32
    %add3A_677 = vector.broadcast %add3A_676 : i32 to vector<16xi32>
    %add3A_678 = arith.addi %add3A_677, %iota3A_675 : vector<16xi32>
    %eq3A_679 = vector.broadcast %sub3A_604 : i32 to vector<16xi32>
    %eq3A_680 = arith.cmpi eq, %add3A_678, %eq3A_679 : vector<16xi32>
    %jit3A_681 = arith.constant 0.000000e+00 : f32
    %broadcast_in_dim3A_682 = vector.broadcast %squeeze3A : f32 to vector<16xf32>
    %broadcast_in_dim3A_683 = vector.broadcast %jit3A_681 : f32 to vector<16xf32>
    %select_n3A_684 = arith.select %eq3A_680, %broadcast_in_dim3A_682, %broadcast_in_dim3A_683 : vector<16xi1>, vector<16xf32>
    %swap3A_685 = arith.constant 1 : i32
    %swap3A_686 = arith.index_cast %swap3A_685 : i32 to index
    %swap3A_687 = arith.constant 80 : index
    %swap3A_688 = tpu.vector_load %arg6[%swap3A_686, %swap3A_687] {strides = array<i32>} : memref<13x128xf32, #tpu.memory_space<vmem>>, vector<16xf32>,
    tpu.vector_store %arg6[%swap3A_686, %swap3A_687], %select_n3A_684 {strides = array<i32>} : memref<13x128xf32, #tpu.memory_space<vmem>>, vector<16xf32>,
    %iota3A_689 = tpu.iota {dimensions = array<i32: 0>} : vector<16xi32>
    %add3A_690 = arith.constant 96 : i32
    %add3A_691 = vector.broadcast %add3A_690 : i32 to vector<16xi32>
    %add3A_692 = arith.addi %add3A_691, %iota3A_689 : vector<16xi32>
    %eq3A_693 = vector.broadcast %sub3A_604 : i32 to vector<16xi32>
    %eq3A_694 = arith.cmpi eq, %add3A_692, %eq3A_693 : vector<16xi32>
    %jit3A_695 = arith.constant 0.000000e+00 : f32
    %broadcast_in_dim3A_696 = vector.broadcast %squeeze3A : f32 to vector<16xf32>
    %broadcast_in_dim3A_697 = vector.broadcast %jit3A_695 : f32 to vector<16xf32>
    %select_n3A_698 = arith.select %eq3A_694, %broadcast_in_dim3A_696, %broadcast_in_dim3A_697 : vector<16xi1>, vector<16xf32>
    %swap3A_699 = arith.constant 1 : i32
    %swap3A_700 = arith.index_cast %swap3A_699 : i32 to index
    %swap3A_701 = arith.constant 96 : index
    %swap3A_702 = tpu.vector_load %arg6[%swap3A_700, %swap3A_701] {strides = array<i32>} : memref<13x128xf32, #tpu.memory_space<vmem>>, vector<16xf32>,
    tpu.vector_store %arg6[%swap3A_700, %swap3A_701], %select_n3A_698 {strides = array<i32>} : memref<13x128xf32, #tpu.memory_space<vmem>>, vector<16xf32>,
    %iota3A_703 = tpu.iota {dimensions = array<i32: 0>} : vector<16xi32>
    %add3A_704 = arith.constant 112 : i32
    %add3A_705 = vector.broadcast %add3A_704 : i32 to vector<16xi32>
    %add3A_706 = arith.addi %add3A_705, %iota3A_703 : vector<16xi32>
    %eq3A_707 = vector.broadcast %sub3A_604 : i32 to vector<16xi32>
    %eq3A_708 = arith.cmpi eq, %add3A_706, %eq3A_707 : vector<16xi32>
    %jit3A_709 = arith.constant 0.000000e+00 : f32
    %broadcast_in_dim3A_710 = vector.broadcast %squeeze3A : f32 to vector<16xf32>
    %broadcast_in_dim3A_711 = vector.broadcast %jit3A_709 : f32 to vector<16xf32>
    %select_n3A_712 = arith.select %eq3A_708, %broadcast_in_dim3A_710, %broadcast_in_dim3A_711 : vector<16xi1>, vector<16xf32>
    %swap3A_713 = arith.constant 1 : i32
    %swap3A_714 = arith.index_cast %swap3A_713 : i32 to index
    %swap3A_715 = arith.constant 112 : index
    %swap3A_716 = tpu.vector_load %arg6[%swap3A_714, %swap3A_715] {strides = array<i32>} : memref<13x128xf32, #tpu.memory_space<vmem>>, vector<16xf32>,
    tpu.vector_store %arg6[%swap3A_714, %swap3A_715], %select_n3A_712 {strides = array<i32>} : memref<13x128xf32, #tpu.memory_space<vmem>>, vector<16xf32>,
    %jit3A_717 = arith.constant 50048 : i32
    %div3A_718 = arith.divsi %squeeze3A_576, %jit3A_717 : i32
    %sign3A_719 = arith.constant 0 : i32
    %sign3A_720 = arith.cmpi sgt, %squeeze3A_576, %sign3A_719 : i32
    %sign3A_721 = arith.extui %sign3A_720 : i1 to i32
    %sign3A_722 = arith.constant 0 : i32
    %sign3A_723 = arith.cmpi slt, %squeeze3A_576, %sign3A_722 : i32
    %sign3A_724 = arith.extui %sign3A_723 : i1 to i32
    %sign3A_725 = arith.subi %sign3A_721, %sign3A_724 : i32
    %sign3A_726 = arith.constant 0 : i32
    %sign3A_727 = arith.cmpi sgt, %jit3A_717, %sign3A_726 : i32
    %sign3A_728 = arith.extui %sign3A_727 : i1 to i32
    %sign3A_729 = arith.constant 0 : i32
    %sign3A_730 = arith.cmpi slt, %jit3A_717, %sign3A_729 : i32
    %sign3A_731 = arith.extui %sign3A_730 : i1 to i32
    %sign3A_732 = arith.subi %sign3A_728, %sign3A_731 : i32
    %ne3A_733 = arith.cmpi ne, %sign3A_725, %sign3A_732 : i32
    %rem3A_734 = arith.remsi %squeeze3A_576, %jit3A_717 : i32
    %ne3A_735 = arith.constant 0 : i32
    %ne3A_736 = arith.cmpi ne, %rem3A_734, %ne3A_735 : i32
    %and3A_737 = arith.andi %ne3A_733, %ne3A_736 : i1
    %sub3A_738 = arith.constant 1 : i32
    %sub3A_739 = arith.subi %div3A_718, %sub3A_738 : i32
    %select_n3A_740 = arith.select %and3A_737, %sub3A_739, %div3A_718 : i32
    %eq3A_741 = arith.constant 1 : i32
    %eq3A_742 = arith.cmpi eq, %select_n3A_740, %eq3A_741 : i32
    %get3A_743 = arith.index_cast %add3A_18 : i32 to index
    %get3A_744 = tpu.vector_load %arg7[%get3A_743] {strides = array<i32>} : memref<224xi32, #tpu.memory_space<vmem>>, vector<16xi32>,
    %slice3A_745 = vector.extract_strided_slice %get3A_744 {offsets = [0], sizes = [1], strides = [1]} : vector<16xi32> to vector<1xi32>
    %squeeze3A_746 = vector.extract %slice3A_745[0] : i32 from vector<1xi32>
    %jit3A_747 = arith.constant 128 : i32
    %div3A_748 = arith.divsi %squeeze3A_746, %jit3A_747 : i32
    %sign3A_749 = arith.constant 0 : i32
    %sign3A_750 = arith.cmpi sgt, %squeeze3A_746, %sign3A_749 : i32
    %sign3A_751 = arith.extui %sign3A_750 : i1 to i32
    %sign3A_752 = arith.constant 0 : i32
    %sign3A_753 = arith.cmpi slt, %squeeze3A_746, %sign3A_752 : i32
    %sign3A_754 = arith.extui %sign3A_753 : i1 to i32
    %sign3A_755 = arith.subi %sign3A_751, %sign3A_754 : i32
    %sign3A_756 = arith.constant 0 : i32
    %sign3A_757 = arith.cmpi sgt, %jit3A_747, %sign3A_756 : i32
    %sign3A_758 = arith.extui %sign3A_757 : i1 to i32
    %sign3A_759 = arith.constant 0 : i32
    %sign3A_760 = arith.cmpi slt, %jit3A_747, %sign3A_759 : i32
    %sign3A_761 = arith.extui %sign3A_760 : i1 to i32
    %sign3A_762 = arith.subi %sign3A_758, %sign3A_761 : i32
    %ne3A_763 = arith.cmpi ne, %sign3A_755, %sign3A_762 : i32
    %rem3A_764 = arith.remsi %squeeze3A_746, %jit3A_747 : i32
    %ne3A_765 = arith.constant 0 : i32
    %ne3A_766 = arith.cmpi ne, %rem3A_764, %ne3A_765 : i32
    %and3A_767 = arith.andi %ne3A_763, %ne3A_766 : i1
    %sub3A_768 = arith.constant 1 : i32
    %sub3A_769 = arith.subi %div3A_748, %sub3A_768 : i32
    %select_n3A_770 = arith.select %and3A_767, %sub3A_769, %div3A_748 : i32
    %mul3A_771 = arith.constant 128 : i32
    %mul3A_772 = arith.muli %select_n3A_770, %mul3A_771 : i32
    %multiple_of3A_773 = tpu.assume_multiple %mul3A_772, 128 : i32
    %sub3A_774 = arith.subi %squeeze3A_746, %multiple_of3A_773 : i32
    %iota3A_775 = tpu.iota {dimensions = array<i32: 0>} : vector<16xi32>
    %add3A_776 = arith.constant 0 : i32
    %add3A_777 = vector.broadcast %add3A_776 : i32 to vector<16xi32>
    %add3A_778 = arith.addi %add3A_777, %iota3A_775 : vector<16xi32>
    %eq3A_779 = vector.broadcast %sub3A_774 : i32 to vector<16xi32>
    %eq3A_780 = arith.cmpi eq, %add3A_778, %eq3A_779 : vector<16xi32>
    %jit3A_781 = arith.constant 0.000000e+00 : f32
    %broadcast_in_dim3A_782 = vector.broadcast %squeeze3A : f32 to vector<16xf32>
    %broadcast_in_dim3A_783 = vector.broadcast %jit3A_781 : f32 to vector<16xf32>
    %select_n3A_784 = arith.select %eq3A_780, %broadcast_in_dim3A_782, %broadcast_in_dim3A_783 : vector<16xi1>, vector<16xf32>
    %swap3A_785 = arith.constant 2 : i32
    %swap3A_786 = arith.index_cast %swap3A_785 : i32 to index
    %swap3A_787 = arith.constant 0 : index
    %swap3A_788 = tpu.vector_load %arg6[%swap3A_786, %swap3A_787] {strides = array<i32>} : memref<13x128xf32, #tpu.memory_space<vmem>>, vector<16xf32>,
    tpu.vector_store %arg6[%swap3A_786, %swap3A_787], %select_n3A_784 {strides = array<i32>} : memref<13x128xf32, #tpu.memory_space<vmem>>, vector<16xf32>,
    %iota3A_789 = tpu.iota {dimensions = array<i32: 0>} : vector<16xi32>
    %add3A_790 = arith.constant 16 : i32
    %add3A_791 = vector.broadcast %add3A_790 : i32 to vector<16xi32>
    %add3A_792 = arith.addi %add3A_791, %iota3A_789 : vector<16xi32>
    %eq3A_793 = vector.broadcast %sub3A_774 : i32 to vector<16xi32>
    %eq3A_794 = arith.cmpi eq, %add3A_792, %eq3A_793 : vector<16xi32>
    %jit3A_795 = arith.constant 0.000000e+00 : f32
    %broadcast_in_dim3A_796 = vector.broadcast %squeeze3A : f32 to vector<16xf32>
    %broadcast_in_dim3A_797 = vector.broadcast %jit3A_795 : f32 to vector<16xf32>
    %select_n3A_798 = arith.select %eq3A_794, %broadcast_in_dim3A_796, %broadcast_in_dim3A_797 : vector<16xi1>, vector<16xf32>
    %swap3A_799 = arith.constant 2 : i32
    %swap3A_800 = arith.index_cast %swap3A_799 : i32 to index
    %swap3A_801 = arith.constant 16 : index
    %swap3A_802 = tpu.vector_load %arg6[%swap3A_800, %swap3A_801] {strides = array<i32>} : memref<13x128xf32, #tpu.memory_space<vmem>>, vector<16xf32>,
    tpu.vector_store %arg6[%swap3A_800, %swap3A_801], %select_n3A_798 {strides = array<i32>} : memref<13x128xf32, #tpu.memory_space<vmem>>, vector<16xf32>,
    %iota3A_803 = tpu.iota {dimensions = array<i32: 0>} : vector<16xi32>
    %add3A_804 = arith.constant 32 : i32
    %add3A_805 = vector.broadcast %add3A_804 : i32 to vector<16xi32>
    %add3A_806 = arith.addi %add3A_805, %iota3A_803 : vector<16xi32>
    %eq3A_807 = vector.broadcast %sub3A_774 : i32 to vector<16xi32>
    %eq3A_808 = arith.cmpi eq, %add3A_806, %eq3A_807 : vector<16xi32>
    %jit3A_809 = arith.constant 0.000000e+00 : f32
    %broadcast_in_dim3A_810 = vector.broadcast %squeeze3A : f32 to vector<16xf32>
    %broadcast_in_dim3A_811 = vector.broadcast %jit3A_809 : f32 to vector<16xf32>
    %select_n3A_812 = arith.select %eq3A_808, %broadcast_in_dim3A_810, %broadcast_in_dim3A_811 : vector<16xi1>, vector<16xf32>
    %swap3A_813 = arith.constant 2 : i32
    %swap3A_814 = arith.index_cast %swap3A_813 : i32 to index
    %swap3A_815 = arith.constant 32 : index
    %swap3A_816 = tpu.vector_load %arg6[%swap3A_814, %swap3A_815] {strides = array<i32>} : memref<13x128xf32, #tpu.memory_space<vmem>>, vector<16xf32>,
    tpu.vector_store %arg6[%swap3A_814, %swap3A_815], %select_n3A_812 {strides = array<i32>} : memref<13x128xf32, #tpu.memory_space<vmem>>, vector<16xf32>,
    %iota3A_817 = tpu.iota {dimensions = array<i32: 0>} : vector<16xi32>
    %add3A_818 = arith.constant 48 : i32
    %add3A_819 = vector.broadcast %add3A_818 : i32 to vector<16xi32>
    %add3A_820 = arith.addi %add3A_819, %iota3A_817 : vector<16xi32>
    %eq3A_821 = vector.broadcast %sub3A_774 : i32 to vector<16xi32>
    %eq3A_822 = arith.cmpi eq, %add3A_820, %eq3A_821 : vector<16xi32>
    %jit3A_823 = arith.constant 0.000000e+00 : f32
    %broadcast_in_dim3A_824 = vector.broadcast %squeeze3A : f32 to vector<16xf32>
    %broadcast_in_dim3A_825 = vector.broadcast %jit3A_823 : f32 to vector<16xf32>
    %select_n3A_826 = arith.select %eq3A_822, %broadcast_in_dim3A_824, %broadcast_in_dim3A_825 : vector<16xi1>, vector<16xf32>
    %swap3A_827 = arith.constant 2 : i32
    %swap3A_828 = arith.index_cast %swap3A_827 : i32 to index
    %swap3A_829 = arith.constant 48 : index
    %swap3A_830 = tpu.vector_load %arg6[%swap3A_828, %swap3A_829] {strides = array<i32>} : memref<13x128xf32, #tpu.memory_space<vmem>>, vector<16xf32>,
    tpu.vector_store %arg6[%swap3A_828, %swap3A_829], %select_n3A_826 {strides = array<i32>} : memref<13x128xf32, #tpu.memory_space<vmem>>, vector<16xf32>,
    %iota3A_831 = tpu.iota {dimensions = array<i32: 0>} : vector<16xi32>
    %add3A_832 = arith.constant 64 : i32
    %add3A_833 = vector.broadcast %add3A_832 : i32 to vector<16xi32>
    %add3A_834 = arith.addi %add3A_833, %iota3A_831 : vector<16xi32>
    %eq3A_835 = vector.broadcast %sub3A_774 : i32 to vector<16xi32>
    %eq3A_836 = arith.cmpi eq, %add3A_834, %eq3A_835 : vector<16xi32>
    %jit3A_837 = arith.constant 0.000000e+00 : f32
    %broadcast_in_dim3A_838 = vector.broadcast %squeeze3A : f32 to vector<16xf32>
    %broadcast_in_dim3A_839 = vector.broadcast %jit3A_837 : f32 to vector<16xf32>
    %select_n3A_840 = arith.select %eq3A_836, %broadcast_in_dim3A_838, %broadcast_in_dim3A_839 : vector<16xi1>, vector<16xf32>
    %swap3A_841 = arith.constant 2 : i32
    %swap3A_842 = arith.index_cast %swap3A_841 : i32 to index
    %swap3A_843 = arith.constant 64 : index
    %swap3A_844 = tpu.vector_load %arg6[%swap3A_842, %swap3A_843] {strides = array<i32>} : memref<13x128xf32, #tpu.memory_space<vmem>>, vector<16xf32>,
    tpu.vector_store %arg6[%swap3A_842, %swap3A_843], %select_n3A_840 {strides = array<i32>} : memref<13x128xf32, #tpu.memory_space<vmem>>, vector<16xf32>,
    %iota3A_845 = tpu.iota {dimensions = array<i32: 0>} : vector<16xi32>
    %add3A_846 = arith.constant 80 : i32
    %add3A_847 = vector.broadcast %add3A_846 : i32 to vector<16xi32>
    %add3A_848 = arith.addi %add3A_847, %iota3A_845 : vector<16xi32>
    %eq3A_849 = vector.broadcast %sub3A_774 : i32 to vector<16xi32>
    %eq3A_850 = arith.cmpi eq, %add3A_848, %eq3A_849 : vector<16xi32>
    %jit3A_851 = arith.constant 0.000000e+00 : f32
    %broadcast_in_dim3A_852 = vector.broadcast %squeeze3A : f32 to vector<16xf32>
    %broadcast_in_dim3A_853 = vector.broadcast %jit3A_851 : f32 to vector<16xf32>
    %select_n3A_854 = arith.select %eq3A_850, %broadcast_in_dim3A_852, %broadcast_in_dim3A_853 : vector<16xi1>, vector<16xf32>
    %swap3A_855 = arith.constant 2 : i32
    %swap3A_856 = arith.index_cast %swap3A_855 : i32 to index
    %swap3A_857 = arith.constant 80 : index
    %swap3A_858 = tpu.vector_load %arg6[%swap3A_856, %swap3A_857] {strides = array<i32>} : memref<13x128xf32, #tpu.memory_space<vmem>>, vector<16xf32>,
    tpu.vector_store %arg6[%swap3A_856, %swap3A_857], %select_n3A_854 {strides = array<i32>} : memref<13x128xf32, #tpu.memory_space<vmem>>, vector<16xf32>,
    %iota3A_859 = tpu.iota {dimensions = array<i32: 0>} : vector<16xi32>
    %add3A_860 = arith.constant 96 : i32
    %add3A_861 = vector.broadcast %add3A_860 : i32 to vector<16xi32>
    %add3A_862 = arith.addi %add3A_861, %iota3A_859 : vector<16xi32>
    %eq3A_863 = vector.broadcast %sub3A_774 : i32 to vector<16xi32>
    %eq3A_864 = arith.cmpi eq, %add3A_862, %eq3A_863 : vector<16xi32>
    %jit3A_865 = arith.constant 0.000000e+00 : f32
    %broadcast_in_dim3A_866 = vector.broadcast %squeeze3A : f32 to vector<16xf32>
    %broadcast_in_dim3A_867 = vector.broadcast %jit3A_865 : f32 to vector<16xf32>
    %select_n3A_868 = arith.select %eq3A_864, %broadcast_in_dim3A_866, %broadcast_in_dim3A_867 : vector<16xi1>, vector<16xf32>
    %swap3A_869 = arith.constant 2 : i32
    %swap3A_870 = arith.index_cast %swap3A_869 : i32 to index
    %swap3A_871 = arith.constant 96 : index
    %swap3A_872 = tpu.vector_load %arg6[%swap3A_870, %swap3A_871] {strides = array<i32>} : memref<13x128xf32, #tpu.memory_space<vmem>>, vector<16xf32>,
    tpu.vector_store %arg6[%swap3A_870, %swap3A_871], %select_n3A_868 {strides = array<i32>} : memref<13x128xf32, #tpu.memory_space<vmem>>, vector<16xf32>,
    %iota3A_873 = tpu.iota {dimensions = array<i32: 0>} : vector<16xi32>
    %add3A_874 = arith.constant 112 : i32
    %add3A_875 = vector.broadcast %add3A_874 : i32 to vector<16xi32>
    %add3A_876 = arith.addi %add3A_875, %iota3A_873 : vector<16xi32>
    %eq3A_877 = vector.broadcast %sub3A_774 : i32 to vector<16xi32>
    %eq3A_878 = arith.cmpi eq, %add3A_876, %eq3A_877 : vector<16xi32>
    %jit3A_879 = arith.constant 0.000000e+00 : f32
    %broadcast_in_dim3A_880 = vector.broadcast %squeeze3A : f32 to vector<16xf32>
    %broadcast_in_dim3A_881 = vector.broadcast %jit3A_879 : f32 to vector<16xf32>
    %select_n3A_882 = arith.select %eq3A_878, %broadcast_in_dim3A_880, %broadcast_in_dim3A_881 : vector<16xi1>, vector<16xf32>
    %swap3A_883 = arith.constant 2 : i32
    %swap3A_884 = arith.index_cast %swap3A_883 : i32 to index
    %swap3A_885 = arith.constant 112 : index
    %swap3A_886 = tpu.vector_load %arg6[%swap3A_884, %swap3A_885] {strides = array<i32>} : memref<13x128xf32, #tpu.memory_space<vmem>>, vector<16xf32>,
    tpu.vector_store %arg6[%swap3A_884, %swap3A_885], %select_n3A_882 {strides = array<i32>} : memref<13x128xf32, #tpu.memory_space<vmem>>, vector<16xf32>,
    %jit3A_887 = arith.constant 50048 : i32
    %div3A_888 = arith.divsi %squeeze3A_746, %jit3A_887 : i32
    %sign3A_889 = arith.constant 0 : i32
    %sign3A_890 = arith.cmpi sgt, %squeeze3A_746, %sign3A_889 : i32
    %sign3A_891 = arith.extui %sign3A_890 : i1 to i32
    %sign3A_892 = arith.constant 0 : i32
    %sign3A_893 = arith.cmpi slt, %squeeze3A_746, %sign3A_892 : i32
    %sign3A_894 = arith.extui %sign3A_893 : i1 to i32
    %sign3A_895 = arith.subi %sign3A_891, %sign3A_894 : i32
    %sign3A_896 = arith.constant 0 : i32
    %sign3A_897 = arith.cmpi sgt, %jit3A_887, %sign3A_896 : i32
    %sign3A_898 = arith.extui %sign3A_897 : i1 to i32
    %sign3A_899 = arith.constant 0 : i32
    %sign3A_900 = arith.cmpi slt, %jit3A_887, %sign3A_899 : i32
    %sign3A_901 = arith.extui %sign3A_900 : i1 to i32
    %sign3A_902 = arith.subi %sign3A_898, %sign3A_901 : i32
    %ne3A_903 = arith.cmpi ne, %sign3A_895, %sign3A_902 : i32
    %rem3A_904 = arith.remsi %squeeze3A_746, %jit3A_887 : i32
    %ne3A_905 = arith.constant 0 : i32
    %ne3A_906 = arith.cmpi ne, %rem3A_904, %ne3A_905 : i32
    %and3A_907 = arith.andi %ne3A_903, %ne3A_906 : i1
    %sub3A_908 = arith.constant 1 : i32
    %sub3A_909 = arith.subi %div3A_888, %sub3A_908 : i32
    %select_n3A_910 = arith.select %and3A_907, %sub3A_909, %div3A_888 : i32
    %eq3A_911 = arith.constant 0 : i32
    %eq3A_912 = arith.cmpi eq, %select_n3A_910, %eq3A_911 : i32
    %get3A_913 = arith.index_cast %add3A_22 : i32 to index
    %get3A_914 = tpu.vector_load %arg7[%get3A_913] {strides = array<i32>} : memref<224xi32, #tpu.memory_space<vmem>>, vector<16xi32>,
    %slice3A_915 = vector.extract_strided_slice %get3A_914 {offsets = [0], sizes = [1], strides = [1]} : vector<16xi32> to vector<1xi32>
    %squeeze3A_916 = vector.extract %slice3A_915[0] : i32 from vector<1xi32>
    %jit3A_917 = arith.constant 128 : i32
    %div3A_918 = arith.divsi %squeeze3A_916, %jit3A_917 : i32
    %sign3A_919 = arith.constant 0 : i32
    %sign3A_920 = arith.cmpi sgt, %squeeze3A_916, %sign3A_919 : i32
    %sign3A_921 = arith.extui %sign3A_920 : i1 to i32
    %sign3A_922 = arith.constant 0 : i32
    %sign3A_923 = arith.cmpi slt, %squeeze3A_916, %sign3A_922 : i32
    %sign3A_924 = arith.extui %sign3A_923 : i1 to i32
    %sign3A_925 = arith.subi %sign3A_921, %sign3A_924 : i32
    %sign3A_926 = arith.constant 0 : i32
    %sign3A_927 = arith.cmpi sgt, %jit3A_917, %sign3A_926 : i32
    %sign3A_928 = arith.extui %sign3A_927 : i1 to i32
    %sign3A_929 = arith.constant 0 : i32
    %sign3A_930 = arith.cmpi slt, %jit3A_917, %sign3A_929 : i32
    %sign3A_931 = arith.extui %sign3A_930 : i1 to i32
    %sign3A_932 = arith.subi %sign3A_928, %sign3A_931 : i32
    %ne3A_933 = arith.cmpi ne, %sign3A_925, %sign3A_932 : i32
    %rem3A_934 = arith.remsi %squeeze3A_916, %jit3A_917 : i32
    %ne3A_935 = arith.constant 0 : i32
    %ne3A_936 = arith.cmpi ne, %rem3A_934, %ne3A_935 : i32
    %and3A_937 = arith.andi %ne3A_933, %ne3A_936 : i1
    %sub3A_938 = arith.constant 1 : i32
    %sub3A_939 = arith.subi %div3A_918, %sub3A_938 : i32
    %select_n3A_940 = arith.select %and3A_937, %sub3A_939, %div3A_918 : i32
    %mul3A_941 = arith.constant 128 : i32
    %mul3A_942 = arith.muli %select_n3A_940, %mul3A_941 : i32
    %multiple_of3A_943 = tpu.assume_multiple %mul3A_942, 128 : i32
    %sub3A_944 = arith.subi %squeeze3A_916, %multiple_of3A_943 : i32
    %iota3A_945 = tpu.iota {dimensions = array<i32: 0>} : vector<16xi32>
    %add3A_946 = arith.constant 0 : i32
    %add3A_947 = vector.broadcast %add3A_946 : i32 to vector<16xi32>
    %add3A_948 = arith.addi %add3A_947, %iota3A_945 : vector<16xi32>
    %eq3A_949 = vector.broadcast %sub3A_944 : i32 to vector<16xi32>
    %eq3A_950 = arith.cmpi eq, %add3A_948, %eq3A_949 : vector<16xi32>
    %jit3A_951 = arith.constant 0.000000e+00 : f32
    %broadcast_in_dim3A_952 = vector.broadcast %squeeze3A : f32 to vector<16xf32>
    %broadcast_in_dim3A_953 = vector.broadcast %jit3A_951 : f32 to vector<16xf32>
    %select_n3A_954 = arith.select %eq3A_950, %broadcast_in_dim3A_952, %broadcast_in_dim3A_953 : vector<16xi1>, vector<16xf32>
    %swap3A_955 = arith.constant 3 : i32
    %swap3A_956 = arith.index_cast %swap3A_955 : i32 to index
    %swap3A_957 = arith.constant 0 : index
    %swap3A_958 = tpu.vector_load %arg6[%swap3A_956, %swap3A_957] {strides = array<i32>} : memref<13x128xf32, #tpu.memory_space<vmem>>, vector<16xf32>,
    tpu.vector_store %arg6[%swap3A_956, %swap3A_957], %select_n3A_954 {strides = array<i32>} : memref<13x128xf32, #tpu.memory_space<vmem>>, vector<16xf32>,
    %iota3A_959 = tpu.iota {dimensions = array<i32: 0>} : vector<16xi32>
    %add3A_960 = arith.constant 16 : i32
    %add3A_961 = vector.broadcast %add3A_960 : i32 to vector<16xi32>
    %add3A_962 = arith.addi %add3A_961, %iota3A_959 : vector<16xi32>
    %eq3A_963 = vector.broadcast %sub3A_944 : i32 to vector<16xi32>
    %eq3A_964 = arith.cmpi eq, %add3A_962, %eq3A_963 : vector<16xi32>
    %jit3A_965 = arith.constant 0.000000e+00 : f32
    %broadcast_in_dim3A_966 = vector.broadcast %squeeze3A : f32 to vector<16xf32>
    %broadcast_in_dim3A_967 = vector.broadcast %jit3A_965 : f32 to vector<16xf32>
    %select_n3A_968 = arith.select %eq3A_964, %broadcast_in_dim3A_966, %broadcast_in_dim3A_967 : vector<16xi1>, vector<16xf32>
    %swap3A_969 = arith.constant 3 : i32
    %swap3A_970 = arith.index_cast %swap3A_969 : i32 to index
    %swap3A_971 = arith.constant 16 : index
    %swap3A_972 = tpu.vector_load %arg6[%swap3A_970, %swap3A_971] {strides = array<i32>} : memref<13x128xf32, #tpu.memory_space<vmem>>, vector<16xf32>,
    tpu.vector_store %arg6[%swap3A_970, %swap3A_971], %select_n3A_968 {strides = array<i32>} : memref<13x128xf32, #tpu.memory_space<vmem>>, vector<16xf32>,
    %iota3A_973 = tpu.iota {dimensions = array<i32: 0>} : vector<16xi32>
    %add3A_974 = arith.constant 32 : i32
    %add3A_975 = vector.broadcast %add3A_974 : i32 to vector<16xi32>
    %add3A_976 = arith.addi %add3A_975, %iota3A_973 : vector<16xi32>
    %eq3A_977 = vector.broadcast %sub3A_944 : i32 to vector<16xi32>
    %eq3A_978 = arith.cmpi eq, %add3A_976, %eq3A_977 : vector<16xi32>
    %jit3A_979 = arith.constant 0.000000e+00 : f32
    %broadcast_in_dim3A_980 = vector.broadcast %squeeze3A : f32 to vector<16xf32>
    %broadcast_in_dim3A_981 = vector.broadcast %jit3A_979 : f32 to vector<16xf32>
    %select_n3A_982 = arith.select %eq3A_978, %broadcast_in_dim3A_980, %broadcast_in_dim3A_981 : vector<16xi1>, vector<16xf32>
    %swap3A_983 = arith.constant 3 : i32
    %swap3A_984 = arith.index_cast %swap3A_983 : i32 to index
    %swap3A_985 = arith.constant 32 : index
    %swap3A_986 = tpu.vector_load %arg6[%swap3A_984, %swap3A_985] {strides = array<i32>} : memref<13x128xf32, #tpu.memory_space<vmem>>, vector<16xf32>,
    tpu.vector_store %arg6[%swap3A_984, %swap3A_985], %select_n3A_982 {strides = array<i32>} : memref<13x128xf32, #tpu.memory_space<vmem>>, vector<16xf32>,
    %iota3A_987 = tpu.iota {dimensions = array<i32: 0>} : vector<16xi32>
    %add3A_988 = arith.constant 48 : i32
    %add3A_989 = vector.broadcast %add3A_988 : i32 to vector<16xi32>
    %add3A_990 = arith.addi %add3A_989, %iota3A_987 : vector<16xi32>
    %eq3A_991 = vector.broadcast %sub3A_944 : i32 to vector<16xi32>
    %eq3A_992 = arith.cmpi eq, %add3A_990, %eq3A_991 : vector<16xi32>
    %jit3A_993 = arith.constant 0.000000e+00 : f32
    %broadcast_in_dim3A_994 = vector.broadcast %squeeze3A : f32 to vector<16xf32>
    %broadcast_in_dim3A_995 = vector.broadcast %jit3A_993 : f32 to vector<16xf32>
    %select_n3A_996 = arith.select %eq3A_992, %broadcast_in_dim3A_994, %broadcast_in_dim3A_995 : vector<16xi1>, vector<16xf32>
    %swap3A_997 = arith.constant 3 : i32
    %swap3A_998 = arith.index_cast %swap3A_997 : i32 to index
    %swap3A_999 = arith.constant 48 : index
    %swap3A_1000 = tpu.vector_load %arg6[%swap3A_998, %swap3A_999] {strides = array<i32>} : memref<13x128xf32, #tpu.memory_space<vmem>>, vector<16xf32>,
    tpu.vector_store %arg6[%swap3A_998, %swap3A_999], %select_n3A_996 {strides = array<i32>} : memref<13x128xf32, #tpu.memory_space<vmem>>, vector<16xf32>,
    %iota3A_1001 = tpu.iota {dimensions = array<i32: 0>} : vector<16xi32>
    %add3A_1002 = arith.constant 64 : i32
    %add3A_1003 = vector.broadcast %add3A_1002 : i32 to vector<16xi32>
    %add3A_1004 = arith.addi %add3A_1003, %iota3A_1001 : vector<16xi32>
    %eq3A_1005 = vector.broadcast %sub3A_944 : i32 to vector<16xi32>
    %eq3A_1006 = arith.cmpi eq, %add3A_1004, %eq3A_1005 : vector<16xi32>
    %jit3A_1007 = arith.constant 0.000000e+00 : f32
    %broadcast_in_dim3A_1008 = vector.broadcast %squeeze3A : f32 to vector<16xf32>
    %broadcast_in_dim3A_1009 = vector.broadcast %jit3A_1007 : f32 to vector<16xf32>
    %select_n3A_1010 = arith.select %eq3A_1006, %broadcast_in_dim3A_1008, %broadcast_in_dim3A_1009 : vector<16xi1>, vector<16xf32>
    %swap3A_1011 = arith.constant 3 : i32
    %swap3A_1012 = arith.index_cast %swap3A_1011 : i32 to index
    %swap3A_1013 = arith.constant 64 : index
    %swap3A_1014 = tpu.vector_load %arg6[%swap3A_1012, %swap3A_1013] {strides = array<i32>} : memref<13x128xf32, #tpu.memory_space<vmem>>, vector<16xf32>,
    tpu.vector_store %arg6[%swap3A_1012, %swap3A_1013], %select_n3A_1010 {strides = array<i32>} : memref<13x128xf32, #tpu.memory_space<vmem>>, vector<16xf32>,
    %iota3A_1015 = tpu.iota {dimensions = array<i32: 0>} : vector<16xi32>
    %add3A_1016 = arith.constant 80 : i32
    %add3A_1017 = vector.broadcast %add3A_1016 : i32 to vector<16xi32>
    %add3A_1018 = arith.addi %add3A_1017, %iota3A_1015 : vector<16xi32>
    %eq3A_1019 = vector.broadcast %sub3A_944 : i32 to vector<16xi32>
    %eq3A_1020 = arith.cmpi eq, %add3A_1018, %eq3A_1019 : vector<16xi32>
    %jit3A_1021 = arith.constant 0.000000e+00 : f32
    %broadcast_in_dim3A_1022 = vector.broadcast %squeeze3A : f32 to vector<16xf32>
    %broadcast_in_dim3A_1023 = vector.broadcast %jit3A_1021 : f32 to vector<16xf32>
    %select_n3A_1024 = arith.select %eq3A_1020, %broadcast_in_dim3A_1022, %broadcast_in_dim3A_1023 : vector<16xi1>, vector<16xf32>
    %swap3A_1025 = arith.constant 3 : i32
    %swap3A_1026 = arith.index_cast %swap3A_1025 : i32 to index
    %swap3A_1027 = arith.constant 80 : index
    %swap3A_1028 = tpu.vector_load %arg6[%swap3A_1026, %swap3A_1027] {strides = array<i32>} : memref<13x128xf32, #tpu.memory_space<vmem>>, vector<16xf32>,
    tpu.vector_store %arg6[%swap3A_1026, %swap3A_1027], %select_n3A_1024 {strides = array<i32>} : memref<13x128xf32, #tpu.memory_space<vmem>>, vector<16xf32>,
    %iota3A_1029 = tpu.iota {dimensions = array<i32: 0>} : vector<16xi32>
    %add3A_1030 = arith.constant 96 : i32
    %add3A_1031 = vector.broadcast %add3A_1030 : i32 to vector<16xi32>
    %add3A_1032 = arith.addi %add3A_1031, %iota3A_1029 : vector<16xi32>
    %eq3A_1033 = vector.broadcast %sub3A_944 : i32 to vector<16xi32>
    %eq3A_1034 = arith.cmpi eq, %add3A_1032, %eq3A_1033 : vector<16xi32>
    %jit3A_1035 = arith.constant 0.000000e+00 : f32
    %broadcast_in_dim3A_1036 = vector.broadcast %squeeze3A : f32 to vector<16xf32>
    %broadcast_in_dim3A_1037 = vector.broadcast %jit3A_1035 : f32 to vector<16xf32>
    %select_n3A_1038 = arith.select %eq3A_1034, %broadcast_in_dim3A_1036, %broadcast_in_dim3A_1037 : vector<16xi1>, vector<16xf32>
    %swap3A_1039 = arith.constant 3 : i32
    %swap3A_1040 = arith.index_cast %swap3A_1039 : i32 to index
    %swap3A_1041 = arith.constant 96 : index
    %swap3A_1042 = tpu.vector_load %arg6[%swap3A_1040, %swap3A_1041] {strides = array<i32>} : memref<13x128xf32, #tpu.memory_space<vmem>>, vector<16xf32>,
    tpu.vector_store %arg6[%swap3A_1040, %swap3A_1041], %select_n3A_1038 {strides = array<i32>} : memref<13x128xf32, #tpu.memory_space<vmem>>, vector<16xf32>,
    %iota3A_1043 = tpu.iota {dimensions = array<i32: 0>} : vector<16xi32>
    %add3A_1044 = arith.constant 112 : i32
    %add3A_1045 = vector.broadcast %add3A_1044 : i32 to vector<16xi32>
    %add3A_1046 = arith.addi %add3A_1045, %iota3A_1043 : vector<16xi32>
    %eq3A_1047 = vector.broadcast %sub3A_944 : i32 to vector<16xi32>
    %eq3A_1048 = arith.cmpi eq, %add3A_1046, %eq3A_1047 : vector<16xi32>
    %jit3A_1049 = arith.constant 0.000000e+00 : f32
    %broadcast_in_dim3A_1050 = vector.broadcast %squeeze3A : f32 to vector<16xf32>
    %broadcast_in_dim3A_1051 = vector.broadcast %jit3A_1049 : f32 to vector<16xf32>
    %select_n3A_1052 = arith.select %eq3A_1048, %broadcast_in_dim3A_1050, %broadcast_in_dim3A_1051 : vector<16xi1>, vector<16xf32>
    %swap3A_1053 = arith.constant 3 : i32
    %swap3A_1054 = arith.index_cast %swap3A_1053 : i32 to index
    %swap3A_1055 = arith.constant 112 : index
    %swap3A_1056 = tpu.vector_load %arg6[%swap3A_1054, %swap3A_1055] {strides = array<i32>} : memref<13x128xf32, #tpu.memory_space<vmem>>, vector<16xf32>,
    tpu.vector_store %arg6[%swap3A_1054, %swap3A_1055], %select_n3A_1052 {strides = array<i32>} : memref<13x128xf32, #tpu.memory_space<vmem>>, vector<16xf32>,
    %jit3A_1057 = arith.constant 50048 : i32
    %div3A_1058 = arith.divsi %squeeze3A_916, %jit3A_1057 : i32
    %sign3A_1059 = arith.constant 0 : i32
    %sign3A_1060 = arith.cmpi sgt, %squeeze3A_916, %sign3A_1059 : i32
    %sign3A_1061 = arith.extui %sign3A_1060 : i1 to i32
    %sign3A_1062 = arith.constant 0 : i32
    %sign3A_1063 = arith.cmpi slt, %squeeze3A_916, %sign3A_1062 : i32
    %sign3A_1064 = arith.extui %sign3A_1063 : i1 to i32
    %sign3A_1065 = arith.subi %sign3A_1061, %sign3A_1064 : i32
    %sign3A_1066 = arith.constant 0 : i32
    %sign3A_1067 = arith.cmpi sgt, %jit3A_1057, %sign3A_1066 : i32
    %sign3A_1068 = arith.extui %sign3A_1067 : i1 to i32
    %sign3A_1069 = arith.constant 0 : i32
    %sign3A_1070 = arith.cmpi slt, %jit3A_1057, %sign3A_1069 : i32
    %sign3A_1071 = arith.extui %sign3A_1070 : i1 to i32
    %sign3A_1072 = arith.subi %sign3A_1068, %sign3A_1071 : i32
    %ne3A_1073 = arith.cmpi ne, %sign3A_1065, %sign3A_1072 : i32
    %rem3A_1074 = arith.remsi %squeeze3A_916, %jit3A_1057 : i32
    %ne3A_1075 = arith.constant 0 : i32
    %ne3A_1076 = arith.cmpi ne, %rem3A_1074, %ne3A_1075 : i32
    %and3A_1077 = arith.andi %ne3A_1073, %ne3A_1076 : i1
    %sub3A_1078 = arith.constant 1 : i32
    %sub3A_1079 = arith.subi %div3A_1058, %sub3A_1078 : i32
    %select_n3A_1080 = arith.select %and3A_1077, %sub3A_1079, %div3A_1058 : i32
    %eq3A_1081 = arith.constant 1 : i32
    %eq3A_1082 = arith.cmpi eq, %select_n3A_1080, %eq3A_1081 : i32
    %get3A_1083 = arith.index_cast %add3A_26 : i32 to index
    %get3A_1084 = tpu.vector_load %arg7[%get3A_1083] {strides = array<i32>} : memref<224xi32, #tpu.memory_space<vmem>>, vector<16xi32>,
    %slice3A_1085 = vector.extract_strided_slice %get3A_1084 {offsets = [0], sizes = [1], strides = [1]} : vector<16xi32> to vector<1xi32>
    %squeeze3A_1086 = vector.extract %slice3A_1085[0] : i32 from vector<1xi32>
    %jit3A_1087 = arith.constant 128 : i32
    %div3A_1088 = arith.divsi %squeeze3A_1086, %jit3A_1087 : i32
    %sign3A_1089 = arith.constant 0 : i32
    %sign3A_1090 = arith.cmpi sgt, %squeeze3A_1086, %sign3A_1089 : i32
    %sign3A_1091 = arith.extui %sign3A_1090 : i1 to i32
    %sign3A_1092 = arith.constant 0 : i32
    %sign3A_1093 = arith.cmpi slt, %squeeze3A_1086, %sign3A_1092 : i32
    %sign3A_1094 = arith.extui %sign3A_1093 : i1 to i32
    %sign3A_1095 = arith.subi %sign3A_1091, %sign3A_1094 : i32
    %sign3A_1096 = arith.constant 0 : i32
    %sign3A_1097 = arith.cmpi sgt, %jit3A_1087, %sign3A_1096 : i32
    %sign3A_1098 = arith.extui %sign3A_1097 : i1 to i32
    %sign3A_1099 = arith.constant 0 : i32
    %sign3A_1100 = arith.cmpi slt, %jit3A_1087, %sign3A_1099 : i32
    %sign3A_1101 = arith.extui %sign3A_1100 : i1 to i32
    %sign3A_1102 = arith.subi %sign3A_1098, %sign3A_1101 : i32
    %ne3A_1103 = arith.cmpi ne, %sign3A_1095, %sign3A_1102 : i32
    %rem3A_1104 = arith.remsi %squeeze3A_1086, %jit3A_1087 : i32
    %ne3A_1105 = arith.constant 0 : i32
    %ne3A_1106 = arith.cmpi ne, %rem3A_1104, %ne3A_1105 : i32
    %and3A_1107 = arith.andi %ne3A_1103, %ne3A_1106 : i1
    %sub3A_1108 = arith.constant 1 : i32
    %sub3A_1109 = arith.subi %div3A_1088, %sub3A_1108 : i32
    %select_n3A_1110 = arith.select %and3A_1107, %sub3A_1109, %div3A_1088 : i32
    %mul3A_1111 = arith.constant 128 : i32
    %mul3A_1112 = arith.muli %select_n3A_1110, %mul3A_1111 : i32
    %multiple_of3A_1113 = tpu.assume_multiple %mul3A_1112, 128 : i32
    %sub3A_1114 = arith.subi %squeeze3A_1086, %multiple_of3A_1113 : i32
    %iota3A_1115 = tpu.iota {dimensions = array<i32: 0>} : vector<16xi32>
    %add3A_1116 = arith.constant 0 : i32
    %add3A_1117 = vector.broadcast %add3A_1116 : i32 to vector<16xi32>
    %add3A_1118 = arith.addi %add3A_1117, %iota3A_1115 : vector<16xi32>
    %eq3A_1119 = vector.broadcast %sub3A_1114 : i32 to vector<16xi32>
    %eq3A_1120 = arith.cmpi eq, %add3A_1118, %eq3A_1119 : vector<16xi32>
    %jit3A_1121 = arith.constant 0.000000e+00 : f32
    %broadcast_in_dim3A_1122 = vector.broadcast %squeeze3A : f32 to vector<16xf32>
    %broadcast_in_dim3A_1123 = vector.broadcast %jit3A_1121 : f32 to vector<16xf32>
    %select_n3A_1124 = arith.select %eq3A_1120, %broadcast_in_dim3A_1122, %broadcast_in_dim3A_1123 : vector<16xi1>, vector<16xf32>
    %swap3A_1125 = arith.constant 4 : i32
    %swap3A_1126 = arith.index_cast %swap3A_1125 : i32 to index
    %swap3A_1127 = arith.constant 0 : index
    %swap3A_1128 = tpu.vector_load %arg6[%swap3A_1126, %swap3A_1127] {strides = array<i32>} : memref<13x128xf32, #tpu.memory_space<vmem>>, vector<16xf32>,
    tpu.vector_store %arg6[%swap3A_1126, %swap3A_1127], %select_n3A_1124 {strides = array<i32>} : memref<13x128xf32, #tpu.memory_space<vmem>>, vector<16xf32>,
    %iota3A_1129 = tpu.iota {dimensions = array<i32: 0>} : vector<16xi32>
    %add3A_1130 = arith.constant 16 : i32
    %add3A_1131 = vector.broadcast %add3A_1130 : i32 to vector<16xi32>
    %add3A_1132 = arith.addi %add3A_1131, %iota3A_1129 : vector<16xi32>
    %eq3A_1133 = vector.broadcast %sub3A_1114 : i32 to vector<16xi32>
    %eq3A_1134 = arith.cmpi eq, %add3A_1132, %eq3A_1133 : vector<16xi32>
    %jit3A_1135 = arith.constant 0.000000e+00 : f32
    %broadcast_in_dim3A_1136 = vector.broadcast %squeeze3A : f32 to vector<16xf32>
    %broadcast_in_dim3A_1137 = vector.broadcast %jit3A_1135 : f32 to vector<16xf32>
    %select_n3A_1138 = arith.select %eq3A_1134, %broadcast_in_dim3A_1136, %broadcast_in_dim3A_1137 : vector<16xi1>, vector<16xf32>
    %swap3A_1139 = arith.constant 4 : i32
    %swap3A_1140 = arith.index_cast %swap3A_1139 : i32 to index
    %swap3A_1141 = arith.constant 16 : index
    %swap3A_1142 = tpu.vector_load %arg6[%swap3A_1140, %swap3A_1141] {strides = array<i32>} : memref<13x128xf32, #tpu.memory_space<vmem>>, vector<16xf32>,
    tpu.vector_store %arg6[%swap3A_1140, %swap3A_1141], %select_n3A_1138 {strides = array<i32>} : memref<13x128xf32, #tpu.memory_space<vmem>>, vector<16xf32>,
    %iota3A_1143 = tpu.iota {dimensions = array<i32: 0>} : vector<16xi32>
    %add3A_1144 = arith.constant 32 : i32
    %add3A_1145 = vector.broadcast %add3A_1144 : i32 to vector<16xi32>
    %add3A_1146 = arith.addi %add3A_1145, %iota3A_1143 : vector<16xi32>
    %eq3A_1147 = vector.broadcast %sub3A_1114 : i32 to vector<16xi32>
    %eq3A_1148 = arith.cmpi eq, %add3A_1146, %eq3A_1147 : vector<16xi32>
    %jit3A_1149 = arith.constant 0.000000e+00 : f32
    %broadcast_in_dim3A_1150 = vector.broadcast %squeeze3A : f32 to vector<16xf32>
    %broadcast_in_dim3A_1151 = vector.broadcast %jit3A_1149 : f32 to vector<16xf32>
    %select_n3A_1152 = arith.select %eq3A_1148, %broadcast_in_dim3A_1150, %broadcast_in_dim3A_1151 : vector<16xi1>, vector<16xf32>
    %swap3A_1153 = arith.constant 4 : i32
    %swap3A_1154 = arith.index_cast %swap3A_1153 : i32 to index
    %swap3A_1155 = arith.constant 32 : index
    %swap3A_1156 = tpu.vector_load %arg6[%swap3A_1154, %swap3A_1155] {strides = array<i32>} : memref<13x128xf32, #tpu.memory_space<vmem>>, vector<16xf32>,
    tpu.vector_store %arg6[%swap3A_1154, %swap3A_1155], %select_n3A_1152 {strides = array<i32>} : memref<13x128xf32, #tpu.memory_space<vmem>>, vector<16xf32>,
    %iota3A_1157 = tpu.iota {dimensions = array<i32: 0>} : vector<16xi32>
    %add3A_1158 = arith.constant 48 : i32
    %add3A_1159 = vector.broadcast %add3A_1158 : i32 to vector<16xi32>
    %add3A_1160 = arith.addi %add3A_1159, %iota3A_1157 : vector<16xi32>
    %eq3A_1161 = vector.broadcast %sub3A_1114 : i32 to vector<16xi32>
    %eq3A_1162 = arith.cmpi eq, %add3A_1160, %eq3A_1161 : vector<16xi32>
    %jit3A_1163 = arith.constant 0.000000e+00 : f32
    %broadcast_in_dim3A_1164 = vector.broadcast %squeeze3A : f32 to vector<16xf32>
    %broadcast_in_dim3A_1165 = vector.broadcast %jit3A_1163 : f32 to vector<16xf32>
    %select_n3A_1166 = arith.select %eq3A_1162, %broadcast_in_dim3A_1164, %broadcast_in_dim3A_1165 : vector<16xi1>, vector<16xf32>
    %swap3A_1167 = arith.constant 4 : i32
    %swap3A_1168 = arith.index_cast %swap3A_1167 : i32 to index
    %swap3A_1169 = arith.constant 48 : index
    %swap3A_1170 = tpu.vector_load %arg6[%swap3A_1168, %swap3A_1169] {strides = array<i32>} : memref<13x128xf32, #tpu.memory_space<vmem>>, vector<16xf32>,
    tpu.vector_store %arg6[%swap3A_1168, %swap3A_1169], %select_n3A_1166 {strides = array<i32>} : memref<13x128xf32, #tpu.memory_space<vmem>>, vector<16xf32>,
    %iota3A_1171 = tpu.iota {dimensions = array<i32: 0>} : vector<16xi32>
    %add3A_1172 = arith.constant 64 : i32
    %add3A_1173 = vector.broadcast %add3A_1172 : i32 to vector<16xi32>
    %add3A_1174 = arith.addi %add3A_1173, %iota3A_1171 : vector<16xi32>
    %eq3A_1175 = vector.broadcast %sub3A_1114 : i32 to vector<16xi32>
    %eq3A_1176 = arith.cmpi eq, %add3A_1174, %eq3A_1175 : vector<16xi32>
    %jit3A_1177 = arith.constant 0.000000e+00 : f32
    %broadcast_in_dim3A_1178 = vector.broadcast %squeeze3A : f32 to vector<16xf32>
    %broadcast_in_dim3A_1179 = vector.broadcast %jit3A_1177 : f32 to vector<16xf32>
    %select_n3A_1180 = arith.select %eq3A_1176, %broadcast_in_dim3A_1178, %broadcast_in_dim3A_1179 : vector<16xi1>, vector<16xf32>
    %swap3A_1181 = arith.constant 4 : i32
    %swap3A_1182 = arith.index_cast %swap3A_1181 : i32 to index
    %swap3A_1183 = arith.constant 64 : index
    %swap3A_1184 = tpu.vector_load %arg6[%swap3A_1182, %swap3A_1183] {strides = array<i32>} : memref<13x128xf32, #tpu.memory_space<vmem>>, vector<16xf32>,
    tpu.vector_store %arg6[%swap3A_1182, %swap3A_1183], %select_n3A_1180 {strides = array<i32>} : memref<13x128xf32, #tpu.memory_space<vmem>>, vector<16xf32>,
    %iota3A_1185 = tpu.iota {dimensions = array<i32: 0>} : vector<16xi32>
    %add3A_1186 = arith.constant 80 : i32
    %add3A_1187 = vector.broadcast %add3A_1186 : i32 to vector<16xi32>
    %add3A_1188 = arith.addi %add3A_1187, %iota3A_1185 : vector<16xi32>
    %eq3A_1189 = vector.broadcast %sub3A_1114 : i32 to vector<16xi32>
    %eq3A_1190 = arith.cmpi eq, %add3A_1188, %eq3A_1189 : vector<16xi32>
    %jit3A_1191 = arith.constant 0.000000e+00 : f32
    %broadcast_in_dim3A_1192 = vector.broadcast %squeeze3A : f32 to vector<16xf32>
    %broadcast_in_dim3A_1193 = vector.broadcast %jit3A_1191 : f32 to vector<16xf32>
    %select_n3A_1194 = arith.select %eq3A_1190, %broadcast_in_dim3A_1192, %broadcast_in_dim3A_1193 : vector<16xi1>, vector<16xf32>
    %swap3A_1195 = arith.constant 4 : i32
    %swap3A_1196 = arith.index_cast %swap3A_1195 : i32 to index
    %swap3A_1197 = arith.constant 80 : index
    %swap3A_1198 = tpu.vector_load %arg6[%swap3A_1196, %swap3A_1197] {strides = array<i32>} : memref<13x128xf32, #tpu.memory_space<vmem>>, vector<16xf32>,
    tpu.vector_store %arg6[%swap3A_1196, %swap3A_1197], %select_n3A_1194 {strides = array<i32>} : memref<13x128xf32, #tpu.memory_space<vmem>>, vector<16xf32>,
    %iota3A_1199 = tpu.iota {dimensions = array<i32: 0>} : vector<16xi32>
    %add3A_1200 = arith.constant 96 : i32
    %add3A_1201 = vector.broadcast %add3A_1200 : i32 to vector<16xi32>
    %add3A_1202 = arith.addi %add3A_1201, %iota3A_1199 : vector<16xi32>
    %eq3A_1203 = vector.broadcast %sub3A_1114 : i32 to vector<16xi32>
    %eq3A_1204 = arith.cmpi eq, %add3A_1202, %eq3A_1203 : vector<16xi32>
    %jit3A_1205 = arith.constant 0.000000e+00 : f32
    %broadcast_in_dim3A_1206 = vector.broadcast %squeeze3A : f32 to vector<16xf32>
    %broadcast_in_dim3A_1207 = vector.broadcast %jit3A_1205 : f32 to vector<16xf32>
    %select_n3A_1208 = arith.select %eq3A_1204, %broadcast_in_dim3A_1206, %broadcast_in_dim3A_1207 : vector<16xi1>, vector<16xf32>
    %swap3A_1209 = arith.constant 4 : i32
    %swap3A_1210 = arith.index_cast %swap3A_1209 : i32 to index
    %swap3A_1211 = arith.constant 96 : index
    %swap3A_1212 = tpu.vector_load %arg6[%swap3A_1210, %swap3A_1211] {strides = array<i32>} : memref<13x128xf32, #tpu.memory_space<vmem>>, vector<16xf32>,
    tpu.vector_store %arg6[%swap3A_1210, %swap3A_1211], %select_n3A_1208 {strides = array<i32>} : memref<13x128xf32, #tpu.memory_space<vmem>>, vector<16xf32>,
    %iota3A_1213 = tpu.iota {dimensions = array<i32: 0>} : vector<16xi32>
    %add3A_1214 = arith.constant 112 : i32
    %add3A_1215 = vector.broadcast %add3A_1214 : i32 to vector<16xi32>
    %add3A_1216 = arith.addi %add3A_1215, %iota3A_1213 : vector<16xi32>
    %eq3A_1217 = vector.broadcast %sub3A_1114 : i32 to vector<16xi32>
    %eq3A_1218 = arith.cmpi eq, %add3A_1216, %eq3A_1217 : vector<16xi32>
    %jit3A_1219 = arith.constant 0.000000e+00 : f32
    %broadcast_in_dim3A_1220 = vector.broadcast %squeeze3A : f32 to vector<16xf32>
    %broadcast_in_dim3A_1221 = vector.broadcast %jit3A_1219 : f32 to vector<16xf32>
    %select_n3A_1222 = arith.select %eq3A_1218, %broadcast_in_dim3A_1220, %broadcast_in_dim3A_1221 : vector<16xi1>, vector<16xf32>
    %swap3A_1223 = arith.constant 4 : i32
    %swap3A_1224 = arith.index_cast %swap3A_1223 : i32 to index
    %swap3A_1225 = arith.constant 112 : index
    %swap3A_1226 = tpu.vector_load %arg6[%swap3A_1224, %swap3A_1225] {strides = array<i32>} : memref<13x128xf32, #tpu.memory_space<vmem>>, vector<16xf32>,
    tpu.vector_store %arg6[%swap3A_1224, %swap3A_1225], %select_n3A_1222 {strides = array<i32>} : memref<13x128xf32, #tpu.memory_space<vmem>>, vector<16xf32>,
    %jit3A_1227 = arith.constant 50048 : i32
    %div3A_1228 = arith.divsi %squeeze3A_1086, %jit3A_1227 : i32
    %sign3A_1229 = arith.constant 0 : i32
    %sign3A_1230 = arith.cmpi sgt, %squeeze3A_1086, %sign3A_1229 : i32
    %sign3A_1231 = arith.extui %sign3A_1230 : i1 to i32
    %sign3A_1232 = arith.constant 0 : i32
    %sign3A_1233 = arith.cmpi slt, %squeeze3A_1086, %sign3A_1232 : i32
    %sign3A_1234 = arith.extui %sign3A_1233 : i1 to i32
    %sign3A_1235 = arith.subi %sign3A_1231, %sign3A_1234 : i32
    %sign3A_1236 = arith.constant 0 : i32
    %sign3A_1237 = arith.cmpi sgt, %jit3A_1227, %sign3A_1236 : i32
    %sign3A_1238 = arith.extui %sign3A_1237 : i1 to i32
    %sign3A_1239 = arith.constant 0 : i32
    %sign3A_1240 = arith.cmpi slt, %jit3A_1227, %sign3A_1239 : i32
    %sign3A_1241 = arith.extui %sign3A_1240 : i1 to i32
    %sign3A_1242 = arith.subi %sign3A_1238, %sign3A_1241 : i32
    %ne3A_1243 = arith.cmpi ne, %sign3A_1235, %sign3A_1242 : i32
    %rem3A_1244 = arith.remsi %squeeze3A_1086, %jit3A_1227 : i32
    %ne3A_1245 = arith.constant 0 : i32
    %ne3A_1246 = arith.cmpi ne, %rem3A_1244, %ne3A_1245 : i32
    %and3A_1247 = arith.andi %ne3A_1243, %ne3A_1246 : i1
    %sub3A_1248 = arith.constant 1 : i32
    %sub3A_1249 = arith.subi %div3A_1228, %sub3A_1248 : i32
    %select_n3A_1250 = arith.select %and3A_1247, %sub3A_1249, %div3A_1228 : i32
    %eq3A_1251 = arith.constant 0 : i32
    %eq3A_1252 = arith.cmpi eq, %select_n3A_1250, %eq3A_1251 : i32
    %get3A_1253 = arith.index_cast %add3A_30 : i32 to index
    %get3A_1254 = tpu.vector_load %arg7[%get3A_1253] {strides = array<i32>} : memref<224xi32, #tpu.memory_space<vmem>>, vector<16xi32>,
    %slice3A_1255 = vector.extract_strided_slice %get3A_1254 {offsets = [0], sizes = [1], strides = [1]} : vector<16xi32> to vector<1xi32>
    %squeeze3A_1256 = vector.extract %slice3A_1255[0] : i32 from vector<1xi32>
    %jit3A_1257 = arith.constant 128 : i32
    %div3A_1258 = arith.divsi %squeeze3A_1256, %jit3A_1257 : i32
    %sign3A_1259 = arith.constant 0 : i32
    %sign3A_1260 = arith.cmpi sgt, %squeeze3A_1256, %sign3A_1259 : i32
    %sign3A_1261 = arith.extui %sign3A_1260 : i1 to i32
    %sign3A_1262 = arith.constant 0 : i32
    %sign3A_1263 = arith.cmpi slt, %squeeze3A_1256, %sign3A_1262 : i32
    %sign3A_1264 = arith.extui %sign3A_1263 : i1 to i32
    %sign3A_1265 = arith.subi %sign3A_1261, %sign3A_1264 : i32
    %sign3A_1266 = arith.constant 0 : i32
    %sign3A_1267 = arith.cmpi sgt, %jit3A_1257, %sign3A_1266 : i32
    %sign3A_1268 = arith.extui %sign3A_1267 : i1 to i32
    %sign3A_1269 = arith.constant 0 : i32
    %sign3A_1270 = arith.cmpi slt, %jit3A_1257, %sign3A_1269 : i32
    %sign3A_1271 = arith.extui %sign3A_1270 : i1 to i32
    %sign3A_1272 = arith.subi %sign3A_1268, %sign3A_1271 : i32
    %ne3A_1273 = arith.cmpi ne, %sign3A_1265, %sign3A_1272 : i32
    %rem3A_1274 = arith.remsi %squeeze3A_1256, %jit3A_1257 : i32
    %ne3A_1275 = arith.constant 0 : i32
    %ne3A_1276 = arith.cmpi ne, %rem3A_1274, %ne3A_1275 : i32
    %and3A_1277 = arith.andi %ne3A_1273, %ne3A_1276 : i1
    %sub3A_1278 = arith.constant 1 : i32
    %sub3A_1279 = arith.subi %div3A_1258, %sub3A_1278 : i32
    %select_n3A_1280 = arith.select %and3A_1277, %sub3A_1279, %div3A_1258 : i32
    %mul3A_1281 = arith.constant 128 : i32
    %mul3A_1282 = arith.muli %select_n3A_1280, %mul3A_1281 : i32
    %multiple_of3A_1283 = tpu.assume_multiple %mul3A_1282, 128 : i32
    %sub3A_1284 = arith.subi %squeeze3A_1256, %multiple_of3A_1283 : i32
    %iota3A_1285 = tpu.iota {dimensions = array<i32: 0>} : vector<16xi32>
    %add3A_1286 = arith.constant 0 : i32
    %add3A_1287 = vector.broadcast %add3A_1286 : i32 to vector<16xi32>
    %add3A_1288 = arith.addi %add3A_1287, %iota3A_1285 : vector<16xi32>
    %eq3A_1289 = vector.broadcast %sub3A_1284 : i32 to vector<16xi32>
    %eq3A_1290 = arith.cmpi eq, %add3A_1288, %eq3A_1289 : vector<16xi32>
    %jit3A_1291 = arith.constant 0.000000e+00 : f32
    %broadcast_in_dim3A_1292 = vector.broadcast %squeeze3A : f32 to vector<16xf32>
    %broadcast_in_dim3A_1293 = vector.broadcast %jit3A_1291 : f32 to vector<16xf32>
    %select_n3A_1294 = arith.select %eq3A_1290, %broadcast_in_dim3A_1292, %broadcast_in_dim3A_1293 : vector<16xi1>, vector<16xf32>
    %swap3A_1295 = arith.constant 5 : i32
    %swap3A_1296 = arith.index_cast %swap3A_1295 : i32 to index
    %swap3A_1297 = arith.constant 0 : index
    %swap3A_1298 = tpu.vector_load %arg6[%swap3A_1296, %swap3A_1297] {strides = array<i32>} : memref<13x128xf32, #tpu.memory_space<vmem>>, vector<16xf32>,
    tpu.vector_store %arg6[%swap3A_1296, %swap3A_1297], %select_n3A_1294 {strides = array<i32>} : memref<13x128xf32, #tpu.memory_space<vmem>>, vector<16xf32>,
    %iota3A_1299 = tpu.iota {dimensions = array<i32: 0>} : vector<16xi32>
    %add3A_1300 = arith.constant 16 : i32
    %add3A_1301 = vector.broadcast %add3A_1300 : i32 to vector<16xi32>
    %add3A_1302 = arith.addi %add3A_1301, %iota3A_1299 : vector<16xi32>
    %eq3A_1303 = vector.broadcast %sub3A_1284 : i32 to vector<16xi32>
    %eq3A_1304 = arith.cmpi eq, %add3A_1302, %eq3A_1303 : vector<16xi32>
    %jit3A_1305 = arith.constant 0.000000e+00 : f32
    %broadcast_in_dim3A_1306 = vector.broadcast %squeeze3A : f32 to vector<16xf32>
    %broadcast_in_dim3A_1307 = vector.broadcast %jit3A_1305 : f32 to vector<16xf32>
    %select_n3A_1308 = arith.select %eq3A_1304, %broadcast_in_dim3A_1306, %broadcast_in_dim3A_1307 : vector<16xi1>, vector<16xf32>
    %swap3A_1309 = arith.constant 5 : i32
    %swap3A_1310 = arith.index_cast %swap3A_1309 : i32 to index
    %swap3A_1311 = arith.constant 16 : index
    %swap3A_1312 = tpu.vector_load %arg6[%swap3A_1310, %swap3A_1311] {strides = array<i32>} : memref<13x128xf32, #tpu.memory_space<vmem>>, vector<16xf32>,
    tpu.vector_store %arg6[%swap3A_1310, %swap3A_1311], %select_n3A_1308 {strides = array<i32>} : memref<13x128xf32, #tpu.memory_space<vmem>>, vector<16xf32>,
    %iota3A_1313 = tpu.iota {dimensions = array<i32: 0>} : vector<16xi32>
    %add3A_1314 = arith.constant 32 : i32
    %add3A_1315 = vector.broadcast %add3A_1314 : i32 to vector<16xi32>
    %add3A_1316 = arith.addi %add3A_1315, %iota3A_1313 : vector<16xi32>
    %eq3A_1317 = vector.broadcast %sub3A_1284 : i32 to vector<16xi32>
    %eq3A_1318 = arith.cmpi eq, %add3A_1316, %eq3A_1317 : vector<16xi32>
    %jit3A_1319 = arith.constant 0.000000e+00 : f32
    %broadcast_in_dim3A_1320 = vector.broadcast %squeeze3A : f32 to vector<16xf32>
    %broadcast_in_dim3A_1321 = vector.broadcast %jit3A_1319 : f32 to vector<16xf32>
    %select_n3A_1322 = arith.select %eq3A_1318, %broadcast_in_dim3A_1320, %broadcast_in_dim3A_1321 : vector<16xi1>, vector<16xf32>
    %swap3A_1323 = arith.constant 5 : i32
    %swap3A_1324 = arith.index_cast %swap3A_1323 : i32 to index
    %swap3A_1325 = arith.constant 32 : index
    %swap3A_1326 = tpu.vector_load %arg6[%swap3A_1324, %swap3A_1325] {strides = array<i32>} : memref<13x128xf32, #tpu.memory_space<vmem>>, vector<16xf32>,
    tpu.vector_store %arg6[%swap3A_1324, %swap3A_1325], %select_n3A_1322 {strides = array<i32>} : memref<13x128xf32, #tpu.memory_space<vmem>>, vector<16xf32>,
    %iota3A_1327 = tpu.iota {dimensions = array<i32: 0>} : vector<16xi32>
    %add3A_1328 = arith.constant 48 : i32
    %add3A_1329 = vector.broadcast %add3A_1328 : i32 to vector<16xi32>
    %add3A_1330 = arith.addi %add3A_1329, %iota3A_1327 : vector<16xi32>
    %eq3A_1331 = vector.broadcast %sub3A_1284 : i32 to vector<16xi32>
    %eq3A_1332 = arith.cmpi eq, %add3A_1330, %eq3A_1331 : vector<16xi32>
    %jit3A_1333 = arith.constant 0.000000e+00 : f32
    %broadcast_in_dim3A_1334 = vector.broadcast %squeeze3A : f32 to vector<16xf32>
    %broadcast_in_dim3A_1335 = vector.broadcast %jit3A_1333 : f32 to vector<16xf32>
    %select_n3A_1336 = arith.select %eq3A_1332, %broadcast_in_dim3A_1334, %broadcast_in_dim3A_1335 : vector<16xi1>, vector<16xf32>
    %swap3A_1337 = arith.constant 5 : i32
    %swap3A_1338 = arith.index_cast %swap3A_1337 : i32 to index
    %swap3A_1339 = arith.constant 48 : index
    %swap3A_1340 = tpu.vector_load %arg6[%swap3A_1338, %swap3A_1339] {strides = array<i32>} : memref<13x128xf32, #tpu.memory_space<vmem>>, vector<16xf32>,
    tpu.vector_store %arg6[%swap3A_1338, %swap3A_1339], %select_n3A_1336 {strides = array<i32>} : memref<13x128xf32, #tpu.memory_space<vmem>>, vector<16xf32>,
    %iota3A_1341 = tpu.iota {dimensions = array<i32: 0>} : vector<16xi32>
    %add3A_1342 = arith.constant 64 : i32
    %add3A_1343 = vector.broadcast %add3A_1342 : i32 to vector<16xi32>
    %add3A_1344 = arith.addi %add3A_1343, %iota3A_1341 : vector<16xi32>
    %eq3A_1345 = vector.broadcast %sub3A_1284 : i32 to vector<16xi32>
    %eq3A_1346 = arith.cmpi eq, %add3A_1344, %eq3A_1345 : vector<16xi32>
    %jit3A_1347 = arith.constant 0.000000e+00 : f32
    %broadcast_in_dim3A_1348 = vector.broadcast %squeeze3A : f32 to vector<16xf32>
    %broadcast_in_dim3A_1349 = vector.broadcast %jit3A_1347 : f32 to vector<16xf32>
    %select_n3A_1350 = arith.select %eq3A_1346, %broadcast_in_dim3A_1348, %broadcast_in_dim3A_1349 : vector<16xi1>, vector<16xf32>
    %swap3A_1351 = arith.constant 5 : i32
    %swap3A_1352 = arith.index_cast %swap3A_1351 : i32 to index
    %swap3A_1353 = arith.constant 64 : index
    %swap3A_1354 = tpu.vector_load %arg6[%swap3A_1352, %swap3A_1353] {strides = array<i32>} : memref<13x128xf32, #tpu.memory_space<vmem>>, vector<16xf32>,
    tpu.vector_store %arg6[%swap3A_1352, %swap3A_1353], %select_n3A_1350 {strides = array<i32>} : memref<13x128xf32, #tpu.memory_space<vmem>>, vector<16xf32>,
    %iota3A_1355 = tpu.iota {dimensions = array<i32: 0>} : vector<16xi32>
    %add3A_1356 = arith.constant 80 : i32
    %add3A_1357 = vector.broadcast %add3A_1356 : i32 to vector<16xi32>
    %add3A_1358 = arith.addi %add3A_1357, %iota3A_1355 : vector<16xi32>
    %eq3A_1359 = vector.broadcast %sub3A_1284 : i32 to vector<16xi32>
    %eq3A_1360 = arith.cmpi eq, %add3A_1358, %eq3A_1359 : vector<16xi32>
    %jit3A_1361 = arith.constant 0.000000e+00 : f32
    %broadcast_in_dim3A_1362 = vector.broadcast %squeeze3A : f32 to vector<16xf32>
    %broadcast_in_dim3A_1363 = vector.broadcast %jit3A_1361 : f32 to vector<16xf32>
    %select_n3A_1364 = arith.select %eq3A_1360, %broadcast_in_dim3A_1362, %broadcast_in_dim3A_1363 : vector<16xi1>, vector<16xf32>
    %swap3A_1365 = arith.constant 5 : i32
    %swap3A_1366 = arith.index_cast %swap3A_1365 : i32 to index
    %swap3A_1367 = arith.constant 80 : index
    %swap3A_1368 = tpu.vector_load %arg6[%swap3A_1366, %swap3A_1367] {strides = array<i32>} : memref<13x128xf32, #tpu.memory_space<vmem>>, vector<16xf32>,
    tpu.vector_store %arg6[%swap3A_1366, %swap3A_1367], %select_n3A_1364 {strides = array<i32>} : memref<13x128xf32, #tpu.memory_space<vmem>>, vector<16xf32>,
    %iota3A_1369 = tpu.iota {dimensions = array<i32: 0>} : vector<16xi32>
    %add3A_1370 = arith.constant 96 : i32
    %add3A_1371 = vector.broadcast %add3A_1370 : i32 to vector<16xi32>
    %add3A_1372 = arith.addi %add3A_1371, %iota3A_1369 : vector<16xi32>
    %eq3A_1373 = vector.broadcast %sub3A_1284 : i32 to vector<16xi32>
    %eq3A_1374 = arith.cmpi eq, %add3A_1372, %eq3A_1373 : vector<16xi32>
    %jit3A_1375 = arith.constant 0.000000e+00 : f32
    %broadcast_in_dim3A_1376 = vector.broadcast %squeeze3A : f32 to vector<16xf32>
    %broadcast_in_dim3A_1377 = vector.broadcast %jit3A_1375 : f32 to vector<16xf32>
    %select_n3A_1378 = arith.select %eq3A_1374, %broadcast_in_dim3A_1376, %broadcast_in_dim3A_1377 : vector<16xi1>, vector<16xf32>
    %swap3A_1379 = arith.constant 5 : i32
    %swap3A_1380 = arith.index_cast %swap3A_1379 : i32 to index
    %swap3A_1381 = arith.constant 96 : index
    %swap3A_1382 = tpu.vector_load %arg6[%swap3A_1380, %swap3A_1381] {strides = array<i32>} : memref<13x128xf32, #tpu.memory_space<vmem>>, vector<16xf32>,
    tpu.vector_store %arg6[%swap3A_1380, %swap3A_1381], %select_n3A_1378 {strides = array<i32>} : memref<13x128xf32, #tpu.memory_space<vmem>>, vector<16xf32>,
    %iota3A_1383 = tpu.iota {dimensions = array<i32: 0>} : vector<16xi32>
    %add3A_1384 = arith.constant 112 : i32
    %add3A_1385 = vector.broadcast %add3A_1384 : i32 to vector<16xi32>
    %add3A_1386 = arith.addi %add3A_1385, %iota3A_1383 : vector<16xi32>
    %eq3A_1387 = vector.broadcast %sub3A_1284 : i32 to vector<16xi32>
    %eq3A_1388 = arith.cmpi eq, %add3A_1386, %eq3A_1387 : vector<16xi32>
    %jit3A_1389 = arith.constant 0.000000e+00 : f32
    %broadcast_in_dim3A_1390 = vector.broadcast %squeeze3A : f32 to vector<16xf32>
    %broadcast_in_dim3A_1391 = vector.broadcast %jit3A_1389 : f32 to vector<16xf32>
    %select_n3A_1392 = arith.select %eq3A_1388, %broadcast_in_dim3A_1390, %broadcast_in_dim3A_1391 : vector<16xi1>, vector<16xf32>
    %swap3A_1393 = arith.constant 5 : i32
    %swap3A_1394 = arith.index_cast %swap3A_1393 : i32 to index
    %swap3A_1395 = arith.constant 112 : index
    %swap3A_1396 = tpu.vector_load %arg6[%swap3A_1394, %swap3A_1395] {strides = array<i32>} : memref<13x128xf32, #tpu.memory_space<vmem>>, vector<16xf32>,
    tpu.vector_store %arg6[%swap3A_1394, %swap3A_1395], %select_n3A_1392 {strides = array<i32>} : memref<13x128xf32, #tpu.memory_space<vmem>>, vector<16xf32>,
    %jit3A_1397 = arith.constant 50048 : i32
    %div3A_1398 = arith.divsi %squeeze3A_1256, %jit3A_1397 : i32
    %sign3A_1399 = arith.constant 0 : i32
    %sign3A_1400 = arith.cmpi sgt, %squeeze3A_1256, %sign3A_1399 : i32
    %sign3A_1401 = arith.extui %sign3A_1400 : i1 to i32
    %sign3A_1402 = arith.constant 0 : i32
    %sign3A_1403 = arith.cmpi slt, %squeeze3A_1256, %sign3A_1402 : i32
    %sign3A_1404 = arith.extui %sign3A_1403 : i1 to i32
    %sign3A_1405 = arith.subi %sign3A_1401, %sign3A_1404 : i32
    %sign3A_1406 = arith.constant 0 : i32
    %sign3A_1407 = arith.cmpi sgt, %jit3A_1397, %sign3A_1406 : i32
    %sign3A_1408 = arith.extui %sign3A_1407 : i1 to i32
    %sign3A_1409 = arith.constant 0 : i32
    %sign3A_1410 = arith.cmpi slt, %jit3A_1397, %sign3A_1409 : i32
    %sign3A_1411 = arith.extui %sign3A_1410 : i1 to i32
    %sign3A_1412 = arith.subi %sign3A_1408, %sign3A_1411 : i32
    %ne3A_1413 = arith.cmpi ne, %sign3A_1405, %sign3A_1412 : i32
    %rem3A_1414 = arith.remsi %squeeze3A_1256, %jit3A_1397 : i32
    %ne3A_1415 = arith.constant 0 : i32
    %ne3A_1416 = arith.cmpi ne, %rem3A_1414, %ne3A_1415 : i32
    %and3A_1417 = arith.andi %ne3A_1413, %ne3A_1416 : i1
    %sub3A_1418 = arith.constant 1 : i32
    %sub3A_1419 = arith.subi %div3A_1398, %sub3A_1418 : i32
    %select_n3A_1420 = arith.select %and3A_1417, %sub3A_1419, %div3A_1398 : i32
    %eq3A_1421 = arith.constant 1 : i32
    %eq3A_1422 = arith.cmpi eq, %select_n3A_1420, %eq3A_1421 : i32
    %get3A_1423 = arith.index_cast %add3A_34 : i32 to index
    %get3A_1424 = tpu.vector_load %arg7[%get3A_1423] {strides = array<i32>} : memref<224xi32, #tpu.memory_space<vmem>>, vector<16xi32>,
    %slice3A_1425 = vector.extract_strided_slice %get3A_1424 {offsets = [0], sizes = [1], strides = [1]} : vector<16xi32> to vector<1xi32>
    %squeeze3A_1426 = vector.extract %slice3A_1425[0] : i32 from vector<1xi32>
    %jit3A_1427 = arith.constant 128 : i32
    %div3A_1428 = arith.divsi %squeeze3A_1426, %jit3A_1427 : i32
    %sign3A_1429 = arith.constant 0 : i32
    %sign3A_1430 = arith.cmpi sgt, %squeeze3A_1426, %sign3A_1429 : i32
    %sign3A_1431 = arith.extui %sign3A_1430 : i1 to i32
    %sign3A_1432 = arith.constant 0 : i32
    %sign3A_1433 = arith.cmpi slt, %squeeze3A_1426, %sign3A_1432 : i32
    %sign3A_1434 = arith.extui %sign3A_1433 : i1 to i32
    %sign3A_1435 = arith.subi %sign3A_1431, %sign3A_1434 : i32
    %sign3A_1436 = arith.constant 0 : i32
    %sign3A_1437 = arith.cmpi sgt, %jit3A_1427, %sign3A_1436 : i32
    %sign3A_1438 = arith.extui %sign3A_1437 : i1 to i32
    %sign3A_1439 = arith.constant 0 : i32
    %sign3A_1440 = arith.cmpi slt, %jit3A_1427, %sign3A_1439 : i32
    %sign3A_1441 = arith.extui %sign3A_1440 : i1 to i32
    %sign3A_1442 = arith.subi %sign3A_1438, %sign3A_1441 : i32
    %ne3A_1443 = arith.cmpi ne, %sign3A_1435, %sign3A_1442 : i32
    %rem3A_1444 = arith.remsi %squeeze3A_1426, %jit3A_1427 : i32
    %ne3A_1445 = arith.constant 0 : i32
    %ne3A_1446 = arith.cmpi ne, %rem3A_1444, %ne3A_1445 : i32
    %and3A_1447 = arith.andi %ne3A_1443, %ne3A_1446 : i1
    %sub3A_1448 = arith.constant 1 : i32
    %sub3A_1449 = arith.subi %div3A_1428, %sub3A_1448 : i32
    %select_n3A_1450 = arith.select %and3A_1447, %sub3A_1449, %div3A_1428 : i32
    %mul3A_1451 = arith.constant 128 : i32
    %mul3A_1452 = arith.muli %select_n3A_1450, %mul3A_1451 : i32
    %multiple_of3A_1453 = tpu.assume_multiple %mul3A_1452, 128 : i32
    %sub3A_1454 = arith.subi %squeeze3A_1426, %multiple_of3A_1453 : i32
    %iota3A_1455 = tpu.iota {dimensions = array<i32: 0>} : vector<16xi32>
    %add3A_1456 = arith.constant 0 : i32
    %add3A_1457 = vector.broadcast %add3A_1456 : i32 to vector<16xi32>
    %add3A_1458 = arith.addi %add3A_1457, %iota3A_1455 : vector<16xi32>
    %eq3A_1459 = vector.broadcast %sub3A_1454 : i32 to vector<16xi32>
    %eq3A_1460 = arith.cmpi eq, %add3A_1458, %eq3A_1459 : vector<16xi32>
    %jit3A_1461 = arith.constant 0.000000e+00 : f32
    %broadcast_in_dim3A_1462 = vector.broadcast %squeeze3A : f32 to vector<16xf32>
    %broadcast_in_dim3A_1463 = vector.broadcast %jit3A_1461 : f32 to vector<16xf32>
    %select_n3A_1464 = arith.select %eq3A_1460, %broadcast_in_dim3A_1462, %broadcast_in_dim3A_1463 : vector<16xi1>, vector<16xf32>
    %swap3A_1465 = arith.constant 6 : i32
    %swap3A_1466 = arith.index_cast %swap3A_1465 : i32 to index
    %swap3A_1467 = arith.constant 0 : index
    %swap3A_1468 = tpu.vector_load %arg6[%swap3A_1466, %swap3A_1467] {strides = array<i32>} : memref<13x128xf32, #tpu.memory_space<vmem>>, vector<16xf32>,
    tpu.vector_store %arg6[%swap3A_1466, %swap3A_1467], %select_n3A_1464 {strides = array<i32>} : memref<13x128xf32, #tpu.memory_space<vmem>>, vector<16xf32>,
    %iota3A_1469 = tpu.iota {dimensions = array<i32: 0>} : vector<16xi32>
    %add3A_1470 = arith.constant 16 : i32
    %add3A_1471 = vector.broadcast %add3A_1470 : i32 to vector<16xi32>
    %add3A_1472 = arith.addi %add3A_1471, %iota3A_1469 : vector<16xi32>
    %eq3A_1473 = vector.broadcast %sub3A_1454 : i32 to vector<16xi32>
    %eq3A_1474 = arith.cmpi eq, %add3A_1472, %eq3A_1473 : vector<16xi32>
    %jit3A_1475 = arith.constant 0.000000e+00 : f32
    %broadcast_in_dim3A_1476 = vector.broadcast %squeeze3A : f32 to vector<16xf32>
    %broadcast_in_dim3A_1477 = vector.broadcast %jit3A_1475 : f32 to vector<16xf32>
    %select_n3A_1478 = arith.select %eq3A_1474, %broadcast_in_dim3A_1476, %broadcast_in_dim3A_1477 : vector<16xi1>, vector<16xf32>
    %swap3A_1479 = arith.constant 6 : i32
    %swap3A_1480 = arith.index_cast %swap3A_1479 : i32 to index
    %swap3A_1481 = arith.constant 16 : index
    %swap3A_1482 = tpu.vector_load %arg6[%swap3A_1480, %swap3A_1481] {strides = array<i32>} : memref<13x128xf32, #tpu.memory_space<vmem>>, vector<16xf32>,
    tpu.vector_store %arg6[%swap3A_1480, %swap3A_1481], %select_n3A_1478 {strides = array<i32>} : memref<13x128xf32, #tpu.memory_space<vmem>>, vector<16xf32>,
    %iota3A_1483 = tpu.iota {dimensions = array<i32: 0>} : vector<16xi32>
    %add3A_1484 = arith.constant 32 : i32
    %add3A_1485 = vector.broadcast %add3A_1484 : i32 to vector<16xi32>
    %add3A_1486 = arith.addi %add3A_1485, %iota3A_1483 : vector<16xi32>
    %eq3A_1487 = vector.broadcast %sub3A_1454 : i32 to vector<16xi32>
    %eq3A_1488 = arith.cmpi eq, %add3A_1486, %eq3A_1487 : vector<16xi32>
    %jit3A_1489 = arith.constant 0.000000e+00 : f32
    %broadcast_in_dim3A_1490 = vector.broadcast %squeeze3A : f32 to vector<16xf32>
    %broadcast_in_dim3A_1491 = vector.broadcast %jit3A_1489 : f32 to vector<16xf32>
    %select_n3A_1492 = arith.select %eq3A_1488, %broadcast_in_dim3A_1490, %broadcast_in_dim3A_1491 : vector<16xi1>, vector<16xf32>
    %swap3A_1493 = arith.constant 6 : i32
    %swap3A_1494 = arith.index_cast %swap3A_1493 : i32 to index
    %swap3A_1495 = arith.constant 32 : index
    %swap3A_1496 = tpu.vector_load %arg6[%swap3A_1494, %swap3A_1495] {strides = array<i32>} : memref<13x128xf32, #tpu.memory_space<vmem>>, vector<16xf32>,
    tpu.vector_store %arg6[%swap3A_1494, %swap3A_1495], %select_n3A_1492 {strides = array<i32>} : memref<13x128xf32, #tpu.memory_space<vmem>>, vector<16xf32>,
    %iota3A_1497 = tpu.iota {dimensions = array<i32: 0>} : vector<16xi32>
    %add3A_1498 = arith.constant 48 : i32
    %add3A_1499 = vector.broadcast %add3A_1498 : i32 to vector<16xi32>
    %add3A_1500 = arith.addi %add3A_1499, %iota3A_1497 : vector<16xi32>
    %eq3A_1501 = vector.broadcast %sub3A_1454 : i32 to vector<16xi32>
    %eq3A_1502 = arith.cmpi eq, %add3A_1500, %eq3A_1501 : vector<16xi32>
    %jit3A_1503 = arith.constant 0.000000e+00 : f32
    %broadcast_in_dim3A_1504 = vector.broadcast %squeeze3A : f32 to vector<16xf32>
    %broadcast_in_dim3A_1505 = vector.broadcast %jit3A_1503 : f32 to vector<16xf32>
    %select_n3A_1506 = arith.select %eq3A_1502, %broadcast_in_dim3A_1504, %broadcast_in_dim3A_1505 : vector<16xi1>, vector<16xf32>
    %swap3A_1507 = arith.constant 6 : i32
    %swap3A_1508 = arith.index_cast %swap3A_1507 : i32 to index
    %swap3A_1509 = arith.constant 48 : index
    %swap3A_1510 = tpu.vector_load %arg6[%swap3A_1508, %swap3A_1509] {strides = array<i32>} : memref<13x128xf32, #tpu.memory_space<vmem>>, vector<16xf32>,
    tpu.vector_store %arg6[%swap3A_1508, %swap3A_1509], %select_n3A_1506 {strides = array<i32>} : memref<13x128xf32, #tpu.memory_space<vmem>>, vector<16xf32>,
    %iota3A_1511 = tpu.iota {dimensions = array<i32: 0>} : vector<16xi32>
    %add3A_1512 = arith.constant 64 : i32
    %add3A_1513 = vector.broadcast %add3A_1512 : i32 to vector<16xi32>
    %add3A_1514 = arith.addi %add3A_1513, %iota3A_1511 : vector<16xi32>
    %eq3A_1515 = vector.broadcast %sub3A_1454 : i32 to vector<16xi32>
    %eq3A_1516 = arith.cmpi eq, %add3A_1514, %eq3A_1515 : vector<16xi32>
    %jit3A_1517 = arith.constant 0.000000e+00 : f32
    %broadcast_in_dim3A_1518 = vector.broadcast %squeeze3A : f32 to vector<16xf32>
    %broadcast_in_dim3A_1519 = vector.broadcast %jit3A_1517 : f32 to vector<16xf32>
    %select_n3A_1520 = arith.select %eq3A_1516, %broadcast_in_dim3A_1518, %broadcast_in_dim3A_1519 : vector<16xi1>, vector<16xf32>
    %swap3A_1521 = arith.constant 6 : i32
    %swap3A_1522 = arith.index_cast %swap3A_1521 : i32 to index
    %swap3A_1523 = arith.constant 64 : index
    %swap3A_1524 = tpu.vector_load %arg6[%swap3A_1522, %swap3A_1523] {strides = array<i32>} : memref<13x128xf32, #tpu.memory_space<vmem>>, vector<16xf32>,
    tpu.vector_store %arg6[%swap3A_1522, %swap3A_1523], %select_n3A_1520 {strides = array<i32>} : memref<13x128xf32, #tpu.memory_space<vmem>>, vector<16xf32>,
    %iota3A_1525 = tpu.iota {dimensions = array<i32: 0>} : vector<16xi32>
    %add3A_1526 = arith.constant 80 : i32
    %add3A_1527 = vector.broadcast %add3A_1526 : i32 to vector<16xi32>
    %add3A_1528 = arith.addi %add3A_1527, %iota3A_1525 : vector<16xi32>
    %eq3A_1529 = vector.broadcast %sub3A_1454 : i32 to vector<16xi32>
    %eq3A_1530 = arith.cmpi eq, %add3A_1528, %eq3A_1529 : vector<16xi32>
    %jit3A_1531 = arith.constant 0.000000e+00 : f32
    %broadcast_in_dim3A_1532 = vector.broadcast %squeeze3A : f32 to vector<16xf32>
    %broadcast_in_dim3A_1533 = vector.broadcast %jit3A_1531 : f32 to vector<16xf32>
    %select_n3A_1534 = arith.select %eq3A_1530, %broadcast_in_dim3A_1532, %broadcast_in_dim3A_1533 : vector<16xi1>, vector<16xf32>
    %swap3A_1535 = arith.constant 6 : i32
    %swap3A_1536 = arith.index_cast %swap3A_1535 : i32 to index
    %swap3A_1537 = arith.constant 80 : index
    %swap3A_1538 = tpu.vector_load %arg6[%swap3A_1536, %swap3A_1537] {strides = array<i32>} : memref<13x128xf32, #tpu.memory_space<vmem>>, vector<16xf32>,
    tpu.vector_store %arg6[%swap3A_1536, %swap3A_1537], %select_n3A_1534 {strides = array<i32>} : memref<13x128xf32, #tpu.memory_space<vmem>>, vector<16xf32>,
    %iota3A_1539 = tpu.iota {dimensions = array<i32: 0>} : vector<16xi32>
    %add3A_1540 = arith.constant 96 : i32
    %add3A_1541 = vector.broadcast %add3A_1540 : i32 to vector<16xi32>
    %add3A_1542 = arith.addi %add3A_1541, %iota3A_1539 : vector<16xi32>
    %eq3A_1543 = vector.broadcast %sub3A_1454 : i32 to vector<16xi32>
    %eq3A_1544 = arith.cmpi eq, %add3A_1542, %eq3A_1543 : vector<16xi32>
    %jit3A_1545 = arith.constant 0.000000e+00 : f32
    %broadcast_in_dim3A_1546 = vector.broadcast %squeeze3A : f32 to vector<16xf32>
    %broadcast_in_dim3A_1547 = vector.broadcast %jit3A_1545 : f32 to vector<16xf32>
    %select_n3A_1548 = arith.select %eq3A_1544, %broadcast_in_dim3A_1546, %broadcast_in_dim3A_1547 : vector<16xi1>, vector<16xf32>
    %swap3A_1549 = arith.constant 6 : i32
    %swap3A_1550 = arith.index_cast %swap3A_1549 : i32 to index
    %swap3A_1551 = arith.constant 96 : index
    %swap3A_1552 = tpu.vector_load %arg6[%swap3A_1550, %swap3A_1551] {strides = array<i32>} : memref<13x128xf32, #tpu.memory_space<vmem>>, vector<16xf32>,
    tpu.vector_store %arg6[%swap3A_1550, %swap3A_1551], %select_n3A_1548 {strides = array<i32>} : memref<13x128xf32, #tpu.memory_space<vmem>>, vector<16xf32>,
    %iota3A_1553 = tpu.iota {dimensions = array<i32: 0>} : vector<16xi32>
    %add3A_1554 = arith.constant 112 : i32
    %add3A_1555 = vector.broadcast %add3A_1554 : i32 to vector<16xi32>
    %add3A_1556 = arith.addi %add3A_1555, %iota3A_1553 : vector<16xi32>
    %eq3A_1557 = vector.broadcast %sub3A_1454 : i32 to vector<16xi32>
    %eq3A_1558 = arith.cmpi eq, %add3A_1556, %eq3A_1557 : vector<16xi32>
    %jit3A_1559 = arith.constant 0.000000e+00 : f32
    %broadcast_in_dim3A_1560 = vector.broadcast %squeeze3A : f32 to vector<16xf32>
    %broadcast_in_dim3A_1561 = vector.broadcast %jit3A_1559 : f32 to vector<16xf32>
    %select_n3A_1562 = arith.select %eq3A_1558, %broadcast_in_dim3A_1560, %broadcast_in_dim3A_1561 : vector<16xi1>, vector<16xf32>
    %swap3A_1563 = arith.constant 6 : i32
    %swap3A_1564 = arith.index_cast %swap3A_1563 : i32 to index
    %swap3A_1565 = arith.constant 112 : index
    %swap3A_1566 = tpu.vector_load %arg6[%swap3A_1564, %swap3A_1565] {strides = array<i32>} : memref<13x128xf32, #tpu.memory_space<vmem>>, vector<16xf32>,
    tpu.vector_store %arg6[%swap3A_1564, %swap3A_1565], %select_n3A_1562 {strides = array<i32>} : memref<13x128xf32, #tpu.memory_space<vmem>>, vector<16xf32>,
    %jit3A_1567 = arith.constant 50048 : i32
    %div3A_1568 = arith.divsi %squeeze3A_1426, %jit3A_1567 : i32
    %sign3A_1569 = arith.constant 0 : i32
    %sign3A_1570 = arith.cmpi sgt, %squeeze3A_1426, %sign3A_1569 : i32
    %sign3A_1571 = arith.extui %sign3A_1570 : i1 to i32
    %sign3A_1572 = arith.constant 0 : i32
    %sign3A_1573 = arith.cmpi slt, %squeeze3A_1426, %sign3A_1572 : i32
    %sign3A_1574 = arith.extui %sign3A_1573 : i1 to i32
    %sign3A_1575 = arith.subi %sign3A_1571, %sign3A_1574 : i32
    %sign3A_1576 = arith.constant 0 : i32
    %sign3A_1577 = arith.cmpi sgt, %jit3A_1567, %sign3A_1576 : i32
    %sign3A_1578 = arith.extui %sign3A_1577 : i1 to i32
    %sign3A_1579 = arith.constant 0 : i32
    %sign3A_1580 = arith.cmpi slt, %jit3A_1567, %sign3A_1579 : i32
    %sign3A_1581 = arith.extui %sign3A_1580 : i1 to i32
    %sign3A_1582 = arith.subi %sign3A_1578, %sign3A_1581 : i32
    %ne3A_1583 = arith.cmpi ne, %sign3A_1575, %sign3A_1582 : i32
    %rem3A_1584 = arith.remsi %squeeze3A_1426, %jit3A_1567 : i32
    %ne3A_1585 = arith.constant 0 : i32
    %ne3A_1586 = arith.cmpi ne, %rem3A_1584, %ne3A_1585 : i32
    %and3A_1587 = arith.andi %ne3A_1583, %ne3A_1586 : i1
    %sub3A_1588 = arith.constant 1 : i32
    %sub3A_1589 = arith.subi %div3A_1568, %sub3A_1588 : i32
    %select_n3A_1590 = arith.select %and3A_1587, %sub3A_1589, %div3A_1568 : i32
    %eq3A_1591 = arith.constant 0 : i32
    %eq3A_1592 = arith.cmpi eq, %select_n3A_1590, %eq3A_1591 : i32
    %get3A_1593 = arith.index_cast %add3A_38 : i32 to index
    %get3A_1594 = tpu.vector_load %arg7[%get3A_1593] {strides = array<i32>} : memref<224xi32, #tpu.memory_space<vmem>>, vector<16xi32>,
    %slice3A_1595 = vector.extract_strided_slice %get3A_1594 {offsets = [0], sizes = [1], strides = [1]} : vector<16xi32> to vector<1xi32>
    %squeeze3A_1596 = vector.extract %slice3A_1595[0] : i32 from vector<1xi32>
    %jit3A_1597 = arith.constant 128 : i32
    %div3A_1598 = arith.divsi %squeeze3A_1596, %jit3A_1597 : i32
    %sign3A_1599 = arith.constant 0 : i32
    %sign3A_1600 = arith.cmpi sgt, %squeeze3A_1596, %sign3A_1599 : i32
    %sign3A_1601 = arith.extui %sign3A_1600 : i1 to i32
    %sign3A_1602 = arith.constant 0 : i32
    %sign3A_1603 = arith.cmpi slt, %squeeze3A_1596, %sign3A_1602 : i32
    %sign3A_1604 = arith.extui %sign3A_1603 : i1 to i32
    %sign3A_1605 = arith.subi %sign3A_1601, %sign3A_1604 : i32
    %sign3A_1606 = arith.constant 0 : i32
    %sign3A_1607 = arith.cmpi sgt, %jit3A_1597, %sign3A_1606 : i32
    %sign3A_1608 = arith.extui %sign3A_1607 : i1 to i32
    %sign3A_1609 = arith.constant 0 : i32
    %sign3A_1610 = arith.cmpi slt, %jit3A_1597, %sign3A_1609 : i32
    %sign3A_1611 = arith.extui %sign3A_1610 : i1 to i32
    %sign3A_1612 = arith.subi %sign3A_1608, %sign3A_1611 : i32
    %ne3A_1613 = arith.cmpi ne, %sign3A_1605, %sign3A_1612 : i32
    %rem3A_1614 = arith.remsi %squeeze3A_1596, %jit3A_1597 : i32
    %ne3A_1615 = arith.constant 0 : i32
    %ne3A_1616 = arith.cmpi ne, %rem3A_1614, %ne3A_1615 : i32
    %and3A_1617 = arith.andi %ne3A_1613, %ne3A_1616 : i1
    %sub3A_1618 = arith.constant 1 : i32
    %sub3A_1619 = arith.subi %div3A_1598, %sub3A_1618 : i32
    %select_n3A_1620 = arith.select %and3A_1617, %sub3A_1619, %div3A_1598 : i32
    %mul3A_1621 = arith.constant 128 : i32
    %mul3A_1622 = arith.muli %select_n3A_1620, %mul3A_1621 : i32
    %multiple_of3A_1623 = tpu.assume_multiple %mul3A_1622, 128 : i32
    %sub3A_1624 = arith.subi %squeeze3A_1596, %multiple_of3A_1623 : i32
    %iota3A_1625 = tpu.iota {dimensions = array<i32: 0>} : vector<16xi32>
    %add3A_1626 = arith.constant 0 : i32
    %add3A_1627 = vector.broadcast %add3A_1626 : i32 to vector<16xi32>
    %add3A_1628 = arith.addi %add3A_1627, %iota3A_1625 : vector<16xi32>
    %eq3A_1629 = vector.broadcast %sub3A_1624 : i32 to vector<16xi32>
    %eq3A_1630 = arith.cmpi eq, %add3A_1628, %eq3A_1629 : vector<16xi32>
    %jit3A_1631 = arith.constant 0.000000e+00 : f32
    %broadcast_in_dim3A_1632 = vector.broadcast %squeeze3A : f32 to vector<16xf32>
    %broadcast_in_dim3A_1633 = vector.broadcast %jit3A_1631 : f32 to vector<16xf32>
    %select_n3A_1634 = arith.select %eq3A_1630, %broadcast_in_dim3A_1632, %broadcast_in_dim3A_1633 : vector<16xi1>, vector<16xf32>
    %swap3A_1635 = arith.constant 7 : i32
    %swap3A_1636 = arith.index_cast %swap3A_1635 : i32 to index
    %swap3A_1637 = arith.constant 0 : index
    %swap3A_1638 = tpu.vector_load %arg6[%swap3A_1636, %swap3A_1637] {strides = array<i32>} : memref<13x128xf32, #tpu.memory_space<vmem>>, vector<16xf32>,
    tpu.vector_store %arg6[%swap3A_1636, %swap3A_1637], %select_n3A_1634 {strides = array<i32>} : memref<13x128xf32, #tpu.memory_space<vmem>>, vector<16xf32>,
    %iota3A_1639 = tpu.iota {dimensions = array<i32: 0>} : vector<16xi32>
    %add3A_1640 = arith.constant 16 : i32
    %add3A_1641 = vector.broadcast %add3A_1640 : i32 to vector<16xi32>
    %add3A_1642 = arith.addi %add3A_1641, %iota3A_1639 : vector<16xi32>
    %eq3A_1643 = vector.broadcast %sub3A_1624 : i32 to vector<16xi32>
    %eq3A_1644 = arith.cmpi eq, %add3A_1642, %eq3A_1643 : vector<16xi32>
    %jit3A_1645 = arith.constant 0.000000e+00 : f32
    %broadcast_in_dim3A_1646 = vector.broadcast %squeeze3A : f32 to vector<16xf32>
    %broadcast_in_dim3A_1647 = vector.broadcast %jit3A_1645 : f32 to vector<16xf32>
    %select_n3A_1648 = arith.select %eq3A_1644, %broadcast_in_dim3A_1646, %broadcast_in_dim3A_1647 : vector<16xi1>, vector<16xf32>
    %swap3A_1649 = arith.constant 7 : i32
    %swap3A_1650 = arith.index_cast %swap3A_1649 : i32 to index
    %swap3A_1651 = arith.constant 16 : index
    %swap3A_1652 = tpu.vector_load %arg6[%swap3A_1650, %swap3A_1651] {strides = array<i32>} : memref<13x128xf32, #tpu.memory_space<vmem>>, vector<16xf32>,
    tpu.vector_store %arg6[%swap3A_1650, %swap3A_1651], %select_n3A_1648 {strides = array<i32>} : memref<13x128xf32, #tpu.memory_space<vmem>>, vector<16xf32>,
    %iota3A_1653 = tpu.iota {dimensions = array<i32: 0>} : vector<16xi32>
    %add3A_1654 = arith.constant 32 : i32
    %add3A_1655 = vector.broadcast %add3A_1654 : i32 to vector<16xi32>
    %add3A_1656 = arith.addi %add3A_1655, %iota3A_1653 : vector<16xi32>
    %eq3A_1657 = vector.broadcast %sub3A_1624 : i32 to vector<16xi32>
    %eq3A_1658 = arith.cmpi eq, %add3A_1656, %eq3A_1657 : vector<16xi32>
    %jit3A_1659 = arith.constant 0.000000e+00 : f32
    %broadcast_in_dim3A_1660 = vector.broadcast %squeeze3A : f32 to vector<16xf32>
    %broadcast_in_dim3A_1661 = vector.broadcast %jit3A_1659 : f32 to vector<16xf32>
    %select_n3A_1662 = arith.select %eq3A_1658, %broadcast_in_dim3A_1660, %broadcast_in_dim3A_1661 : vector<16xi1>, vector<16xf32>
    %swap3A_1663 = arith.constant 7 : i32
    %swap3A_1664 = arith.index_cast %swap3A_1663 : i32 to index
    %swap3A_1665 = arith.constant 32 : index
    %swap3A_1666 = tpu.vector_load %arg6[%swap3A_1664, %swap3A_1665] {strides = array<i32>} : memref<13x128xf32, #tpu.memory_space<vmem>>, vector<16xf32>,
    tpu.vector_store %arg6[%swap3A_1664, %swap3A_1665], %select_n3A_1662 {strides = array<i32>} : memref<13x128xf32, #tpu.memory_space<vmem>>, vector<16xf32>,
    %iota3A_1667 = tpu.iota {dimensions = array<i32: 0>} : vector<16xi32>
    %add3A_1668 = arith.constant 48 : i32
    %add3A_1669 = vector.broadcast %add3A_1668 : i32 to vector<16xi32>
    %add3A_1670 = arith.addi %add3A_1669, %iota3A_1667 : vector<16xi32>
    %eq3A_1671 = vector.broadcast %sub3A_1624 : i32 to vector<16xi32>
    %eq3A_1672 = arith.cmpi eq, %add3A_1670, %eq3A_1671 : vector<16xi32>
    %jit3A_1673 = arith.constant 0.000000e+00 : f32
    %broadcast_in_dim3A_1674 = vector.broadcast %squeeze3A : f32 to vector<16xf32>
    %broadcast_in_dim3A_1675 = vector.broadcast %jit3A_1673 : f32 to vector<16xf32>
    %select_n3A_1676 = arith.select %eq3A_1672, %broadcast_in_dim3A_1674, %broadcast_in_dim3A_1675 : vector<16xi1>, vector<16xf32>
    %swap3A_1677 = arith.constant 7 : i32
    %swap3A_1678 = arith.index_cast %swap3A_1677 : i32 to index
    %swap3A_1679 = arith.constant 48 : index
    %swap3A_1680 = tpu.vector_load %arg6[%swap3A_1678, %swap3A_1679] {strides = array<i32>} : memref<13x128xf32, #tpu.memory_space<vmem>>, vector<16xf32>,
    tpu.vector_store %arg6[%swap3A_1678, %swap3A_1679], %select_n3A_1676 {strides = array<i32>} : memref<13x128xf32, #tpu.memory_space<vmem>>, vector<16xf32>,
    %iota3A_1681 = tpu.iota {dimensions = array<i32: 0>} : vector<16xi32>
    %add3A_1682 = arith.constant 64 : i32
    %add3A_1683 = vector.broadcast %add3A_1682 : i32 to vector<16xi32>
    %add3A_1684 = arith.addi %add3A_1683, %iota3A_1681 : vector<16xi32>
    %eq3A_1685 = vector.broadcast %sub3A_1624 : i32 to vector<16xi32>
    %eq3A_1686 = arith.cmpi eq, %add3A_1684, %eq3A_1685 : vector<16xi32>
    %jit3A_1687 = arith.constant 0.000000e+00 : f32
    %broadcast_in_dim3A_1688 = vector.broadcast %squeeze3A : f32 to vector<16xf32>
    %broadcast_in_dim3A_1689 = vector.broadcast %jit3A_1687 : f32 to vector<16xf32>
    %select_n3A_1690 = arith.select %eq3A_1686, %broadcast_in_dim3A_1688, %broadcast_in_dim3A_1689 : vector<16xi1>, vector<16xf32>
    %swap3A_1691 = arith.constant 7 : i32
    %swap3A_1692 = arith.index_cast %swap3A_1691 : i32 to index
    %swap3A_1693 = arith.constant 64 : index
    %swap3A_1694 = tpu.vector_load %arg6[%swap3A_1692, %swap3A_1693] {strides = array<i32>} : memref<13x128xf32, #tpu.memory_space<vmem>>, vector<16xf32>,
    tpu.vector_store %arg6[%swap3A_1692, %swap3A_1693], %select_n3A_1690 {strides = array<i32>} : memref<13x128xf32, #tpu.memory_space<vmem>>, vector<16xf32>,
    %iota3A_1695 = tpu.iota {dimensions = array<i32: 0>} : vector<16xi32>
    %add3A_1696 = arith.constant 80 : i32
    %add3A_1697 = vector.broadcast %add3A_1696 : i32 to vector<16xi32>
    %add3A_1698 = arith.addi %add3A_1697, %iota3A_1695 : vector<16xi32>
    %eq3A_1699 = vector.broadcast %sub3A_1624 : i32 to vector<16xi32>
    %eq3A_1700 = arith.cmpi eq, %add3A_1698, %eq3A_1699 : vector<16xi32>
    %jit3A_1701 = arith.constant 0.000000e+00 : f32
    %broadcast_in_dim3A_1702 = vector.broadcast %squeeze3A : f32 to vector<16xf32>
    %broadcast_in_dim3A_1703 = vector.broadcast %jit3A_1701 : f32 to vector<16xf32>
    %select_n3A_1704 = arith.select %eq3A_1700, %broadcast_in_dim3A_1702, %broadcast_in_dim3A_1703 : vector<16xi1>, vector<16xf32>
    %swap3A_1705 = arith.constant 7 : i32
    %swap3A_1706 = arith.index_cast %swap3A_1705 : i32 to index
    %swap3A_1707 = arith.constant 80 : index
    %swap3A_1708 = tpu.vector_load %arg6[%swap3A_1706, %swap3A_1707] {strides = array<i32>} : memref<13x128xf32, #tpu.memory_space<vmem>>, vector<16xf32>,
    tpu.vector_store %arg6[%swap3A_1706, %swap3A_1707], %select_n3A_1704 {strides = array<i32>} : memref<13x128xf32, #tpu.memory_space<vmem>>, vector<16xf32>,
    %iota3A_1709 = tpu.iota {dimensions = array<i32: 0>} : vector<16xi32>
    %add3A_1710 = arith.constant 96 : i32
    %add3A_1711 = vector.broadcast %add3A_1710 : i32 to vector<16xi32>
    %add3A_1712 = arith.addi %add3A_1711, %iota3A_1709 : vector<16xi32>
    %eq3A_1713 = vector.broadcast %sub3A_1624 : i32 to vector<16xi32>
    %eq3A_1714 = arith.cmpi eq, %add3A_1712, %eq3A_1713 : vector<16xi32>
    %jit3A_1715 = arith.constant 0.000000e+00 : f32
    %broadcast_in_dim3A_1716 = vector.broadcast %squeeze3A : f32 to vector<16xf32>
    %broadcast_in_dim3A_1717 = vector.broadcast %jit3A_1715 : f32 to vector<16xf32>
    %select_n3A_1718 = arith.select %eq3A_1714, %broadcast_in_dim3A_1716, %broadcast_in_dim3A_1717 : vector<16xi1>, vector<16xf32>
    %swap3A_1719 = arith.constant 7 : i32
    %swap3A_1720 = arith.index_cast %swap3A_1719 : i32 to index
    %swap3A_1721 = arith.constant 96 : index
    %swap3A_1722 = tpu.vector_load %arg6[%swap3A_1720, %swap3A_1721] {strides = array<i32>} : memref<13x128xf32, #tpu.memory_space<vmem>>, vector<16xf32>,
    tpu.vector_store %arg6[%swap3A_1720, %swap3A_1721], %select_n3A_1718 {strides = array<i32>} : memref<13x128xf32, #tpu.memory_space<vmem>>, vector<16xf32>,
    %iota3A_1723 = tpu.iota {dimensions = array<i32: 0>} : vector<16xi32>
    %add3A_1724 = arith.constant 112 : i32
    %add3A_1725 = vector.broadcast %add3A_1724 : i32 to vector<16xi32>
    %add3A_1726 = arith.addi %add3A_1725, %iota3A_1723 : vector<16xi32>
    %eq3A_1727 = vector.broadcast %sub3A_1624 : i32 to vector<16xi32>
    %eq3A_1728 = arith.cmpi eq, %add3A_1726, %eq3A_1727 : vector<16xi32>
    %jit3A_1729 = arith.constant 0.000000e+00 : f32
    %broadcast_in_dim3A_1730 = vector.broadcast %squeeze3A : f32 to vector<16xf32>
    %broadcast_in_dim3A_1731 = vector.broadcast %jit3A_1729 : f32 to vector<16xf32>
    %select_n3A_1732 = arith.select %eq3A_1728, %broadcast_in_dim3A_1730, %broadcast_in_dim3A_1731 : vector<16xi1>, vector<16xf32>
    %swap3A_1733 = arith.constant 7 : i32
    %swap3A_1734 = arith.index_cast %swap3A_1733 : i32 to index
    %swap3A_1735 = arith.constant 112 : index
    %swap3A_1736 = tpu.vector_load %arg6[%swap3A_1734, %swap3A_1735] {strides = array<i32>} : memref<13x128xf32, #tpu.memory_space<vmem>>, vector<16xf32>,
    tpu.vector_store %arg6[%swap3A_1734, %swap3A_1735], %select_n3A_1732 {strides = array<i32>} : memref<13x128xf32, #tpu.memory_space<vmem>>, vector<16xf32>,
    %jit3A_1737 = arith.constant 50048 : i32
    %div3A_1738 = arith.divsi %squeeze3A_1596, %jit3A_1737 : i32
    %sign3A_1739 = arith.constant 0 : i32
    %sign3A_1740 = arith.cmpi sgt, %squeeze3A_1596, %sign3A_1739 : i32
    %sign3A_1741 = arith.extui %sign3A_1740 : i1 to i32
    %sign3A_1742 = arith.constant 0 : i32
    %sign3A_1743 = arith.cmpi slt, %squeeze3A_1596, %sign3A_1742 : i32
    %sign3A_1744 = arith.extui %sign3A_1743 : i1 to i32
    %sign3A_1745 = arith.subi %sign3A_1741, %sign3A_1744 : i32
    %sign3A_1746 = arith.constant 0 : i32
    %sign3A_1747 = arith.cmpi sgt, %jit3A_1737, %sign3A_1746 : i32
    %sign3A_1748 = arith.extui %sign3A_1747 : i1 to i32
    %sign3A_1749 = arith.constant 0 : i32
    %sign3A_1750 = arith.cmpi slt, %jit3A_1737, %sign3A_1749 : i32
    %sign3A_1751 = arith.extui %sign3A_1750 : i1 to i32
    %sign3A_1752 = arith.subi %sign3A_1748, %sign3A_1751 : i32
    %ne3A_1753 = arith.cmpi ne, %sign3A_1745, %sign3A_1752 : i32
    %rem3A_1754 = arith.remsi %squeeze3A_1596, %jit3A_1737 : i32
    %ne3A_1755 = arith.constant 0 : i32
    %ne3A_1756 = arith.cmpi ne, %rem3A_1754, %ne3A_1755 : i32
    %and3A_1757 = arith.andi %ne3A_1753, %ne3A_1756 : i1
    %sub3A_1758 = arith.constant 1 : i32
    %sub3A_1759 = arith.subi %div3A_1738, %sub3A_1758 : i32
    %select_n3A_1760 = arith.select %and3A_1757, %sub3A_1759, %div3A_1738 : i32
    %eq3A_1761 = arith.constant 1 : i32
    %eq3A_1762 = arith.cmpi eq, %select_n3A_1760, %eq3A_1761 : i32
    %get3A_1763 = arith.index_cast %add3A_42 : i32 to index
    %get3A_1764 = tpu.vector_load %arg7[%get3A_1763] {strides = array<i32>} : memref<224xi32, #tpu.memory_space<vmem>>, vector<16xi32>,
    %slice3A_1765 = vector.extract_strided_slice %get3A_1764 {offsets = [0], sizes = [1], strides = [1]} : vector<16xi32> to vector<1xi32>
    %squeeze3A_1766 = vector.extract %slice3A_1765[0] : i32 from vector<1xi32>
    %jit3A_1767 = arith.constant 128 : i32
    %div3A_1768 = arith.divsi %squeeze3A_1766, %jit3A_1767 : i32
    %sign3A_1769 = arith.constant 0 : i32
    %sign3A_1770 = arith.cmpi sgt, %squeeze3A_1766, %sign3A_1769 : i32
    %sign3A_1771 = arith.extui %sign3A_1770 : i1 to i32
    %sign3A_1772 = arith.constant 0 : i32
    %sign3A_1773 = arith.cmpi slt, %squeeze3A_1766, %sign3A_1772 : i32
    %sign3A_1774 = arith.extui %sign3A_1773 : i1 to i32
    %sign3A_1775 = arith.subi %sign3A_1771, %sign3A_1774 : i32
    %sign3A_1776 = arith.constant 0 : i32
    %sign3A_1777 = arith.cmpi sgt, %jit3A_1767, %sign3A_1776 : i32
    %sign3A_1778 = arith.extui %sign3A_1777 : i1 to i32
    %sign3A_1779 = arith.constant 0 : i32
    %sign3A_1780 = arith.cmpi slt, %jit3A_1767, %sign3A_1779 : i32
    %sign3A_1781 = arith.extui %sign3A_1780 : i1 to i32
    %sign3A_1782 = arith.subi %sign3A_1778, %sign3A_1781 : i32
    %ne3A_1783 = arith.cmpi ne, %sign3A_1775, %sign3A_1782 : i32
    %rem3A_1784 = arith.remsi %squeeze3A_1766, %jit3A_1767 : i32
    %ne3A_1785 = arith.constant 0 : i32
    %ne3A_1786 = arith.cmpi ne, %rem3A_1784, %ne3A_1785 : i32
    %and3A_1787 = arith.andi %ne3A_1783, %ne3A_1786 : i1
    %sub3A_1788 = arith.constant 1 : i32
    %sub3A_1789 = arith.subi %div3A_1768, %sub3A_1788 : i32
    %select_n3A_1790 = arith.select %and3A_1787, %sub3A_1789, %div3A_1768 : i32
    %mul3A_1791 = arith.constant 128 : i32
    %mul3A_1792 = arith.muli %select_n3A_1790, %mul3A_1791 : i32
    %multiple_of3A_1793 = tpu.assume_multiple %mul3A_1792, 128 : i32
    %sub3A_1794 = arith.subi %squeeze3A_1766, %multiple_of3A_1793 : i32
    %iota3A_1795 = tpu.iota {dimensions = array<i32: 0>} : vector<16xi32>
    %add3A_1796 = arith.constant 0 : i32
    %add3A_1797 = vector.broadcast %add3A_1796 : i32 to vector<16xi32>
    %add3A_1798 = arith.addi %add3A_1797, %iota3A_1795 : vector<16xi32>
    %eq3A_1799 = vector.broadcast %sub3A_1794 : i32 to vector<16xi32>
    %eq3A_1800 = arith.cmpi eq, %add3A_1798, %eq3A_1799 : vector<16xi32>
    %jit3A_1801 = arith.constant 0.000000e+00 : f32
    %broadcast_in_dim3A_1802 = vector.broadcast %squeeze3A : f32 to vector<16xf32>
    %broadcast_in_dim3A_1803 = vector.broadcast %jit3A_1801 : f32 to vector<16xf32>
    %select_n3A_1804 = arith.select %eq3A_1800, %broadcast_in_dim3A_1802, %broadcast_in_dim3A_1803 : vector<16xi1>, vector<16xf32>
    %swap3A_1805 = arith.constant 8 : i32
    %swap3A_1806 = arith.index_cast %swap3A_1805 : i32 to index
    %swap3A_1807 = arith.constant 0 : index
    %swap3A_1808 = tpu.vector_load %arg6[%swap3A_1806, %swap3A_1807] {strides = array<i32>} : memref<13x128xf32, #tpu.memory_space<vmem>>, vector<16xf32>,
    tpu.vector_store %arg6[%swap3A_1806, %swap3A_1807], %select_n3A_1804 {strides = array<i32>} : memref<13x128xf32, #tpu.memory_space<vmem>>, vector<16xf32>,
    %iota3A_1809 = tpu.iota {dimensions = array<i32: 0>} : vector<16xi32>
    %add3A_1810 = arith.constant 16 : i32
    %add3A_1811 = vector.broadcast %add3A_1810 : i32 to vector<16xi32>
    %add3A_1812 = arith.addi %add3A_1811, %iota3A_1809 : vector<16xi32>
    %eq3A_1813 = vector.broadcast %sub3A_1794 : i32 to vector<16xi32>
    %eq3A_1814 = arith.cmpi eq, %add3A_1812, %eq3A_1813 : vector<16xi32>
    %jit3A_1815 = arith.constant 0.000000e+00 : f32
    %broadcast_in_dim3A_1816 = vector.broadcast %squeeze3A : f32 to vector<16xf32>
    %broadcast_in_dim3A_1817 = vector.broadcast %jit3A_1815 : f32 to vector<16xf32>
    %select_n3A_1818 = arith.select %eq3A_1814, %broadcast_in_dim3A_1816, %broadcast_in_dim3A_1817 : vector<16xi1>, vector<16xf32>
    %swap3A_1819 = arith.constant 8 : i32
    %swap3A_1820 = arith.index_cast %swap3A_1819 : i32 to index
    %swap3A_1821 = arith.constant 16 : index
    %swap3A_1822 = tpu.vector_load %arg6[%swap3A_1820, %swap3A_1821] {strides = array<i32>} : memref<13x128xf32, #tpu.memory_space<vmem>>, vector<16xf32>,
    tpu.vector_store %arg6[%swap3A_1820, %swap3A_1821], %select_n3A_1818 {strides = array<i32>} : memref<13x128xf32, #tpu.memory_space<vmem>>, vector<16xf32>,
    %iota3A_1823 = tpu.iota {dimensions = array<i32: 0>} : vector<16xi32>
    %add3A_1824 = arith.constant 32 : i32
    %add3A_1825 = vector.broadcast %add3A_1824 : i32 to vector<16xi32>
    %add3A_1826 = arith.addi %add3A_1825, %iota3A_1823 : vector<16xi32>
    %eq3A_1827 = vector.broadcast %sub3A_1794 : i32 to vector<16xi32>
    %eq3A_1828 = arith.cmpi eq, %add3A_1826, %eq3A_1827 : vector<16xi32>
    %jit3A_1829 = arith.constant 0.000000e+00 : f32
    %broadcast_in_dim3A_1830 = vector.broadcast %squeeze3A : f32 to vector<16xf32>
    %broadcast_in_dim3A_1831 = vector.broadcast %jit3A_1829 : f32 to vector<16xf32>
    %select_n3A_1832 = arith.select %eq3A_1828, %broadcast_in_dim3A_1830, %broadcast_in_dim3A_1831 : vector<16xi1>, vector<16xf32>
    %swap3A_1833 = arith.constant 8 : i32
    %swap3A_1834 = arith.index_cast %swap3A_1833 : i32 to index
    %swap3A_1835 = arith.constant 32 : index
    %swap3A_1836 = tpu.vector_load %arg6[%swap3A_1834, %swap3A_1835] {strides = array<i32>} : memref<13x128xf32, #tpu.memory_space<vmem>>, vector<16xf32>,
    tpu.vector_store %arg6[%swap3A_1834, %swap3A_1835], %select_n3A_1832 {strides = array<i32>} : memref<13x128xf32, #tpu.memory_space<vmem>>, vector<16xf32>,
    %iota3A_1837 = tpu.iota {dimensions = array<i32: 0>} : vector<16xi32>
    %add3A_1838 = arith.constant 48 : i32
    %add3A_1839 = vector.broadcast %add3A_1838 : i32 to vector<16xi32>
    %add3A_1840 = arith.addi %add3A_1839, %iota3A_1837 : vector<16xi32>
    %eq3A_1841 = vector.broadcast %sub3A_1794 : i32 to vector<16xi32>
    %eq3A_1842 = arith.cmpi eq, %add3A_1840, %eq3A_1841 : vector<16xi32>
    %jit3A_1843 = arith.constant 0.000000e+00 : f32
    %broadcast_in_dim3A_1844 = vector.broadcast %squeeze3A : f32 to vector<16xf32>
    %broadcast_in_dim3A_1845 = vector.broadcast %jit3A_1843 : f32 to vector<16xf32>
    %select_n3A_1846 = arith.select %eq3A_1842, %broadcast_in_dim3A_1844, %broadcast_in_dim3A_1845 : vector<16xi1>, vector<16xf32>
    %swap3A_1847 = arith.constant 8 : i32
    %swap3A_1848 = arith.index_cast %swap3A_1847 : i32 to index
    %swap3A_1849 = arith.constant 48 : index
    %swap3A_1850 = tpu.vector_load %arg6[%swap3A_1848, %swap3A_1849] {strides = array<i32>} : memref<13x128xf32, #tpu.memory_space<vmem>>, vector<16xf32>,
    tpu.vector_store %arg6[%swap3A_1848, %swap3A_1849], %select_n3A_1846 {strides = array<i32>} : memref<13x128xf32, #tpu.memory_space<vmem>>, vector<16xf32>,
    %iota3A_1851 = tpu.iota {dimensions = array<i32: 0>} : vector<16xi32>
    %add3A_1852 = arith.constant 64 : i32
    %add3A_1853 = vector.broadcast %add3A_1852 : i32 to vector<16xi32>
    %add3A_1854 = arith.addi %add3A_1853, %iota3A_1851 : vector<16xi32>
    %eq3A_1855 = vector.broadcast %sub3A_1794 : i32 to vector<16xi32>
    %eq3A_1856 = arith.cmpi eq, %add3A_1854, %eq3A_1855 : vector<16xi32>
    %jit3A_1857 = arith.constant 0.000000e+00 : f32
    %broadcast_in_dim3A_1858 = vector.broadcast %squeeze3A : f32 to vector<16xf32>
    %broadcast_in_dim3A_1859 = vector.broadcast %jit3A_1857 : f32 to vector<16xf32>
    %select_n3A_1860 = arith.select %eq3A_1856, %broadcast_in_dim3A_1858, %broadcast_in_dim3A_1859 : vector<16xi1>, vector<16xf32>
    %swap3A_1861 = arith.constant 8 : i32
    %swap3A_1862 = arith.index_cast %swap3A_1861 : i32 to index
    %swap3A_1863 = arith.constant 64 : index
    %swap3A_1864 = tpu.vector_load %arg6[%swap3A_1862, %swap3A_1863] {strides = array<i32>} : memref<13x128xf32, #tpu.memory_space<vmem>>, vector<16xf32>,
    tpu.vector_store %arg6[%swap3A_1862, %swap3A_1863], %select_n3A_1860 {strides = array<i32>} : memref<13x128xf32, #tpu.memory_space<vmem>>, vector<16xf32>,
    %iota3A_1865 = tpu.iota {dimensions = array<i32: 0>} : vector<16xi32>
    %add3A_1866 = arith.constant 80 : i32
    %add3A_1867 = vector.broadcast %add3A_1866 : i32 to vector<16xi32>
    %add3A_1868 = arith.addi %add3A_1867, %iota3A_1865 : vector<16xi32>
    %eq3A_1869 = vector.broadcast %sub3A_1794 : i32 to vector<16xi32>
    %eq3A_1870 = arith.cmpi eq, %add3A_1868, %eq3A_1869 : vector<16xi32>
    %jit3A_1871 = arith.constant 0.000000e+00 : f32
    %broadcast_in_dim3A_1872 = vector.broadcast %squeeze3A : f32 to vector<16xf32>
    %broadcast_in_dim3A_1873 = vector.broadcast %jit3A_1871 : f32 to vector<16xf32>
    %select_n3A_1874 = arith.select %eq3A_1870, %broadcast_in_dim3A_1872, %broadcast_in_dim3A_1873 : vector<16xi1>, vector<16xf32>
    %swap3A_1875 = arith.constant 8 : i32
    %swap3A_1876 = arith.index_cast %swap3A_1875 : i32 to index
    %swap3A_1877 = arith.constant 80 : index
    %swap3A_1878 = tpu.vector_load %arg6[%swap3A_1876, %swap3A_1877] {strides = array<i32>} : memref<13x128xf32, #tpu.memory_space<vmem>>, vector<16xf32>,
    tpu.vector_store %arg6[%swap3A_1876, %swap3A_1877], %select_n3A_1874 {strides = array<i32>} : memref<13x128xf32, #tpu.memory_space<vmem>>, vector<16xf32>,
    %iota3A_1879 = tpu.iota {dimensions = array<i32: 0>} : vector<16xi32>
    %add3A_1880 = arith.constant 96 : i32
    %add3A_1881 = vector.broadcast %add3A_1880 : i32 to vector<16xi32>
    %add3A_1882 = arith.addi %add3A_1881, %iota3A_1879 : vector<16xi32>
    %eq3A_1883 = vector.broadcast %sub3A_1794 : i32 to vector<16xi32>
    %eq3A_1884 = arith.cmpi eq, %add3A_1882, %eq3A_1883 : vector<16xi32>
    %jit3A_1885 = arith.constant 0.000000e+00 : f32
    %broadcast_in_dim3A_1886 = vector.broadcast %squeeze3A : f32 to vector<16xf32>
    %broadcast_in_dim3A_1887 = vector.broadcast %jit3A_1885 : f32 to vector<16xf32>
    %select_n3A_1888 = arith.select %eq3A_1884, %broadcast_in_dim3A_1886, %broadcast_in_dim3A_1887 : vector<16xi1>, vector<16xf32>
    %swap3A_1889 = arith.constant 8 : i32
    %swap3A_1890 = arith.index_cast %swap3A_1889 : i32 to index
    %swap3A_1891 = arith.constant 96 : index
    %swap3A_1892 = tpu.vector_load %arg6[%swap3A_1890, %swap3A_1891] {strides = array<i32>} : memref<13x128xf32, #tpu.memory_space<vmem>>, vector<16xf32>,
    tpu.vector_store %arg6[%swap3A_1890, %swap3A_1891], %select_n3A_1888 {strides = array<i32>} : memref<13x128xf32, #tpu.memory_space<vmem>>, vector<16xf32>,
    %iota3A_1893 = tpu.iota {dimensions = array<i32: 0>} : vector<16xi32>
    %add3A_1894 = arith.constant 112 : i32
    %add3A_1895 = vector.broadcast %add3A_1894 : i32 to vector<16xi32>
    %add3A_1896 = arith.addi %add3A_1895, %iota3A_1893 : vector<16xi32>
    %eq3A_1897 = vector.broadcast %sub3A_1794 : i32 to vector<16xi32>
    %eq3A_1898 = arith.cmpi eq, %add3A_1896, %eq3A_1897 : vector<16xi32>
    %jit3A_1899 = arith.constant 0.000000e+00 : f32
    %broadcast_in_dim3A_1900 = vector.broadcast %squeeze3A : f32 to vector<16xf32>
    %broadcast_in_dim3A_1901 = vector.broadcast %jit3A_1899 : f32 to vector<16xf32>
    %select_n3A_1902 = arith.select %eq3A_1898, %broadcast_in_dim3A_1900, %broadcast_in_dim3A_1901 : vector<16xi1>, vector<16xf32>
    %swap3A_1903 = arith.constant 8 : i32
    %swap3A_1904 = arith.index_cast %swap3A_1903 : i32 to index
    %swap3A_1905 = arith.constant 112 : index
    %swap3A_1906 = tpu.vector_load %arg6[%swap3A_1904, %swap3A_1905] {strides = array<i32>} : memref<13x128xf32, #tpu.memory_space<vmem>>, vector<16xf32>,
    tpu.vector_store %arg6[%swap3A_1904, %swap3A_1905], %select_n3A_1902 {strides = array<i32>} : memref<13x128xf32, #tpu.memory_space<vmem>>, vector<16xf32>,
    %jit3A_1907 = arith.constant 50048 : i32
    %div3A_1908 = arith.divsi %squeeze3A_1766, %jit3A_1907 : i32
    %sign3A_1909 = arith.constant 0 : i32
    %sign3A_1910 = arith.cmpi sgt, %squeeze3A_1766, %sign3A_1909 : i32
    %sign3A_1911 = arith.extui %sign3A_1910 : i1 to i32
    %sign3A_1912 = arith.constant 0 : i32
    %sign3A_1913 = arith.cmpi slt, %squeeze3A_1766, %sign3A_1912 : i32
    %sign3A_1914 = arith.extui %sign3A_1913 : i1 to i32
    %sign3A_1915 = arith.subi %sign3A_1911, %sign3A_1914 : i32
    %sign3A_1916 = arith.constant 0 : i32
    %sign3A_1917 = arith.cmpi sgt, %jit3A_1907, %sign3A_1916 : i32
    %sign3A_1918 = arith.extui %sign3A_1917 : i1 to i32
    %sign3A_1919 = arith.constant 0 : i32
    %sign3A_1920 = arith.cmpi slt, %jit3A_1907, %sign3A_1919 : i32
    %sign3A_1921 = arith.extui %sign3A_1920 : i1 to i32
    %sign3A_1922 = arith.subi %sign3A_1918, %sign3A_1921 : i32
    %ne3A_1923 = arith.cmpi ne, %sign3A_1915, %sign3A_1922 : i32
    %rem3A_1924 = arith.remsi %squeeze3A_1766, %jit3A_1907 : i32
    %ne3A_1925 = arith.constant 0 : i32
    %ne3A_1926 = arith.cmpi ne, %rem3A_1924, %ne3A_1925 : i32
    %and3A_1927 = arith.andi %ne3A_1923, %ne3A_1926 : i1
    %sub3A_1928 = arith.constant 1 : i32
    %sub3A_1929 = arith.subi %div3A_1908, %sub3A_1928 : i32
    %select_n3A_1930 = arith.select %and3A_1927, %sub3A_1929, %div3A_1908 : i32
    %eq3A_1931 = arith.constant 0 : i32
    %eq3A_1932 = arith.cmpi eq, %select_n3A_1930, %eq3A_1931 : i32
    %get3A_1933 = arith.index_cast %add3A_46 : i32 to index
    %get3A_1934 = tpu.vector_load %arg7[%get3A_1933] {strides = array<i32>} : memref<224xi32, #tpu.memory_space<vmem>>, vector<16xi32>,
    %slice3A_1935 = vector.extract_strided_slice %get3A_1934 {offsets = [0], sizes = [1], strides = [1]} : vector<16xi32> to vector<1xi32>
    %squeeze3A_1936 = vector.extract %slice3A_1935[0] : i32 from vector<1xi32>
    %jit3A_1937 = arith.constant 128 : i32
    %div3A_1938 = arith.divsi %squeeze3A_1936, %jit3A_1937 : i32
    %sign3A_1939 = arith.constant 0 : i32
    %sign3A_1940 = arith.cmpi sgt, %squeeze3A_1936, %sign3A_1939 : i32
    %sign3A_1941 = arith.extui %sign3A_1940 : i1 to i32
    %sign3A_1942 = arith.constant 0 : i32
    %sign3A_1943 = arith.cmpi slt, %squeeze3A_1936, %sign3A_1942 : i32
    %sign3A_1944 = arith.extui %sign3A_1943 : i1 to i32
    %sign3A_1945 = arith.subi %sign3A_1941, %sign3A_1944 : i32
    %sign3A_1946 = arith.constant 0 : i32
    %sign3A_1947 = arith.cmpi sgt, %jit3A_1937, %sign3A_1946 : i32
    %sign3A_1948 = arith.extui %sign3A_1947 : i1 to i32
    %sign3A_1949 = arith.constant 0 : i32
    %sign3A_1950 = arith.cmpi slt, %jit3A_1937, %sign3A_1949 : i32
    %sign3A_1951 = arith.extui %sign3A_1950 : i1 to i32
    %sign3A_1952 = arith.subi %sign3A_1948, %sign3A_1951 : i32
    %ne3A_1953 = arith.cmpi ne, %sign3A_1945, %sign3A_1952 : i32
    %rem3A_1954 = arith.remsi %squeeze3A_1936, %jit3A_1937 : i32
    %ne3A_1955 = arith.constant 0 : i32
    %ne3A_1956 = arith.cmpi ne, %rem3A_1954, %ne3A_1955 : i32
    %and3A_1957 = arith.andi %ne3A_1953, %ne3A_1956 : i1
    %sub3A_1958 = arith.constant 1 : i32
    %sub3A_1959 = arith.subi %div3A_1938, %sub3A_1958 : i32
    %select_n3A_1960 = arith.select %and3A_1957, %sub3A_1959, %div3A_1938 : i32
    %mul3A_1961 = arith.constant 128 : i32
    %mul3A_1962 = arith.muli %select_n3A_1960, %mul3A_1961 : i32
    %multiple_of3A_1963 = tpu.assume_multiple %mul3A_1962, 128 : i32
    %sub3A_1964 = arith.subi %squeeze3A_1936, %multiple_of3A_1963 : i32
    %iota3A_1965 = tpu.iota {dimensions = array<i32: 0>} : vector<16xi32>
    %add3A_1966 = arith.constant 0 : i32
    %add3A_1967 = vector.broadcast %add3A_1966 : i32 to vector<16xi32>
    %add3A_1968 = arith.addi %add3A_1967, %iota3A_1965 : vector<16xi32>
    %eq3A_1969 = vector.broadcast %sub3A_1964 : i32 to vector<16xi32>
    %eq3A_1970 = arith.cmpi eq, %add3A_1968, %eq3A_1969 : vector<16xi32>
    %jit3A_1971 = arith.constant 0.000000e+00 : f32
    %broadcast_in_dim3A_1972 = vector.broadcast %squeeze3A : f32 to vector<16xf32>
    %broadcast_in_dim3A_1973 = vector.broadcast %jit3A_1971 : f32 to vector<16xf32>
    %select_n3A_1974 = arith.select %eq3A_1970, %broadcast_in_dim3A_1972, %broadcast_in_dim3A_1973 : vector<16xi1>, vector<16xf32>
    %swap3A_1975 = arith.constant 9 : i32
    %swap3A_1976 = arith.index_cast %swap3A_1975 : i32 to index
    %swap3A_1977 = arith.constant 0 : index
    %swap3A_1978 = tpu.vector_load %arg6[%swap3A_1976, %swap3A_1977] {strides = array<i32>} : memref<13x128xf32, #tpu.memory_space<vmem>>, vector<16xf32>,
    tpu.vector_store %arg6[%swap3A_1976, %swap3A_1977], %select_n3A_1974 {strides = array<i32>} : memref<13x128xf32, #tpu.memory_space<vmem>>, vector<16xf32>,
    %iota3A_1979 = tpu.iota {dimensions = array<i32: 0>} : vector<16xi32>
    %add3A_1980 = arith.constant 16 : i32
    %add3A_1981 = vector.broadcast %add3A_1980 : i32 to vector<16xi32>
    %add3A_1982 = arith.addi %add3A_1981, %iota3A_1979 : vector<16xi32>
    %eq3A_1983 = vector.broadcast %sub3A_1964 : i32 to vector<16xi32>
    %eq3A_1984 = arith.cmpi eq, %add3A_1982, %eq3A_1983 : vector<16xi32>
    %jit3A_1985 = arith.constant 0.000000e+00 : f32
    %broadcast_in_dim3A_1986 = vector.broadcast %squeeze3A : f32 to vector<16xf32>
    %broadcast_in_dim3A_1987 = vector.broadcast %jit3A_1985 : f32 to vector<16xf32>
    %select_n3A_1988 = arith.select %eq3A_1984, %broadcast_in_dim3A_1986, %broadcast_in_dim3A_1987 : vector<16xi1>, vector<16xf32>
    %swap3A_1989 = arith.constant 9 : i32
    %swap3A_1990 = arith.index_cast %swap3A_1989 : i32 to index
    %swap3A_1991 = arith.constant 16 : index
    %swap3A_1992 = tpu.vector_load %arg6[%swap3A_1990, %swap3A_1991] {strides = array<i32>} : memref<13x128xf32, #tpu.memory_space<vmem>>, vector<16xf32>,
    tpu.vector_store %arg6[%swap3A_1990, %swap3A_1991], %select_n3A_1988 {strides = array<i32>} : memref<13x128xf32, #tpu.memory_space<vmem>>, vector<16xf32>,
    %iota3A_1993 = tpu.iota {dimensions = array<i32: 0>} : vector<16xi32>
    %add3A_1994 = arith.constant 32 : i32
    %add3A_1995 = vector.broadcast %add3A_1994 : i32 to vector<16xi32>
    %add3A_1996 = arith.addi %add3A_1995, %iota3A_1993 : vector<16xi32>
    %eq3A_1997 = vector.broadcast %sub3A_1964 : i32 to vector<16xi32>
    %eq3A_1998 = arith.cmpi eq, %add3A_1996, %eq3A_1997 : vector<16xi32>
    %jit3A_1999 = arith.constant 0.000000e+00 : f32
    %broadcast_in_dim3A_2000 = vector.broadcast %squeeze3A : f32 to vector<16xf32>
    %broadcast_in_dim3A_2001 = vector.broadcast %jit3A_1999 : f32 to vector<16xf32>
    %select_n3A_2002 = arith.select %eq3A_1998, %broadcast_in_dim3A_2000, %broadcast_in_dim3A_2001 : vector<16xi1>, vector<16xf32>
    %swap3A_2003 = arith.constant 9 : i32
    %swap3A_2004 = arith.index_cast %swap3A_2003 : i32 to index
    %swap3A_2005 = arith.constant 32 : index
    %swap3A_2006 = tpu.vector_load %arg6[%swap3A_2004, %swap3A_2005] {strides = array<i32>} : memref<13x128xf32, #tpu.memory_space<vmem>>, vector<16xf32>,
    tpu.vector_store %arg6[%swap3A_2004, %swap3A_2005], %select_n3A_2002 {strides = array<i32>} : memref<13x128xf32, #tpu.memory_space<vmem>>, vector<16xf32>,
    %iota3A_2007 = tpu.iota {dimensions = array<i32: 0>} : vector<16xi32>
    %add3A_2008 = arith.constant 48 : i32
    %add3A_2009 = vector.broadcast %add3A_2008 : i32 to vector<16xi32>
    %add3A_2010 = arith.addi %add3A_2009, %iota3A_2007 : vector<16xi32>
    %eq3A_2011 = vector.broadcast %sub3A_1964 : i32 to vector<16xi32>
    %eq3A_2012 = arith.cmpi eq, %add3A_2010, %eq3A_2011 : vector<16xi32>
    %jit3A_2013 = arith.constant 0.000000e+00 : f32
    %broadcast_in_dim3A_2014 = vector.broadcast %squeeze3A : f32 to vector<16xf32>
    %broadcast_in_dim3A_2015 = vector.broadcast %jit3A_2013 : f32 to vector<16xf32>
    %select_n3A_2016 = arith.select %eq3A_2012, %broadcast_in_dim3A_2014, %broadcast_in_dim3A_2015 : vector<16xi1>, vector<16xf32>
    %swap3A_2017 = arith.constant 9 : i32
    %swap3A_2018 = arith.index_cast %swap3A_2017 : i32 to index
    %swap3A_2019 = arith.constant 48 : index
    %swap3A_2020 = tpu.vector_load %arg6[%swap3A_2018, %swap3A_2019] {strides = array<i32>} : memref<13x128xf32, #tpu.memory_space<vmem>>, vector<16xf32>,
    tpu.vector_store %arg6[%swap3A_2018, %swap3A_2019], %select_n3A_2016 {strides = array<i32>} : memref<13x128xf32, #tpu.memory_space<vmem>>, vector<16xf32>,
    %iota3A_2021 = tpu.iota {dimensions = array<i32: 0>} : vector<16xi32>
    %add3A_2022 = arith.constant 64 : i32
    %add3A_2023 = vector.broadcast %add3A_2022 : i32 to vector<16xi32>
    %add3A_2024 = arith.addi %add3A_2023, %iota3A_2021 : vector<16xi32>
    %eq3A_2025 = vector.broadcast %sub3A_1964 : i32 to vector<16xi32>
    %eq3A_2026 = arith.cmpi eq, %add3A_2024, %eq3A_2025 : vector<16xi32>
    %jit3A_2027 = arith.constant 0.000000e+00 : f32
    %broadcast_in_dim3A_2028 = vector.broadcast %squeeze3A : f32 to vector<16xf32>
    %broadcast_in_dim3A_2029 = vector.broadcast %jit3A_2027 : f32 to vector<16xf32>
    %select_n3A_2030 = arith.select %eq3A_2026, %broadcast_in_dim3A_2028, %broadcast_in_dim3A_2029 : vector<16xi1>, vector<16xf32>
    %swap3A_2031 = arith.constant 9 : i32
    %swap3A_2032 = arith.index_cast %swap3A_2031 : i32 to index
    %swap3A_2033 = arith.constant 64 : index
    %swap3A_2034 = tpu.vector_load %arg6[%swap3A_2032, %swap3A_2033] {strides = array<i32>} : memref<13x128xf32, #tpu.memory_space<vmem>>, vector<16xf32>,
    tpu.vector_store %arg6[%swap3A_2032, %swap3A_2033], %select_n3A_2030 {strides = array<i32>} : memref<13x128xf32, #tpu.memory_space<vmem>>, vector<16xf32>,
    %iota3A_2035 = tpu.iota {dimensions = array<i32: 0>} : vector<16xi32>
    %add3A_2036 = arith.constant 80 : i32
    %add3A_2037 = vector.broadcast %add3A_2036 : i32 to vector<16xi32>
    %add3A_2038 = arith.addi %add3A_2037, %iota3A_2035 : vector<16xi32>
    %eq3A_2039 = vector.broadcast %sub3A_1964 : i32 to vector<16xi32>
    %eq3A_2040 = arith.cmpi eq, %add3A_2038, %eq3A_2039 : vector<16xi32>
    %jit3A_2041 = arith.constant 0.000000e+00 : f32
    %broadcast_in_dim3A_2042 = vector.broadcast %squeeze3A : f32 to vector<16xf32>
    %broadcast_in_dim3A_2043 = vector.broadcast %jit3A_2041 : f32 to vector<16xf32>
    %select_n3A_2044 = arith.select %eq3A_2040, %broadcast_in_dim3A_2042, %broadcast_in_dim3A_2043 : vector<16xi1>, vector<16xf32>
    %swap3A_2045 = arith.constant 9 : i32
    %swap3A_2046 = arith.index_cast %swap3A_2045 : i32 to index
    %swap3A_2047 = arith.constant 80 : index
    %swap3A_2048 = tpu.vector_load %arg6[%swap3A_2046, %swap3A_2047] {strides = array<i32>} : memref<13x128xf32, #tpu.memory_space<vmem>>, vector<16xf32>,
    tpu.vector_store %arg6[%swap3A_2046, %swap3A_2047], %select_n3A_2044 {strides = array<i32>} : memref<13x128xf32, #tpu.memory_space<vmem>>, vector<16xf32>,
    %iota3A_2049 = tpu.iota {dimensions = array<i32: 0>} : vector<16xi32>
    %add3A_2050 = arith.constant 96 : i32
    %add3A_2051 = vector.broadcast %add3A_2050 : i32 to vector<16xi32>
    %add3A_2052 = arith.addi %add3A_2051, %iota3A_2049 : vector<16xi32>
    %eq3A_2053 = vector.broadcast %sub3A_1964 : i32 to vector<16xi32>
    %eq3A_2054 = arith.cmpi eq, %add3A_2052, %eq3A_2053 : vector<16xi32>
    %jit3A_2055 = arith.constant 0.000000e+00 : f32
    %broadcast_in_dim3A_2056 = vector.broadcast %squeeze3A : f32 to vector<16xf32>
    %broadcast_in_dim3A_2057 = vector.broadcast %jit3A_2055 : f32 to vector<16xf32>
    %select_n3A_2058 = arith.select %eq3A_2054, %broadcast_in_dim3A_2056, %broadcast_in_dim3A_2057 : vector<16xi1>, vector<16xf32>
    %swap3A_2059 = arith.constant 9 : i32
    %swap3A_2060 = arith.index_cast %swap3A_2059 : i32 to index
    %swap3A_2061 = arith.constant 96 : index
    %swap3A_2062 = tpu.vector_load %arg6[%swap3A_2060, %swap3A_2061] {strides = array<i32>} : memref<13x128xf32, #tpu.memory_space<vmem>>, vector<16xf32>,
    tpu.vector_store %arg6[%swap3A_2060, %swap3A_2061], %select_n3A_2058 {strides = array<i32>} : memref<13x128xf32, #tpu.memory_space<vmem>>, vector<16xf32>,
    %iota3A_2063 = tpu.iota {dimensions = array<i32: 0>} : vector<16xi32>
    %add3A_2064 = arith.constant 112 : i32
    %add3A_2065 = vector.broadcast %add3A_2064 : i32 to vector<16xi32>
    %add3A_2066 = arith.addi %add3A_2065, %iota3A_2063 : vector<16xi32>
    %eq3A_2067 = vector.broadcast %sub3A_1964 : i32 to vector<16xi32>
    %eq3A_2068 = arith.cmpi eq, %add3A_2066, %eq3A_2067 : vector<16xi32>
    %jit3A_2069 = arith.constant 0.000000e+00 : f32
    %broadcast_in_dim3A_2070 = vector.broadcast %squeeze3A : f32 to vector<16xf32>
    %broadcast_in_dim3A_2071 = vector.broadcast %jit3A_2069 : f32 to vector<16xf32>
    %select_n3A_2072 = arith.select %eq3A_2068, %broadcast_in_dim3A_2070, %broadcast_in_dim3A_2071 : vector<16xi1>, vector<16xf32>
    %swap3A_2073 = arith.constant 9 : i32
    %swap3A_2074 = arith.index_cast %swap3A_2073 : i32 to index
    %swap3A_2075 = arith.constant 112 : index
    %swap3A_2076 = tpu.vector_load %arg6[%swap3A_2074, %swap3A_2075] {strides = array<i32>} : memref<13x128xf32, #tpu.memory_space<vmem>>, vector<16xf32>,
    tpu.vector_store %arg6[%swap3A_2074, %swap3A_2075], %select_n3A_2072 {strides = array<i32>} : memref<13x128xf32, #tpu.memory_space<vmem>>, vector<16xf32>,
    %jit3A_2077 = arith.constant 50048 : i32
    %div3A_2078 = arith.divsi %squeeze3A_1936, %jit3A_2077 : i32
    %sign3A_2079 = arith.constant 0 : i32
    %sign3A_2080 = arith.cmpi sgt, %squeeze3A_1936, %sign3A_2079 : i32
    %sign3A_2081 = arith.extui %sign3A_2080 : i1 to i32
    %sign3A_2082 = arith.constant 0 : i32
    %sign3A_2083 = arith.cmpi slt, %squeeze3A_1936, %sign3A_2082 : i32
    %sign3A_2084 = arith.extui %sign3A_2083 : i1 to i32
    %sign3A_2085 = arith.subi %sign3A_2081, %sign3A_2084 : i32
    %sign3A_2086 = arith.constant 0 : i32
    %sign3A_2087 = arith.cmpi sgt, %jit3A_2077, %sign3A_2086 : i32
    %sign3A_2088 = arith.extui %sign3A_2087 : i1 to i32
    %sign3A_2089 = arith.constant 0 : i32
    %sign3A_2090 = arith.cmpi slt, %jit3A_2077, %sign3A_2089 : i32
    %sign3A_2091 = arith.extui %sign3A_2090 : i1 to i32
    %sign3A_2092 = arith.subi %sign3A_2088, %sign3A_2091 : i32
    %ne3A_2093 = arith.cmpi ne, %sign3A_2085, %sign3A_2092 : i32
    %rem3A_2094 = arith.remsi %squeeze3A_1936, %jit3A_2077 : i32
    %ne3A_2095 = arith.constant 0 : i32
    %ne3A_2096 = arith.cmpi ne, %rem3A_2094, %ne3A_2095 : i32
    %and3A_2097 = arith.andi %ne3A_2093, %ne3A_2096 : i1
    %sub3A_2098 = arith.constant 1 : i32
    %sub3A_2099 = arith.subi %div3A_2078, %sub3A_2098 : i32
    %select_n3A_2100 = arith.select %and3A_2097, %sub3A_2099, %div3A_2078 : i32
    %eq3A_2101 = arith.constant 1 : i32
    %eq3A_2102 = arith.cmpi eq, %select_n3A_2100, %eq3A_2101 : i32
    %get3A_2103 = arith.index_cast %add3A_50 : i32 to index
    %get3A_2104 = tpu.vector_load %arg7[%get3A_2103] {strides = array<i32>} : memref<224xi32, #tpu.memory_space<vmem>>, vector<16xi32>,
    %slice3A_2105 = vector.extract_strided_slice %get3A_2104 {offsets = [0], sizes = [1], strides = [1]} : vector<16xi32> to vector<1xi32>
    %squeeze3A_2106 = vector.extract %slice3A_2105[0] : i32 from vector<1xi32>
    %jit3A_2107 = arith.constant 128 : i32
    %div3A_2108 = arith.divsi %squeeze3A_2106, %jit3A_2107 : i32
    %sign3A_2109 = arith.constant 0 : i32
    %sign3A_2110 = arith.cmpi sgt, %squeeze3A_2106, %sign3A_2109 : i32
    %sign3A_2111 = arith.extui %sign3A_2110 : i1 to i32
    %sign3A_2112 = arith.constant 0 : i32
    %sign3A_2113 = arith.cmpi slt, %squeeze3A_2106, %sign3A_2112 : i32
    %sign3A_2114 = arith.extui %sign3A_2113 : i1 to i32
    %sign3A_2115 = arith.subi %sign3A_2111, %sign3A_2114 : i32
    %sign3A_2116 = arith.constant 0 : i32
    %sign3A_2117 = arith.cmpi sgt, %jit3A_2107, %sign3A_2116 : i32
    %sign3A_2118 = arith.extui %sign3A_2117 : i1 to i32
    %sign3A_2119 = arith.constant 0 : i32
    %sign3A_2120 = arith.cmpi slt, %jit3A_2107, %sign3A_2119 : i32
    %sign3A_2121 = arith.extui %sign3A_2120 : i1 to i32
    %sign3A_2122 = arith.subi %sign3A_2118, %sign3A_2121 : i32
    %ne3A_2123 = arith.cmpi ne, %sign3A_2115, %sign3A_2122 : i32
    %rem3A_2124 = arith.remsi %squeeze3A_2106, %jit3A_2107 : i32
    %ne3A_2125 = arith.constant 0 : i32
    %ne3A_2126 = arith.cmpi ne, %rem3A_2124, %ne3A_2125 : i32
    %and3A_2127 = arith.andi %ne3A_2123, %ne3A_2126 : i1
    %sub3A_2128 = arith.constant 1 : i32
    %sub3A_2129 = arith.subi %div3A_2108, %sub3A_2128 : i32
    %select_n3A_2130 = arith.select %and3A_2127, %sub3A_2129, %div3A_2108 : i32
    %mul3A_2131 = arith.constant 128 : i32
    %mul3A_2132 = arith.muli %select_n3A_2130, %mul3A_2131 : i32
    %multiple_of3A_2133 = tpu.assume_multiple %mul3A_2132, 128 : i32
    %sub3A_2134 = arith.subi %squeeze3A_2106, %multiple_of3A_2133 : i32
    %iota3A_2135 = tpu.iota {dimensions = array<i32: 0>} : vector<16xi32>
    %add3A_2136 = arith.constant 0 : i32
    %add3A_2137 = vector.broadcast %add3A_2136 : i32 to vector<16xi32>
    %add3A_2138 = arith.addi %add3A_2137, %iota3A_2135 : vector<16xi32>
    %eq3A_2139 = vector.broadcast %sub3A_2134 : i32 to vector<16xi32>
    %eq3A_2140 = arith.cmpi eq, %add3A_2138, %eq3A_2139 : vector<16xi32>
    %jit3A_2141 = arith.constant 0.000000e+00 : f32
    %broadcast_in_dim3A_2142 = vector.broadcast %squeeze3A : f32 to vector<16xf32>
    %broadcast_in_dim3A_2143 = vector.broadcast %jit3A_2141 : f32 to vector<16xf32>
    %select_n3A_2144 = arith.select %eq3A_2140, %broadcast_in_dim3A_2142, %broadcast_in_dim3A_2143 : vector<16xi1>, vector<16xf32>
    %swap3A_2145 = arith.constant 10 : i32
    %swap3A_2146 = arith.index_cast %swap3A_2145 : i32 to index
    %swap3A_2147 = arith.constant 0 : index
    %swap3A_2148 = tpu.vector_load %arg6[%swap3A_2146, %swap3A_2147] {strides = array<i32>} : memref<13x128xf32, #tpu.memory_space<vmem>>, vector<16xf32>,
    tpu.vector_store %arg6[%swap3A_2146, %swap3A_2147], %select_n3A_2144 {strides = array<i32>} : memref<13x128xf32, #tpu.memory_space<vmem>>, vector<16xf32>,
    %iota3A_2149 = tpu.iota {dimensions = array<i32: 0>} : vector<16xi32>
    %add3A_2150 = arith.constant 16 : i32
    %add3A_2151 = vector.broadcast %add3A_2150 : i32 to vector<16xi32>
    %add3A_2152 = arith.addi %add3A_2151, %iota3A_2149 : vector<16xi32>
    %eq3A_2153 = vector.broadcast %sub3A_2134 : i32 to vector<16xi32>
    %eq3A_2154 = arith.cmpi eq, %add3A_2152, %eq3A_2153 : vector<16xi32>
    %jit3A_2155 = arith.constant 0.000000e+00 : f32
    %broadcast_in_dim3A_2156 = vector.broadcast %squeeze3A : f32 to vector<16xf32>
    %broadcast_in_dim3A_2157 = vector.broadcast %jit3A_2155 : f32 to vector<16xf32>
    %select_n3A_2158 = arith.select %eq3A_2154, %broadcast_in_dim3A_2156, %broadcast_in_dim3A_2157 : vector<16xi1>, vector<16xf32>
    %swap3A_2159 = arith.constant 10 : i32
    %swap3A_2160 = arith.index_cast %swap3A_2159 : i32 to index
    %swap3A_2161 = arith.constant 16 : index
    %swap3A_2162 = tpu.vector_load %arg6[%swap3A_2160, %swap3A_2161] {strides = array<i32>} : memref<13x128xf32, #tpu.memory_space<vmem>>, vector<16xf32>,
    tpu.vector_store %arg6[%swap3A_2160, %swap3A_2161], %select_n3A_2158 {strides = array<i32>} : memref<13x128xf32, #tpu.memory_space<vmem>>, vector<16xf32>,
    %iota3A_2163 = tpu.iota {dimensions = array<i32: 0>} : vector<16xi32>
    %add3A_2164 = arith.constant 32 : i32
    %add3A_2165 = vector.broadcast %add3A_2164 : i32 to vector<16xi32>
    %add3A_2166 = arith.addi %add3A_2165, %iota3A_2163 : vector<16xi32>
    %eq3A_2167 = vector.broadcast %sub3A_2134 : i32 to vector<16xi32>
    %eq3A_2168 = arith.cmpi eq, %add3A_2166, %eq3A_2167 : vector<16xi32>
    %jit3A_2169 = arith.constant 0.000000e+00 : f32
    %broadcast_in_dim3A_2170 = vector.broadcast %squeeze3A : f32 to vector<16xf32>
    %broadcast_in_dim3A_2171 = vector.broadcast %jit3A_2169 : f32 to vector<16xf32>
    %select_n3A_2172 = arith.select %eq3A_2168, %broadcast_in_dim3A_2170, %broadcast_in_dim3A_2171 : vector<16xi1>, vector<16xf32>
    %swap3A_2173 = arith.constant 10 : i32
    %swap3A_2174 = arith.index_cast %swap3A_2173 : i32 to index
    %swap3A_2175 = arith.constant 32 : index
    %swap3A_2176 = tpu.vector_load %arg6[%swap3A_2174, %swap3A_2175] {strides = array<i32>} : memref<13x128xf32, #tpu.memory_space<vmem>>, vector<16xf32>,
    tpu.vector_store %arg6[%swap3A_2174, %swap3A_2175], %select_n3A_2172 {strides = array<i32>} : memref<13x128xf32, #tpu.memory_space<vmem>>, vector<16xf32>,
    %iota3A_2177 = tpu.iota {dimensions = array<i32: 0>} : vector<16xi32>
    %add3A_2178 = arith.constant 48 : i32
    %add3A_2179 = vector.broadcast %add3A_2178 : i32 to vector<16xi32>
    %add3A_2180 = arith.addi %add3A_2179, %iota3A_2177 : vector<16xi32>
    %eq3A_2181 = vector.broadcast %sub3A_2134 : i32 to vector<16xi32>
    %eq3A_2182 = arith.cmpi eq, %add3A_2180, %eq3A_2181 : vector<16xi32>
    %jit3A_2183 = arith.constant 0.000000e+00 : f32
    %broadcast_in_dim3A_2184 = vector.broadcast %squeeze3A : f32 to vector<16xf32>
    %broadcast_in_dim3A_2185 = vector.broadcast %jit3A_2183 : f32 to vector<16xf32>
    %select_n3A_2186 = arith.select %eq3A_2182, %broadcast_in_dim3A_2184, %broadcast_in_dim3A_2185 : vector<16xi1>, vector<16xf32>
    %swap3A_2187 = arith.constant 10 : i32
    %swap3A_2188 = arith.index_cast %swap3A_2187 : i32 to index
    %swap3A_2189 = arith.constant 48 : index
    %swap3A_2190 = tpu.vector_load %arg6[%swap3A_2188, %swap3A_2189] {strides = array<i32>} : memref<13x128xf32, #tpu.memory_space<vmem>>, vector<16xf32>,
    tpu.vector_store %arg6[%swap3A_2188, %swap3A_2189], %select_n3A_2186 {strides = array<i32>} : memref<13x128xf32, #tpu.memory_space<vmem>>, vector<16xf32>,
    %iota3A_2191 = tpu.iota {dimensions = array<i32: 0>} : vector<16xi32>
    %add3A_2192 = arith.constant 64 : i32
    %add3A_2193 = vector.broadcast %add3A_2192 : i32 to vector<16xi32>
    %add3A_2194 = arith.addi %add3A_2193, %iota3A_2191 : vector<16xi32>
    %eq3A_2195 = vector.broadcast %sub3A_2134 : i32 to vector<16xi32>
    %eq3A_2196 = arith.cmpi eq, %add3A_2194, %eq3A_2195 : vector<16xi32>
    %jit3A_2197 = arith.constant 0.000000e+00 : f32
    %broadcast_in_dim3A_2198 = vector.broadcast %squeeze3A : f32 to vector<16xf32>
    %broadcast_in_dim3A_2199 = vector.broadcast %jit3A_2197 : f32 to vector<16xf32>
    %select_n3A_2200 = arith.select %eq3A_2196, %broadcast_in_dim3A_2198, %broadcast_in_dim3A_2199 : vector<16xi1>, vector<16xf32>
    %swap3A_2201 = arith.constant 10 : i32
    %swap3A_2202 = arith.index_cast %swap3A_2201 : i32 to index
    %swap3A_2203 = arith.constant 64 : index
    %swap3A_2204 = tpu.vector_load %arg6[%swap3A_2202, %swap3A_2203] {strides = array<i32>} : memref<13x128xf32, #tpu.memory_space<vmem>>, vector<16xf32>,
    tpu.vector_store %arg6[%swap3A_2202, %swap3A_2203], %select_n3A_2200 {strides = array<i32>} : memref<13x128xf32, #tpu.memory_space<vmem>>, vector<16xf32>,
    %iota3A_2205 = tpu.iota {dimensions = array<i32: 0>} : vector<16xi32>
    %add3A_2206 = arith.constant 80 : i32
    %add3A_2207 = vector.broadcast %add3A_2206 : i32 to vector<16xi32>
    %add3A_2208 = arith.addi %add3A_2207, %iota3A_2205 : vector<16xi32>
    %eq3A_2209 = vector.broadcast %sub3A_2134 : i32 to vector<16xi32>
    %eq3A_2210 = arith.cmpi eq, %add3A_2208, %eq3A_2209 : vector<16xi32>
    %jit3A_2211 = arith.constant 0.000000e+00 : f32
    %broadcast_in_dim3A_2212 = vector.broadcast %squeeze3A : f32 to vector<16xf32>
    %broadcast_in_dim3A_2213 = vector.broadcast %jit3A_2211 : f32 to vector<16xf32>
    %select_n3A_2214 = arith.select %eq3A_2210, %broadcast_in_dim3A_2212, %broadcast_in_dim3A_2213 : vector<16xi1>, vector<16xf32>
    %swap3A_2215 = arith.constant 10 : i32
    %swap3A_2216 = arith.index_cast %swap3A_2215 : i32 to index
    %swap3A_2217 = arith.constant 80 : index
    %swap3A_2218 = tpu.vector_load %arg6[%swap3A_2216, %swap3A_2217] {strides = array<i32>} : memref<13x128xf32, #tpu.memory_space<vmem>>, vector<16xf32>,
    tpu.vector_store %arg6[%swap3A_2216, %swap3A_2217], %select_n3A_2214 {strides = array<i32>} : memref<13x128xf32, #tpu.memory_space<vmem>>, vector<16xf32>,
    %iota3A_2219 = tpu.iota {dimensions = array<i32: 0>} : vector<16xi32>
    %add3A_2220 = arith.constant 96 : i32
    %add3A_2221 = vector.broadcast %add3A_2220 : i32 to vector<16xi32>
    %add3A_2222 = arith.addi %add3A_2221, %iota3A_2219 : vector<16xi32>
    %eq3A_2223 = vector.broadcast %sub3A_2134 : i32 to vector<16xi32>
    %eq3A_2224 = arith.cmpi eq, %add3A_2222, %eq3A_2223 : vector<16xi32>
    %jit3A_2225 = arith.constant 0.000000e+00 : f32
    %broadcast_in_dim3A_2226 = vector.broadcast %squeeze3A : f32 to vector<16xf32>
    %broadcast_in_dim3A_2227 = vector.broadcast %jit3A_2225 : f32 to vector<16xf32>
    %select_n3A_2228 = arith.select %eq3A_2224, %broadcast_in_dim3A_2226, %broadcast_in_dim3A_2227 : vector<16xi1>, vector<16xf32>
    %swap3A_2229 = arith.constant 10 : i32
    %swap3A_2230 = arith.index_cast %swap3A_2229 : i32 to index
    %swap3A_2231 = arith.constant 96 : index
    %swap3A_2232 = tpu.vector_load %arg6[%swap3A_2230, %swap3A_2231] {strides = array<i32>} : memref<13x128xf32, #tpu.memory_space<vmem>>, vector<16xf32>,
    tpu.vector_store %arg6[%swap3A_2230, %swap3A_2231], %select_n3A_2228 {strides = array<i32>} : memref<13x128xf32, #tpu.memory_space<vmem>>, vector<16xf32>,
    %iota3A_2233 = tpu.iota {dimensions = array<i32: 0>} : vector<16xi32>
    %add3A_2234 = arith.constant 112 : i32
    %add3A_2235 = vector.broadcast %add3A_2234 : i32 to vector<16xi32>
    %add3A_2236 = arith.addi %add3A_2235, %iota3A_2233 : vector<16xi32>
    %eq3A_2237 = vector.broadcast %sub3A_2134 : i32 to vector<16xi32>
    %eq3A_2238 = arith.cmpi eq, %add3A_2236, %eq3A_2237 : vector<16xi32>
    %jit3A_2239 = arith.constant 0.000000e+00 : f32
    %broadcast_in_dim3A_2240 = vector.broadcast %squeeze3A : f32 to vector<16xf32>
    %broadcast_in_dim3A_2241 = vector.broadcast %jit3A_2239 : f32 to vector<16xf32>
    %select_n3A_2242 = arith.select %eq3A_2238, %broadcast_in_dim3A_2240, %broadcast_in_dim3A_2241 : vector<16xi1>, vector<16xf32>
    %swap3A_2243 = arith.constant 10 : i32
    %swap3A_2244 = arith.index_cast %swap3A_2243 : i32 to index
    %swap3A_2245 = arith.constant 112 : index
    %swap3A_2246 = tpu.vector_load %arg6[%swap3A_2244, %swap3A_2245] {strides = array<i32>} : memref<13x128xf32, #tpu.memory_space<vmem>>, vector<16xf32>,
    tpu.vector_store %arg6[%swap3A_2244, %swap3A_2245], %select_n3A_2242 {strides = array<i32>} : memref<13x128xf32, #tpu.memory_space<vmem>>, vector<16xf32>,
    %jit3A_2247 = arith.constant 50048 : i32
    %div3A_2248 = arith.divsi %squeeze3A_2106, %jit3A_2247 : i32
    %sign3A_2249 = arith.constant 0 : i32
    %sign3A_2250 = arith.cmpi sgt, %squeeze3A_2106, %sign3A_2249 : i32
    %sign3A_2251 = arith.extui %sign3A_2250 : i1 to i32
    %sign3A_2252 = arith.constant 0 : i32
    %sign3A_2253 = arith.cmpi slt, %squeeze3A_2106, %sign3A_2252 : i32
    %sign3A_2254 = arith.extui %sign3A_2253 : i1 to i32
    %sign3A_2255 = arith.subi %sign3A_2251, %sign3A_2254 : i32
    %sign3A_2256 = arith.constant 0 : i32
    %sign3A_2257 = arith.cmpi sgt, %jit3A_2247, %sign3A_2256 : i32
    %sign3A_2258 = arith.extui %sign3A_2257 : i1 to i32
    %sign3A_2259 = arith.constant 0 : i32
    %sign3A_2260 = arith.cmpi slt, %jit3A_2247, %sign3A_2259 : i32
    %sign3A_2261 = arith.extui %sign3A_2260 : i1 to i32
    %sign3A_2262 = arith.subi %sign3A_2258, %sign3A_2261 : i32
    %ne3A_2263 = arith.cmpi ne, %sign3A_2255, %sign3A_2262 : i32
    %rem3A_2264 = arith.remsi %squeeze3A_2106, %jit3A_2247 : i32
    %ne3A_2265 = arith.constant 0 : i32
    %ne3A_2266 = arith.cmpi ne, %rem3A_2264, %ne3A_2265 : i32
    %and3A_2267 = arith.andi %ne3A_2263, %ne3A_2266 : i1
    %sub3A_2268 = arith.constant 1 : i32
    %sub3A_2269 = arith.subi %div3A_2248, %sub3A_2268 : i32
    %select_n3A_2270 = arith.select %and3A_2267, %sub3A_2269, %div3A_2248 : i32
    %eq3A_2271 = arith.constant 0 : i32
    %eq3A_2272 = arith.cmpi eq, %select_n3A_2270, %eq3A_2271 : i32
    %get3A_2273 = arith.index_cast %add3A_54 : i32 to index
    %get3A_2274 = tpu.vector_load %arg7[%get3A_2273] {strides = array<i32>} : memref<224xi32, #tpu.memory_space<vmem>>, vector<16xi32>,
    %slice3A_2275 = vector.extract_strided_slice %get3A_2274 {offsets = [0], sizes = [1], strides = [1]} : vector<16xi32> to vector<1xi32>
    %squeeze3A_2276 = vector.extract %slice3A_2275[0] : i32 from vector<1xi32>
    %jit3A_2277 = arith.constant 128 : i32
    %div3A_2278 = arith.divsi %squeeze3A_2276, %jit3A_2277 : i32
    %sign3A_2279 = arith.constant 0 : i32
    %sign3A_2280 = arith.cmpi sgt, %squeeze3A_2276, %sign3A_2279 : i32
    %sign3A_2281 = arith.extui %sign3A_2280 : i1 to i32
    %sign3A_2282 = arith.constant 0 : i32
    %sign3A_2283 = arith.cmpi slt, %squeeze3A_2276, %sign3A_2282 : i32
    %sign3A_2284 = arith.extui %sign3A_2283 : i1 to i32
    %sign3A_2285 = arith.subi %sign3A_2281, %sign3A_2284 : i32
    %sign3A_2286 = arith.constant 0 : i32
    %sign3A_2287 = arith.cmpi sgt, %jit3A_2277, %sign3A_2286 : i32
    %sign3A_2288 = arith.extui %sign3A_2287 : i1 to i32
    %sign3A_2289 = arith.constant 0 : i32
    %sign3A_2290 = arith.cmpi slt, %jit3A_2277, %sign3A_2289 : i32
    %sign3A_2291 = arith.extui %sign3A_2290 : i1 to i32
    %sign3A_2292 = arith.subi %sign3A_2288, %sign3A_2291 : i32
    %ne3A_2293 = arith.cmpi ne, %sign3A_2285, %sign3A_2292 : i32
    %rem3A_2294 = arith.remsi %squeeze3A_2276, %jit3A_2277 : i32
    %ne3A_2295 = arith.constant 0 : i32
    %ne3A_2296 = arith.cmpi ne, %rem3A_2294, %ne3A_2295 : i32
    %and3A_2297 = arith.andi %ne3A_2293, %ne3A_2296 : i1
    %sub3A_2298 = arith.constant 1 : i32
    %sub3A_2299 = arith.subi %div3A_2278, %sub3A_2298 : i32
    %select_n3A_2300 = arith.select %and3A_2297, %sub3A_2299, %div3A_2278 : i32
    %mul3A_2301 = arith.constant 128 : i32
    %mul3A_2302 = arith.muli %select_n3A_2300, %mul3A_2301 : i32
    %multiple_of3A_2303 = tpu.assume_multiple %mul3A_2302, 128 : i32
    %sub3A_2304 = arith.subi %squeeze3A_2276, %multiple_of3A_2303 : i32
    %iota3A_2305 = tpu.iota {dimensions = array<i32: 0>} : vector<16xi32>
    %add3A_2306 = arith.constant 0 : i32
    %add3A_2307 = vector.broadcast %add3A_2306 : i32 to vector<16xi32>
    %add3A_2308 = arith.addi %add3A_2307, %iota3A_2305 : vector<16xi32>
    %eq3A_2309 = vector.broadcast %sub3A_2304 : i32 to vector<16xi32>
    %eq3A_2310 = arith.cmpi eq, %add3A_2308, %eq3A_2309 : vector<16xi32>
    %jit3A_2311 = arith.constant 0.000000e+00 : f32
    %broadcast_in_dim3A_2312 = vector.broadcast %squeeze3A : f32 to vector<16xf32>
    %broadcast_in_dim3A_2313 = vector.broadcast %jit3A_2311 : f32 to vector<16xf32>
    %select_n3A_2314 = arith.select %eq3A_2310, %broadcast_in_dim3A_2312, %broadcast_in_dim3A_2313 : vector<16xi1>, vector<16xf32>
    %swap3A_2315 = arith.constant 11 : i32
    %swap3A_2316 = arith.index_cast %swap3A_2315 : i32 to index
    %swap3A_2317 = arith.constant 0 : index
    %swap3A_2318 = tpu.vector_load %arg6[%swap3A_2316, %swap3A_2317] {strides = array<i32>} : memref<13x128xf32, #tpu.memory_space<vmem>>, vector<16xf32>,
    tpu.vector_store %arg6[%swap3A_2316, %swap3A_2317], %select_n3A_2314 {strides = array<i32>} : memref<13x128xf32, #tpu.memory_space<vmem>>, vector<16xf32>,
    %iota3A_2319 = tpu.iota {dimensions = array<i32: 0>} : vector<16xi32>
    %add3A_2320 = arith.constant 16 : i32
    %add3A_2321 = vector.broadcast %add3A_2320 : i32 to vector<16xi32>
    %add3A_2322 = arith.addi %add3A_2321, %iota3A_2319 : vector<16xi32>
    %eq3A_2323 = vector.broadcast %sub3A_2304 : i32 to vector<16xi32>
    %eq3A_2324 = arith.cmpi eq, %add3A_2322, %eq3A_2323 : vector<16xi32>
    %jit3A_2325 = arith.constant 0.000000e+00 : f32
    %broadcast_in_dim3A_2326 = vector.broadcast %squeeze3A : f32 to vector<16xf32>
    %broadcast_in_dim3A_2327 = vector.broadcast %jit3A_2325 : f32 to vector<16xf32>
    %select_n3A_2328 = arith.select %eq3A_2324, %broadcast_in_dim3A_2326, %broadcast_in_dim3A_2327 : vector<16xi1>, vector<16xf32>
    %swap3A_2329 = arith.constant 11 : i32
    %swap3A_2330 = arith.index_cast %swap3A_2329 : i32 to index
    %swap3A_2331 = arith.constant 16 : index
    %swap3A_2332 = tpu.vector_load %arg6[%swap3A_2330, %swap3A_2331] {strides = array<i32>} : memref<13x128xf32, #tpu.memory_space<vmem>>, vector<16xf32>,
    tpu.vector_store %arg6[%swap3A_2330, %swap3A_2331], %select_n3A_2328 {strides = array<i32>} : memref<13x128xf32, #tpu.memory_space<vmem>>, vector<16xf32>,
    %iota3A_2333 = tpu.iota {dimensions = array<i32: 0>} : vector<16xi32>
    %add3A_2334 = arith.constant 32 : i32
    %add3A_2335 = vector.broadcast %add3A_2334 : i32 to vector<16xi32>
    %add3A_2336 = arith.addi %add3A_2335, %iota3A_2333 : vector<16xi32>
    %eq3A_2337 = vector.broadcast %sub3A_2304 : i32 to vector<16xi32>
    %eq3A_2338 = arith.cmpi eq, %add3A_2336, %eq3A_2337 : vector<16xi32>
    %jit3A_2339 = arith.constant 0.000000e+00 : f32
    %broadcast_in_dim3A_2340 = vector.broadcast %squeeze3A : f32 to vector<16xf32>
    %broadcast_in_dim3A_2341 = vector.broadcast %jit3A_2339 : f32 to vector<16xf32>
    %select_n3A_2342 = arith.select %eq3A_2338, %broadcast_in_dim3A_2340, %broadcast_in_dim3A_2341 : vector<16xi1>, vector<16xf32>
    %swap3A_2343 = arith.constant 11 : i32
    %swap3A_2344 = arith.index_cast %swap3A_2343 : i32 to index
    %swap3A_2345 = arith.constant 32 : index
    %swap3A_2346 = tpu.vector_load %arg6[%swap3A_2344, %swap3A_2345] {strides = array<i32>} : memref<13x128xf32, #tpu.memory_space<vmem>>, vector<16xf32>,
    tpu.vector_store %arg6[%swap3A_2344, %swap3A_2345], %select_n3A_2342 {strides = array<i32>} : memref<13x128xf32, #tpu.memory_space<vmem>>, vector<16xf32>,
    %iota3A_2347 = tpu.iota {dimensions = array<i32: 0>} : vector<16xi32>
    %add3A_2348 = arith.constant 48 : i32
    %add3A_2349 = vector.broadcast %add3A_2348 : i32 to vector<16xi32>
    %add3A_2350 = arith.addi %add3A_2349, %iota3A_2347 : vector<16xi32>
    %eq3A_2351 = vector.broadcast %sub3A_2304 : i32 to vector<16xi32>
    %eq3A_2352 = arith.cmpi eq, %add3A_2350, %eq3A_2351 : vector<16xi32>
    %jit3A_2353 = arith.constant 0.000000e+00 : f32
    %broadcast_in_dim3A_2354 = vector.broadcast %squeeze3A : f32 to vector<16xf32>
    %broadcast_in_dim3A_2355 = vector.broadcast %jit3A_2353 : f32 to vector<16xf32>
    %select_n3A_2356 = arith.select %eq3A_2352, %broadcast_in_dim3A_2354, %broadcast_in_dim3A_2355 : vector<16xi1>, vector<16xf32>
    %swap3A_2357 = arith.constant 11 : i32
    %swap3A_2358 = arith.index_cast %swap3A_2357 : i32 to index
    %swap3A_2359 = arith.constant 48 : index
    %swap3A_2360 = tpu.vector_load %arg6[%swap3A_2358, %swap3A_2359] {strides = array<i32>} : memref<13x128xf32, #tpu.memory_space<vmem>>, vector<16xf32>,
    tpu.vector_store %arg6[%swap3A_2358, %swap3A_2359], %select_n3A_2356 {strides = array<i32>} : memref<13x128xf32, #tpu.memory_space<vmem>>, vector<16xf32>,
    %iota3A_2361 = tpu.iota {dimensions = array<i32: 0>} : vector<16xi32>
    %add3A_2362 = arith.constant 64 : i32
    %add3A_2363 = vector.broadcast %add3A_2362 : i32 to vector<16xi32>
    %add3A_2364 = arith.addi %add3A_2363, %iota3A_2361 : vector<16xi32>
    %eq3A_2365 = vector.broadcast %sub3A_2304 : i32 to vector<16xi32>
    %eq3A_2366 = arith.cmpi eq, %add3A_2364, %eq3A_2365 : vector<16xi32>
    %jit3A_2367 = arith.constant 0.000000e+00 : f32
    %broadcast_in_dim3A_2368 = vector.broadcast %squeeze3A : f32 to vector<16xf32>
    %broadcast_in_dim3A_2369 = vector.broadcast %jit3A_2367 : f32 to vector<16xf32>
    %select_n3A_2370 = arith.select %eq3A_2366, %broadcast_in_dim3A_2368, %broadcast_in_dim3A_2369 : vector<16xi1>, vector<16xf32>
    %swap3A_2371 = arith.constant 11 : i32
    %swap3A_2372 = arith.index_cast %swap3A_2371 : i32 to index
    %swap3A_2373 = arith.constant 64 : index
    %swap3A_2374 = tpu.vector_load %arg6[%swap3A_2372, %swap3A_2373] {strides = array<i32>} : memref<13x128xf32, #tpu.memory_space<vmem>>, vector<16xf32>,
    tpu.vector_store %arg6[%swap3A_2372, %swap3A_2373], %select_n3A_2370 {strides = array<i32>} : memref<13x128xf32, #tpu.memory_space<vmem>>, vector<16xf32>,
    %iota3A_2375 = tpu.iota {dimensions = array<i32: 0>} : vector<16xi32>
    %add3A_2376 = arith.constant 80 : i32
    %add3A_2377 = vector.broadcast %add3A_2376 : i32 to vector<16xi32>
    %add3A_2378 = arith.addi %add3A_2377, %iota3A_2375 : vector<16xi32>
    %eq3A_2379 = vector.broadcast %sub3A_2304 : i32 to vector<16xi32>
    %eq3A_2380 = arith.cmpi eq, %add3A_2378, %eq3A_2379 : vector<16xi32>
    %jit3A_2381 = arith.constant 0.000000e+00 : f32
    %broadcast_in_dim3A_2382 = vector.broadcast %squeeze3A : f32 to vector<16xf32>
    %broadcast_in_dim3A_2383 = vector.broadcast %jit3A_2381 : f32 to vector<16xf32>
    %select_n3A_2384 = arith.select %eq3A_2380, %broadcast_in_dim3A_2382, %broadcast_in_dim3A_2383 : vector<16xi1>, vector<16xf32>
    %swap3A_2385 = arith.constant 11 : i32
    %swap3A_2386 = arith.index_cast %swap3A_2385 : i32 to index
    %swap3A_2387 = arith.constant 80 : index
    %swap3A_2388 = tpu.vector_load %arg6[%swap3A_2386, %swap3A_2387] {strides = array<i32>} : memref<13x128xf32, #tpu.memory_space<vmem>>, vector<16xf32>,
    tpu.vector_store %arg6[%swap3A_2386, %swap3A_2387], %select_n3A_2384 {strides = array<i32>} : memref<13x128xf32, #tpu.memory_space<vmem>>, vector<16xf32>,
    %iota3A_2389 = tpu.iota {dimensions = array<i32: 0>} : vector<16xi32>
    %add3A_2390 = arith.constant 96 : i32
    %add3A_2391 = vector.broadcast %add3A_2390 : i32 to vector<16xi32>
    %add3A_2392 = arith.addi %add3A_2391, %iota3A_2389 : vector<16xi32>
    %eq3A_2393 = vector.broadcast %sub3A_2304 : i32 to vector<16xi32>
    %eq3A_2394 = arith.cmpi eq, %add3A_2392, %eq3A_2393 : vector<16xi32>
    %jit3A_2395 = arith.constant 0.000000e+00 : f32
    %broadcast_in_dim3A_2396 = vector.broadcast %squeeze3A : f32 to vector<16xf32>
    %broadcast_in_dim3A_2397 = vector.broadcast %jit3A_2395 : f32 to vector<16xf32>
    %select_n3A_2398 = arith.select %eq3A_2394, %broadcast_in_dim3A_2396, %broadcast_in_dim3A_2397 : vector<16xi1>, vector<16xf32>
    %swap3A_2399 = arith.constant 11 : i32
    %swap3A_2400 = arith.index_cast %swap3A_2399 : i32 to index
    %swap3A_2401 = arith.constant 96 : index
    %swap3A_2402 = tpu.vector_load %arg6[%swap3A_2400, %swap3A_2401] {strides = array<i32>} : memref<13x128xf32, #tpu.memory_space<vmem>>, vector<16xf32>,
    tpu.vector_store %arg6[%swap3A_2400, %swap3A_2401], %select_n3A_2398 {strides = array<i32>} : memref<13x128xf32, #tpu.memory_space<vmem>>, vector<16xf32>,
    %iota3A_2403 = tpu.iota {dimensions = array<i32: 0>} : vector<16xi32>
    %add3A_2404 = arith.constant 112 : i32
    %add3A_2405 = vector.broadcast %add3A_2404 : i32 to vector<16xi32>
    %add3A_2406 = arith.addi %add3A_2405, %iota3A_2403 : vector<16xi32>
    %eq3A_2407 = vector.broadcast %sub3A_2304 : i32 to vector<16xi32>
    %eq3A_2408 = arith.cmpi eq, %add3A_2406, %eq3A_2407 : vector<16xi32>
    %jit3A_2409 = arith.constant 0.000000e+00 : f32
    %broadcast_in_dim3A_2410 = vector.broadcast %squeeze3A : f32 to vector<16xf32>
    %broadcast_in_dim3A_2411 = vector.broadcast %jit3A_2409 : f32 to vector<16xf32>
    %select_n3A_2412 = arith.select %eq3A_2408, %broadcast_in_dim3A_2410, %broadcast_in_dim3A_2411 : vector<16xi1>, vector<16xf32>
    %swap3A_2413 = arith.constant 11 : i32
    %swap3A_2414 = arith.index_cast %swap3A_2413 : i32 to index
    %swap3A_2415 = arith.constant 112 : index
    %swap3A_2416 = tpu.vector_load %arg6[%swap3A_2414, %swap3A_2415] {strides = array<i32>} : memref<13x128xf32, #tpu.memory_space<vmem>>, vector<16xf32>,
    tpu.vector_store %arg6[%swap3A_2414, %swap3A_2415], %select_n3A_2412 {strides = array<i32>} : memref<13x128xf32, #tpu.memory_space<vmem>>, vector<16xf32>,
    %jit3A_2417 = arith.constant 50048 : i32
    %div3A_2418 = arith.divsi %squeeze3A_2276, %jit3A_2417 : i32
    %sign3A_2419 = arith.constant 0 : i32
    %sign3A_2420 = arith.cmpi sgt, %squeeze3A_2276, %sign3A_2419 : i32
    %sign3A_2421 = arith.extui %sign3A_2420 : i1 to i32
    %sign3A_2422 = arith.constant 0 : i32
    %sign3A_2423 = arith.cmpi slt, %squeeze3A_2276, %sign3A_2422 : i32
    %sign3A_2424 = arith.extui %sign3A_2423 : i1 to i32
    %sign3A_2425 = arith.subi %sign3A_2421, %sign3A_2424 : i32
    %sign3A_2426 = arith.constant 0 : i32
    %sign3A_2427 = arith.cmpi sgt, %jit3A_2417, %sign3A_2426 : i32
    %sign3A_2428 = arith.extui %sign3A_2427 : i1 to i32
    %sign3A_2429 = arith.constant 0 : i32
    %sign3A_2430 = arith.cmpi slt, %jit3A_2417, %sign3A_2429 : i32
    %sign3A_2431 = arith.extui %sign3A_2430 : i1 to i32
    %sign3A_2432 = arith.subi %sign3A_2428, %sign3A_2431 : i32
    %ne3A_2433 = arith.cmpi ne, %sign3A_2425, %sign3A_2432 : i32
    %rem3A_2434 = arith.remsi %squeeze3A_2276, %jit3A_2417 : i32
    %ne3A_2435 = arith.constant 0 : i32
    %ne3A_2436 = arith.cmpi ne, %rem3A_2434, %ne3A_2435 : i32
    %and3A_2437 = arith.andi %ne3A_2433, %ne3A_2436 : i1
    %sub3A_2438 = arith.constant 1 : i32
    %sub3A_2439 = arith.subi %div3A_2418, %sub3A_2438 : i32
    %select_n3A_2440 = arith.select %and3A_2437, %sub3A_2439, %div3A_2418 : i32
    %eq3A_2441 = arith.constant 1 : i32
    %eq3A_2442 = arith.cmpi eq, %select_n3A_2440, %eq3A_2441 : i32
    %get3A_2443 = arith.index_cast %add3A_72 : i32 to index
    %get3A_2444 = tpu.vector_load %arg7[%get3A_2443] {strides = array<i32>} : memref<224xi32, #tpu.memory_space<vmem>>, vector<16xi32>,
    %slice3A_2445 = vector.extract_strided_slice %get3A_2444 {offsets = [0], sizes = [1], strides = [1]} : vector<16xi32> to vector<1xi32>
    %squeeze3A_2446 = vector.extract %slice3A_2445[0] : i32 from vector<1xi32>
    %jit3A_2447 = arith.constant 128 : i32
    %div3A_2448 = arith.divsi %squeeze3A_2446, %jit3A_2447 : i32
    %sign3A_2449 = arith.constant 0 : i32
    %sign3A_2450 = arith.cmpi sgt, %squeeze3A_2446, %sign3A_2449 : i32
    %sign3A_2451 = arith.extui %sign3A_2450 : i1 to i32
    %sign3A_2452 = arith.constant 0 : i32
    %sign3A_2453 = arith.cmpi slt, %squeeze3A_2446, %sign3A_2452 : i32
    %sign3A_2454 = arith.extui %sign3A_2453 : i1 to i32
    %sign3A_2455 = arith.subi %sign3A_2451, %sign3A_2454 : i32
    %sign3A_2456 = arith.constant 0 : i32
    %sign3A_2457 = arith.cmpi sgt, %jit3A_2447, %sign3A_2456 : i32
    %sign3A_2458 = arith.extui %sign3A_2457 : i1 to i32
    %sign3A_2459 = arith.constant 0 : i32
    %sign3A_2460 = arith.cmpi slt, %jit3A_2447, %sign3A_2459 : i32
    %sign3A_2461 = arith.extui %sign3A_2460 : i1 to i32
    %sign3A_2462 = arith.subi %sign3A_2458, %sign3A_2461 : i32
    %ne3A_2463 = arith.cmpi ne, %sign3A_2455, %sign3A_2462 : i32
    %rem3A_2464 = arith.remsi %squeeze3A_2446, %jit3A_2447 : i32
    %ne3A_2465 = arith.constant 0 : i32
    %ne3A_2466 = arith.cmpi ne, %rem3A_2464, %ne3A_2465 : i32
    %and3A_2467 = arith.andi %ne3A_2463, %ne3A_2466 : i1
    %sub3A_2468 = arith.constant 1 : i32
    %sub3A_2469 = arith.subi %div3A_2448, %sub3A_2468 : i32
    %select_n3A_2470 = arith.select %and3A_2467, %sub3A_2469, %div3A_2448 : i32
    %mul3A_2471 = arith.constant 128 : i32
    %mul3A_2472 = arith.muli %select_n3A_2470, %mul3A_2471 : i32
    %multiple_of3A_2473 = tpu.assume_multiple %mul3A_2472, 128 : i32
    %sub3A_2474 = arith.subi %squeeze3A_2446, %multiple_of3A_2473 : i32
    %iota3A_2475 = tpu.iota {dimensions = array<i32: 0>} : vector<16xi32>
    %add3A_2476 = arith.constant 0 : i32
    %add3A_2477 = vector.broadcast %add3A_2476 : i32 to vector<16xi32>
    %add3A_2478 = arith.addi %add3A_2477, %iota3A_2475 : vector<16xi32>
    %eq3A_2479 = vector.broadcast %sub3A_2474 : i32 to vector<16xi32>
    %eq3A_2480 = arith.cmpi eq, %add3A_2478, %eq3A_2479 : vector<16xi32>
    %jit3A_2481 = arith.constant 0.000000e+00 : f32
    %broadcast_in_dim3A_2482 = vector.broadcast %squeeze3A : f32 to vector<16xf32>
    %broadcast_in_dim3A_2483 = vector.broadcast %jit3A_2481 : f32 to vector<16xf32>
    %select_n3A_2484 = arith.select %eq3A_2480, %broadcast_in_dim3A_2482, %broadcast_in_dim3A_2483 : vector<16xi1>, vector<16xf32>
    %swap3A_2485 = arith.constant 12 : i32
    %swap3A_2486 = arith.index_cast %swap3A_2485 : i32 to index
    %swap3A_2487 = arith.constant 0 : index
    %swap3A_2488 = tpu.vector_load %arg6[%swap3A_2486, %swap3A_2487] {strides = array<i32>} : memref<13x128xf32, #tpu.memory_space<vmem>>, vector<16xf32>,
    tpu.vector_store %arg6[%swap3A_2486, %swap3A_2487], %select_n3A_2484 {strides = array<i32>} : memref<13x128xf32, #tpu.memory_space<vmem>>, vector<16xf32>,
    %iota3A_2489 = tpu.iota {dimensions = array<i32: 0>} : vector<16xi32>
    %add3A_2490 = arith.constant 16 : i32
    %add3A_2491 = vector.broadcast %add3A_2490 : i32 to vector<16xi32>
    %add3A_2492 = arith.addi %add3A_2491, %iota3A_2489 : vector<16xi32>
    %eq3A_2493 = vector.broadcast %sub3A_2474 : i32 to vector<16xi32>
    %eq3A_2494 = arith.cmpi eq, %add3A_2492, %eq3A_2493 : vector<16xi32>
    %jit3A_2495 = arith.constant 0.000000e+00 : f32
    %broadcast_in_dim3A_2496 = vector.broadcast %squeeze3A : f32 to vector<16xf32>
    %broadcast_in_dim3A_2497 = vector.broadcast %jit3A_2495 : f32 to vector<16xf32>
    %select_n3A_2498 = arith.select %eq3A_2494, %broadcast_in_dim3A_2496, %broadcast_in_dim3A_2497 : vector<16xi1>, vector<16xf32>
    %swap3A_2499 = arith.constant 12 : i32
    %swap3A_2500 = arith.index_cast %swap3A_2499 : i32 to index
    %swap3A_2501 = arith.constant 16 : index
    %swap3A_2502 = tpu.vector_load %arg6[%swap3A_2500, %swap3A_2501] {strides = array<i32>} : memref<13x128xf32, #tpu.memory_space<vmem>>, vector<16xf32>,
    tpu.vector_store %arg6[%swap3A_2500, %swap3A_2501], %select_n3A_2498 {strides = array<i32>} : memref<13x128xf32, #tpu.memory_space<vmem>>, vector<16xf32>,
    %iota3A_2503 = tpu.iota {dimensions = array<i32: 0>} : vector<16xi32>
    %add3A_2504 = arith.constant 32 : i32
    %add3A_2505 = vector.broadcast %add3A_2504 : i32 to vector<16xi32>
    %add3A_2506 = arith.addi %add3A_2505, %iota3A_2503 : vector<16xi32>
    %eq3A_2507 = vector.broadcast %sub3A_2474 : i32 to vector<16xi32>
    %eq3A_2508 = arith.cmpi eq, %add3A_2506, %eq3A_2507 : vector<16xi32>
    %jit3A_2509 = arith.constant 0.000000e+00 : f32
    %broadcast_in_dim3A_2510 = vector.broadcast %squeeze3A : f32 to vector<16xf32>
    %broadcast_in_dim3A_2511 = vector.broadcast %jit3A_2509 : f32 to vector<16xf32>
    %select_n3A_2512 = arith.select %eq3A_2508, %broadcast_in_dim3A_2510, %broadcast_in_dim3A_2511 : vector<16xi1>, vector<16xf32>
    %swap3A_2513 = arith.constant 12 : i32
    %swap3A_2514 = arith.index_cast %swap3A_2513 : i32 to index
    %swap3A_2515 = arith.constant 32 : index
    %swap3A_2516 = tpu.vector_load %arg6[%swap3A_2514, %swap3A_2515] {strides = array<i32>} : memref<13x128xf32, #tpu.memory_space<vmem>>, vector<16xf32>,
    tpu.vector_store %arg6[%swap3A_2514, %swap3A_2515], %select_n3A_2512 {strides = array<i32>} : memref<13x128xf32, #tpu.memory_space<vmem>>, vector<16xf32>,
    %iota3A_2517 = tpu.iota {dimensions = array<i32: 0>} : vector<16xi32>
    %add3A_2518 = arith.constant 48 : i32
    %add3A_2519 = vector.broadcast %add3A_2518 : i32 to vector<16xi32>
    %add3A_2520 = arith.addi %add3A_2519, %iota3A_2517 : vector<16xi32>
    %eq3A_2521 = vector.broadcast %sub3A_2474 : i32 to vector<16xi32>
    %eq3A_2522 = arith.cmpi eq, %add3A_2520, %eq3A_2521 : vector<16xi32>
    %jit3A_2523 = arith.constant 0.000000e+00 : f32
    %broadcast_in_dim3A_2524 = vector.broadcast %squeeze3A : f32 to vector<16xf32>
    %broadcast_in_dim3A_2525 = vector.broadcast %jit3A_2523 : f32 to vector<16xf32>
    %select_n3A_2526 = arith.select %eq3A_2522, %broadcast_in_dim3A_2524, %broadcast_in_dim3A_2525 : vector<16xi1>, vector<16xf32>
    %swap3A_2527 = arith.constant 12 : i32
    %swap3A_2528 = arith.index_cast %swap3A_2527 : i32 to index
    %swap3A_2529 = arith.constant 48 : index
    %swap3A_2530 = tpu.vector_load %arg6[%swap3A_2528, %swap3A_2529] {strides = array<i32>} : memref<13x128xf32, #tpu.memory_space<vmem>>, vector<16xf32>,
    tpu.vector_store %arg6[%swap3A_2528, %swap3A_2529], %select_n3A_2526 {strides = array<i32>} : memref<13x128xf32, #tpu.memory_space<vmem>>, vector<16xf32>,
    %iota3A_2531 = tpu.iota {dimensions = array<i32: 0>} : vector<16xi32>
    %add3A_2532 = arith.constant 64 : i32
    %add3A_2533 = vector.broadcast %add3A_2532 : i32 to vector<16xi32>
    %add3A_2534 = arith.addi %add3A_2533, %iota3A_2531 : vector<16xi32>
    %eq3A_2535 = vector.broadcast %sub3A_2474 : i32 to vector<16xi32>
    %eq3A_2536 = arith.cmpi eq, %add3A_2534, %eq3A_2535 : vector<16xi32>
    %jit3A_2537 = arith.constant 0.000000e+00 : f32
    %broadcast_in_dim3A_2538 = vector.broadcast %squeeze3A : f32 to vector<16xf32>
    %broadcast_in_dim3A_2539 = vector.broadcast %jit3A_2537 : f32 to vector<16xf32>
    %select_n3A_2540 = arith.select %eq3A_2536, %broadcast_in_dim3A_2538, %broadcast_in_dim3A_2539 : vector<16xi1>, vector<16xf32>
    %swap3A_2541 = arith.constant 12 : i32
    %swap3A_2542 = arith.index_cast %swap3A_2541 : i32 to index
    %swap3A_2543 = arith.constant 64 : index
    %swap3A_2544 = tpu.vector_load %arg6[%swap3A_2542, %swap3A_2543] {strides = array<i32>} : memref<13x128xf32, #tpu.memory_space<vmem>>, vector<16xf32>,
    tpu.vector_store %arg6[%swap3A_2542, %swap3A_2543], %select_n3A_2540 {strides = array<i32>} : memref<13x128xf32, #tpu.memory_space<vmem>>, vector<16xf32>,
    %iota3A_2545 = tpu.iota {dimensions = array<i32: 0>} : vector<16xi32>
    %add3A_2546 = arith.constant 80 : i32
    %add3A_2547 = vector.broadcast %add3A_2546 : i32 to vector<16xi32>
    %add3A_2548 = arith.addi %add3A_2547, %iota3A_2545 : vector<16xi32>
    %eq3A_2549 = vector.broadcast %sub3A_2474 : i32 to vector<16xi32>
    %eq3A_2550 = arith.cmpi eq, %add3A_2548, %eq3A_2549 : vector<16xi32>
    %jit3A_2551 = arith.constant 0.000000e+00 : f32
    %broadcast_in_dim3A_2552 = vector.broadcast %squeeze3A : f32 to vector<16xf32>
    %broadcast_in_dim3A_2553 = vector.broadcast %jit3A_2551 : f32 to vector<16xf32>
    %select_n3A_2554 = arith.select %eq3A_2550, %broadcast_in_dim3A_2552, %broadcast_in_dim3A_2553 : vector<16xi1>, vector<16xf32>
    %swap3A_2555 = arith.constant 12 : i32
    %swap3A_2556 = arith.index_cast %swap3A_2555 : i32 to index
    %swap3A_2557 = arith.constant 80 : index
    %swap3A_2558 = tpu.vector_load %arg6[%swap3A_2556, %swap3A_2557] {strides = array<i32>} : memref<13x128xf32, #tpu.memory_space<vmem>>, vector<16xf32>,
    tpu.vector_store %arg6[%swap3A_2556, %swap3A_2557], %select_n3A_2554 {strides = array<i32>} : memref<13x128xf32, #tpu.memory_space<vmem>>, vector<16xf32>,
    %iota3A_2559 = tpu.iota {dimensions = array<i32: 0>} : vector<16xi32>
    %add3A_2560 = arith.constant 96 : i32
    %add3A_2561 = vector.broadcast %add3A_2560 : i32 to vector<16xi32>
    %add3A_2562 = arith.addi %add3A_2561, %iota3A_2559 : vector<16xi32>
    %eq3A_2563 = vector.broadcast %sub3A_2474 : i32 to vector<16xi32>
    %eq3A_2564 = arith.cmpi eq, %add3A_2562, %eq3A_2563 : vector<16xi32>
    %jit3A_2565 = arith.constant 0.000000e+00 : f32
    %broadcast_in_dim3A_2566 = vector.broadcast %squeeze3A : f32 to vector<16xf32>
    %broadcast_in_dim3A_2567 = vector.broadcast %jit3A_2565 : f32 to vector<16xf32>
    %select_n3A_2568 = arith.select %eq3A_2564, %broadcast_in_dim3A_2566, %broadcast_in_dim3A_2567 : vector<16xi1>, vector<16xf32>
    %swap3A_2569 = arith.constant 12 : i32
    %swap3A_2570 = arith.index_cast %swap3A_2569 : i32 to index
    %swap3A_2571 = arith.constant 96 : index
    %swap3A_2572 = tpu.vector_load %arg6[%swap3A_2570, %swap3A_2571] {strides = array<i32>} : memref<13x128xf32, #tpu.memory_space<vmem>>, vector<16xf32>,
    tpu.vector_store %arg6[%swap3A_2570, %swap3A_2571], %select_n3A_2568 {strides = array<i32>} : memref<13x128xf32, #tpu.memory_space<vmem>>, vector<16xf32>,
    %iota3A_2573 = tpu.iota {dimensions = array<i32: 0>} : vector<16xi32>
    %add3A_2574 = arith.constant 112 : i32
    %add3A_2575 = vector.broadcast %add3A_2574 : i32 to vector<16xi32>
    %add3A_2576 = arith.addi %add3A_2575, %iota3A_2573 : vector<16xi32>
    %eq3A_2577 = vector.broadcast %sub3A_2474 : i32 to vector<16xi32>
    %eq3A_2578 = arith.cmpi eq, %add3A_2576, %eq3A_2577 : vector<16xi32>
    %jit3A_2579 = arith.constant 0.000000e+00 : f32
    %broadcast_in_dim3A_2580 = vector.broadcast %squeeze3A : f32 to vector<16xf32>
    %broadcast_in_dim3A_2581 = vector.broadcast %jit3A_2579 : f32 to vector<16xf32>
    %select_n3A_2582 = arith.select %eq3A_2578, %broadcast_in_dim3A_2580, %broadcast_in_dim3A_2581 : vector<16xi1>, vector<16xf32>
    %swap3A_2583 = arith.constant 12 : i32
    %swap3A_2584 = arith.index_cast %swap3A_2583 : i32 to index
    %swap3A_2585 = arith.constant 112 : index
    %swap3A_2586 = tpu.vector_load %arg6[%swap3A_2584, %swap3A_2585] {strides = array<i32>} : memref<13x128xf32, #tpu.memory_space<vmem>>, vector<16xf32>,
    tpu.vector_store %arg6[%swap3A_2584, %swap3A_2585], %select_n3A_2582 {strides = array<i32>} : memref<13x128xf32, #tpu.memory_space<vmem>>, vector<16xf32>,
    %jit3A_2587 = arith.constant 50048 : i32
    %div3A_2588 = arith.divsi %squeeze3A_2446, %jit3A_2587 : i32
    %sign3A_2589 = arith.constant 0 : i32
    %sign3A_2590 = arith.cmpi sgt, %squeeze3A_2446, %sign3A_2589 : i32
    %sign3A_2591 = arith.extui %sign3A_2590 : i1 to i32
    %sign3A_2592 = arith.constant 0 : i32
    %sign3A_2593 = arith.cmpi slt, %squeeze3A_2446, %sign3A_2592 : i32
    %sign3A_2594 = arith.extui %sign3A_2593 : i1 to i32
    %sign3A_2595 = arith.subi %sign3A_2591, %sign3A_2594 : i32
    %sign3A_2596 = arith.constant 0 : i32
    %sign3A_2597 = arith.cmpi sgt, %jit3A_2587, %sign3A_2596 : i32
    %sign3A_2598 = arith.extui %sign3A_2597 : i1 to i32
    %sign3A_2599 = arith.constant 0 : i32
    %sign3A_2600 = arith.cmpi slt, %jit3A_2587, %sign3A_2599 : i32
    %sign3A_2601 = arith.extui %sign3A_2600 : i1 to i32
    %sign3A_2602 = arith.subi %sign3A_2598, %sign3A_2601 : i32
    %ne3A_2603 = arith.cmpi ne, %sign3A_2595, %sign3A_2602 : i32
    %rem3A_2604 = arith.remsi %squeeze3A_2446, %jit3A_2587 : i32
    %ne3A_2605 = arith.constant 0 : i32
    %ne3A_2606 = arith.cmpi ne, %rem3A_2604, %ne3A_2605 : i32
    %and3A_2607 = arith.andi %ne3A_2603, %ne3A_2606 : i1
    %sub3A_2608 = arith.constant 1 : i32
    %sub3A_2609 = arith.subi %div3A_2588, %sub3A_2608 : i32
    %select_n3A_2610 = arith.select %and3A_2607, %sub3A_2609, %div3A_2588 : i32
    %eq3A_2611 = arith.cmpi eq, %select_n3A_2610, %select_n3A_110 : i32
    %jit3A_2612 = arith.constant 128 : i32
    %div3A_2613 = arith.divsi %squeeze3A_2446, %jit3A_2612 : i32
    %sign3A_2614 = arith.constant 0 : i32
    %sign3A_2615 = arith.cmpi sgt, %squeeze3A_2446, %sign3A_2614 : i32
    %sign3A_2616 = arith.extui %sign3A_2615 : i1 to i32
    %sign3A_2617 = arith.constant 0 : i32
    %sign3A_2618 = arith.cmpi slt, %squeeze3A_2446, %sign3A_2617 : i32
    %sign3A_2619 = arith.extui %sign3A_2618 : i1 to i32
    %sign3A_2620 = arith.subi %sign3A_2616, %sign3A_2619 : i32
    %sign3A_2621 = arith.constant 0 : i32
    %sign3A_2622 = arith.cmpi sgt, %jit3A_2612, %sign3A_2621 : i32
    %sign3A_2623 = arith.extui %sign3A_2622 : i1 to i32
    %sign3A_2624 = arith.constant 0 : i32
    %sign3A_2625 = arith.cmpi slt, %jit3A_2612, %sign3A_2624 : i32
    %sign3A_2626 = arith.extui %sign3A_2625 : i1 to i32
    %sign3A_2627 = arith.subi %sign3A_2623, %sign3A_2626 : i32
    %ne3A_2628 = arith.cmpi ne, %sign3A_2620, %sign3A_2627 : i32
    %rem3A_2629 = arith.remsi %squeeze3A_2446, %jit3A_2612 : i32
    %ne3A_2630 = arith.constant 0 : i32
    %ne3A_2631 = arith.cmpi ne, %rem3A_2629, %ne3A_2630 : i32
    %and3A_2632 = arith.andi %ne3A_2628, %ne3A_2631 : i1
    %sub3A_2633 = arith.constant 1 : i32
    %sub3A_2634 = arith.subi %div3A_2613, %sub3A_2633 : i32
    %select_n3A_2635 = arith.select %and3A_2632, %sub3A_2634, %div3A_2613 : i32
    %mul3A_2636 = arith.constant 391 : i32
    %mul3A_2637 = arith.muli %select_n3A_110, %mul3A_2636 : i32
    %sub3A_2638 = arith.subi %select_n3A_2635, %mul3A_2637 : i32
    %ge3A = arith.constant 195 : i32
    %ge3A_2639 = arith.cmpi sge, %sub3A_2638, %ge3A : i32
    %eq3A_2640 = arith.constant 1 : i32
    %eq3A_2641 = arith.cmpi eq, %select_n3A_126, %eq3A_2640 : i32
    %eq3A_2642 = arith.xori %ge3A_2639, %eq3A_2641 : i1
    %eq3A_2643 = arith.constant true
    %eq3A_2644 = arith.xori %eq3A_2642, %eq3A_2643 : i1
    %and3A_2645 = arith.andi %eq3A_2611, %eq3A_2644 : i1
    %dma_wait3A = arith.constant 0 : i32
    %dma_wait3A_2646 = arith.constant 0 : i32
    %dma_wait3A_2647 = tpu.memref_slice %arg5[%dma_wait3A_2646] : memref<25088xf32, #tpu.memory_space<vmem>> -> memref<24960xf32, #tpu.memory_space<vmem>>
    %dma_wait3A_2648 = tpu.memref_slice %arg4[%add3A_10, %dma_wait3A, %multiple_of3A_127] : memref<200x1x100000xf32, #tpu.memory_space<hbm>> -> memref<1x1x24960xf32, #tpu.memory_space<hbm>>
    %dma_wait3A_2649 = tpu.memref_squeeze %dma_wait3A_2648 : memref<1x1x24960xf32, #tpu.memory_space<hbm>> -> memref<24960xf32, #tpu.memory_space<hbm>>
    %dma_wait3A_2650 = tpu.memref_slice %arg4[%add3A_10, %dma_wait3A, %multiple_of3A_127] : memref<200x1x100000xf32, #tpu.memory_space<hbm>> -> memref<1x1x24960xf32, #tpu.memory_space<hbm>>
    %dma_wait3A_2651 = tpu.memref_squeeze %dma_wait3A_2650 : memref<1x1x24960xf32, #tpu.memory_space<hbm>> -> memref<24960xf32, #tpu.memory_space<hbm>>
    %dma_wait3A_2652 = arith.constant 0 : i32
    %dma_wait3A_2653 = tpu.memref_slice %arg5[%dma_wait3A_2652] : memref<25088xf32, #tpu.memory_space<vmem>> -> memref<24960xf32, #tpu.memory_space<vmem>>
    tpu.wait_dma2 semaphore(%arg9 : memref<!tpu.dma_semaphore, #tpu.memory_space<semaphore_mem>>) src(%dma_wait3A_2653 : memref<24960xf32, #tpu.memory_space<vmem>>) dst(%dma_wait3A_2651 : memref<24960xf32, #tpu.memory_space<hbm>>)
    %dma_wait3A_2654 = arith.constant 0 : i32
    %dma_wait3A_2655 = arith.constant 0 : i32
    %dma_wait3A_2656 = tpu.memref_slice %arg5[%dma_wait3A_2655] : memref<25088xf32, #tpu.memory_space<vmem>> -> memref<25088xf32, #tpu.memory_space<vmem>>
    %dma_wait3A_2657 = tpu.memref_slice %arg4[%add3A_10, %dma_wait3A_2654, %add3A_137] : memref<200x1x100000xf32, #tpu.memory_space<hbm>> -> memref<1x1x25088xf32, #tpu.memory_space<hbm>>
    %dma_wait3A_2658 = tpu.memref_squeeze %dma_wait3A_2657 : memref<1x1x25088xf32, #tpu.memory_space<hbm>> -> memref<25088xf32, #tpu.memory_space<hbm>>
    %dma_wait3A_2659 = tpu.memref_slice %arg4[%add3A_10, %dma_wait3A_2654, %add3A_137] : memref<200x1x100000xf32, #tpu.memory_space<hbm>> -> memref<1x1x25088xf32, #tpu.memory_space<hbm>>
    %dma_wait3A_2660 = tpu.memref_squeeze %dma_wait3A_2659 : memref<1x1x25088xf32, #tpu.memory_space<hbm>> -> memref<25088xf32, #tpu.memory_space<hbm>>
    %dma_wait3A_2661 = arith.constant 0 : i32
    %dma_wait3A_2662 = tpu.memref_slice %arg5[%dma_wait3A_2661] : memref<25088xf32, #tpu.memory_space<vmem>> -> memref<25088xf32, #tpu.memory_space<vmem>>
    tpu.wait_dma2 semaphore(%arg9 : memref<!tpu.dma_semaphore, #tpu.memory_space<semaphore_mem>>) src(%dma_wait3A_2662 : memref<25088xf32, #tpu.memory_space<vmem>>) dst(%dma_wait3A_2660 : memref<25088xf32, #tpu.memory_space<hbm>>)
    %dma_wait3A_2663 = arith.constant 0 : i32
    %dma_wait3A_2664 = arith.constant 0 : i32
    %dma_wait3A_2665 = tpu.memref_slice %arg5[%dma_wait3A_2664] : memref<25088xf32, #tpu.memory_space<vmem>> -> memref<24960xf32, #tpu.memory_space<vmem>>
    %dma_wait3A_2666 = tpu.memref_slice %arg4[%add3A_14, %dma_wait3A_2663, %multiple_of3A_148] : memref<200x1x100000xf32, #tpu.memory_space<hbm>> -> memref<1x1x24960xf32, #tpu.memory_space<hbm>>
    %dma_wait3A_2667 = tpu.memref_squeeze %dma_wait3A_2666 : memref<1x1x24960xf32, #tpu.memory_space<hbm>> -> memref<24960xf32, #tpu.memory_space<hbm>>
    %dma_wait3A_2668 = tpu.memref_slice %arg4[%add3A_14, %dma_wait3A_2663, %multiple_of3A_148] : memref<200x1x100000xf32, #tpu.memory_space<hbm>> -> memref<1x1x24960xf32, #tpu.memory_space<hbm>>
    %dma_wait3A_2669 = tpu.memref_squeeze %dma_wait3A_2668 : memref<1x1x24960xf32, #tpu.memory_space<hbm>> -> memref<24960xf32, #tpu.memory_space<hbm>>
    %dma_wait3A_2670 = arith.constant 0 : i32
    %dma_wait3A_2671 = tpu.memref_slice %arg5[%dma_wait3A_2670] : memref<25088xf32, #tpu.memory_space<vmem>> -> memref<24960xf32, #tpu.memory_space<vmem>>
    tpu.wait_dma2 semaphore(%arg9 : memref<!tpu.dma_semaphore, #tpu.memory_space<semaphore_mem>>) src(%dma_wait3A_2671 : memref<24960xf32, #tpu.memory_space<vmem>>) dst(%dma_wait3A_2669 : memref<24960xf32, #tpu.memory_space<hbm>>)
    %dma_wait3A_2672 = arith.constant 0 : i32
    %dma_wait3A_2673 = arith.constant 0 : i32
    %dma_wait3A_2674 = tpu.memref_slice %arg5[%dma_wait3A_2673] : memref<25088xf32, #tpu.memory_space<vmem>> -> memref<25088xf32, #tpu.memory_space<vmem>>
    %dma_wait3A_2675 = tpu.memref_slice %arg4[%add3A_14, %dma_wait3A_2672, %add3A_159] : memref<200x1x100000xf32, #tpu.memory_space<hbm>> -> memref<1x1x25088xf32, #tpu.memory_space<hbm>>
    %dma_wait3A_2676 = tpu.memref_squeeze %dma_wait3A_2675 : memref<1x1x25088xf32, #tpu.memory_space<hbm>> -> memref<25088xf32, #tpu.memory_space<hbm>>
    %dma_wait3A_2677 = tpu.memref_slice %arg4[%add3A_14, %dma_wait3A_2672, %add3A_159] : memref<200x1x100000xf32, #tpu.memory_space<hbm>> -> memref<1x1x25088xf32, #tpu.memory_space<hbm>>
    %dma_wait3A_2678 = tpu.memref_squeeze %dma_wait3A_2677 : memref<1x1x25088xf32, #tpu.memory_space<hbm>> -> memref<25088xf32, #tpu.memory_space<hbm>>
    %dma_wait3A_2679 = arith.constant 0 : i32
    %dma_wait3A_2680 = tpu.memref_slice %arg5[%dma_wait3A_2679] : memref<25088xf32, #tpu.memory_space<vmem>> -> memref<25088xf32, #tpu.memory_space<vmem>>
    tpu.wait_dma2 semaphore(%arg9 : memref<!tpu.dma_semaphore, #tpu.memory_space<semaphore_mem>>) src(%dma_wait3A_2680 : memref<25088xf32, #tpu.memory_space<vmem>>) dst(%dma_wait3A_2678 : memref<25088xf32, #tpu.memory_space<hbm>>)
    %dma_wait3A_2681 = arith.constant 0 : i32
    %dma_wait3A_2682 = arith.constant 0 : i32
    %dma_wait3A_2683 = tpu.memref_slice %arg5[%dma_wait3A_2682] : memref<25088xf32, #tpu.memory_space<vmem>> -> memref<24960xf32, #tpu.memory_space<vmem>>
    %dma_wait3A_2684 = tpu.memref_slice %arg4[%add3A_18, %dma_wait3A_2681, %multiple_of3A_170] : memref<200x1x100000xf32, #tpu.memory_space<hbm>> -> memref<1x1x24960xf32, #tpu.memory_space<hbm>>
    %dma_wait3A_2685 = tpu.memref_squeeze %dma_wait3A_2684 : memref<1x1x24960xf32, #tpu.memory_space<hbm>> -> memref<24960xf32, #tpu.memory_space<hbm>>
    %dma_wait3A_2686 = tpu.memref_slice %arg4[%add3A_18, %dma_wait3A_2681, %multiple_of3A_170] : memref<200x1x100000xf32, #tpu.memory_space<hbm>> -> memref<1x1x24960xf32, #tpu.memory_space<hbm>>
    %dma_wait3A_2687 = tpu.memref_squeeze %dma_wait3A_2686 : memref<1x1x24960xf32, #tpu.memory_space<hbm>> -> memref<24960xf32, #tpu.memory_space<hbm>>
    %dma_wait3A_2688 = arith.constant 0 : i32
    %dma_wait3A_2689 = tpu.memref_slice %arg5[%dma_wait3A_2688] : memref<25088xf32, #tpu.memory_space<vmem>> -> memref<24960xf32, #tpu.memory_space<vmem>>
    tpu.wait_dma2 semaphore(%arg9 : memref<!tpu.dma_semaphore, #tpu.memory_space<semaphore_mem>>) src(%dma_wait3A_2689 : memref<24960xf32, #tpu.memory_space<vmem>>) dst(%dma_wait3A_2687 : memref<24960xf32, #tpu.memory_space<hbm>>)
    %dma_wait3A_2690 = arith.constant 0 : i32
    %dma_wait3A_2691 = arith.constant 0 : i32
    %dma_wait3A_2692 = tpu.memref_slice %arg5[%dma_wait3A_2691] : memref<25088xf32, #tpu.memory_space<vmem>> -> memref<25088xf32, #tpu.memory_space<vmem>>
    %dma_wait3A_2693 = tpu.memref_slice %arg4[%add3A_18, %dma_wait3A_2690, %add3A_181] : memref<200x1x100000xf32, #tpu.memory_space<hbm>> -> memref<1x1x25088xf32, #tpu.memory_space<hbm>>
    %dma_wait3A_2694 = tpu.memref_squeeze %dma_wait3A_2693 : memref<1x1x25088xf32, #tpu.memory_space<hbm>> -> memref<25088xf32, #tpu.memory_space<hbm>>
    %dma_wait3A_2695 = tpu.memref_slice %arg4[%add3A_18, %dma_wait3A_2690, %add3A_181] : memref<200x1x100000xf32, #tpu.memory_space<hbm>> -> memref<1x1x25088xf32, #tpu.memory_space<hbm>>
    %dma_wait3A_2696 = tpu.memref_squeeze %dma_wait3A_2695 : memref<1x1x25088xf32, #tpu.memory_space<hbm>> -> memref<25088xf32, #tpu.memory_space<hbm>>
    %dma_wait3A_2697 = arith.constant 0 : i32
    %dma_wait3A_2698 = tpu.memref_slice %arg5[%dma_wait3A_2697] : memref<25088xf32, #tpu.memory_space<vmem>> -> memref<25088xf32, #tpu.memory_space<vmem>>
    tpu.wait_dma2 semaphore(%arg9 : memref<!tpu.dma_semaphore, #tpu.memory_space<semaphore_mem>>) src(%dma_wait3A_2698 : memref<25088xf32, #tpu.memory_space<vmem>>) dst(%dma_wait3A_2696 : memref<25088xf32, #tpu.memory_space<hbm>>)
    %dma_wait3A_2699 = arith.constant 0 : i32
    %dma_wait3A_2700 = arith.constant 0 : i32
    %dma_wait3A_2701 = tpu.memref_slice %arg5[%dma_wait3A_2700] : memref<25088xf32, #tpu.memory_space<vmem>> -> memref<24960xf32, #tpu.memory_space<vmem>>
    %dma_wait3A_2702 = tpu.memref_slice %arg4[%add3A_22, %dma_wait3A_2699, %multiple_of3A_192] : memref<200x1x100000xf32, #tpu.memory_space<hbm>> -> memref<1x1x24960xf32, #tpu.memory_space<hbm>>
    %dma_wait3A_2703 = tpu.memref_squeeze %dma_wait3A_2702 : memref<1x1x24960xf32, #tpu.memory_space<hbm>> -> memref<24960xf32, #tpu.memory_space<hbm>>
    %dma_wait3A_2704 = tpu.memref_slice %arg4[%add3A_22, %dma_wait3A_2699, %multiple_of3A_192] : memref<200x1x100000xf32, #tpu.memory_space<hbm>> -> memref<1x1x24960xf32, #tpu.memory_space<hbm>>
    %dma_wait3A_2705 = tpu.memref_squeeze %dma_wait3A_2704 : memref<1x1x24960xf32, #tpu.memory_space<hbm>> -> memref<24960xf32, #tpu.memory_space<hbm>>
    %dma_wait3A_2706 = arith.constant 0 : i32
    %dma_wait3A_2707 = tpu.memref_slice %arg5[%dma_wait3A_2706] : memref<25088xf32, #tpu.memory_space<vmem>> -> memref<24960xf32, #tpu.memory_space<vmem>>
    tpu.wait_dma2 semaphore(%arg9 : memref<!tpu.dma_semaphore, #tpu.memory_space<semaphore_mem>>) src(%dma_wait3A_2707 : memref<24960xf32, #tpu.memory_space<vmem>>) dst(%dma_wait3A_2705 : memref<24960xf32, #tpu.memory_space<hbm>>)
    %dma_wait3A_2708 = arith.constant 0 : i32
    %dma_wait3A_2709 = arith.constant 0 : i32
    %dma_wait3A_2710 = tpu.memref_slice %arg5[%dma_wait3A_2709] : memref<25088xf32, #tpu.memory_space<vmem>> -> memref<25088xf32, #tpu.memory_space<vmem>>
    %dma_wait3A_2711 = tpu.memref_slice %arg4[%add3A_22, %dma_wait3A_2708, %add3A_203] : memref<200x1x100000xf32, #tpu.memory_space<hbm>> -> memref<1x1x25088xf32, #tpu.memory_space<hbm>>
    %dma_wait3A_2712 = tpu.memref_squeeze %dma_wait3A_2711 : memref<1x1x25088xf32, #tpu.memory_space<hbm>> -> memref<25088xf32, #tpu.memory_space<hbm>>
    %dma_wait3A_2713 = tpu.memref_slice %arg4[%add3A_22, %dma_wait3A_2708, %add3A_203] : memref<200x1x100000xf32, #tpu.memory_space<hbm>> -> memref<1x1x25088xf32, #tpu.memory_space<hbm>>
    %dma_wait3A_2714 = tpu.memref_squeeze %dma_wait3A_2713 : memref<1x1x25088xf32, #tpu.memory_space<hbm>> -> memref<25088xf32, #tpu.memory_space<hbm>>
    %dma_wait3A_2715 = arith.constant 0 : i32
    %dma_wait3A_2716 = tpu.memref_slice %arg5[%dma_wait3A_2715] : memref<25088xf32, #tpu.memory_space<vmem>> -> memref<25088xf32, #tpu.memory_space<vmem>>
    tpu.wait_dma2 semaphore(%arg9 : memref<!tpu.dma_semaphore, #tpu.memory_space<semaphore_mem>>) src(%dma_wait3A_2716 : memref<25088xf32, #tpu.memory_space<vmem>>) dst(%dma_wait3A_2714 : memref<25088xf32, #tpu.memory_space<hbm>>)
    %dma_wait3A_2717 = arith.constant 0 : i32
    %dma_wait3A_2718 = arith.constant 0 : i32
    %dma_wait3A_2719 = tpu.memref_slice %arg5[%dma_wait3A_2718] : memref<25088xf32, #tpu.memory_space<vmem>> -> memref<24960xf32, #tpu.memory_space<vmem>>
    %dma_wait3A_2720 = tpu.memref_slice %arg4[%add3A_26, %dma_wait3A_2717, %multiple_of3A_214] : memref<200x1x100000xf32, #tpu.memory_space<hbm>> -> memref<1x1x24960xf32, #tpu.memory_space<hbm>>
    %dma_wait3A_2721 = tpu.memref_squeeze %dma_wait3A_2720 : memref<1x1x24960xf32, #tpu.memory_space<hbm>> -> memref<24960xf32, #tpu.memory_space<hbm>>
    %dma_wait3A_2722 = tpu.memref_slice %arg4[%add3A_26, %dma_wait3A_2717, %multiple_of3A_214] : memref<200x1x100000xf32, #tpu.memory_space<hbm>> -> memref<1x1x24960xf32, #tpu.memory_space<hbm>>
    %dma_wait3A_2723 = tpu.memref_squeeze %dma_wait3A_2722 : memref<1x1x24960xf32, #tpu.memory_space<hbm>> -> memref<24960xf32, #tpu.memory_space<hbm>>
    %dma_wait3A_2724 = arith.constant 0 : i32
    %dma_wait3A_2725 = tpu.memref_slice %arg5[%dma_wait3A_2724] : memref<25088xf32, #tpu.memory_space<vmem>> -> memref<24960xf32, #tpu.memory_space<vmem>>
    tpu.wait_dma2 semaphore(%arg9 : memref<!tpu.dma_semaphore, #tpu.memory_space<semaphore_mem>>) src(%dma_wait3A_2725 : memref<24960xf32, #tpu.memory_space<vmem>>) dst(%dma_wait3A_2723 : memref<24960xf32, #tpu.memory_space<hbm>>)
    %dma_wait3A_2726 = arith.constant 0 : i32
    %dma_wait3A_2727 = arith.constant 0 : i32
    %dma_wait3A_2728 = tpu.memref_slice %arg5[%dma_wait3A_2727] : memref<25088xf32, #tpu.memory_space<vmem>> -> memref<25088xf32, #tpu.memory_space<vmem>>
    %dma_wait3A_2729 = tpu.memref_slice %arg4[%add3A_26, %dma_wait3A_2726, %add3A_225] : memref<200x1x100000xf32, #tpu.memory_space<hbm>> -> memref<1x1x25088xf32, #tpu.memory_space<hbm>>
    %dma_wait3A_2730 = tpu.memref_squeeze %dma_wait3A_2729 : memref<1x1x25088xf32, #tpu.memory_space<hbm>> -> memref<25088xf32, #tpu.memory_space<hbm>>
    %dma_wait3A_2731 = tpu.memref_slice %arg4[%add3A_26, %dma_wait3A_2726, %add3A_225] : memref<200x1x100000xf32, #tpu.memory_space<hbm>> -> memref<1x1x25088xf32, #tpu.memory_space<hbm>>
    %dma_wait3A_2732 = tpu.memref_squeeze %dma_wait3A_2731 : memref<1x1x25088xf32, #tpu.memory_space<hbm>> -> memref<25088xf32, #tpu.memory_space<hbm>>
    %dma_wait3A_2733 = arith.constant 0 : i32
    %dma_wait3A_2734 = tpu.memref_slice %arg5[%dma_wait3A_2733] : memref<25088xf32, #tpu.memory_space<vmem>> -> memref<25088xf32, #tpu.memory_space<vmem>>
    tpu.wait_dma2 semaphore(%arg9 : memref<!tpu.dma_semaphore, #tpu.memory_space<semaphore_mem>>) src(%dma_wait3A_2734 : memref<25088xf32, #tpu.memory_space<vmem>>) dst(%dma_wait3A_2732 : memref<25088xf32, #tpu.memory_space<hbm>>)
    %dma_wait3A_2735 = arith.constant 0 : i32
    %dma_wait3A_2736 = arith.constant 0 : i32
    %dma_wait3A_2737 = tpu.memref_slice %arg5[%dma_wait3A_2736] : memref<25088xf32, #tpu.memory_space<vmem>> -> memref<24960xf32, #tpu.memory_space<vmem>>
    %dma_wait3A_2738 = tpu.memref_slice %arg4[%add3A_30, %dma_wait3A_2735, %multiple_of3A_236] : memref<200x1x100000xf32, #tpu.memory_space<hbm>> -> memref<1x1x24960xf32, #tpu.memory_space<hbm>>
    %dma_wait3A_2739 = tpu.memref_squeeze %dma_wait3A_2738 : memref<1x1x24960xf32, #tpu.memory_space<hbm>> -> memref<24960xf32, #tpu.memory_space<hbm>>
    %dma_wait3A_2740 = tpu.memref_slice %arg4[%add3A_30, %dma_wait3A_2735, %multiple_of3A_236] : memref<200x1x100000xf32, #tpu.memory_space<hbm>> -> memref<1x1x24960xf32, #tpu.memory_space<hbm>>
    %dma_wait3A_2741 = tpu.memref_squeeze %dma_wait3A_2740 : memref<1x1x24960xf32, #tpu.memory_space<hbm>> -> memref<24960xf32, #tpu.memory_space<hbm>>
    %dma_wait3A_2742 = arith.constant 0 : i32
    %dma_wait3A_2743 = tpu.memref_slice %arg5[%dma_wait3A_2742] : memref<25088xf32, #tpu.memory_space<vmem>> -> memref<24960xf32, #tpu.memory_space<vmem>>
    tpu.wait_dma2 semaphore(%arg9 : memref<!tpu.dma_semaphore, #tpu.memory_space<semaphore_mem>>) src(%dma_wait3A_2743 : memref<24960xf32, #tpu.memory_space<vmem>>) dst(%dma_wait3A_2741 : memref<24960xf32, #tpu.memory_space<hbm>>)
    %dma_wait3A_2744 = arith.constant 0 : i32
    %dma_wait3A_2745 = arith.constant 0 : i32
    %dma_wait3A_2746 = tpu.memref_slice %arg5[%dma_wait3A_2745] : memref<25088xf32, #tpu.memory_space<vmem>> -> memref<25088xf32, #tpu.memory_space<vmem>>
    %dma_wait3A_2747 = tpu.memref_slice %arg4[%add3A_30, %dma_wait3A_2744, %add3A_247] : memref<200x1x100000xf32, #tpu.memory_space<hbm>> -> memref<1x1x25088xf32, #tpu.memory_space<hbm>>
    %dma_wait3A_2748 = tpu.memref_squeeze %dma_wait3A_2747 : memref<1x1x25088xf32, #tpu.memory_space<hbm>> -> memref<25088xf32, #tpu.memory_space<hbm>>
    %dma_wait3A_2749 = tpu.memref_slice %arg4[%add3A_30, %dma_wait3A_2744, %add3A_247] : memref<200x1x100000xf32, #tpu.memory_space<hbm>> -> memref<1x1x25088xf32, #tpu.memory_space<hbm>>
    %dma_wait3A_2750 = tpu.memref_squeeze %dma_wait3A_2749 : memref<1x1x25088xf32, #tpu.memory_space<hbm>> -> memref<25088xf32, #tpu.memory_space<hbm>>
    %dma_wait3A_2751 = arith.constant 0 : i32
    %dma_wait3A_2752 = tpu.memref_slice %arg5[%dma_wait3A_2751] : memref<25088xf32, #tpu.memory_space<vmem>> -> memref<25088xf32, #tpu.memory_space<vmem>>
    tpu.wait_dma2 semaphore(%arg9 : memref<!tpu.dma_semaphore, #tpu.memory_space<semaphore_mem>>) src(%dma_wait3A_2752 : memref<25088xf32, #tpu.memory_space<vmem>>) dst(%dma_wait3A_2750 : memref<25088xf32, #tpu.memory_space<hbm>>)
    %dma_wait3A_2753 = arith.constant 0 : i32
    %dma_wait3A_2754 = arith.constant 0 : i32
    %dma_wait3A_2755 = tpu.memref_slice %arg5[%dma_wait3A_2754] : memref<25088xf32, #tpu.memory_space<vmem>> -> memref<24960xf32, #tpu.memory_space<vmem>>
    %dma_wait3A_2756 = tpu.memref_slice %arg4[%add3A_34, %dma_wait3A_2753, %multiple_of3A_258] : memref<200x1x100000xf32, #tpu.memory_space<hbm>> -> memref<1x1x24960xf32, #tpu.memory_space<hbm>>
    %dma_wait3A_2757 = tpu.memref_squeeze %dma_wait3A_2756 : memref<1x1x24960xf32, #tpu.memory_space<hbm>> -> memref<24960xf32, #tpu.memory_space<hbm>>
    %dma_wait3A_2758 = tpu.memref_slice %arg4[%add3A_34, %dma_wait3A_2753, %multiple_of3A_258] : memref<200x1x100000xf32, #tpu.memory_space<hbm>> -> memref<1x1x24960xf32, #tpu.memory_space<hbm>>
    %dma_wait3A_2759 = tpu.memref_squeeze %dma_wait3A_2758 : memref<1x1x24960xf32, #tpu.memory_space<hbm>> -> memref<24960xf32, #tpu.memory_space<hbm>>
    %dma_wait3A_2760 = arith.constant 0 : i32
    %dma_wait3A_2761 = tpu.memref_slice %arg5[%dma_wait3A_2760] : memref<25088xf32, #tpu.memory_space<vmem>> -> memref<24960xf32, #tpu.memory_space<vmem>>
    tpu.wait_dma2 semaphore(%arg9 : memref<!tpu.dma_semaphore, #tpu.memory_space<semaphore_mem>>) src(%dma_wait3A_2761 : memref<24960xf32, #tpu.memory_space<vmem>>) dst(%dma_wait3A_2759 : memref<24960xf32, #tpu.memory_space<hbm>>)
    %dma_wait3A_2762 = arith.constant 0 : i32
    %dma_wait3A_2763 = arith.constant 0 : i32
    %dma_wait3A_2764 = tpu.memref_slice %arg5[%dma_wait3A_2763] : memref<25088xf32, #tpu.memory_space<vmem>> -> memref<25088xf32, #tpu.memory_space<vmem>>
    %dma_wait3A_2765 = tpu.memref_slice %arg4[%add3A_34, %dma_wait3A_2762, %add3A_269] : memref<200x1x100000xf32, #tpu.memory_space<hbm>> -> memref<1x1x25088xf32, #tpu.memory_space<hbm>>
    %dma_wait3A_2766 = tpu.memref_squeeze %dma_wait3A_2765 : memref<1x1x25088xf32, #tpu.memory_space<hbm>> -> memref<25088xf32, #tpu.memory_space<hbm>>
    %dma_wait3A_2767 = tpu.memref_slice %arg4[%add3A_34, %dma_wait3A_2762, %add3A_269] : memref<200x1x100000xf32, #tpu.memory_space<hbm>> -> memref<1x1x25088xf32, #tpu.memory_space<hbm>>
    %dma_wait3A_2768 = tpu.memref_squeeze %dma_wait3A_2767 : memref<1x1x25088xf32, #tpu.memory_space<hbm>> -> memref<25088xf32, #tpu.memory_space<hbm>>
    %dma_wait3A_2769 = arith.constant 0 : i32
    %dma_wait3A_2770 = tpu.memref_slice %arg5[%dma_wait3A_2769] : memref<25088xf32, #tpu.memory_space<vmem>> -> memref<25088xf32, #tpu.memory_space<vmem>>
    tpu.wait_dma2 semaphore(%arg9 : memref<!tpu.dma_semaphore, #tpu.memory_space<semaphore_mem>>) src(%dma_wait3A_2770 : memref<25088xf32, #tpu.memory_space<vmem>>) dst(%dma_wait3A_2768 : memref<25088xf32, #tpu.memory_space<hbm>>)
    %dma_wait3A_2771 = arith.constant 0 : i32
    %dma_wait3A_2772 = arith.constant 0 : i32
    %dma_wait3A_2773 = tpu.memref_slice %arg5[%dma_wait3A_2772] : memref<25088xf32, #tpu.memory_space<vmem>> -> memref<24960xf32, #tpu.memory_space<vmem>>
    %dma_wait3A_2774 = tpu.memref_slice %arg4[%add3A_38, %dma_wait3A_2771, %multiple_of3A_280] : memref<200x1x100000xf32, #tpu.memory_space<hbm>> -> memref<1x1x24960xf32, #tpu.memory_space<hbm>>
    %dma_wait3A_2775 = tpu.memref_squeeze %dma_wait3A_2774 : memref<1x1x24960xf32, #tpu.memory_space<hbm>> -> memref<24960xf32, #tpu.memory_space<hbm>>
    %dma_wait3A_2776 = tpu.memref_slice %arg4[%add3A_38, %dma_wait3A_2771, %multiple_of3A_280] : memref<200x1x100000xf32, #tpu.memory_space<hbm>> -> memref<1x1x24960xf32, #tpu.memory_space<hbm>>
    %dma_wait3A_2777 = tpu.memref_squeeze %dma_wait3A_2776 : memref<1x1x24960xf32, #tpu.memory_space<hbm>> -> memref<24960xf32, #tpu.memory_space<hbm>>
    %dma_wait3A_2778 = arith.constant 0 : i32
    %dma_wait3A_2779 = tpu.memref_slice %arg5[%dma_wait3A_2778] : memref<25088xf32, #tpu.memory_space<vmem>> -> memref<24960xf32, #tpu.memory_space<vmem>>
    tpu.wait_dma2 semaphore(%arg9 : memref<!tpu.dma_semaphore, #tpu.memory_space<semaphore_mem>>) src(%dma_wait3A_2779 : memref<24960xf32, #tpu.memory_space<vmem>>) dst(%dma_wait3A_2777 : memref<24960xf32, #tpu.memory_space<hbm>>)
    %dma_wait3A_2780 = arith.constant 0 : i32
    %dma_wait3A_2781 = arith.constant 0 : i32
    %dma_wait3A_2782 = tpu.memref_slice %arg5[%dma_wait3A_2781] : memref<25088xf32, #tpu.memory_space<vmem>> -> memref<25088xf32, #tpu.memory_space<vmem>>
    %dma_wait3A_2783 = tpu.memref_slice %arg4[%add3A_38, %dma_wait3A_2780, %add3A_291] : memref<200x1x100000xf32, #tpu.memory_space<hbm>> -> memref<1x1x25088xf32, #tpu.memory_space<hbm>>
    %dma_wait3A_2784 = tpu.memref_squeeze %dma_wait3A_2783 : memref<1x1x25088xf32, #tpu.memory_space<hbm>> -> memref<25088xf32, #tpu.memory_space<hbm>>
    %dma_wait3A_2785 = tpu.memref_slice %arg4[%add3A_38, %dma_wait3A_2780, %add3A_291] : memref<200x1x100000xf32, #tpu.memory_space<hbm>> -> memref<1x1x25088xf32, #tpu.memory_space<hbm>>
    %dma_wait3A_2786 = tpu.memref_squeeze %dma_wait3A_2785 : memref<1x1x25088xf32, #tpu.memory_space<hbm>> -> memref<25088xf32, #tpu.memory_space<hbm>>
    %dma_wait3A_2787 = arith.constant 0 : i32
    %dma_wait3A_2788 = tpu.memref_slice %arg5[%dma_wait3A_2787] : memref<25088xf32, #tpu.memory_space<vmem>> -> memref<25088xf32, #tpu.memory_space<vmem>>
    tpu.wait_dma2 semaphore(%arg9 : memref<!tpu.dma_semaphore, #tpu.memory_space<semaphore_mem>>) src(%dma_wait3A_2788 : memref<25088xf32, #tpu.memory_space<vmem>>) dst(%dma_wait3A_2786 : memref<25088xf32, #tpu.memory_space<hbm>>)
    %dma_wait3A_2789 = arith.constant 0 : i32
    %dma_wait3A_2790 = arith.constant 0 : i32
    %dma_wait3A_2791 = tpu.memref_slice %arg5[%dma_wait3A_2790] : memref<25088xf32, #tpu.memory_space<vmem>> -> memref<24960xf32, #tpu.memory_space<vmem>>
    %dma_wait3A_2792 = tpu.memref_slice %arg4[%add3A_42, %dma_wait3A_2789, %multiple_of3A_302] : memref<200x1x100000xf32, #tpu.memory_space<hbm>> -> memref<1x1x24960xf32, #tpu.memory_space<hbm>>
    %dma_wait3A_2793 = tpu.memref_squeeze %dma_wait3A_2792 : memref<1x1x24960xf32, #tpu.memory_space<hbm>> -> memref<24960xf32, #tpu.memory_space<hbm>>
    %dma_wait3A_2794 = tpu.memref_slice %arg4[%add3A_42, %dma_wait3A_2789, %multiple_of3A_302] : memref<200x1x100000xf32, #tpu.memory_space<hbm>> -> memref<1x1x24960xf32, #tpu.memory_space<hbm>>
    %dma_wait3A_2795 = tpu.memref_squeeze %dma_wait3A_2794 : memref<1x1x24960xf32, #tpu.memory_space<hbm>> -> memref<24960xf32, #tpu.memory_space<hbm>>
    %dma_wait3A_2796 = arith.constant 0 : i32
    %dma_wait3A_2797 = tpu.memref_slice %arg5[%dma_wait3A_2796] : memref<25088xf32, #tpu.memory_space<vmem>> -> memref<24960xf32, #tpu.memory_space<vmem>>
    tpu.wait_dma2 semaphore(%arg9 : memref<!tpu.dma_semaphore, #tpu.memory_space<semaphore_mem>>) src(%dma_wait3A_2797 : memref<24960xf32, #tpu.memory_space<vmem>>) dst(%dma_wait3A_2795 : memref<24960xf32, #tpu.memory_space<hbm>>)
    %dma_wait3A_2798 = arith.constant 0 : i32
    %dma_wait3A_2799 = arith.constant 0 : i32
    %dma_wait3A_2800 = tpu.memref_slice %arg5[%dma_wait3A_2799] : memref<25088xf32, #tpu.memory_space<vmem>> -> memref<25088xf32, #tpu.memory_space<vmem>>
    %dma_wait3A_2801 = tpu.memref_slice %arg4[%add3A_42, %dma_wait3A_2798, %add3A_313] : memref<200x1x100000xf32, #tpu.memory_space<hbm>> -> memref<1x1x25088xf32, #tpu.memory_space<hbm>>
    %dma_wait3A_2802 = tpu.memref_squeeze %dma_wait3A_2801 : memref<1x1x25088xf32, #tpu.memory_space<hbm>> -> memref<25088xf32, #tpu.memory_space<hbm>>
    %dma_wait3A_2803 = tpu.memref_slice %arg4[%add3A_42, %dma_wait3A_2798, %add3A_313] : memref<200x1x100000xf32, #tpu.memory_space<hbm>> -> memref<1x1x25088xf32, #tpu.memory_space<hbm>>
    %dma_wait3A_2804 = tpu.memref_squeeze %dma_wait3A_2803 : memref<1x1x25088xf32, #tpu.memory_space<hbm>> -> memref<25088xf32, #tpu.memory_space<hbm>>
    %dma_wait3A_2805 = arith.constant 0 : i32
    %dma_wait3A_2806 = tpu.memref_slice %arg5[%dma_wait3A_2805] : memref<25088xf32, #tpu.memory_space<vmem>> -> memref<25088xf32, #tpu.memory_space<vmem>>
    tpu.wait_dma2 semaphore(%arg9 : memref<!tpu.dma_semaphore, #tpu.memory_space<semaphore_mem>>) src(%dma_wait3A_2806 : memref<25088xf32, #tpu.memory_space<vmem>>) dst(%dma_wait3A_2804 : memref<25088xf32, #tpu.memory_space<hbm>>)
    %dma_wait3A_2807 = arith.constant 0 : i32
    %dma_wait3A_2808 = arith.constant 0 : i32
    %dma_wait3A_2809 = tpu.memref_slice %arg5[%dma_wait3A_2808] : memref<25088xf32, #tpu.memory_space<vmem>> -> memref<24960xf32, #tpu.memory_space<vmem>>
    %dma_wait3A_2810 = tpu.memref_slice %arg4[%add3A_46, %dma_wait3A_2807, %multiple_of3A_324] : memref<200x1x100000xf32, #tpu.memory_space<hbm>> -> memref<1x1x24960xf32, #tpu.memory_space<hbm>>
    %dma_wait3A_2811 = tpu.memref_squeeze %dma_wait3A_2810 : memref<1x1x24960xf32, #tpu.memory_space<hbm>> -> memref<24960xf32, #tpu.memory_space<hbm>>
    %dma_wait3A_2812 = tpu.memref_slice %arg4[%add3A_46, %dma_wait3A_2807, %multiple_of3A_324] : memref<200x1x100000xf32, #tpu.memory_space<hbm>> -> memref<1x1x24960xf32, #tpu.memory_space<hbm>>
    %dma_wait3A_2813 = tpu.memref_squeeze %dma_wait3A_2812 : memref<1x1x24960xf32, #tpu.memory_space<hbm>> -> memref<24960xf32, #tpu.memory_space<hbm>>
    %dma_wait3A_2814 = arith.constant 0 : i32
    %dma_wait3A_2815 = tpu.memref_slice %arg5[%dma_wait3A_2814] : memref<25088xf32, #tpu.memory_space<vmem>> -> memref<24960xf32, #tpu.memory_space<vmem>>
    tpu.wait_dma2 semaphore(%arg9 : memref<!tpu.dma_semaphore, #tpu.memory_space<semaphore_mem>>) src(%dma_wait3A_2815 : memref<24960xf32, #tpu.memory_space<vmem>>) dst(%dma_wait3A_2813 : memref<24960xf32, #tpu.memory_space<hbm>>)
    %dma_wait3A_2816 = arith.constant 0 : i32
    %dma_wait3A_2817 = arith.constant 0 : i32
    %dma_wait3A_2818 = tpu.memref_slice %arg5[%dma_wait3A_2817] : memref<25088xf32, #tpu.memory_space<vmem>> -> memref<25088xf32, #tpu.memory_space<vmem>>
    %dma_wait3A_2819 = tpu.memref_slice %arg4[%add3A_46, %dma_wait3A_2816, %add3A_335] : memref<200x1x100000xf32, #tpu.memory_space<hbm>> -> memref<1x1x25088xf32, #tpu.memory_space<hbm>>
    %dma_wait3A_2820 = tpu.memref_squeeze %dma_wait3A_2819 : memref<1x1x25088xf32, #tpu.memory_space<hbm>> -> memref<25088xf32, #tpu.memory_space<hbm>>
    %dma_wait3A_2821 = tpu.memref_slice %arg4[%add3A_46, %dma_wait3A_2816, %add3A_335] : memref<200x1x100000xf32, #tpu.memory_space<hbm>> -> memref<1x1x25088xf32, #tpu.memory_space<hbm>>
    %dma_wait3A_2822 = tpu.memref_squeeze %dma_wait3A_2821 : memref<1x1x25088xf32, #tpu.memory_space<hbm>> -> memref<25088xf32, #tpu.memory_space<hbm>>
    %dma_wait3A_2823 = arith.constant 0 : i32
    %dma_wait3A_2824 = tpu.memref_slice %arg5[%dma_wait3A_2823] : memref<25088xf32, #tpu.memory_space<vmem>> -> memref<25088xf32, #tpu.memory_space<vmem>>
    tpu.wait_dma2 semaphore(%arg9 : memref<!tpu.dma_semaphore, #tpu.memory_space<semaphore_mem>>) src(%dma_wait3A_2824 : memref<25088xf32, #tpu.memory_space<vmem>>) dst(%dma_wait3A_2822 : memref<25088xf32, #tpu.memory_space<hbm>>)
    %dma_wait3A_2825 = arith.constant 0 : i32
    %dma_wait3A_2826 = arith.constant 0 : i32
    %dma_wait3A_2827 = tpu.memref_slice %arg5[%dma_wait3A_2826] : memref<25088xf32, #tpu.memory_space<vmem>> -> memref<24960xf32, #tpu.memory_space<vmem>>
    %dma_wait3A_2828 = tpu.memref_slice %arg4[%add3A_50, %dma_wait3A_2825, %multiple_of3A_346] : memref<200x1x100000xf32, #tpu.memory_space<hbm>> -> memref<1x1x24960xf32, #tpu.memory_space<hbm>>
    %dma_wait3A_2829 = tpu.memref_squeeze %dma_wait3A_2828 : memref<1x1x24960xf32, #tpu.memory_space<hbm>> -> memref<24960xf32, #tpu.memory_space<hbm>>
    %dma_wait3A_2830 = tpu.memref_slice %arg4[%add3A_50, %dma_wait3A_2825, %multiple_of3A_346] : memref<200x1x100000xf32, #tpu.memory_space<hbm>> -> memref<1x1x24960xf32, #tpu.memory_space<hbm>>
    %dma_wait3A_2831 = tpu.memref_squeeze %dma_wait3A_2830 : memref<1x1x24960xf32, #tpu.memory_space<hbm>> -> memref<24960xf32, #tpu.memory_space<hbm>>
    %dma_wait3A_2832 = arith.constant 0 : i32
    %dma_wait3A_2833 = tpu.memref_slice %arg5[%dma_wait3A_2832] : memref<25088xf32, #tpu.memory_space<vmem>> -> memref<24960xf32, #tpu.memory_space<vmem>>
    tpu.wait_dma2 semaphore(%arg9 : memref<!tpu.dma_semaphore, #tpu.memory_space<semaphore_mem>>) src(%dma_wait3A_2833 : memref<24960xf32, #tpu.memory_space<vmem>>) dst(%dma_wait3A_2831 : memref<24960xf32, #tpu.memory_space<hbm>>)
    %dma_wait3A_2834 = arith.constant 0 : i32
    %dma_wait3A_2835 = arith.constant 0 : i32
    %dma_wait3A_2836 = tpu.memref_slice %arg5[%dma_wait3A_2835] : memref<25088xf32, #tpu.memory_space<vmem>> -> memref<25088xf32, #tpu.memory_space<vmem>>
    %dma_wait3A_2837 = tpu.memref_slice %arg4[%add3A_50, %dma_wait3A_2834, %add3A_357] : memref<200x1x100000xf32, #tpu.memory_space<hbm>> -> memref<1x1x25088xf32, #tpu.memory_space<hbm>>
    %dma_wait3A_2838 = tpu.memref_squeeze %dma_wait3A_2837 : memref<1x1x25088xf32, #tpu.memory_space<hbm>> -> memref<25088xf32, #tpu.memory_space<hbm>>
    %dma_wait3A_2839 = tpu.memref_slice %arg4[%add3A_50, %dma_wait3A_2834, %add3A_357] : memref<200x1x100000xf32, #tpu.memory_space<hbm>> -> memref<1x1x25088xf32, #tpu.memory_space<hbm>>
    %dma_wait3A_2840 = tpu.memref_squeeze %dma_wait3A_2839 : memref<1x1x25088xf32, #tpu.memory_space<hbm>> -> memref<25088xf32, #tpu.memory_space<hbm>>
    %dma_wait3A_2841 = arith.constant 0 : i32
    %dma_wait3A_2842 = tpu.memref_slice %arg5[%dma_wait3A_2841] : memref<25088xf32, #tpu.memory_space<vmem>> -> memref<25088xf32, #tpu.memory_space<vmem>>
    tpu.wait_dma2 semaphore(%arg9 : memref<!tpu.dma_semaphore, #tpu.memory_space<semaphore_mem>>) src(%dma_wait3A_2842 : memref<25088xf32, #tpu.memory_space<vmem>>) dst(%dma_wait3A_2840 : memref<25088xf32, #tpu.memory_space<hbm>>)
    %dma_wait3A_2843 = arith.constant 0 : i32
    %dma_wait3A_2844 = arith.constant 0 : i32
    %dma_wait3A_2845 = tpu.memref_slice %arg5[%dma_wait3A_2844] : memref<25088xf32, #tpu.memory_space<vmem>> -> memref<24960xf32, #tpu.memory_space<vmem>>
    %dma_wait3A_2846 = tpu.memref_slice %arg4[%add3A_54, %dma_wait3A_2843, %multiple_of3A_368] : memref<200x1x100000xf32, #tpu.memory_space<hbm>> -> memref<1x1x24960xf32, #tpu.memory_space<hbm>>
    %dma_wait3A_2847 = tpu.memref_squeeze %dma_wait3A_2846 : memref<1x1x24960xf32, #tpu.memory_space<hbm>> -> memref<24960xf32, #tpu.memory_space<hbm>>
    %dma_wait3A_2848 = tpu.memref_slice %arg4[%add3A_54, %dma_wait3A_2843, %multiple_of3A_368] : memref<200x1x100000xf32, #tpu.memory_space<hbm>> -> memref<1x1x24960xf32, #tpu.memory_space<hbm>>
    %dma_wait3A_2849 = tpu.memref_squeeze %dma_wait3A_2848 : memref<1x1x24960xf32, #tpu.memory_space<hbm>> -> memref<24960xf32, #tpu.memory_space<hbm>>
    %dma_wait3A_2850 = arith.constant 0 : i32
    %dma_wait3A_2851 = tpu.memref_slice %arg5[%dma_wait3A_2850] : memref<25088xf32, #tpu.memory_space<vmem>> -> memref<24960xf32, #tpu.memory_space<vmem>>
    tpu.wait_dma2 semaphore(%arg9 : memref<!tpu.dma_semaphore, #tpu.memory_space<semaphore_mem>>) src(%dma_wait3A_2851 : memref<24960xf32, #tpu.memory_space<vmem>>) dst(%dma_wait3A_2849 : memref<24960xf32, #tpu.memory_space<hbm>>)
    %dma_wait3A_2852 = arith.constant 0 : i32
    %dma_wait3A_2853 = arith.constant 0 : i32
    %dma_wait3A_2854 = tpu.memref_slice %arg5[%dma_wait3A_2853] : memref<25088xf32, #tpu.memory_space<vmem>> -> memref<25088xf32, #tpu.memory_space<vmem>>
    %dma_wait3A_2855 = tpu.memref_slice %arg4[%add3A_54, %dma_wait3A_2852, %add3A_379] : memref<200x1x100000xf32, #tpu.memory_space<hbm>> -> memref<1x1x25088xf32, #tpu.memory_space<hbm>>
    %dma_wait3A_2856 = tpu.memref_squeeze %dma_wait3A_2855 : memref<1x1x25088xf32, #tpu.memory_space<hbm>> -> memref<25088xf32, #tpu.memory_space<hbm>>
    %dma_wait3A_2857 = tpu.memref_slice %arg4[%add3A_54, %dma_wait3A_2852, %add3A_379] : memref<200x1x100000xf32, #tpu.memory_space<hbm>> -> memref<1x1x25088xf32, #tpu.memory_space<hbm>>
    %dma_wait3A_2858 = tpu.memref_squeeze %dma_wait3A_2857 : memref<1x1x25088xf32, #tpu.memory_space<hbm>> -> memref<25088xf32, #tpu.memory_space<hbm>>
    %dma_wait3A_2859 = arith.constant 0 : i32
    %dma_wait3A_2860 = tpu.memref_slice %arg5[%dma_wait3A_2859] : memref<25088xf32, #tpu.memory_space<vmem>> -> memref<25088xf32, #tpu.memory_space<vmem>>
    tpu.wait_dma2 semaphore(%arg9 : memref<!tpu.dma_semaphore, #tpu.memory_space<semaphore_mem>>) src(%dma_wait3A_2860 : memref<25088xf32, #tpu.memory_space<vmem>>) dst(%dma_wait3A_2858 : memref<25088xf32, #tpu.memory_space<hbm>>)
    %eq3A_2861 = arith.constant 0 : i32
    %eq3A_2862 = arith.cmpi eq, %select_n3A_126, %eq3A_2861 : i32
    %convert_element_type3A_2863 = arith.extui %eq3A_2862 : i1 to i32
    %cond3A_2864 = arith.constant 0 : i32
    %cond3A_2865 = arith.constant 0 : i32
    %cond3A_2866 = arith.cmpi ne, %convert_element_type3A_2863, %cond3A_2865 : i32
    scf.if %cond3A_2866 {
      %dma_wait3A_3003 = arith.constant 0 : i32
      %dma_wait3A_3004 = tpu.memref_slice %arg5[%dma_wait3A_3003] : memref<25088xf32, #tpu.memory_space<vmem>> -> memref<24960xf32, #tpu.memory_space<vmem>>
      %dma_wait3A_3005 = tpu.memref_slice %arg4[%add3A_72, %cond3A_2864, %multiple_of3A_391] : memref<200x1x100000xf32, #tpu.memory_space<hbm>> -> memref<1x1x24960xf32, #tpu.memory_space<hbm>>
      %dma_wait3A_3006 = tpu.memref_squeeze %dma_wait3A_3005 : memref<1x1x24960xf32, #tpu.memory_space<hbm>> -> memref<24960xf32, #tpu.memory_space<hbm>>
      %dma_wait3A_3007 = tpu.memref_slice %arg4[%add3A_72, %cond3A_2864, %multiple_of3A_391] : memref<200x1x100000xf32, #tpu.memory_space<hbm>> -> memref<1x1x24960xf32, #tpu.memory_space<hbm>>
      %dma_wait3A_3008 = tpu.memref_squeeze %dma_wait3A_3007 : memref<1x1x24960xf32, #tpu.memory_space<hbm>> -> memref<24960xf32, #tpu.memory_space<hbm>>
      %dma_wait3A_3009 = arith.constant 0 : i32
      %dma_wait3A_3010 = tpu.memref_slice %arg5[%dma_wait3A_3009] : memref<25088xf32, #tpu.memory_space<vmem>> -> memref<24960xf32, #tpu.memory_space<vmem>>
      tpu.wait_dma2 semaphore(%arg9 : memref<!tpu.dma_semaphore, #tpu.memory_space<semaphore_mem>>) src(%dma_wait3A_3010 : memref<24960xf32, #tpu.memory_space<vmem>>) dst(%dma_wait3A_3008 : memref<24960xf32, #tpu.memory_space<hbm>>)
    } else {
    }
    %eq3A_2867 = arith.constant 1 : i32
    %eq3A_2868 = arith.cmpi eq, %select_n3A_126, %eq3A_2867 : i32
    %convert_element_type3A_2869 = arith.extui %eq3A_2868 : i1 to i32
    %cond3A_2870 = arith.constant 0 : i32
    %cond3A_2871 = arith.constant 0 : i32
    %cond3A_2872 = arith.cmpi ne, %convert_element_type3A_2869, %cond3A_2871 : i32
    scf.if %cond3A_2872 {
      %dma_wait3A_3003 = arith.constant 0 : i32
      %dma_wait3A_3004 = tpu.memref_slice %arg5[%dma_wait3A_3003] : memref<25088xf32, #tpu.memory_space<vmem>> -> memref<25088xf32, #tpu.memory_space<vmem>>
      %dma_wait3A_3005 = tpu.memref_slice %arg4[%add3A_72, %cond3A_2870, %add3A_397] : memref<200x1x100000xf32, #tpu.memory_space<hbm>> -> memref<1x1x25088xf32, #tpu.memory_space<hbm>>
      %dma_wait3A_3006 = tpu.memref_squeeze %dma_wait3A_3005 : memref<1x1x25088xf32, #tpu.memory_space<hbm>> -> memref<25088xf32, #tpu.memory_space<hbm>>
      %dma_wait3A_3007 = tpu.memref_slice %arg4[%add3A_72, %cond3A_2870, %add3A_397] : memref<200x1x100000xf32, #tpu.memory_space<hbm>> -> memref<1x1x25088xf32, #tpu.memory_space<hbm>>
      %dma_wait3A_3008 = tpu.memref_squeeze %dma_wait3A_3007 : memref<1x1x25088xf32, #tpu.memory_space<hbm>> -> memref<25088xf32, #tpu.memory_space<hbm>>
      %dma_wait3A_3009 = arith.constant 0 : i32
      %dma_wait3A_3010 = tpu.memref_slice %arg5[%dma_wait3A_3009] : memref<25088xf32, #tpu.memory_space<vmem>> -> memref<25088xf32, #tpu.memory_space<vmem>>
      tpu.wait_dma2 semaphore(%arg9 : memref<!tpu.dma_semaphore, #tpu.memory_space<semaphore_mem>>) src(%dma_wait3A_3010 : memref<25088xf32, #tpu.memory_space<vmem>>) dst(%dma_wait3A_3008 : memref<25088xf32, #tpu.memory_space<hbm>>)
    } else {
    }
    %convert_element_type3A_2873 = arith.extui %eq3A_572 : i1 to i32
    %cond3A_2874 = arith.constant 0 : i32
    %cond3A_2875 = arith.constant 0 : i32
    %cond3A_2876 = arith.constant 0 : i32
    %cond3A_2877 = arith.cmpi ne, %convert_element_type3A_2873, %cond3A_2876 : i32
    scf.if %cond3A_2877 {
      %dma_start3A_3003 = arith.constant 0 : i32
      %dma_start3A_3004 = tpu.memref_slice %arg6[%cond3A_2874, %dma_start3A_3003] : memref<13x128xf32, #tpu.memory_space<vmem>> -> memref<1x128xf32, #tpu.memory_space<vmem>>
      %dma_start3A_3005 = tpu.memref_squeeze %dma_start3A_3004 : memref<1x128xf32, #tpu.memory_space<vmem>> -> memref<128xf32, #tpu.memory_space<vmem>>
      %dma_start3A_3006 = tpu.memref_slice %arg4[%add3A_10, %cond3A_2875, %multiple_of3A_435] : memref<200x1x100000xf32, #tpu.memory_space<hbm>> -> memref<1x1x128xf32, #tpu.memory_space<hbm>>
      %dma_start3A_3007 = tpu.memref_squeeze %dma_start3A_3006 : memref<1x1x128xf32, #tpu.memory_space<hbm>> -> memref<128xf32, #tpu.memory_space<hbm>>
      %dma_start3A_3008 = tpu.memref_slice %arg4[%add3A_10, %cond3A_2875, %multiple_of3A_435] : memref<200x1x100000xf32, #tpu.memory_space<hbm>> -> memref<1x1x128xf32, #tpu.memory_space<hbm>>
      %dma_start3A_3009 = tpu.memref_squeeze %dma_start3A_3008 : memref<1x1x128xf32, #tpu.memory_space<hbm>> -> memref<128xf32, #tpu.memory_space<hbm>>
      %dma_start3A_3010 = arith.constant 0 : i32
      %dma_start3A_3011 = tpu.memref_slice %arg6[%cond3A_2874, %dma_start3A_3010] : memref<13x128xf32, #tpu.memory_space<vmem>> -> memref<1x128xf32, #tpu.memory_space<vmem>>
      %dma_start3A_3012 = tpu.memref_squeeze %dma_start3A_3011 : memref<1x128xf32, #tpu.memory_space<vmem>> -> memref<128xf32, #tpu.memory_space<vmem>>
      tpu.enqueue_dma source(%dma_start3A_3012 : memref<128xf32, #tpu.memory_space<vmem>>) target(%dma_start3A_3009 : memref<128xf32, #tpu.memory_space<hbm>>) target_semaphore(%arg10 : memref<!tpu.dma_semaphore, #tpu.memory_space<semaphore_mem>>)
    } else {
    }
    %convert_element_type3A_2878 = arith.extui %eq3A_742 : i1 to i32
    %cond3A_2879 = arith.constant 1 : i32
    %cond3A_2880 = arith.constant 0 : i32
    %cond3A_2881 = arith.constant 0 : i32
    %cond3A_2882 = arith.cmpi ne, %convert_element_type3A_2878, %cond3A_2881 : i32
    scf.if %cond3A_2882 {
      %dma_start3A_3003 = arith.constant 0 : i32
      %dma_start3A_3004 = tpu.memref_slice %arg6[%cond3A_2879, %dma_start3A_3003] : memref<13x128xf32, #tpu.memory_space<vmem>> -> memref<1x128xf32, #tpu.memory_space<vmem>>
      %dma_start3A_3005 = tpu.memref_squeeze %dma_start3A_3004 : memref<1x128xf32, #tpu.memory_space<vmem>> -> memref<128xf32, #tpu.memory_space<vmem>>
      %dma_start3A_3006 = tpu.memref_slice %arg4[%add3A_14, %cond3A_2880, %multiple_of3A_603] : memref<200x1x100000xf32, #tpu.memory_space<hbm>> -> memref<1x1x128xf32, #tpu.memory_space<hbm>>
      %dma_start3A_3007 = tpu.memref_squeeze %dma_start3A_3006 : memref<1x1x128xf32, #tpu.memory_space<hbm>> -> memref<128xf32, #tpu.memory_space<hbm>>
      %dma_start3A_3008 = tpu.memref_slice %arg4[%add3A_14, %cond3A_2880, %multiple_of3A_603] : memref<200x1x100000xf32, #tpu.memory_space<hbm>> -> memref<1x1x128xf32, #tpu.memory_space<hbm>>
      %dma_start3A_3009 = tpu.memref_squeeze %dma_start3A_3008 : memref<1x1x128xf32, #tpu.memory_space<hbm>> -> memref<128xf32, #tpu.memory_space<hbm>>
      %dma_start3A_3010 = arith.constant 0 : i32
      %dma_start3A_3011 = tpu.memref_slice %arg6[%cond3A_2879, %dma_start3A_3010] : memref<13x128xf32, #tpu.memory_space<vmem>> -> memref<1x128xf32, #tpu.memory_space<vmem>>
      %dma_start3A_3012 = tpu.memref_squeeze %dma_start3A_3011 : memref<1x128xf32, #tpu.memory_space<vmem>> -> memref<128xf32, #tpu.memory_space<vmem>>
      tpu.enqueue_dma source(%dma_start3A_3012 : memref<128xf32, #tpu.memory_space<vmem>>) target(%dma_start3A_3009 : memref<128xf32, #tpu.memory_space<hbm>>) target_semaphore(%arg10 : memref<!tpu.dma_semaphore, #tpu.memory_space<semaphore_mem>>)
    } else {
    }
    %convert_element_type3A_2883 = arith.extui %eq3A_912 : i1 to i32
    %cond3A_2884 = arith.constant 2 : i32
    %cond3A_2885 = arith.constant 0 : i32
    %cond3A_2886 = arith.constant 0 : i32
    %cond3A_2887 = arith.cmpi ne, %convert_element_type3A_2883, %cond3A_2886 : i32
    scf.if %cond3A_2887 {
      %dma_start3A_3003 = arith.constant 0 : i32
      %dma_start3A_3004 = tpu.memref_slice %arg6[%cond3A_2884, %dma_start3A_3003] : memref<13x128xf32, #tpu.memory_space<vmem>> -> memref<1x128xf32, #tpu.memory_space<vmem>>
      %dma_start3A_3005 = tpu.memref_squeeze %dma_start3A_3004 : memref<1x128xf32, #tpu.memory_space<vmem>> -> memref<128xf32, #tpu.memory_space<vmem>>
      %dma_start3A_3006 = tpu.memref_slice %arg4[%add3A_18, %cond3A_2885, %multiple_of3A_773] : memref<200x1x100000xf32, #tpu.memory_space<hbm>> -> memref<1x1x128xf32, #tpu.memory_space<hbm>>
      %dma_start3A_3007 = tpu.memref_squeeze %dma_start3A_3006 : memref<1x1x128xf32, #tpu.memory_space<hbm>> -> memref<128xf32, #tpu.memory_space<hbm>>
      %dma_start3A_3008 = tpu.memref_slice %arg4[%add3A_18, %cond3A_2885, %multiple_of3A_773] : memref<200x1x100000xf32, #tpu.memory_space<hbm>> -> memref<1x1x128xf32, #tpu.memory_space<hbm>>
      %dma_start3A_3009 = tpu.memref_squeeze %dma_start3A_3008 : memref<1x1x128xf32, #tpu.memory_space<hbm>> -> memref<128xf32, #tpu.memory_space<hbm>>
      %dma_start3A_3010 = arith.constant 0 : i32
      %dma_start3A_3011 = tpu.memref_slice %arg6[%cond3A_2884, %dma_start3A_3010] : memref<13x128xf32, #tpu.memory_space<vmem>> -> memref<1x128xf32, #tpu.memory_space<vmem>>
      %dma_start3A_3012 = tpu.memref_squeeze %dma_start3A_3011 : memref<1x128xf32, #tpu.memory_space<vmem>> -> memref<128xf32, #tpu.memory_space<vmem>>
      tpu.enqueue_dma source(%dma_start3A_3012 : memref<128xf32, #tpu.memory_space<vmem>>) target(%dma_start3A_3009 : memref<128xf32, #tpu.memory_space<hbm>>) target_semaphore(%arg10 : memref<!tpu.dma_semaphore, #tpu.memory_space<semaphore_mem>>)
    } else {
    }
    %convert_element_type3A_2888 = arith.extui %eq3A_1082 : i1 to i32
    %cond3A_2889 = arith.constant 3 : i32
    %cond3A_2890 = arith.constant 0 : i32
    %cond3A_2891 = arith.constant 0 : i32
    %cond3A_2892 = arith.cmpi ne, %convert_element_type3A_2888, %cond3A_2891 : i32
    scf.if %cond3A_2892 {
      %dma_start3A_3003 = arith.constant 0 : i32
      %dma_start3A_3004 = tpu.memref_slice %arg6[%cond3A_2889, %dma_start3A_3003] : memref<13x128xf32, #tpu.memory_space<vmem>> -> memref<1x128xf32, #tpu.memory_space<vmem>>
      %dma_start3A_3005 = tpu.memref_squeeze %dma_start3A_3004 : memref<1x128xf32, #tpu.memory_space<vmem>> -> memref<128xf32, #tpu.memory_space<vmem>>
      %dma_start3A_3006 = tpu.memref_slice %arg4[%add3A_22, %cond3A_2890, %multiple_of3A_943] : memref<200x1x100000xf32, #tpu.memory_space<hbm>> -> memref<1x1x128xf32, #tpu.memory_space<hbm>>
      %dma_start3A_3007 = tpu.memref_squeeze %dma_start3A_3006 : memref<1x1x128xf32, #tpu.memory_space<hbm>> -> memref<128xf32, #tpu.memory_space<hbm>>
      %dma_start3A_3008 = tpu.memref_slice %arg4[%add3A_22, %cond3A_2890, %multiple_of3A_943] : memref<200x1x100000xf32, #tpu.memory_space<hbm>> -> memref<1x1x128xf32, #tpu.memory_space<hbm>>
      %dma_start3A_3009 = tpu.memref_squeeze %dma_start3A_3008 : memref<1x1x128xf32, #tpu.memory_space<hbm>> -> memref<128xf32, #tpu.memory_space<hbm>>
      %dma_start3A_3010 = arith.constant 0 : i32
      %dma_start3A_3011 = tpu.memref_slice %arg6[%cond3A_2889, %dma_start3A_3010] : memref<13x128xf32, #tpu.memory_space<vmem>> -> memref<1x128xf32, #tpu.memory_space<vmem>>
      %dma_start3A_3012 = tpu.memref_squeeze %dma_start3A_3011 : memref<1x128xf32, #tpu.memory_space<vmem>> -> memref<128xf32, #tpu.memory_space<vmem>>
      tpu.enqueue_dma source(%dma_start3A_3012 : memref<128xf32, #tpu.memory_space<vmem>>) target(%dma_start3A_3009 : memref<128xf32, #tpu.memory_space<hbm>>) target_semaphore(%arg10 : memref<!tpu.dma_semaphore, #tpu.memory_space<semaphore_mem>>)
    } else {
    }
    %convert_element_type3A_2893 = arith.extui %eq3A_1252 : i1 to i32
    %cond3A_2894 = arith.constant 4 : i32
    %cond3A_2895 = arith.constant 0 : i32
    %cond3A_2896 = arith.constant 0 : i32
    %cond3A_2897 = arith.cmpi ne, %convert_element_type3A_2893, %cond3A_2896 : i32
    scf.if %cond3A_2897 {
      %dma_start3A_3003 = arith.constant 0 : i32
      %dma_start3A_3004 = tpu.memref_slice %arg6[%cond3A_2894, %dma_start3A_3003] : memref<13x128xf32, #tpu.memory_space<vmem>> -> memref<1x128xf32, #tpu.memory_space<vmem>>
      %dma_start3A_3005 = tpu.memref_squeeze %dma_start3A_3004 : memref<1x128xf32, #tpu.memory_space<vmem>> -> memref<128xf32, #tpu.memory_space<vmem>>
      %dma_start3A_3006 = tpu.memref_slice %arg4[%add3A_26, %cond3A_2895, %multiple_of3A_1113] : memref<200x1x100000xf32, #tpu.memory_space<hbm>> -> memref<1x1x128xf32, #tpu.memory_space<hbm>>
      %dma_start3A_3007 = tpu.memref_squeeze %dma_start3A_3006 : memref<1x1x128xf32, #tpu.memory_space<hbm>> -> memref<128xf32, #tpu.memory_space<hbm>>
      %dma_start3A_3008 = tpu.memref_slice %arg4[%add3A_26, %cond3A_2895, %multiple_of3A_1113] : memref<200x1x100000xf32, #tpu.memory_space<hbm>> -> memref<1x1x128xf32, #tpu.memory_space<hbm>>
      %dma_start3A_3009 = tpu.memref_squeeze %dma_start3A_3008 : memref<1x1x128xf32, #tpu.memory_space<hbm>> -> memref<128xf32, #tpu.memory_space<hbm>>
      %dma_start3A_3010 = arith.constant 0 : i32
      %dma_start3A_3011 = tpu.memref_slice %arg6[%cond3A_2894, %dma_start3A_3010] : memref<13x128xf32, #tpu.memory_space<vmem>> -> memref<1x128xf32, #tpu.memory_space<vmem>>
      %dma_start3A_3012 = tpu.memref_squeeze %dma_start3A_3011 : memref<1x128xf32, #tpu.memory_space<vmem>> -> memref<128xf32, #tpu.memory_space<vmem>>
      tpu.enqueue_dma source(%dma_start3A_3012 : memref<128xf32, #tpu.memory_space<vmem>>) target(%dma_start3A_3009 : memref<128xf32, #tpu.memory_space<hbm>>) target_semaphore(%arg10 : memref<!tpu.dma_semaphore, #tpu.memory_space<semaphore_mem>>)
    } else {
    }
    %convert_element_type3A_2898 = arith.extui %eq3A_1422 : i1 to i32
    %cond3A_2899 = arith.constant 5 : i32
    %cond3A_2900 = arith.constant 0 : i32
    %cond3A_2901 = arith.constant 0 : i32
    %cond3A_2902 = arith.cmpi ne, %convert_element_type3A_2898, %cond3A_2901 : i32
    scf.if %cond3A_2902 {
      %dma_start3A_3003 = arith.constant 0 : i32
      %dma_start3A_3004 = tpu.memref_slice %arg6[%cond3A_2899, %dma_start3A_3003] : memref<13x128xf32, #tpu.memory_space<vmem>> -> memref<1x128xf32, #tpu.memory_space<vmem>>
      %dma_start3A_3005 = tpu.memref_squeeze %dma_start3A_3004 : memref<1x128xf32, #tpu.memory_space<vmem>> -> memref<128xf32, #tpu.memory_space<vmem>>
      %dma_start3A_3006 = tpu.memref_slice %arg4[%add3A_30, %cond3A_2900, %multiple_of3A_1283] : memref<200x1x100000xf32, #tpu.memory_space<hbm>> -> memref<1x1x128xf32, #tpu.memory_space<hbm>>
      %dma_start3A_3007 = tpu.memref_squeeze %dma_start3A_3006 : memref<1x1x128xf32, #tpu.memory_space<hbm>> -> memref<128xf32, #tpu.memory_space<hbm>>
      %dma_start3A_3008 = tpu.memref_slice %arg4[%add3A_30, %cond3A_2900, %multiple_of3A_1283] : memref<200x1x100000xf32, #tpu.memory_space<hbm>> -> memref<1x1x128xf32, #tpu.memory_space<hbm>>
      %dma_start3A_3009 = tpu.memref_squeeze %dma_start3A_3008 : memref<1x1x128xf32, #tpu.memory_space<hbm>> -> memref<128xf32, #tpu.memory_space<hbm>>
      %dma_start3A_3010 = arith.constant 0 : i32
      %dma_start3A_3011 = tpu.memref_slice %arg6[%cond3A_2899, %dma_start3A_3010] : memref<13x128xf32, #tpu.memory_space<vmem>> -> memref<1x128xf32, #tpu.memory_space<vmem>>
      %dma_start3A_3012 = tpu.memref_squeeze %dma_start3A_3011 : memref<1x128xf32, #tpu.memory_space<vmem>> -> memref<128xf32, #tpu.memory_space<vmem>>
      tpu.enqueue_dma source(%dma_start3A_3012 : memref<128xf32, #tpu.memory_space<vmem>>) target(%dma_start3A_3009 : memref<128xf32, #tpu.memory_space<hbm>>) target_semaphore(%arg10 : memref<!tpu.dma_semaphore, #tpu.memory_space<semaphore_mem>>)
    } else {
    }
    %convert_element_type3A_2903 = arith.extui %eq3A_1592 : i1 to i32
    %cond3A_2904 = arith.constant 6 : i32
    %cond3A_2905 = arith.constant 0 : i32
    %cond3A_2906 = arith.constant 0 : i32
    %cond3A_2907 = arith.cmpi ne, %convert_element_type3A_2903, %cond3A_2906 : i32
    scf.if %cond3A_2907 {
      %dma_start3A_3003 = arith.constant 0 : i32
      %dma_start3A_3004 = tpu.memref_slice %arg6[%cond3A_2904, %dma_start3A_3003] : memref<13x128xf32, #tpu.memory_space<vmem>> -> memref<1x128xf32, #tpu.memory_space<vmem>>
      %dma_start3A_3005 = tpu.memref_squeeze %dma_start3A_3004 : memref<1x128xf32, #tpu.memory_space<vmem>> -> memref<128xf32, #tpu.memory_space<vmem>>
      %dma_start3A_3006 = tpu.memref_slice %arg4[%add3A_34, %cond3A_2905, %multiple_of3A_1453] : memref<200x1x100000xf32, #tpu.memory_space<hbm>> -> memref<1x1x128xf32, #tpu.memory_space<hbm>>
      %dma_start3A_3007 = tpu.memref_squeeze %dma_start3A_3006 : memref<1x1x128xf32, #tpu.memory_space<hbm>> -> memref<128xf32, #tpu.memory_space<hbm>>
      %dma_start3A_3008 = tpu.memref_slice %arg4[%add3A_34, %cond3A_2905, %multiple_of3A_1453] : memref<200x1x100000xf32, #tpu.memory_space<hbm>> -> memref<1x1x128xf32, #tpu.memory_space<hbm>>
      %dma_start3A_3009 = tpu.memref_squeeze %dma_start3A_3008 : memref<1x1x128xf32, #tpu.memory_space<hbm>> -> memref<128xf32, #tpu.memory_space<hbm>>
      %dma_start3A_3010 = arith.constant 0 : i32
      %dma_start3A_3011 = tpu.memref_slice %arg6[%cond3A_2904, %dma_start3A_3010] : memref<13x128xf32, #tpu.memory_space<vmem>> -> memref<1x128xf32, #tpu.memory_space<vmem>>
      %dma_start3A_3012 = tpu.memref_squeeze %dma_start3A_3011 : memref<1x128xf32, #tpu.memory_space<vmem>> -> memref<128xf32, #tpu.memory_space<vmem>>
      tpu.enqueue_dma source(%dma_start3A_3012 : memref<128xf32, #tpu.memory_space<vmem>>) target(%dma_start3A_3009 : memref<128xf32, #tpu.memory_space<hbm>>) target_semaphore(%arg10 : memref<!tpu.dma_semaphore, #tpu.memory_space<semaphore_mem>>)
    } else {
    }
    %convert_element_type3A_2908 = arith.extui %eq3A_1762 : i1 to i32
    %cond3A_2909 = arith.constant 7 : i32
    %cond3A_2910 = arith.constant 0 : i32
    %cond3A_2911 = arith.constant 0 : i32
    %cond3A_2912 = arith.cmpi ne, %convert_element_type3A_2908, %cond3A_2911 : i32
    scf.if %cond3A_2912 {
      %dma_start3A_3003 = arith.constant 0 : i32
      %dma_start3A_3004 = tpu.memref_slice %arg6[%cond3A_2909, %dma_start3A_3003] : memref<13x128xf32, #tpu.memory_space<vmem>> -> memref<1x128xf32, #tpu.memory_space<vmem>>
      %dma_start3A_3005 = tpu.memref_squeeze %dma_start3A_3004 : memref<1x128xf32, #tpu.memory_space<vmem>> -> memref<128xf32, #tpu.memory_space<vmem>>
      %dma_start3A_3006 = tpu.memref_slice %arg4[%add3A_38, %cond3A_2910, %multiple_of3A_1623] : memref<200x1x100000xf32, #tpu.memory_space<hbm>> -> memref<1x1x128xf32, #tpu.memory_space<hbm>>
      %dma_start3A_3007 = tpu.memref_squeeze %dma_start3A_3006 : memref<1x1x128xf32, #tpu.memory_space<hbm>> -> memref<128xf32, #tpu.memory_space<hbm>>
      %dma_start3A_3008 = tpu.memref_slice %arg4[%add3A_38, %cond3A_2910, %multiple_of3A_1623] : memref<200x1x100000xf32, #tpu.memory_space<hbm>> -> memref<1x1x128xf32, #tpu.memory_space<hbm>>
      %dma_start3A_3009 = tpu.memref_squeeze %dma_start3A_3008 : memref<1x1x128xf32, #tpu.memory_space<hbm>> -> memref<128xf32, #tpu.memory_space<hbm>>
      %dma_start3A_3010 = arith.constant 0 : i32
      %dma_start3A_3011 = tpu.memref_slice %arg6[%cond3A_2909, %dma_start3A_3010] : memref<13x128xf32, #tpu.memory_space<vmem>> -> memref<1x128xf32, #tpu.memory_space<vmem>>
      %dma_start3A_3012 = tpu.memref_squeeze %dma_start3A_3011 : memref<1x128xf32, #tpu.memory_space<vmem>> -> memref<128xf32, #tpu.memory_space<vmem>>
      tpu.enqueue_dma source(%dma_start3A_3012 : memref<128xf32, #tpu.memory_space<vmem>>) target(%dma_start3A_3009 : memref<128xf32, #tpu.memory_space<hbm>>) target_semaphore(%arg10 : memref<!tpu.dma_semaphore, #tpu.memory_space<semaphore_mem>>)
    } else {
    }
    %convert_element_type3A_2913 = arith.extui %eq3A_1932 : i1 to i32
    %cond3A_2914 = arith.constant 8 : i32
    %cond3A_2915 = arith.constant 0 : i32
    %cond3A_2916 = arith.constant 0 : i32
    %cond3A_2917 = arith.cmpi ne, %convert_element_type3A_2913, %cond3A_2916 : i32
    scf.if %cond3A_2917 {
      %dma_start3A_3003 = arith.constant 0 : i32
      %dma_start3A_3004 = tpu.memref_slice %arg6[%cond3A_2914, %dma_start3A_3003] : memref<13x128xf32, #tpu.memory_space<vmem>> -> memref<1x128xf32, #tpu.memory_space<vmem>>
      %dma_start3A_3005 = tpu.memref_squeeze %dma_start3A_3004 : memref<1x128xf32, #tpu.memory_space<vmem>> -> memref<128xf32, #tpu.memory_space<vmem>>
      %dma_start3A_3006 = tpu.memref_slice %arg4[%add3A_42, %cond3A_2915, %multiple_of3A_1793] : memref<200x1x100000xf32, #tpu.memory_space<hbm>> -> memref<1x1x128xf32, #tpu.memory_space<hbm>>
      %dma_start3A_3007 = tpu.memref_squeeze %dma_start3A_3006 : memref<1x1x128xf32, #tpu.memory_space<hbm>> -> memref<128xf32, #tpu.memory_space<hbm>>
      %dma_start3A_3008 = tpu.memref_slice %arg4[%add3A_42, %cond3A_2915, %multiple_of3A_1793] : memref<200x1x100000xf32, #tpu.memory_space<hbm>> -> memref<1x1x128xf32, #tpu.memory_space<hbm>>
      %dma_start3A_3009 = tpu.memref_squeeze %dma_start3A_3008 : memref<1x1x128xf32, #tpu.memory_space<hbm>> -> memref<128xf32, #tpu.memory_space<hbm>>
      %dma_start3A_3010 = arith.constant 0 : i32
      %dma_start3A_3011 = tpu.memref_slice %arg6[%cond3A_2914, %dma_start3A_3010] : memref<13x128xf32, #tpu.memory_space<vmem>> -> memref<1x128xf32, #tpu.memory_space<vmem>>
      %dma_start3A_3012 = tpu.memref_squeeze %dma_start3A_3011 : memref<1x128xf32, #tpu.memory_space<vmem>> -> memref<128xf32, #tpu.memory_space<vmem>>
      tpu.enqueue_dma source(%dma_start3A_3012 : memref<128xf32, #tpu.memory_space<vmem>>) target(%dma_start3A_3009 : memref<128xf32, #tpu.memory_space<hbm>>) target_semaphore(%arg10 : memref<!tpu.dma_semaphore, #tpu.memory_space<semaphore_mem>>)
    } else {
    }
    %convert_element_type3A_2918 = arith.extui %eq3A_2102 : i1 to i32
    %cond3A_2919 = arith.constant 9 : i32
    %cond3A_2920 = arith.constant 0 : i32
    %cond3A_2921 = arith.constant 0 : i32
    %cond3A_2922 = arith.cmpi ne, %convert_element_type3A_2918, %cond3A_2921 : i32
    scf.if %cond3A_2922 {
      %dma_start3A_3003 = arith.constant 0 : i32
      %dma_start3A_3004 = tpu.memref_slice %arg6[%cond3A_2919, %dma_start3A_3003] : memref<13x128xf32, #tpu.memory_space<vmem>> -> memref<1x128xf32, #tpu.memory_space<vmem>>
      %dma_start3A_3005 = tpu.memref_squeeze %dma_start3A_3004 : memref<1x128xf32, #tpu.memory_space<vmem>> -> memref<128xf32, #tpu.memory_space<vmem>>
      %dma_start3A_3006 = tpu.memref_slice %arg4[%add3A_46, %cond3A_2920, %multiple_of3A_1963] : memref<200x1x100000xf32, #tpu.memory_space<hbm>> -> memref<1x1x128xf32, #tpu.memory_space<hbm>>
      %dma_start3A_3007 = tpu.memref_squeeze %dma_start3A_3006 : memref<1x1x128xf32, #tpu.memory_space<hbm>> -> memref<128xf32, #tpu.memory_space<hbm>>
      %dma_start3A_3008 = tpu.memref_slice %arg4[%add3A_46, %cond3A_2920, %multiple_of3A_1963] : memref<200x1x100000xf32, #tpu.memory_space<hbm>> -> memref<1x1x128xf32, #tpu.memory_space<hbm>>
      %dma_start3A_3009 = tpu.memref_squeeze %dma_start3A_3008 : memref<1x1x128xf32, #tpu.memory_space<hbm>> -> memref<128xf32, #tpu.memory_space<hbm>>
      %dma_start3A_3010 = arith.constant 0 : i32
      %dma_start3A_3011 = tpu.memref_slice %arg6[%cond3A_2919, %dma_start3A_3010] : memref<13x128xf32, #tpu.memory_space<vmem>> -> memref<1x128xf32, #tpu.memory_space<vmem>>
      %dma_start3A_3012 = tpu.memref_squeeze %dma_start3A_3011 : memref<1x128xf32, #tpu.memory_space<vmem>> -> memref<128xf32, #tpu.memory_space<vmem>>
      tpu.enqueue_dma source(%dma_start3A_3012 : memref<128xf32, #tpu.memory_space<vmem>>) target(%dma_start3A_3009 : memref<128xf32, #tpu.memory_space<hbm>>) target_semaphore(%arg10 : memref<!tpu.dma_semaphore, #tpu.memory_space<semaphore_mem>>)
    } else {
    }
    %convert_element_type3A_2923 = arith.extui %eq3A_2272 : i1 to i32
    %cond3A_2924 = arith.constant 10 : i32
    %cond3A_2925 = arith.constant 0 : i32
    %cond3A_2926 = arith.constant 0 : i32
    %cond3A_2927 = arith.cmpi ne, %convert_element_type3A_2923, %cond3A_2926 : i32
    scf.if %cond3A_2927 {
      %dma_start3A_3003 = arith.constant 0 : i32
      %dma_start3A_3004 = tpu.memref_slice %arg6[%cond3A_2924, %dma_start3A_3003] : memref<13x128xf32, #tpu.memory_space<vmem>> -> memref<1x128xf32, #tpu.memory_space<vmem>>
      %dma_start3A_3005 = tpu.memref_squeeze %dma_start3A_3004 : memref<1x128xf32, #tpu.memory_space<vmem>> -> memref<128xf32, #tpu.memory_space<vmem>>
      %dma_start3A_3006 = tpu.memref_slice %arg4[%add3A_50, %cond3A_2925, %multiple_of3A_2133] : memref<200x1x100000xf32, #tpu.memory_space<hbm>> -> memref<1x1x128xf32, #tpu.memory_space<hbm>>
      %dma_start3A_3007 = tpu.memref_squeeze %dma_start3A_3006 : memref<1x1x128xf32, #tpu.memory_space<hbm>> -> memref<128xf32, #tpu.memory_space<hbm>>
      %dma_start3A_3008 = tpu.memref_slice %arg4[%add3A_50, %cond3A_2925, %multiple_of3A_2133] : memref<200x1x100000xf32, #tpu.memory_space<hbm>> -> memref<1x1x128xf32, #tpu.memory_space<hbm>>
      %dma_start3A_3009 = tpu.memref_squeeze %dma_start3A_3008 : memref<1x1x128xf32, #tpu.memory_space<hbm>> -> memref<128xf32, #tpu.memory_space<hbm>>
      %dma_start3A_3010 = arith.constant 0 : i32
      %dma_start3A_3011 = tpu.memref_slice %arg6[%cond3A_2924, %dma_start3A_3010] : memref<13x128xf32, #tpu.memory_space<vmem>> -> memref<1x128xf32, #tpu.memory_space<vmem>>
      %dma_start3A_3012 = tpu.memref_squeeze %dma_start3A_3011 : memref<1x128xf32, #tpu.memory_space<vmem>> -> memref<128xf32, #tpu.memory_space<vmem>>
      tpu.enqueue_dma source(%dma_start3A_3012 : memref<128xf32, #tpu.memory_space<vmem>>) target(%dma_start3A_3009 : memref<128xf32, #tpu.memory_space<hbm>>) target_semaphore(%arg10 : memref<!tpu.dma_semaphore, #tpu.memory_space<semaphore_mem>>)
    } else {
    }
    %convert_element_type3A_2928 = arith.extui %eq3A_2442 : i1 to i32
    %cond3A_2929 = arith.constant 11 : i32
    %cond3A_2930 = arith.constant 0 : i32
    %cond3A_2931 = arith.constant 0 : i32
    %cond3A_2932 = arith.cmpi ne, %convert_element_type3A_2928, %cond3A_2931 : i32
    scf.if %cond3A_2932 {
      %dma_start3A_3003 = arith.constant 0 : i32
      %dma_start3A_3004 = tpu.memref_slice %arg6[%cond3A_2929, %dma_start3A_3003] : memref<13x128xf32, #tpu.memory_space<vmem>> -> memref<1x128xf32, #tpu.memory_space<vmem>>
      %dma_start3A_3005 = tpu.memref_squeeze %dma_start3A_3004 : memref<1x128xf32, #tpu.memory_space<vmem>> -> memref<128xf32, #tpu.memory_space<vmem>>
      %dma_start3A_3006 = tpu.memref_slice %arg4[%add3A_54, %cond3A_2930, %multiple_of3A_2303] : memref<200x1x100000xf32, #tpu.memory_space<hbm>> -> memref<1x1x128xf32, #tpu.memory_space<hbm>>
      %dma_start3A_3007 = tpu.memref_squeeze %dma_start3A_3006 : memref<1x1x128xf32, #tpu.memory_space<hbm>> -> memref<128xf32, #tpu.memory_space<hbm>>
      %dma_start3A_3008 = tpu.memref_slice %arg4[%add3A_54, %cond3A_2930, %multiple_of3A_2303] : memref<200x1x100000xf32, #tpu.memory_space<hbm>> -> memref<1x1x128xf32, #tpu.memory_space<hbm>>
      %dma_start3A_3009 = tpu.memref_squeeze %dma_start3A_3008 : memref<1x1x128xf32, #tpu.memory_space<hbm>> -> memref<128xf32, #tpu.memory_space<hbm>>
      %dma_start3A_3010 = arith.constant 0 : i32
      %dma_start3A_3011 = tpu.memref_slice %arg6[%cond3A_2929, %dma_start3A_3010] : memref<13x128xf32, #tpu.memory_space<vmem>> -> memref<1x128xf32, #tpu.memory_space<vmem>>
      %dma_start3A_3012 = tpu.memref_squeeze %dma_start3A_3011 : memref<1x128xf32, #tpu.memory_space<vmem>> -> memref<128xf32, #tpu.memory_space<vmem>>
      tpu.enqueue_dma source(%dma_start3A_3012 : memref<128xf32, #tpu.memory_space<vmem>>) target(%dma_start3A_3009 : memref<128xf32, #tpu.memory_space<hbm>>) target_semaphore(%arg10 : memref<!tpu.dma_semaphore, #tpu.memory_space<semaphore_mem>>)
    } else {
    }
    %convert_element_type3A_2933 = arith.extui %and3A_2645 : i1 to i32
    %cond3A_2934 = arith.constant 12 : i32
    %cond3A_2935 = arith.constant 0 : i32
    %cond3A_2936 = arith.constant 0 : i32
    %cond3A_2937 = arith.cmpi ne, %convert_element_type3A_2933, %cond3A_2936 : i32
    scf.if %cond3A_2937 {
      %dma_start3A_3003 = arith.constant 0 : i32
      %dma_start3A_3004 = tpu.memref_slice %arg6[%cond3A_2934, %dma_start3A_3003] : memref<13x128xf32, #tpu.memory_space<vmem>> -> memref<1x128xf32, #tpu.memory_space<vmem>>
      %dma_start3A_3005 = tpu.memref_squeeze %dma_start3A_3004 : memref<1x128xf32, #tpu.memory_space<vmem>> -> memref<128xf32, #tpu.memory_space<vmem>>
      %dma_start3A_3006 = tpu.memref_slice %arg4[%add3A_72, %cond3A_2935, %multiple_of3A_2473] : memref<200x1x100000xf32, #tpu.memory_space<hbm>> -> memref<1x1x128xf32, #tpu.memory_space<hbm>>
      %dma_start3A_3007 = tpu.memref_squeeze %dma_start3A_3006 : memref<1x1x128xf32, #tpu.memory_space<hbm>> -> memref<128xf32, #tpu.memory_space<hbm>>
      %dma_start3A_3008 = tpu.memref_slice %arg4[%add3A_72, %cond3A_2935, %multiple_of3A_2473] : memref<200x1x100000xf32, #tpu.memory_space<hbm>> -> memref<1x1x128xf32, #tpu.memory_space<hbm>>
      %dma_start3A_3009 = tpu.memref_squeeze %dma_start3A_3008 : memref<1x1x128xf32, #tpu.memory_space<hbm>> -> memref<128xf32, #tpu.memory_space<hbm>>
      %dma_start3A_3010 = arith.constant 0 : i32
      %dma_start3A_3011 = tpu.memref_slice %arg6[%cond3A_2934, %dma_start3A_3010] : memref<13x128xf32, #tpu.memory_space<vmem>> -> memref<1x128xf32, #tpu.memory_space<vmem>>
      %dma_start3A_3012 = tpu.memref_squeeze %dma_start3A_3011 : memref<1x128xf32, #tpu.memory_space<vmem>> -> memref<128xf32, #tpu.memory_space<vmem>>
      tpu.enqueue_dma source(%dma_start3A_3012 : memref<128xf32, #tpu.memory_space<vmem>>) target(%dma_start3A_3009 : memref<128xf32, #tpu.memory_space<hbm>>) target_semaphore(%arg10 : memref<!tpu.dma_semaphore, #tpu.memory_space<semaphore_mem>>)
    } else {
    }
    %convert_element_type3A_2938 = arith.extui %eq3A_572 : i1 to i32
    %cond3A_2939 = arith.constant 0 : i32
    %cond3A_2940 = arith.constant 0 : i32
    %cond3A_2941 = arith.constant 0 : i32
    %cond3A_2942 = arith.cmpi ne, %convert_element_type3A_2938, %cond3A_2941 : i32
    scf.if %cond3A_2942 {
      %dma_wait3A_3003 = arith.constant 0 : i32
      %dma_wait3A_3004 = tpu.memref_slice %arg6[%cond3A_2939, %dma_wait3A_3003] : memref<13x128xf32, #tpu.memory_space<vmem>> -> memref<1x128xf32, #tpu.memory_space<vmem>>
      %dma_wait3A_3005 = tpu.memref_squeeze %dma_wait3A_3004 : memref<1x128xf32, #tpu.memory_space<vmem>> -> memref<128xf32, #tpu.memory_space<vmem>>
      %dma_wait3A_3006 = tpu.memref_slice %arg4[%add3A_10, %cond3A_2940, %multiple_of3A_435] : memref<200x1x100000xf32, #tpu.memory_space<hbm>> -> memref<1x1x128xf32, #tpu.memory_space<hbm>>
      %dma_wait3A_3007 = tpu.memref_squeeze %dma_wait3A_3006 : memref<1x1x128xf32, #tpu.memory_space<hbm>> -> memref<128xf32, #tpu.memory_space<hbm>>
      %dma_wait3A_3008 = tpu.memref_slice %arg4[%add3A_10, %cond3A_2940, %multiple_of3A_435] : memref<200x1x100000xf32, #tpu.memory_space<hbm>> -> memref<1x1x128xf32, #tpu.memory_space<hbm>>
      %dma_wait3A_3009 = tpu.memref_squeeze %dma_wait3A_3008 : memref<1x1x128xf32, #tpu.memory_space<hbm>> -> memref<128xf32, #tpu.memory_space<hbm>>
      %dma_wait3A_3010 = arith.constant 0 : i32
      %dma_wait3A_3011 = tpu.memref_slice %arg6[%cond3A_2939, %dma_wait3A_3010] : memref<13x128xf32, #tpu.memory_space<vmem>> -> memref<1x128xf32, #tpu.memory_space<vmem>>
      %dma_wait3A_3012 = tpu.memref_squeeze %dma_wait3A_3011 : memref<1x128xf32, #tpu.memory_space<vmem>> -> memref<128xf32, #tpu.memory_space<vmem>>
      tpu.wait_dma2 semaphore(%arg10 : memref<!tpu.dma_semaphore, #tpu.memory_space<semaphore_mem>>) src(%dma_wait3A_3012 : memref<128xf32, #tpu.memory_space<vmem>>) dst(%dma_wait3A_3009 : memref<128xf32, #tpu.memory_space<hbm>>)
    } else {
    }
    %convert_element_type3A_2943 = arith.extui %eq3A_742 : i1 to i32
    %cond3A_2944 = arith.constant 1 : i32
    %cond3A_2945 = arith.constant 0 : i32
    %cond3A_2946 = arith.constant 0 : i32
    %cond3A_2947 = arith.cmpi ne, %convert_element_type3A_2943, %cond3A_2946 : i32
    scf.if %cond3A_2947 {
      %dma_wait3A_3003 = arith.constant 0 : i32
      %dma_wait3A_3004 = tpu.memref_slice %arg6[%cond3A_2944, %dma_wait3A_3003] : memref<13x128xf32, #tpu.memory_space<vmem>> -> memref<1x128xf32, #tpu.memory_space<vmem>>
      %dma_wait3A_3005 = tpu.memref_squeeze %dma_wait3A_3004 : memref<1x128xf32, #tpu.memory_space<vmem>> -> memref<128xf32, #tpu.memory_space<vmem>>
      %dma_wait3A_3006 = tpu.memref_slice %arg4[%add3A_14, %cond3A_2945, %multiple_of3A_603] : memref<200x1x100000xf32, #tpu.memory_space<hbm>> -> memref<1x1x128xf32, #tpu.memory_space<hbm>>
      %dma_wait3A_3007 = tpu.memref_squeeze %dma_wait3A_3006 : memref<1x1x128xf32, #tpu.memory_space<hbm>> -> memref<128xf32, #tpu.memory_space<hbm>>
      %dma_wait3A_3008 = tpu.memref_slice %arg4[%add3A_14, %cond3A_2945, %multiple_of3A_603] : memref<200x1x100000xf32, #tpu.memory_space<hbm>> -> memref<1x1x128xf32, #tpu.memory_space<hbm>>
      %dma_wait3A_3009 = tpu.memref_squeeze %dma_wait3A_3008 : memref<1x1x128xf32, #tpu.memory_space<hbm>> -> memref<128xf32, #tpu.memory_space<hbm>>
      %dma_wait3A_3010 = arith.constant 0 : i32
      %dma_wait3A_3011 = tpu.memref_slice %arg6[%cond3A_2944, %dma_wait3A_3010] : memref<13x128xf32, #tpu.memory_space<vmem>> -> memref<1x128xf32, #tpu.memory_space<vmem>>
      %dma_wait3A_3012 = tpu.memref_squeeze %dma_wait3A_3011 : memref<1x128xf32, #tpu.memory_space<vmem>> -> memref<128xf32, #tpu.memory_space<vmem>>
      tpu.wait_dma2 semaphore(%arg10 : memref<!tpu.dma_semaphore, #tpu.memory_space<semaphore_mem>>) src(%dma_wait3A_3012 : memref<128xf32, #tpu.memory_space<vmem>>) dst(%dma_wait3A_3009 : memref<128xf32, #tpu.memory_space<hbm>>)
    } else {
    }
    %convert_element_type3A_2948 = arith.extui %eq3A_912 : i1 to i32
    %cond3A_2949 = arith.constant 2 : i32
    %cond3A_2950 = arith.constant 0 : i32
    %cond3A_2951 = arith.constant 0 : i32
    %cond3A_2952 = arith.cmpi ne, %convert_element_type3A_2948, %cond3A_2951 : i32
    scf.if %cond3A_2952 {
      %dma_wait3A_3003 = arith.constant 0 : i32
      %dma_wait3A_3004 = tpu.memref_slice %arg6[%cond3A_2949, %dma_wait3A_3003] : memref<13x128xf32, #tpu.memory_space<vmem>> -> memref<1x128xf32, #tpu.memory_space<vmem>>
      %dma_wait3A_3005 = tpu.memref_squeeze %dma_wait3A_3004 : memref<1x128xf32, #tpu.memory_space<vmem>> -> memref<128xf32, #tpu.memory_space<vmem>>
      %dma_wait3A_3006 = tpu.memref_slice %arg4[%add3A_18, %cond3A_2950, %multiple_of3A_773] : memref<200x1x100000xf32, #tpu.memory_space<hbm>> -> memref<1x1x128xf32, #tpu.memory_space<hbm>>
      %dma_wait3A_3007 = tpu.memref_squeeze %dma_wait3A_3006 : memref<1x1x128xf32, #tpu.memory_space<hbm>> -> memref<128xf32, #tpu.memory_space<hbm>>
      %dma_wait3A_3008 = tpu.memref_slice %arg4[%add3A_18, %cond3A_2950, %multiple_of3A_773] : memref<200x1x100000xf32, #tpu.memory_space<hbm>> -> memref<1x1x128xf32, #tpu.memory_space<hbm>>
      %dma_wait3A_3009 = tpu.memref_squeeze %dma_wait3A_3008 : memref<1x1x128xf32, #tpu.memory_space<hbm>> -> memref<128xf32, #tpu.memory_space<hbm>>
      %dma_wait3A_3010 = arith.constant 0 : i32
      %dma_wait3A_3011 = tpu.memref_slice %arg6[%cond3A_2949, %dma_wait3A_3010] : memref<13x128xf32, #tpu.memory_space<vmem>> -> memref<1x128xf32, #tpu.memory_space<vmem>>
      %dma_wait3A_3012 = tpu.memref_squeeze %dma_wait3A_3011 : memref<1x128xf32, #tpu.memory_space<vmem>> -> memref<128xf32, #tpu.memory_space<vmem>>
      tpu.wait_dma2 semaphore(%arg10 : memref<!tpu.dma_semaphore, #tpu.memory_space<semaphore_mem>>) src(%dma_wait3A_3012 : memref<128xf32, #tpu.memory_space<vmem>>) dst(%dma_wait3A_3009 : memref<128xf32, #tpu.memory_space<hbm>>)
    } else {
    }
    %convert_element_type3A_2953 = arith.extui %eq3A_1082 : i1 to i32
    %cond3A_2954 = arith.constant 3 : i32
    %cond3A_2955 = arith.constant 0 : i32
    %cond3A_2956 = arith.constant 0 : i32
    %cond3A_2957 = arith.cmpi ne, %convert_element_type3A_2953, %cond3A_2956 : i32
    scf.if %cond3A_2957 {
      %dma_wait3A_3003 = arith.constant 0 : i32
      %dma_wait3A_3004 = tpu.memref_slice %arg6[%cond3A_2954, %dma_wait3A_3003] : memref<13x128xf32, #tpu.memory_space<vmem>> -> memref<1x128xf32, #tpu.memory_space<vmem>>
      %dma_wait3A_3005 = tpu.memref_squeeze %dma_wait3A_3004 : memref<1x128xf32, #tpu.memory_space<vmem>> -> memref<128xf32, #tpu.memory_space<vmem>>
      %dma_wait3A_3006 = tpu.memref_slice %arg4[%add3A_22, %cond3A_2955, %multiple_of3A_943] : memref<200x1x100000xf32, #tpu.memory_space<hbm>> -> memref<1x1x128xf32, #tpu.memory_space<hbm>>
      %dma_wait3A_3007 = tpu.memref_squeeze %dma_wait3A_3006 : memref<1x1x128xf32, #tpu.memory_space<hbm>> -> memref<128xf32, #tpu.memory_space<hbm>>
      %dma_wait3A_3008 = tpu.memref_slice %arg4[%add3A_22, %cond3A_2955, %multiple_of3A_943] : memref<200x1x100000xf32, #tpu.memory_space<hbm>> -> memref<1x1x128xf32, #tpu.memory_space<hbm>>
      %dma_wait3A_3009 = tpu.memref_squeeze %dma_wait3A_3008 : memref<1x1x128xf32, #tpu.memory_space<hbm>> -> memref<128xf32, #tpu.memory_space<hbm>>
      %dma_wait3A_3010 = arith.constant 0 : i32
      %dma_wait3A_3011 = tpu.memref_slice %arg6[%cond3A_2954, %dma_wait3A_3010] : memref<13x128xf32, #tpu.memory_space<vmem>> -> memref<1x128xf32, #tpu.memory_space<vmem>>
      %dma_wait3A_3012 = tpu.memref_squeeze %dma_wait3A_3011 : memref<1x128xf32, #tpu.memory_space<vmem>> -> memref<128xf32, #tpu.memory_space<vmem>>
      tpu.wait_dma2 semaphore(%arg10 : memref<!tpu.dma_semaphore, #tpu.memory_space<semaphore_mem>>) src(%dma_wait3A_3012 : memref<128xf32, #tpu.memory_space<vmem>>) dst(%dma_wait3A_3009 : memref<128xf32, #tpu.memory_space<hbm>>)
    } else {
    }
    %convert_element_type3A_2958 = arith.extui %eq3A_1252 : i1 to i32
    %cond3A_2959 = arith.constant 4 : i32
    %cond3A_2960 = arith.constant 0 : i32
    %cond3A_2961 = arith.constant 0 : i32
    %cond3A_2962 = arith.cmpi ne, %convert_element_type3A_2958, %cond3A_2961 : i32
    scf.if %cond3A_2962 {
      %dma_wait3A_3003 = arith.constant 0 : i32
      %dma_wait3A_3004 = tpu.memref_slice %arg6[%cond3A_2959, %dma_wait3A_3003] : memref<13x128xf32, #tpu.memory_space<vmem>> -> memref<1x128xf32, #tpu.memory_space<vmem>>
      %dma_wait3A_3005 = tpu.memref_squeeze %dma_wait3A_3004 : memref<1x128xf32, #tpu.memory_space<vmem>> -> memref<128xf32, #tpu.memory_space<vmem>>
      %dma_wait3A_3006 = tpu.memref_slice %arg4[%add3A_26, %cond3A_2960, %multiple_of3A_1113] : memref<200x1x100000xf32, #tpu.memory_space<hbm>> -> memref<1x1x128xf32, #tpu.memory_space<hbm>>
      %dma_wait3A_3007 = tpu.memref_squeeze %dma_wait3A_3006 : memref<1x1x128xf32, #tpu.memory_space<hbm>> -> memref<128xf32, #tpu.memory_space<hbm>>
      %dma_wait3A_3008 = tpu.memref_slice %arg4[%add3A_26, %cond3A_2960, %multiple_of3A_1113] : memref<200x1x100000xf32, #tpu.memory_space<hbm>> -> memref<1x1x128xf32, #tpu.memory_space<hbm>>
      %dma_wait3A_3009 = tpu.memref_squeeze %dma_wait3A_3008 : memref<1x1x128xf32, #tpu.memory_space<hbm>> -> memref<128xf32, #tpu.memory_space<hbm>>
      %dma_wait3A_3010 = arith.constant 0 : i32
      %dma_wait3A_3011 = tpu.memref_slice %arg6[%cond3A_2959, %dma_wait3A_3010] : memref<13x128xf32, #tpu.memory_space<vmem>> -> memref<1x128xf32, #tpu.memory_space<vmem>>
      %dma_wait3A_3012 = tpu.memref_squeeze %dma_wait3A_3011 : memref<1x128xf32, #tpu.memory_space<vmem>> -> memref<128xf32, #tpu.memory_space<vmem>>
      tpu.wait_dma2 semaphore(%arg10 : memref<!tpu.dma_semaphore, #tpu.memory_space<semaphore_mem>>) src(%dma_wait3A_3012 : memref<128xf32, #tpu.memory_space<vmem>>) dst(%dma_wait3A_3009 : memref<128xf32, #tpu.memory_space<hbm>>)
    } else {
    }
    %convert_element_type3A_2963 = arith.extui %eq3A_1422 : i1 to i32
    %cond3A_2964 = arith.constant 5 : i32
    %cond3A_2965 = arith.constant 0 : i32
    %cond3A_2966 = arith.constant 0 : i32
    %cond3A_2967 = arith.cmpi ne, %convert_element_type3A_2963, %cond3A_2966 : i32
    scf.if %cond3A_2967 {
      %dma_wait3A_3003 = arith.constant 0 : i32
      %dma_wait3A_3004 = tpu.memref_slice %arg6[%cond3A_2964, %dma_wait3A_3003] : memref<13x128xf32, #tpu.memory_space<vmem>> -> memref<1x128xf32, #tpu.memory_space<vmem>>
      %dma_wait3A_3005 = tpu.memref_squeeze %dma_wait3A_3004 : memref<1x128xf32, #tpu.memory_space<vmem>> -> memref<128xf32, #tpu.memory_space<vmem>>
      %dma_wait3A_3006 = tpu.memref_slice %arg4[%add3A_30, %cond3A_2965, %multiple_of3A_1283] : memref<200x1x100000xf32, #tpu.memory_space<hbm>> -> memref<1x1x128xf32, #tpu.memory_space<hbm>>
      %dma_wait3A_3007 = tpu.memref_squeeze %dma_wait3A_3006 : memref<1x1x128xf32, #tpu.memory_space<hbm>> -> memref<128xf32, #tpu.memory_space<hbm>>
      %dma_wait3A_3008 = tpu.memref_slice %arg4[%add3A_30, %cond3A_2965, %multiple_of3A_1283] : memref<200x1x100000xf32, #tpu.memory_space<hbm>> -> memref<1x1x128xf32, #tpu.memory_space<hbm>>
      %dma_wait3A_3009 = tpu.memref_squeeze %dma_wait3A_3008 : memref<1x1x128xf32, #tpu.memory_space<hbm>> -> memref<128xf32, #tpu.memory_space<hbm>>
      %dma_wait3A_3010 = arith.constant 0 : i32
      %dma_wait3A_3011 = tpu.memref_slice %arg6[%cond3A_2964, %dma_wait3A_3010] : memref<13x128xf32, #tpu.memory_space<vmem>> -> memref<1x128xf32, #tpu.memory_space<vmem>>
      %dma_wait3A_3012 = tpu.memref_squeeze %dma_wait3A_3011 : memref<1x128xf32, #tpu.memory_space<vmem>> -> memref<128xf32, #tpu.memory_space<vmem>>
      tpu.wait_dma2 semaphore(%arg10 : memref<!tpu.dma_semaphore, #tpu.memory_space<semaphore_mem>>) src(%dma_wait3A_3012 : memref<128xf32, #tpu.memory_space<vmem>>) dst(%dma_wait3A_3009 : memref<128xf32, #tpu.memory_space<hbm>>)
    } else {
    }
    %convert_element_type3A_2968 = arith.extui %eq3A_1592 : i1 to i32
    %cond3A_2969 = arith.constant 6 : i32
    %cond3A_2970 = arith.constant 0 : i32
    %cond3A_2971 = arith.constant 0 : i32
    %cond3A_2972 = arith.cmpi ne, %convert_element_type3A_2968, %cond3A_2971 : i32
    scf.if %cond3A_2972 {
      %dma_wait3A_3003 = arith.constant 0 : i32
      %dma_wait3A_3004 = tpu.memref_slice %arg6[%cond3A_2969, %dma_wait3A_3003] : memref<13x128xf32, #tpu.memory_space<vmem>> -> memref<1x128xf32, #tpu.memory_space<vmem>>
      %dma_wait3A_3005 = tpu.memref_squeeze %dma_wait3A_3004 : memref<1x128xf32, #tpu.memory_space<vmem>> -> memref<128xf32, #tpu.memory_space<vmem>>
      %dma_wait3A_3006 = tpu.memref_slice %arg4[%add3A_34, %cond3A_2970, %multiple_of3A_1453] : memref<200x1x100000xf32, #tpu.memory_space<hbm>> -> memref<1x1x128xf32, #tpu.memory_space<hbm>>
      %dma_wait3A_3007 = tpu.memref_squeeze %dma_wait3A_3006 : memref<1x1x128xf32, #tpu.memory_space<hbm>> -> memref<128xf32, #tpu.memory_space<hbm>>
      %dma_wait3A_3008 = tpu.memref_slice %arg4[%add3A_34, %cond3A_2970, %multiple_of3A_1453] : memref<200x1x100000xf32, #tpu.memory_space<hbm>> -> memref<1x1x128xf32, #tpu.memory_space<hbm>>
      %dma_wait3A_3009 = tpu.memref_squeeze %dma_wait3A_3008 : memref<1x1x128xf32, #tpu.memory_space<hbm>> -> memref<128xf32, #tpu.memory_space<hbm>>
      %dma_wait3A_3010 = arith.constant 0 : i32
      %dma_wait3A_3011 = tpu.memref_slice %arg6[%cond3A_2969, %dma_wait3A_3010] : memref<13x128xf32, #tpu.memory_space<vmem>> -> memref<1x128xf32, #tpu.memory_space<vmem>>
      %dma_wait3A_3012 = tpu.memref_squeeze %dma_wait3A_3011 : memref<1x128xf32, #tpu.memory_space<vmem>> -> memref<128xf32, #tpu.memory_space<vmem>>
      tpu.wait_dma2 semaphore(%arg10 : memref<!tpu.dma_semaphore, #tpu.memory_space<semaphore_mem>>) src(%dma_wait3A_3012 : memref<128xf32, #tpu.memory_space<vmem>>) dst(%dma_wait3A_3009 : memref<128xf32, #tpu.memory_space<hbm>>)
    } else {
    }
    %convert_element_type3A_2973 = arith.extui %eq3A_1762 : i1 to i32
    %cond3A_2974 = arith.constant 7 : i32
    %cond3A_2975 = arith.constant 0 : i32
    %cond3A_2976 = arith.constant 0 : i32
    %cond3A_2977 = arith.cmpi ne, %convert_element_type3A_2973, %cond3A_2976 : i32
    scf.if %cond3A_2977 {
      %dma_wait3A_3003 = arith.constant 0 : i32
      %dma_wait3A_3004 = tpu.memref_slice %arg6[%cond3A_2974, %dma_wait3A_3003] : memref<13x128xf32, #tpu.memory_space<vmem>> -> memref<1x128xf32, #tpu.memory_space<vmem>>
      %dma_wait3A_3005 = tpu.memref_squeeze %dma_wait3A_3004 : memref<1x128xf32, #tpu.memory_space<vmem>> -> memref<128xf32, #tpu.memory_space<vmem>>
      %dma_wait3A_3006 = tpu.memref_slice %arg4[%add3A_38, %cond3A_2975, %multiple_of3A_1623] : memref<200x1x100000xf32, #tpu.memory_space<hbm>> -> memref<1x1x128xf32, #tpu.memory_space<hbm>>
      %dma_wait3A_3007 = tpu.memref_squeeze %dma_wait3A_3006 : memref<1x1x128xf32, #tpu.memory_space<hbm>> -> memref<128xf32, #tpu.memory_space<hbm>>
      %dma_wait3A_3008 = tpu.memref_slice %arg4[%add3A_38, %cond3A_2975, %multiple_of3A_1623] : memref<200x1x100000xf32, #tpu.memory_space<hbm>> -> memref<1x1x128xf32, #tpu.memory_space<hbm>>
      %dma_wait3A_3009 = tpu.memref_squeeze %dma_wait3A_3008 : memref<1x1x128xf32, #tpu.memory_space<hbm>> -> memref<128xf32, #tpu.memory_space<hbm>>
      %dma_wait3A_3010 = arith.constant 0 : i32
      %dma_wait3A_3011 = tpu.memref_slice %arg6[%cond3A_2974, %dma_wait3A_3010] : memref<13x128xf32, #tpu.memory_space<vmem>> -> memref<1x128xf32, #tpu.memory_space<vmem>>
      %dma_wait3A_3012 = tpu.memref_squeeze %dma_wait3A_3011 : memref<1x128xf32, #tpu.memory_space<vmem>> -> memref<128xf32, #tpu.memory_space<vmem>>
      tpu.wait_dma2 semaphore(%arg10 : memref<!tpu.dma_semaphore, #tpu.memory_space<semaphore_mem>>) src(%dma_wait3A_3012 : memref<128xf32, #tpu.memory_space<vmem>>) dst(%dma_wait3A_3009 : memref<128xf32, #tpu.memory_space<hbm>>)
    } else {
    }
    %convert_element_type3A_2978 = arith.extui %eq3A_1932 : i1 to i32
    %cond3A_2979 = arith.constant 8 : i32
    %cond3A_2980 = arith.constant 0 : i32
    %cond3A_2981 = arith.constant 0 : i32
    %cond3A_2982 = arith.cmpi ne, %convert_element_type3A_2978, %cond3A_2981 : i32
    scf.if %cond3A_2982 {
      %dma_wait3A_3003 = arith.constant 0 : i32
      %dma_wait3A_3004 = tpu.memref_slice %arg6[%cond3A_2979, %dma_wait3A_3003] : memref<13x128xf32, #tpu.memory_space<vmem>> -> memref<1x128xf32, #tpu.memory_space<vmem>>
      %dma_wait3A_3005 = tpu.memref_squeeze %dma_wait3A_3004 : memref<1x128xf32, #tpu.memory_space<vmem>> -> memref<128xf32, #tpu.memory_space<vmem>>
      %dma_wait3A_3006 = tpu.memref_slice %arg4[%add3A_42, %cond3A_2980, %multiple_of3A_1793] : memref<200x1x100000xf32, #tpu.memory_space<hbm>> -> memref<1x1x128xf32, #tpu.memory_space<hbm>>
      %dma_wait3A_3007 = tpu.memref_squeeze %dma_wait3A_3006 : memref<1x1x128xf32, #tpu.memory_space<hbm>> -> memref<128xf32, #tpu.memory_space<hbm>>
      %dma_wait3A_3008 = tpu.memref_slice %arg4[%add3A_42, %cond3A_2980, %multiple_of3A_1793] : memref<200x1x100000xf32, #tpu.memory_space<hbm>> -> memref<1x1x128xf32, #tpu.memory_space<hbm>>
      %dma_wait3A_3009 = tpu.memref_squeeze %dma_wait3A_3008 : memref<1x1x128xf32, #tpu.memory_space<hbm>> -> memref<128xf32, #tpu.memory_space<hbm>>
      %dma_wait3A_3010 = arith.constant 0 : i32
      %dma_wait3A_3011 = tpu.memref_slice %arg6[%cond3A_2979, %dma_wait3A_3010] : memref<13x128xf32, #tpu.memory_space<vmem>> -> memref<1x128xf32, #tpu.memory_space<vmem>>
      %dma_wait3A_3012 = tpu.memref_squeeze %dma_wait3A_3011 : memref<1x128xf32, #tpu.memory_space<vmem>> -> memref<128xf32, #tpu.memory_space<vmem>>
      tpu.wait_dma2 semaphore(%arg10 : memref<!tpu.dma_semaphore, #tpu.memory_space<semaphore_mem>>) src(%dma_wait3A_3012 : memref<128xf32, #tpu.memory_space<vmem>>) dst(%dma_wait3A_3009 : memref<128xf32, #tpu.memory_space<hbm>>)
    } else {
    }
    %convert_element_type3A_2983 = arith.extui %eq3A_2102 : i1 to i32
    %cond3A_2984 = arith.constant 9 : i32
    %cond3A_2985 = arith.constant 0 : i32
    %cond3A_2986 = arith.constant 0 : i32
    %cond3A_2987 = arith.cmpi ne, %convert_element_type3A_2983, %cond3A_2986 : i32
    scf.if %cond3A_2987 {
      %dma_wait3A_3003 = arith.constant 0 : i32
      %dma_wait3A_3004 = tpu.memref_slice %arg6[%cond3A_2984, %dma_wait3A_3003] : memref<13x128xf32, #tpu.memory_space<vmem>> -> memref<1x128xf32, #tpu.memory_space<vmem>>
      %dma_wait3A_3005 = tpu.memref_squeeze %dma_wait3A_3004 : memref<1x128xf32, #tpu.memory_space<vmem>> -> memref<128xf32, #tpu.memory_space<vmem>>
      %dma_wait3A_3006 = tpu.memref_slice %arg4[%add3A_46, %cond3A_2985, %multiple_of3A_1963] : memref<200x1x100000xf32, #tpu.memory_space<hbm>> -> memref<1x1x128xf32, #tpu.memory_space<hbm>>
      %dma_wait3A_3007 = tpu.memref_squeeze %dma_wait3A_3006 : memref<1x1x128xf32, #tpu.memory_space<hbm>> -> memref<128xf32, #tpu.memory_space<hbm>>
      %dma_wait3A_3008 = tpu.memref_slice %arg4[%add3A_46, %cond3A_2985, %multiple_of3A_1963] : memref<200x1x100000xf32, #tpu.memory_space<hbm>> -> memref<1x1x128xf32, #tpu.memory_space<hbm>>
      %dma_wait3A_3009 = tpu.memref_squeeze %dma_wait3A_3008 : memref<1x1x128xf32, #tpu.memory_space<hbm>> -> memref<128xf32, #tpu.memory_space<hbm>>
      %dma_wait3A_3010 = arith.constant 0 : i32
      %dma_wait3A_3011 = tpu.memref_slice %arg6[%cond3A_2984, %dma_wait3A_3010] : memref<13x128xf32, #tpu.memory_space<vmem>> -> memref<1x128xf32, #tpu.memory_space<vmem>>
      %dma_wait3A_3012 = tpu.memref_squeeze %dma_wait3A_3011 : memref<1x128xf32, #tpu.memory_space<vmem>> -> memref<128xf32, #tpu.memory_space<vmem>>
      tpu.wait_dma2 semaphore(%arg10 : memref<!tpu.dma_semaphore, #tpu.memory_space<semaphore_mem>>) src(%dma_wait3A_3012 : memref<128xf32, #tpu.memory_space<vmem>>) dst(%dma_wait3A_3009 : memref<128xf32, #tpu.memory_space<hbm>>)
    } else {
    }
    %convert_element_type3A_2988 = arith.extui %eq3A_2272 : i1 to i32
    %cond3A_2989 = arith.constant 10 : i32
    %cond3A_2990 = arith.constant 0 : i32
    %cond3A_2991 = arith.constant 0 : i32
    %cond3A_2992 = arith.cmpi ne, %convert_element_type3A_2988, %cond3A_2991 : i32
    scf.if %cond3A_2992 {
      %dma_wait3A_3003 = arith.constant 0 : i32
      %dma_wait3A_3004 = tpu.memref_slice %arg6[%cond3A_2989, %dma_wait3A_3003] : memref<13x128xf32, #tpu.memory_space<vmem>> -> memref<1x128xf32, #tpu.memory_space<vmem>>
      %dma_wait3A_3005 = tpu.memref_squeeze %dma_wait3A_3004 : memref<1x128xf32, #tpu.memory_space<vmem>> -> memref<128xf32, #tpu.memory_space<vmem>>
      %dma_wait3A_3006 = tpu.memref_slice %arg4[%add3A_50, %cond3A_2990, %multiple_of3A_2133] : memref<200x1x100000xf32, #tpu.memory_space<hbm>> -> memref<1x1x128xf32, #tpu.memory_space<hbm>>
      %dma_wait3A_3007 = tpu.memref_squeeze %dma_wait3A_3006 : memref<1x1x128xf32, #tpu.memory_space<hbm>> -> memref<128xf32, #tpu.memory_space<hbm>>
      %dma_wait3A_3008 = tpu.memref_slice %arg4[%add3A_50, %cond3A_2990, %multiple_of3A_2133] : memref<200x1x100000xf32, #tpu.memory_space<hbm>> -> memref<1x1x128xf32, #tpu.memory_space<hbm>>
      %dma_wait3A_3009 = tpu.memref_squeeze %dma_wait3A_3008 : memref<1x1x128xf32, #tpu.memory_space<hbm>> -> memref<128xf32, #tpu.memory_space<hbm>>
      %dma_wait3A_3010 = arith.constant 0 : i32
      %dma_wait3A_3011 = tpu.memref_slice %arg6[%cond3A_2989, %dma_wait3A_3010] : memref<13x128xf32, #tpu.memory_space<vmem>> -> memref<1x128xf32, #tpu.memory_space<vmem>>
      %dma_wait3A_3012 = tpu.memref_squeeze %dma_wait3A_3011 : memref<1x128xf32, #tpu.memory_space<vmem>> -> memref<128xf32, #tpu.memory_space<vmem>>
      tpu.wait_dma2 semaphore(%arg10 : memref<!tpu.dma_semaphore, #tpu.memory_space<semaphore_mem>>) src(%dma_wait3A_3012 : memref<128xf32, #tpu.memory_space<vmem>>) dst(%dma_wait3A_3009 : memref<128xf32, #tpu.memory_space<hbm>>)
    } else {
    }
    %convert_element_type3A_2993 = arith.extui %eq3A_2442 : i1 to i32
    %cond3A_2994 = arith.constant 11 : i32
    %cond3A_2995 = arith.constant 0 : i32
    %cond3A_2996 = arith.constant 0 : i32
    %cond3A_2997 = arith.cmpi ne, %convert_element_type3A_2993, %cond3A_2996 : i32
    scf.if %cond3A_2997 {
      %dma_wait3A_3003 = arith.constant 0 : i32
      %dma_wait3A_3004 = tpu.memref_slice %arg6[%cond3A_2994, %dma_wait3A_3003] : memref<13x128xf32, #tpu.memory_space<vmem>> -> memref<1x128xf32, #tpu.memory_space<vmem>>
      %dma_wait3A_3005 = tpu.memref_squeeze %dma_wait3A_3004 : memref<1x128xf32, #tpu.memory_space<vmem>> -> memref<128xf32, #tpu.memory_space<vmem>>
      %dma_wait3A_3006 = tpu.memref_slice %arg4[%add3A_54, %cond3A_2995, %multiple_of3A_2303] : memref<200x1x100000xf32, #tpu.memory_space<hbm>> -> memref<1x1x128xf32, #tpu.memory_space<hbm>>
      %dma_wait3A_3007 = tpu.memref_squeeze %dma_wait3A_3006 : memref<1x1x128xf32, #tpu.memory_space<hbm>> -> memref<128xf32, #tpu.memory_space<hbm>>
      %dma_wait3A_3008 = tpu.memref_slice %arg4[%add3A_54, %cond3A_2995, %multiple_of3A_2303] : memref<200x1x100000xf32, #tpu.memory_space<hbm>> -> memref<1x1x128xf32, #tpu.memory_space<hbm>>
      %dma_wait3A_3009 = tpu.memref_squeeze %dma_wait3A_3008 : memref<1x1x128xf32, #tpu.memory_space<hbm>> -> memref<128xf32, #tpu.memory_space<hbm>>
      %dma_wait3A_3010 = arith.constant 0 : i32
      %dma_wait3A_3011 = tpu.memref_slice %arg6[%cond3A_2994, %dma_wait3A_3010] : memref<13x128xf32, #tpu.memory_space<vmem>> -> memref<1x128xf32, #tpu.memory_space<vmem>>
      %dma_wait3A_3012 = tpu.memref_squeeze %dma_wait3A_3011 : memref<1x128xf32, #tpu.memory_space<vmem>> -> memref<128xf32, #tpu.memory_space<vmem>>
      tpu.wait_dma2 semaphore(%arg10 : memref<!tpu.dma_semaphore, #tpu.memory_space<semaphore_mem>>) src(%dma_wait3A_3012 : memref<128xf32, #tpu.memory_space<vmem>>) dst(%dma_wait3A_3009 : memref<128xf32, #tpu.memory_space<hbm>>)
    } else {
    }
    %convert_element_type3A_2998 = arith.extui %and3A_2645 : i1 to i32
    %cond3A_2999 = arith.constant 12 : i32
    %cond3A_3000 = arith.constant 0 : i32
    %cond3A_3001 = arith.constant 0 : i32
    %cond3A_3002 = arith.cmpi ne, %convert_element_type3A_2998, %cond3A_3001 : i32
    scf.if %cond3A_3002 {
      %dma_wait3A_3003 = arith.constant 0 : i32
      %dma_wait3A_3004 = tpu.memref_slice %arg6[%cond3A_2999, %dma_wait3A_3003] : memref<13x128xf32, #tpu.memory_space<vmem>> -> memref<1x128xf32, #tpu.memory_space<vmem>>
      %dma_wait3A_3005 = tpu.memref_squeeze %dma_wait3A_3004 : memref<1x128xf32, #tpu.memory_space<vmem>> -> memref<128xf32, #tpu.memory_space<vmem>>
      %dma_wait3A_3006 = tpu.memref_slice %arg4[%add3A_72, %cond3A_3000, %multiple_of3A_2473] : memref<200x1x100000xf32, #tpu.memory_space<hbm>> -> memref<1x1x128xf32, #tpu.memory_space<hbm>>
      %dma_wait3A_3007 = tpu.memref_squeeze %dma_wait3A_3006 : memref<1x1x128xf32, #tpu.memory_space<hbm>> -> memref<128xf32, #tpu.memory_space<hbm>>
      %dma_wait3A_3008 = tpu.memref_slice %arg4[%add3A_72, %cond3A_3000, %multiple_of3A_2473] : memref<200x1x100000xf32, #tpu.memory_space<hbm>> -> memref<1x1x128xf32, #tpu.memory_space<hbm>>
      %dma_wait3A_3009 = tpu.memref_squeeze %dma_wait3A_3008 : memref<1x1x128xf32, #tpu.memory_space<hbm>> -> memref<128xf32, #tpu.memory_space<hbm>>
      %dma_wait3A_3010 = arith.constant 0 : i32
      %dma_wait3A_3011 = tpu.memref_slice %arg6[%cond3A_2999, %dma_wait3A_3010] : memref<13x128xf32, #tpu.memory_space<vmem>> -> memref<1x128xf32, #tpu.memory_space<vmem>>
      %dma_wait3A_3012 = tpu.memref_squeeze %dma_wait3A_3011 : memref<1x128xf32, #tpu.memory_space<vmem>> -> memref<128xf32, #tpu.memory_space<vmem>>
      tpu.wait_dma2 semaphore(%arg10 : memref<!tpu.dma_semaphore, #tpu.memory_space<semaphore_mem>>) src(%dma_wait3A_3012 : memref<128xf32, #tpu.memory_space<vmem>>) dst(%dma_wait3A_3009 : memref<128xf32, #tpu.memory_space<hbm>>)
    } else {
    }
    return
  }
}

</mosaic_0001>

<sc_bundles>
// kernel: kernel.3.cloned.1.call-start
scs
__scs_entry_jumppad:
0x0: {  	(pc) =	sbr.rel $0x88, $3  }
0x1: {  	(tag) =	ssettag $0x0;
	lr =	simm.s32 $0x1  }
0x2: {  	[smem:$0x3F9F] =	sst lr;
	_ =	strace $0xD0000000  }
0x3: {  	_ = 	snop  }
0x4: {  	_ = 	snop  }
0x5: {  	_ = 	snop  }
0x6: {  	_ = 	snop  }
0x7: {  	_ = 	snop  }
__scs_overlays_trampoline_lowered:
0x8: {  	[smem:$0x3FAE] =	sst s0  }
0x9: {  	[smem:$0x3FAF] =	sst s1  }
0xa: {  	[smem:$0x3FB0] =	sst s2  }
0xb: {  	[smem:$0x3FB1] =	sst s3  }
0xc: {  	[smem:$0x3FB2] =	sst s4  }
0xd: {  	[smem:$0x3FB3] =	sst s5  }
0xe: {  	[smem:$0x3FB4] =	sst s6  }
0xf: {  	[smem:$0x3FB5] =	sst s7  }
0x10: {  	[smem:$0x3FB6] =	sst s8  }
0x11: {  	[smem:$0x3FB7] =	sst s9;
	s0 =	simm.s32 @!p0 $0x0  }
0x12: {  	s1 =	sld [smem:$0x3F9D];
	s0 =	simm.s32 @p0 $0x1  }
0x13: {  	[smem:$0x3FB8] =	sst s0;
	s0 =	simm.s32 @!p1 $0x0  }
0x14: {  	s2 =	sld [smem:$0x3F9C];
	s0 =	simm.s32 @p1 $0x1  }
0x15: {  	[smem:$0x3FB9] =	sst s0;
	s0 =	simm.s32 @!p2 $0x0  }
0x16: {  	s3 =	sld [smem:$0x3FDB];
	s0 =	simm.s32 @p2 $0x1  }
0x17: {  	s4 =	simm.s32 $0x1BF5;
	[smem:$0x3FBB] =	sst s0  }
0x18: {  	s0 =	sld [smem:$0x3F9E];
	_ =	swait.ge [sflag:s4], $0x0  }
0x19: {  	s7 =	sld [smem:$0x3F9F]  }
0x1a: {  	s8 =	sadd.s32 $0xFFFFE003, lr  }
0x1b: {  	s9 =	sadd.s32 $0xFFFFFEF7, lr;
	s5 =	simm.s32 $0xFFFFFFFF;
	p2 =	slt.u32 s8, $0xFFFFF086  }
0x1c: {  	p1 =	slt.u32 s9, $0xF7A;
	s5 =	simm.s32 @!p2 $0x0  }
0x1d: {  	s5 =	simm.s32 @p1 $0x1;
	p0 =	seq.s32 s7, s2  }
0x1e: {  	s7 =	smul.u32 @!p0 $0xF7A, s2;
	p2 =	seq.s32 @!p0 s5, $0x0  }
0x1f: {  	s9 =	smul.u32 $0xF7A, s1;
	s8 =	simm.s32 @!p0 $0x1BF5;
	p2 =	por !p2, p0  }
0x20: {  	[sflag:s8] =	ssyncset.s32 @!p0 $0xFFFFF086;
	s6 =	sadd.s32 @!p0 s3, s7;
	s7 =	simm.s32 @!p0 $0x108  }
0x21: {  	s3 =	sadd.s32 s3, s9;
	s6 =	sadd.s32 @!p0 $0x88, s6;
	s7 =	simm.s32 @p2 $0x1082  }
0x22: {  	[simem:s7], [sflag:s8] =	dma.local @!p0 [hbm:s6], $0xF7A  }
0x23: {  	s9 =	sor.u32 $0xD0000000, s2;
	s6 =	simm.s32 $0x108;
	_ =	swait.ge @!p0 [sflag:s8], $0x0  }
0x24: {  	s3 =	sadd.s32 $0x88, s3;
	s6 =	simm.s32 @!p1 $0x1082;
	[sflag:s4] =	ssyncset.s32 $0xFFFFF086  }
0x25: {  	[simem:s6], [sflag:s4] =	dma.local [hbm:s3], $0xF7A  }
0x26: {  	[smem:$0x3F9F] =	sst s1;
	(tag) =	ssettag s2;
	_ =	strace s9  }
0x27: {  	s1 =	sld [smem:$0x3FAF]  }
0x28: {  	s2 =	sld [smem:$0x3FB0]  }
0x29: {  	s4 =	sld [smem:$0x3FB2]  }
0x2a: {  	p0 =	seq.s32 s5, $0x0;
	s5 =	sld [smem:$0x3FB3]  }
0x2b: {  	s6 =	sld [smem:$0x3FB4]  }
0x2c: {  	s7 =	sld [smem:$0x3FB5]  }
0x2d: {  	s3 =	simm.s32 $0x108;
	s8 =	sld [smem:$0x3FB6]  }
0x2e: {  	s3 =	simm.s32 @!p0 $0x1082;
	s9 =	sld [smem:$0x3FB7]  }
0x2f: {  	lr =	sadd.s32 s0, s3;
	s0 =	sld [smem:$0x3FAE]  }
0x30: {  	s3 =	sld [smem:$0x3FB1]  }
0x31: {  	[smem:$0x3FBA] =	sst s10  }
0x32: {  	s10 =	sld [smem:$0x3FB8];
	_ =	sdelay $0x3  }
0x33: {  	p0 =	seq.s32 s10, $0x1;
	s10 =	sld [smem:$0x3FBA];
	_ =	sdelay $0x3  }
0x34: {  	[smem:$0x3FBA] =	sst s10  }
0x35: {  	s10 =	sld [smem:$0x3FB9];
	_ =	sdelay $0x3  }
0x36: {  	p1 =	seq.s32 s10, $0x1;
	s10 =	sld [smem:$0x3FBA];
	_ =	sdelay $0x3  }
0x37: {  	[smem:$0x3FBA] =	sst s10  }
0x38: {  	s10 =	sld [smem:$0x3FBB]  }
0x39: {  	_ = 	snop;
	(pc) =	sbr.ind lr, $3  }
0x3a: {  	_ = 	snop  }
0x3b: {  	_ = 	snop  }
0x3c: {  	p2 =	seq.s32 s10, $0x1;
	s10 =	sld [smem:$0x3FBA]  }
0x3d: {  	_ =	shalt  }
0x3e: {  	_ =	shalt  }
0x3f: {  	_ =	shalt  }
0x40: {  	_ =	shalt  }
0x41: {  	_ =	shalt  }
0x42: {  	_ =	shalt  }
0x43: {  	_ =	shalt  }
0x44: {  	_ =	shalt  }
0x45: {  	_ =	shalt  }
0x46: {  	_ =	shalt  }
0x47: {  	_ =	shalt  }
0x48: {  	_ =	shalt  }
0x49: {  	_ =	shalt  }
0x4a: {  	_ =	shalt  }
0x4b: {  	_ =	shalt  }
0x4c: {  	_ =	shalt  }
0x4d: {  	_ =	shalt  }
0x4e: {  	_ =	shalt  }
0x4f: {  	_ =	shalt  }
0x50: {  	_ =	shalt  }
0x51: {  	_ =	shalt  }
0x52: {  	_ =	shalt  }
0x53: {  	_ =	shalt  }
0x54: {  	_ =	shalt  }
0x55: {  	_ =	shalt  }
0x56: {  	_ =	shalt  }
0x57: {  	_ =	shalt  }
0x58: {  	_ =	shalt  }
0x59: {  	_ =	shalt  }
0x5a: {  	_ =	shalt  }
0x5b: {  	_ =	shalt  }
0x5c: {  	_ =	shalt  }
0x5d: {  	_ =	shalt  }
0x5e: {  	_ =	shalt  }
0x5f: {  	_ =	shalt  }
0x60: {  	_ =	shalt  }
0x61: {  	_ =	shalt  }
0x62: {  	_ =	shalt  }
0x63: {  	_ =	shalt  }
0x64: {  	_ =	shalt  }
0x65: {  	_ =	shalt  }
0x66: {  	_ =	shalt  }
0x67: {  	_ =	shalt  }
0x68: {  	_ =	shalt  }
0x69: {  	_ =	shalt  }
0x6a: {  	_ =	shalt  }
0x6b: {  	_ =	shalt  }
0x6c: {  	_ =	shalt  }
0x6d: {  	_ =	shalt  }
0x6e: {  	_ =	shalt  }
0x6f: {  	_ =	shalt  }
0x70: {  	_ =	shalt  }
0x71: {  	_ =	shalt  }
0x72: {  	_ =	shalt  }
0x73: {  	_ =	shalt  }
0x74: {  	_ =	shalt  }
0x75: {  	_ =	shalt  }
0x76: {  	_ =	shalt  }
0x77: {  	_ =	shalt  }
0x78: {  	_ =	shalt  }
0x79: {  	_ =	shalt  }
0x7a: {  	_ =	shalt  }
0x7b: {  	_ =	shalt  }
0x7c: {  	_ =	shalt  }
0x7d: {  	_ =	shalt  }
0x7e: {  	_ =	shalt  }
0x7f: {  	_ =	shalt  }
0x80: {  	_ =	shalt  }
0x81: {  	_ =	shalt  }
0x82: {  	_ =	shalt  }
0x83: {  	_ =	shalt  }
0x84: {  	_ =	shalt  }
0x85: {  	_ =	shalt  }
0x86: {  	_ =	shalt  }
0x87: {  	_ =	shalt  }
.Lfunc_end0:
.L_simem_size_0:
called_computation_lowered:
.L_overlay_start_0:
0x88: {  	s2 =	sld [smem:$0x3FD9]  }
0x89: {  	s3 =	sld [smem:$0x3FFE];
	_ =	sdelay $0x1  }
0x8a: {  	s1 =	srdreg.scid  }
0x8b: {  	s0 =	sand.u32 $0x1, s1  }
0x8c: {  	s18 =	sshll.u32 s0, $0xA;
	s2 =	sadd.s32 s3, s2  }
0x8d: {  	s2 =	sadd.s32 s2, s18  }
0x8e: {  	[smem:$0x3FC6] =	sst s2  }
0x8f: {  	_ = 	snop  }
0x90: {  	s2 =	sld [smem:$0x3FC9]  }
0x91: {  	s19 =	sld [smem:$0x3FC8]  }
0x92: {  	s4 =	sld [smem:$0x3FD0];
	(tm) =	ssettm $0x1  }
0x93: {  	s5 =	sld [smem:$0x3FFB];
	_ =	sdelay $0x3  }
0x94: {  	_ =	strace s5  }
0x95: {  	s5 =	sld [smem:$0x3FFC];
	_ =	sdelay $0x3  }
0x96: {  	_ =	strace s5  }
0x97: {  	s5 =	sld [smem:$0x3FFD];
	_ =	sdelay $0x3  }
0x98: {  	_ =	strace s5  }
0x99: {  	_ =	strace $0x8FFFFFFF  }
0x9a: {  	s20 =	sld [smem:$0x3FDB];
	_ =	sdelay $0x1  }
0x9b: {  	s6 =	simm.s32 $_scs_section_size  }
0x9c: {  	s7 =	simm.s32 $_size__tile_overlayer_lowered;
	s8 =	simm.s32 $_tile_overlayer_lowered  }
0x9d: {  	s23 =	simm.s32 $0x1BFF;
	s22 =	sshll.u32 s8, $0x1;
	s5 =	sadd.s32 s6, s20  }
0x9e: {  	s9 =	simm.s32 $0x0;
	s21 =	sshll.u32 s7, $0x1;
	s7 =	sadd.s32 s22, s5  }
0x9f: {  	[timem:s9], [sflag:s23] =	dma.local [hbm:s7], s21  }
0xa0: {  	_ =	swait.ge [sflag:s23], s21  }
0xa1: {  	s6 =	ssub.s32 $0x0, s21;
	[sflag:s23] =	ssyncset.done $0x0  }
0xa2: {  	[sflag:s23] =	ssyncadd.s32 s6;
	_ =	sdelay $0x1  }
0xa3: {  	s24 =	simm.s32 $0x1B8B  }
0xa4: {  	_ =	swait.ge [sflag:s24], $0x1  }
0xa5: {  	[sflag:s24] =	ssyncset.done $0x0  }
0xa6: {  	s25 =	simm.s32 $0x1B8E;
	[sflag:s24] =	ssyncadd.s32 $0xFFFFFFFF  }
0xa7: {  	s26 =	simm.s32 $execute0_lowered;
	[smem:$0x3FD2] =	sst s25  }
0xa8: {  	s6 =	sshll.u32 s26, $0x1;
	_ =	strace $0x80000046;
	[dreg:$0x1] =	wrdreg $0xFFFFFFFF  }
0xa9: {  	s28 =	simm.s32 $_size_execute0_lowered;
	s5 =	sadd.s32 s5, s6;
	[dreg:$0x0] =	wrdreg $0x0  }
0xaa: {  	s6 =	sshll.u32 s28, $0x1;
	[dreg:$0x2] =	wrdreg s5  }
0xab: {  	[dreg:$0x3] =	wrdreg s6  }
0xac: {  	[dreg:$0x4] =	wrdreg $0xC0  }
0xad: {  	_ =	task [dreg:s9], $0x5FFFF  }
0xae: {  	[dreg:$0x1] =	wrdreg $0xFFFFFFFF  }
0xaf: {  	[dreg:$0x0] =	wrdreg $0x60  }
0xb0: {  	[dreg:$0x2] =	wrdreg s2  }
0xb1: {  	[dreg:$0x3] =	wrdreg s19  }
0xb2: {  	[dreg:$0x4] =	wrdreg s4  }
0xb3: {  	[dreg:$0x5] =	wrdreg $0x9  }
0xb4: {  	_ =	task.clear_ibuf [dreg:s9], $0x6FFFF;
	_ =	strace $0x90000046  }
0xb5: {  	s29 =	simm.s32 $0x9;
	_ =	strace $0x80000048  }
0xb6: {  	_ =	swait.ge [sflag:s29], $0x1  }
0xb7: {  	[sflag:s29] =	ssyncadd.s32 $0xFFFFFFFF  }
0xb8: {  	_ =	strace $0x90000048  }
0xb9: {  	_ =	sfence  }
0xba: {  	s30 =	sld [smem:$0x0];
	_ =	sdelay $0x2  }
0xbb: {  	s31 =	sshll.u32 s1, $0xD;
	s1 =	sshrl.u32 s1, $0x2  }
0xbc: {  	s3 =	sand.u32 $0x4000, s31;
	s1 =	sadd.s32 s1, s30  }
0xbd: {  	s0 =	sor.u32 s3, s0;
	s1 =	sshll.u32 s1, $0x11  }
0xbe: {  	s0 =	sor.u32 s1, s0  }
0xbf: {  	s0 =	sadd.s32 $0x8F2B, s0  }
0xc0: {  	[sflag:s0] =	ssyncadd.remote.s32 $0x1  }
0xc1: {  	_ =	sfence.sel $0xFFFF  }
0xc2: {  	[dreg:$0x0] =	wrdreg $0xFFFFFFFF;
	(pc) =	sbr.abs _section_cstart, $3  }
0xc3: {  	[dreg:$0x1] =	wrdreg $0xFFFFFFFF  }
0xc4: {  	_ =	task.clear_ibuf [dreg:s9], $0x2FFFF;
	_ =	strace $0x9FFFFFFF  }
0xc5: {  	(tm) =	ssettm $0x7FFFFFFF  }
tec
execute0_lowered:
.L_overlay_start_1:
0x0: {  	(tag) =	ssettag $0x1  }
0x1: {  	s7 =	rddreg [dreg:$0x2];
	s15 =	simm.s32 $0x0;
	s0 =	srdreg.scid  }
0x2: {  	s6 =	stileid.u32;
	s5 =	simm.s32 $0x1;
	s0 =	sand.u32 $0x1, s0  }
0x3: {  	[smem:$0x7FF] =	sst s15;
	s1 =	ssub.s32 $0x2, s0;
	s0 =	sshll.u32 s0, $0x4  }
0x4: {  	s20 =	sand.u32 $0x3, s6;
	s3 =	sand.u32 $0x1, s6;
	s0 =	sor.u32 s6, s0  }
0x5: {  	_ =	strace $0x80000047;
	s2 =	sshrl.u32 s1, $0x1;
	s23 =	smul.u32 $0x92A00, s0  }
0x6: {  	p1 =	sne.s32 s20, $0x0;
	p3 =	seq.s32 s3, $0x1;
	s1 =	ssub.s32 s1, s2  }
0x7: {  	s8 =	smul.u32 $0x6, s0;
	s1 =	smax.u32 s1, $0x1;
	[dreg:$0x5] =	wrdreg s23  }
0x8: {  	s6 =	sshrl.u32 s6, $0x1;
	p0 =	seq.s32 s0, $0x0;
	[dreg:$0x17] =	wrdreg s1  }
0x9: {  	s21 =	sshrl.u32 s0, $0x2;
	s4 =	sadd.s32 $0x2, s8;
	[dreg:$0x4] =	wrdreg s8  }
0xa: {  	s22 =	sand.u32 $0x1, s6;
	s25 =	sadd.s32 $0x18700, s23;
	[dreg:$0x6] =	wrdreg s4  }
0xb: {  	p1 =	por !p1, !p0;
	s28 =	sadd.s32 $0x49500, s23;
	[dreg:$0xb] =	wrdreg s25  }
0xc: {  	s31 =	sadd.s32 $0x61C00, s23;
	s1 =	simm.s32 @!p3 $0x0;
	[dreg:$0xc] =	wrdreg s28  }
0xd: {  	s0 =	sshrl.u32 s23, $0x3;
	[dreg:$0x11] =	wrdreg s31;
	s1 =	simm.s32 @p3 $0x1  }
0xe: {  	s4 =	smul.u32 $0x18700, s4;
	s9 =	sadd.s32 s7, s0;
	[smem:$0x7EE] =	sst s1  }
0xf: {  	p1 =	por !p1, !p1;
	s0 =	sshrl.u32 s25, $0x3;
	[dreg:$0xa] =	wrdreg s9  }
0x10: {  	s5 =	simm.s32 @!p1 $0x0;
	s0 =	sadd.s32 s7, s0;
	[dreg:$0x9] =	wrdreg s4  }
0x11: {  	s2 =	ssub.s32 s21, s5;
	s5 =	sadd.s32 $0x7A300, s23;
	[dreg:$0xd] =	wrdreg s0  }
0x12: {  	p0 =	por !p0, !p3;
	s11 =	sadd.s32 $0xC30, s9;
	[dreg:$0x12] =	wrdreg s5  }
0x13: {  	p2 =	seq.s32 s22, $0x1;
	s12 =	sadd.s32 $0x1870, s9;
	[dreg:$0x1b] =	wrdreg s11  }
0x14: {  	p1 =	por !p0, !p0;
	s13 =	sadd.s32 $0x24A0, s9;
	[dreg:$0x1c] =	wrdreg s12  }
0x15: {  	s29 =	sshrl.u32 s28, $0x3;
	s14 =	sadd.s32 $0x3D10, s9;
	[dreg:$0x1d] =	wrdreg s13  }
0x16: {  	p0 =	por !p1, !p1;
	s16 =	sadd.s32 $0x4950, s9;
	[dreg:$0x1e] =	wrdreg s14  }
0x17: {  	s17 =	sadd.s32 $0x5580, s9;
	s24 =	sadd.s32 $0xC0, s2;
	[dreg:$0x1f] =	wrdreg s16  }
0x18: {  	p0 =	por @!p2 p1, p1;
	s2 =	simm.s32 $0x1;
	[smem:$0x7F0] =	sst s17  }
0x19: {  	s26 =	sshrl.u32 s4, $0x3;
	s4 =	sadd.s32 s7, s29;
	[dreg:$0x7] =	wrdreg s24  }
0x1a: {  	s2 =	simm.s32 @!p0 $0x0;
	[dreg:$0xf] =	wrdreg s4  }
0x1b: {  	s10 =	sadd.s32 s7, s26;
	[dreg:$0x8] =	wrdreg s2  }
0x1c: {  	s21 =	sadd.s32 $0xC30, s4;
	[dreg:$0xe] =	wrdreg s10  }
0x1d: {  	s5 =	sshrl.u32 s5, $0x3;
	s22 =	sadd.s32 $0x1870, s4;
	[smem:$0x7F4] =	sst s21  }
0x1e: {  	p1 =	sne.s32 s3, $0x0;
	s23 =	sadd.s32 $0x24A0, s4;
	[smem:$0x7F5] =	sst s22  }
0x1f: {  	s6 =	smul.u32 $0x18700, s24;
	s5 =	sadd.s32 s7, s5;
	[smem:$0x7F6] =	sst s23  }
0x20: {  	s3 =	simm.s32 @!p1 $0x0;
	[dreg:$0x14] =	wrdreg s5  }
0x21: {  	s3 =	simm.s32 @p1 $0x1;
	[dreg:$0x10] =	wrdreg s6  }
0x22: {  	s18 =	sadd.s32 $0xC30, s10;
	[smem:$0x7ED] =	sst s3  }
0x23: {  	s19 =	sadd.s32 $0x1870, s10;
	[smem:$0x7F1] =	sst s18  }
0x24: {  	s20 =	sadd.s32 $0x24A0, s10;
	[smem:$0x7F2] =	sst s19  }
0x25: {  	s0 =	simm.s32 $0xC380;
	s28 =	sadd.s32 $0xC30, s5;
	[smem:$0x7F3] =	sst s20  }
0x26: {  	s0 =	simm.s32 @!p0 $0x0;
	s29 =	sadd.s32 $0x1870, s5;
	[smem:$0x7FA] =	sst s28  }
0x27: {  	s2 =	sshrl.u32 s31, $0x3;
	s31 =	sadd.s32 $0x24A0, s5;
	[smem:$0x7FB] =	sst s29  }
0x28: {  	s0 =	sadd.s32 s0, s6;
	s6 =	sadd.s32 $0x3, s8;
	[smem:$0x7FC] =	sst s31  }
0x29: {  	s2 =	sadd.s32 s7, s2;
	s3 =	simm.s32 $0x24A;
	[dreg:$0x18] =	wrdreg s6  }
0x2a: {  	s3 =	simm.s32 @!p0 $0xC3;
	[dreg:$0x13] =	wrdreg s2  }
0x2b: {  	s24 =	sadd.s32 $0xC30, s2;
	[dreg:$0x16] =	wrdreg s3  }
0x2c: {  	s25 =	sadd.s32 $0x1870, s2;
	[smem:$0x7F7] =	sst s24  }
0x2d: {  	s0 =	sshrl.u32 s0, $0x3;
	s26 =	sadd.s32 $0x24A0, s2;
	[smem:$0x7F8] =	sst s25  }
0x2e: {  	s0 =	sadd.s32 s7, s0;
	s7 =	sadd.s32 $0x4, s8;
	[smem:$0x7F9] =	sst s26  }
0x2f: {  	p0 =	por !p3, !p3;
	s8 =	sadd.s32 $0x5, s8;
	[dreg:$0x19] =	wrdreg s7  }
0x30: {  	v0 =	vlaneseq.u32;
	s1 =	simm.s32 @!p0 $0x0;
	[dreg:$0x1a] =	wrdreg s8  }
0x31: {  	v1 =	vimm.f32 $0.0e+00;
	v2 =	vor.u32 $0x10, v0;
	s1 =	simm.s32 @p0 $0x1;
	[dreg:$0x15] =	wrdreg s0  }
0x32: {  	v3 =	vor.u32 $0x20, v0;
	v4 =	vor.u32 $0x30, v0;
	v5 =	vor.u32 $0x40, v0;
	s0 =	sadd.s32 $0xC30, s0;
	[smem:$0x7EF] =	sst s1  }
0x33: {  	s30 =	simm.s32 $0x1;
	v6 =	vor.u32 $0x50, v0;
	v7 =	vor.u32 $0x60, v0;
	v8 =	vor.u32 $0x70, v0;
	s2 =	simm.s32 $0x0;
	[smem:$0x7FD] =	sst s0  }
.LBB2_1:
0x34: {  	[smem:$0x7EC] =	sst s2;
	s0 =	simm.s32 $0x0;
	s1 =	simm.s32 $0x800  }
.LBB2_2:
0x35: {  	p0 =	sne.s32 s1, $0x18000;
	[tilespmem:s0+$0x1F0] =	vst v1  }
0x36: {  	[tilespmem:s0+$0x0] =	vst v1  }
0x37: {  	[tilespmem:s0+$0x10] =	vst v1  }
0x38: {  	[tilespmem:s0+$0x20] =	vst v1  }
0x39: {  	[tilespmem:s0+$0x30] =	vst v1  }
0x3a: {  	[tilespmem:s0+$0x40] =	vst v1  }
0x3b: {  	[tilespmem:s0+$0x50] =	vst v1  }
0x3c: {  	[tilespmem:s0+$0x60] =	vst v1  }
0x3d: {  	[tilespmem:s0+$0x70] =	vst v1  }
0x3e: {  	[tilespmem:s0+$0x80] =	vst v1  }
0x3f: {  	[tilespmem:s0+$0x90] =	vst v1  }
0x40: {  	[tilespmem:s0+$0xA0] =	vst v1  }
0x41: {  	[tilespmem:s0+$0xB0] =	vst v1  }
0x42: {  	[tilespmem:s0+$0xC0] =	vst v1  }
0x43: {  	[tilespmem:s0+$0xD0] =	vst v1  }
0x44: {  	[tilespmem:s0+$0xE0] =	vst v1  }
0x45: {  	[tilespmem:s0+$0xF0] =	vst v1  }
0x46: {  	[tilespmem:s0+$0x100] =	vst v1  }
0x47: {  	[tilespmem:s0+$0x110] =	vst v1  }
0x48: {  	[tilespmem:s0+$0x120] =	vst v1  }
0x49: {  	[tilespmem:s0+$0x130] =	vst v1  }
0x4a: {  	[tilespmem:s0+$0x140] =	vst v1  }
0x4b: {  	[tilespmem:s0+$0x150] =	vst v1  }
0x4c: {  	[tilespmem:s0+$0x160] =	vst v1  }
0x4d: {  	[tilespmem:s0+$0x170] =	vst v1  }
0x4e: {  	[tilespmem:s0+$0x180] =	vst v1  }
0x4f: {  	[tilespmem:s0+$0x190] =	vst v1  }
.Ltmp0:
0x50: {  	[tilespmem:s0+$0x1A0] =	vst v1;
	(pc) =	sbr.rel @p0 .LBB2_2-.Ltmp0, $4  }
0x51: {  	[tilespmem:s0+$0x1B0] =	vst v1  }
0x52: {  	[tilespmem:s0+$0x1C0] =	vst v1  }
0x53: {  	[tilespmem:s0+$0x1D0] =	vst v1  }
0x54: {  	[tilespmem:s0+$0x1E0] =	vst v1;
	s0 =	sshra.s32 s1, $0x2;
	s1 =	sadd.s32 $0x800, s1  }
0x55: {  	[tilespmem:s0+$0x1F0] =	vst v1  }
0x56: {  	[tilespmem:s0+$0x0] =	vst v1  }
0x57: {  	[tilespmem:s0+$0x10] =	vst v1  }
0x58: {  	[tilespmem:s0+$0x20] =	vst v1  }
0x59: {  	[tilespmem:s0+$0x30] =	vst v1  }
0x5a: {  	[tilespmem:s0+$0x40] =	vst v1  }
0x5b: {  	[tilespmem:s0+$0x50] =	vst v1  }
0x5c: {  	[tilespmem:s0+$0x60] =	vst v1  }
0x5d: {  	[tilespmem:s0+$0x70] =	vst v1  }
0x5e: {  	[tilespmem:s0+$0x80] =	vst v1  }
0x5f: {  	[tilespmem:s0+$0x90] =	vst v1  }
0x60: {  	[tilespmem:s0+$0xA0] =	vst v1  }
0x61: {  	[tilespmem:s0+$0xB0] =	vst v1  }
0x62: {  	[tilespmem:s0+$0xC0] =	vst v1  }
0x63: {  	[tilespmem:s0+$0xD0] =	vst v1  }
0x64: {  	[tilespmem:s0+$0xE0] =	vst v1  }
0x65: {  	[tilespmem:s0+$0xF0] =	vst v1  }
0x66: {  	[tilespmem:s0+$0x100] =	vst v1  }
0x67: {  	[tilespmem:s0+$0x110] =	vst v1  }
0x68: {  	[tilespmem:s0+$0x120] =	vst v1  }
0x69: {  	[tilespmem:s0+$0x130] =	vst v1  }
0x6a: {  	[tilespmem:s0+$0x140] =	vst v1  }
0x6b: {  	[tilespmem:s0+$0x150] =	vst v1  }
0x6c: {  	[tilespmem:s0+$0x160] =	vst v1  }
0x6d: {  	[tilespmem:s0+$0x170] =	vst v1  }
0x6e: {  	[tilespmem:s0+$0x180] =	vst v1  }
0x6f: {  	[tilespmem:s0+$0x190] =	vst v1  }
0x70: {  	[tilespmem:s0+$0x1A0] =	vst v1  }
0x71: {  	[tilespmem:s0+$0x1B0] =	vst v1  }
0x72: {  	[tilespmem:s0+$0x1C0] =	vst v1;
	s4 =	rddreg [dreg:$0xa]  }
0x73: {  	[tilespmem:s0+$0x1D0] =	vst v1;
	s5 =	rddreg [dreg:$0x1b]  }
0x74: {  	[tilespmem:s0+$0x1E0] =	vst v1;
	s6 =	rddreg [dreg:$0x1c]  }
0x75: {  	[hbm4b:s4+s15] =	stream.linear.scatter [tilespmem:s15], [sflag:$0x1], $0x6180, $0x38;
	[tilespmem:$0x6B80] =	vst v63  }
0x76: {  	s7 =	rddreg [dreg:$0x1d]  }
0x77: {  	[hbm4b:s5+s15] =	stream.linear.scatter [tilespmem:s15], [sflag:$0x1], $0x6200, $0x38;
	[tilespmem:$0x6B80] =	vst v63  }
0x78: {  	s8 =	rddreg [dreg:$0xd]  }
0x79: {  	[hbm4b:s6+s15] =	stream.linear.scatter [tilespmem:s15], [sflag:$0x1], $0x6180, $0x38;
	[tilespmem:$0x6B80] =	vst v63  }
0x7a: {  	s9 =	rddreg [dreg:$0x1e]  }
0x7b: {  	[hbm4b:s7+s15] =	stream.linear.scatter [tilespmem:s15], [sflag:$0x1], $0x6200, $0x38;
	[tilespmem:$0x6B80] =	vst v63  }
0x7c: {  	s10 =	rddreg [dreg:$0x1f]  }
0x7d: {  	[hbm4b:s8+s15] =	stream.linear.scatter [tilespmem:s15], [sflag:$0x1], $0x6180, $0x38;
	[tilespmem:$0x6B80] =	vst v63  }
0x7e: {  	s11 =	sld [smem:$0x7F0]  }
0x7f: {  	[hbm4b:s9+s15] =	stream.linear.scatter [tilespmem:s15], [sflag:$0x1], $0x6200, $0x38;
	[tilespmem:$0x6B80] =	vst v63  }
0x80: {  	s12 =	rddreg [dreg:$0xe]  }
0x81: {  	[hbm4b:s10+s15] =	stream.linear.scatter [tilespmem:s15], [sflag:$0x1], $0x6180, $0x38;
	[tilespmem:$0x6B80] =	vst v63  }
0x82: {  	s13 =	sld [smem:$0x7F1]  }
0x83: {  	[hbm4b:s11+s15] =	stream.linear.scatter [tilespmem:s15], [sflag:$0x1], $0x6200, $0x38;
	[tilespmem:$0x6B80] =	vst v63  }
0x84: {  	s14 =	sld [smem:$0x7F2]  }
0x85: {  	[hbm4b:s12+s15] =	stream.linear.scatter [tilespmem:s15], [sflag:$0x1], $0x6180, $0x38;
	[tilespmem:$0x6B80] =	vst v63  }
0x86: {  	s16 =	sld [smem:$0x7F3]  }
0x87: {  	[hbm4b:s13+s15] =	stream.linear.scatter [tilespmem:s15], [sflag:$0x1], $0x6200, $0x38;
	[tilespmem:$0x6B80] =	vst v63  }
0x88: {  	s17 =	rddreg [dreg:$0xf]  }
0x89: {  	[hbm4b:s14+s15] =	stream.linear.scatter [tilespmem:s15], [sflag:$0x1], $0x6180, $0x38;
	[tilespmem:$0x6B80] =	vst v63  }
0x8a: {  	s18 =	sld [smem:$0x7F4]  }
0x8b: {  	[hbm4b:s16+s15] =	stream.linear.scatter [tilespmem:s15], [sflag:$0x1], $0x6200, $0x38;
	[tilespmem:$0x6B80] =	vst v63  }
0x8c: {  	s19 =	sld [smem:$0x7F5]  }
0x8d: {  	[hbm4b:s17+s15] =	stream.linear.scatter [tilespmem:s15], [sflag:$0x1], $0x6180, $0x38;
	[tilespmem:$0x6B80] =	vst v63  }
0x8e: {  	s20 =	sld [smem:$0x7F6]  }
0x8f: {  	[hbm4b:s18+s15] =	stream.linear.scatter [tilespmem:s15], [sflag:$0x1], $0x6200, $0x38;
	[tilespmem:$0x6B80] =	vst v63  }
0x90: {  	s21 =	rddreg [dreg:$0x13]  }
0x91: {  	[hbm4b:s19+s15] =	stream.linear.scatter [tilespmem:s15], [sflag:$0x1], $0x6180, $0x38;
	[tilespmem:$0x6B80] =	vst v63  }
0x92: {  	s22 =	sld [smem:$0x7F7]  }
0x93: {  	[hbm4b:s20+s15] =	stream.linear.scatter [tilespmem:s15], [sflag:$0x1], $0x6200, $0x38;
	[tilespmem:$0x6B80] =	vst v63  }
0x94: {  	s23 =	sld [smem:$0x7F8]  }
0x95: {  	[hbm4b:s21+s15] =	stream.linear.scatter [tilespmem:s15], [sflag:$0x1], $0x6180, $0x38;
	[tilespmem:$0x6B80] =	vst v63  }
0x96: {  	s24 =	sld [smem:$0x7F9]  }
0x97: {  	[hbm4b:s22+s15] =	stream.linear.scatter [tilespmem:s15], [sflag:$0x1], $0x6200, $0x38;
	[tilespmem:$0x6B80] =	vst v63  }
0x98: {  	s25 =	rddreg [dreg:$0x14]  }
0x99: {  	[hbm4b:s23+s15] =	stream.linear.scatter [tilespmem:s15], [sflag:$0x1], $0x6180, $0x38;
	[tilespmem:$0x6B80] =	vst v63  }
0x9a: {  	s26 =	sld [smem:$0x7FA]  }
0x9b: {  	[hbm4b:s24+s15] =	stream.linear.scatter [tilespmem:s15], [sflag:$0x1], $0x6200, $0x38;
	[tilespmem:$0x6B80] =	vst v63  }
0x9c: {  	s28 =	sld [smem:$0x7FB]  }
0x9d: {  	[hbm4b:s25+s15] =	stream.linear.scatter [tilespmem:s15], [sflag:$0x1], $0x6180, $0x38;
	[tilespmem:$0x6B80] =	vst v63  }
0x9e: {  	s31 =	sld [smem:$0x7ED]  }
0x9f: {  	[hbm4b:s26+s15] =	stream.linear.scatter [tilespmem:s15], [sflag:$0x1], $0x6200, $0x38;
	[tilespmem:$0x6B80] =	vst v63  }
0xa0: {  	s29 =	sld [smem:$0x7FC]  }
0xa1: {  	[hbm4b:s28+s15] =	stream.linear.scatter [tilespmem:s15], [sflag:$0x1], $0x6180, $0x38;
	[tilespmem:$0x6B80] =	vst v63  }
0xa2: {  	p2 =	seq.s32 s31, $0x1  }
0xa3: {  	[hbm4b:s29+s15] =	stream.linear.scatter [tilespmem:s15], [sflag:$0x1], $0x6200, $0x38;
	[tilespmem:$0x6B80] =	vst v63  }
0xa4: {  	s1 =	rddreg [dreg:$0x15];
	s0 =	simm.s32 @!p2 $0x0  }
0xa5: {  	[hbm4b:s1+s0] =	stream.linear.scatter @!p2 [tilespmem:s0], [sflag:$0x1], $0x6180, $0x38;
	[tilespmem:$0x6B80] =	vst v63  }
0xa6: {  	s1 =	sld [smem:$0x7EE];
	_ =	sdelay $0x2  }
0xa7: {  	p3 =	seq.s32 s1, $0x1;
	s1 =	sld [smem:$0x7FD];
	_ =	sdelay $0x1  }
0xa8: {  	s0 =	simm.s32 @p3 $0x0  }
0xa9: {  	[hbm4b:s1+s0] =	stream.linear.scatter @p3 [tilespmem:s0], [sflag:$0x1], $0x6200, $0x38;
	[tilespmem:$0x6B80] =	vst v63  }
0xaa: {  	s2 =	rddreg [dreg:$0x0];
	s3 =	simm.s32 $0x6A00;
	s4 =	simm.s32 $0x3  }
0xab: {  	[tilespmem:s3], [sflag:$0x3] =	stream.linear.gather [hbm4b:s2+s15], $0xC8, $0x38;
	[tilespmem:$0x6B80] =	vst v63  }
0xac: {  	_ =	swait.ge [sflag:s4], $0xC8  }
0xad: {  	[sflag:s4] =	ssyncset.done $0x0  }
0xae: {  	[sflag:s4] =	ssyncadd.s32 $0xFFFFFF38  }
0xaf: {  	s2 =	simm.s32 $0x6B00;
	s5 =	rddreg [dreg:$0x1]  }
0xb0: {  	[tilespmem:s2], [sflag:$0x3] =	stream.linear.gather [hbm4b:s5+s15], $0x1, $0x38;
	[tilespmem:$0x6B80] =	vst v63  }
0xb1: {  	_ =	swait.ge [sflag:s4], $0x1  }
0xb2: {  	[sflag:s4] =	ssyncset.done $0x0  }
0xb3: {  	s6 =	rddreg [dreg:$0x4];
	[sflag:s4] =	ssyncadd.s32 $0xFFFFFFFF  }
0xb4: {  	v9 =	vld [tilespmem:s6+$0x6A00];
	_ =	sdelay $0x4  }
0xb5: {  	(v2sf) =	vpush v9, $0x0;
	_ =	sdelay $0xe  }
0xb6: {  	s18 =	spop (v2sf)  }
0xb7: {  	s7 =	sand.u32 $0x7F, s18;
	s13 =	sshra.s32 s18, $0x1F;
	p1 =	slt.s32 s18, $0x1  }
0xb8: {  	s1 =	simm.s32 @!p1 $0x0;
	p0 =	sne.s32 s7, $0x0;
	s8 =	sshrl.u32 s13, $0x19  }
0xb9: {  	s1 =	simm.s32 @p1 $0x1;
	p0 =	por !p1, !p0;
	s0 =	sadd.s32 s8, s18  }
0xba: {  	[smem:$0x7CC] =	sst s1;
	p0 =	por !p0, !p0;
	s1 =	simm.s32 $0x1  }
0xbb: {  	s0 =	sshrl.u32 s0, $0x7;
	s1 =	simm.s32 @!p0 $0x0  }
0xbc: {  	s0 =	ssub.s32 s0, s1  }
0xbd: {  	v9 =	vld.msk [tilespmem:$0x6B00 ss:$0x0], $0xffff;
	s19 =	sshll.u32 s0, $0x7  }
0xbe: {  	s0 =	ssub.s32 s18, s19  }
0xbf: {  	v10 =	vmov s0  }
0xc0: {  	vm0 =	veq.s32 v10, v0  }
0xc1: {  	vm9 =	veq.s32 v10, v2;
	vm10 =	veq.s32 v10, v3;
	vm11 =	veq.s32 v10, v4  }
0xc2: {  	vm12 =	veq.s32 v10, v5;
	vm15 =	veq.s32 v10, v8;
	v11 =	vnsel vm0, $0x0, v9  }
0xc3: {  	vm13 =	veq.s32 v10, v6;
	vm14 =	veq.s32 v10, v7;
	v10 =	vnsel vm15, $0x0, v9;
	[tilespmem:$0x6200] =	vst v11  }
0xc4: {  	v11 =	vnsel vm9, $0x0, v9;
	[tilespmem:$0x6270] =	vst v10  }
0xc5: {  	[tilespmem:$0x6210] =	vst v11;
	v11 =	vnsel vm10, $0x0, v9  }
0xc6: {  	[tilespmem:$0x6220] =	vst v11;
	v11 =	vnsel vm11, $0x0, v9  }
0xc7: {  	[tilespmem:$0x6230] =	vst v11;
	v11 =	vnsel vm12, $0x0, v9  }
0xc8: {  	[tilespmem:$0x6240] =	vst v11;
	v11 =	vnsel vm13, $0x0, v9  }
0xc9: {  	[tilespmem:$0x6250] =	vst v11;
	v11 =	vnsel vm14, $0x0, v9  }
0xca: {  	[tilespmem:$0x6260] =	vst v11  }
0xcb: {  	v10 =	vld [tilespmem:s6+$0x6A00];
	_ =	sdelay $0x4  }
0xcc: {  	(v2sf) =	vpush v10, $0x0;
	_ =	sdelay $0xe  }
0xcd: {  	s25 =	spop (v2sf)  }
0xce: {  	s9 =	sand.u32 $0x7F, s25;
	s20 =	sshra.s32 s25, $0x1F;
	p1 =	slt.s32 s25, $0x1  }
0xcf: {  	s1 =	simm.s32 @!p1 $0x0;
	p5 =	sne.s32 s9, $0x0;
	s10 =	sshrl.u32 s20, $0x19  }
0xd0: {  	s1 =	simm.s32 @p1 $0x1;
	p0 =	por !p1, !p5;
	s0 =	sadd.s32 s10, s25  }
0xd1: {  	[smem:$0x7CD] =	sst s1;
	p0 =	por !p0, !p0;
	s1 =	simm.s32 $0x1  }
0xd2: {  	s0 =	sshrl.u32 s0, $0x7;
	s1 =	simm.s32 @!p0 $0x0  }
0xd3: {  	s0 =	ssub.s32 s0, s1  }
0xd4: {  	s0 =	sshll.u32 s0, $0x7  }
0xd5: {  	[smem:$0x7CE] =	sst s0;
	s0 =	ssub.s32 s25, s0  }
0xd6: {  	v10 =	vmov s0  }
0xd7: {  	vm4 =	veq.s32 v10, v0  }
0xd8: {  	vm5 =	veq.s32 v10, v2;
	vm6 =	veq.s32 v10, v3;
	vm7 =	veq.s32 v10, v4  }
0xd9: {  	vm8 =	veq.s32 v10, v5;
	vm11 =	veq.s32 v10, v8;
	v11 =	vnsel vm4, $0x0, v9  }
0xda: {  	vm9 =	veq.s32 v10, v6;
	vm10 =	veq.s32 v10, v7;
	v10 =	vnsel vm11, $0x0, v9;
	[tilespmem:$0x6280] =	vst v11  }
0xdb: {  	v11 =	vnsel vm5, $0x0, v9;
	[tilespmem:$0x62F0] =	vst v10  }
0xdc: {  	[tilespmem:$0x6290] =	vst v11;
	v11 =	vnsel vm6, $0x0, v9  }
0xdd: {  	[tilespmem:$0x62A0] =	vst v11;
	v11 =	vnsel vm7, $0x0, v9  }
0xde: {  	[tilespmem:$0x62B0] =	vst v11;
	v11 =	vnsel vm8, $0x0, v9  }
0xdf: {  	[tilespmem:$0x62C0] =	vst v11;
	v11 =	vnsel vm9, $0x0, v9  }
0xe0: {  	[tilespmem:$0x62D0] =	vst v11;
	v11 =	vnsel vm10, $0x0, v9  }
0xe1: {  	[tilespmem:$0x62E0] =	vst v11  }
0xe2: {  	v10 =	vld [tilespmem:s6+$0x6A01];
	_ =	sdelay $0x4  }
0xe3: {  	(v2sf) =	vpush v10, $0x0;
	_ =	sdelay $0xe  }
0xe4: {  	s5 =	spop (v2sf)  }
0xe5: {  	s11 =	sand.u32 $0x7F, s5  }
0xe6: {  	s12 =	sshra.s32 s5, $0x1F;
	p5 =	slt.s32 s5, $0x1;
	p6 =	sne.s32 s11, $0x0  }
0xe7: {  	s14 =	sshrl.u32 s12, $0x19;
	p0 =	por !p5, !p6  }
0xe8: {  	s1 =	simm.s32 $0x1;
	s0 =	sadd.s32 s14, s5;
	p0 =	por !p0, !p0  }
0xe9: {  	s0 =	sshrl.u32 s0, $0x7;
	s1 =	simm.s32 @!p0 $0x0  }
0xea: {  	s0 =	ssub.s32 s0, s1  }
0xeb: {  	s0 =	sshll.u32 s0, $0x7  }
0xec: {  	[smem:$0x7D0] =	sst s0;
	s0 =	ssub.s32 s5, s0  }
0xed: {  	v10 =	vmov s0  }
0xee: {  	vm12 =	veq.s32 v10, v0  }
0xef: {  	vm13 =	veq.s32 v10, v2;
	vm14 =	veq.s32 v10, v3;
	vm15 =	veq.s32 v10, v4  }
0xf0: {  	vm4 =	veq.s32 v10, v5;
	vm7 =	veq.s32 v10, v8;
	v11 =	vnsel vm12, $0x0, v9  }
0xf1: {  	vm5 =	veq.s32 v10, v6;
	vm6 =	veq.s32 v10, v7;
	v10 =	vnsel vm7, $0x0, v9;
	[tilespmem:$0x6300] =	vst v11  }
0xf2: {  	v11 =	vnsel vm13, $0x0, v9;
	[tilespmem:$0x6370] =	vst v10  }
0xf3: {  	[tilespmem:$0x6310] =	vst v11;
	v11 =	vnsel vm14, $0x0, v9  }
0xf4: {  	[tilespmem:$0x6320] =	vst v11;
	v11 =	vnsel vm15, $0x0, v9  }
0xf5: {  	[tilespmem:$0x6330] =	vst v11;
	v11 =	vnsel vm4, $0x0, v9  }
0xf6: {  	[tilespmem:$0x6340] =	vst v11;
	v11 =	vnsel vm5, $0x0, v9  }
0xf7: {  	[tilespmem:$0x6350] =	vst v11;
	v11 =	vnsel vm6, $0x0, v9  }
0xf8: {  	[tilespmem:$0x6360] =	vst v11  }
0xf9: {  	v10 =	vld [tilespmem:s6+$0x6A01];
	_ =	sdelay $0x4  }
0xfa: {  	(v2sf) =	vpush v10, $0x0;
	_ =	sdelay $0xe  }
0xfb: {  	s24 =	spop (v2sf)  }
0xfc: {  	s16 =	sand.u32 $0x7F, s24  }
0xfd: {  	s17 =	sshra.s32 s24, $0x1F;
	p6 =	slt.s32 s24, $0x1;
	p1 =	sne.s32 s16, $0x0  }
0xfe: {  	s21 =	sshrl.u32 s17, $0x19;
	p0 =	por !p6, !p1  }
0xff: {  	s1 =	simm.s32 $0x1;
	s0 =	sadd.s32 s21, s24;
	p0 =	por !p0, !p0  }
0x100: {  	s0 =	sshrl.u32 s0, $0x7;
	s1 =	simm.s32 @!p0 $0x0  }
0x101: {  	s0 =	ssub.s32 s0, s1  }
0x102: {  	s0 =	sshll.u32 s0, $0x7  }
0x103: {  	[smem:$0x7D2] =	sst s0;
	s0 =	ssub.s32 s24, s0  }
0x104: {  	v10 =	vmov s0  }
0x105: {  	vm8 =	veq.s32 v10, v0  }
0x106: {  	vm9 =	veq.s32 v10, v2;
	vm10 =	veq.s32 v10, v3;
	vm11 =	veq.s32 v10, v4  }
0x107: {  	vm12 =	veq.s32 v10, v5;
	vm15 =	veq.s32 v10, v8;
	v11 =	vnsel vm8, $0x0, v9  }
0x108: {  	vm13 =	veq.s32 v10, v6;
	vm14 =	veq.s32 v10, v7;
	v10 =	vnsel vm15, $0x0, v9;
	[tilespmem:$0x6380] =	vst v11  }
0x109: {  	v11 =	vnsel vm9, $0x0, v9;
	[tilespmem:$0x63F0] =	vst v10  }
0x10a: {  	[tilespmem:$0x6390] =	vst v11;
	v11 =	vnsel vm10, $0x0, v9  }
0x10b: {  	[tilespmem:$0x63A0] =	vst v11;
	v11 =	vnsel vm11, $0x0, v9  }
0x10c: {  	[tilespmem:$0x63B0] =	vst v11;
	v11 =	vnsel vm12, $0x0, v9  }
0x10d: {  	[tilespmem:$0x63C0] =	vst v11;
	v11 =	vnsel vm13, $0x0, v9  }
0x10e: {  	[tilespmem:$0x63D0] =	vst v11;
	v11 =	vnsel vm14, $0x0, v9  }
0x10f: {  	s22 =	rddreg [dreg:$0x6];
	[tilespmem:$0x63E0] =	vst v11  }
0x110: {  	v10 =	vld [tilespmem:s22+$0x6A00];
	_ =	sdelay $0x4  }
0x111: {  	(v2sf) =	vpush v10, $0x0;
	_ =	sdelay $0xe  }
0x112: {  	s21 =	spop (v2sf)  }
0x113: {  	s1 =	simm.s32 $0x1;
	s23 =	sand.u32 $0x7F, s21  }
0x114: {  	s26 =	sshra.s32 s21, $0x1F;
	p0 =	slt.s32 s21, $0x1;
	p4 =	sne.s32 s23, $0x0  }
0x115: {  	s3 =	simm.s32 @!p0 $0x0;
	s28 =	sshrl.u32 s26, $0x19;
	p1 =	por !p0, !p4  }
0x116: {  	s3 =	simm.s32 @p0 $0x1;
	s0 =	sadd.s32 s28, s21;
	p0 =	por !p1, !p1  }
0x117: {  	s0 =	sshrl.u32 s0, $0x7;
	s1 =	simm.s32 @!p0 $0x0  }
0x118: {  	s0 =	ssub.s32 s0, s1  }
0x119: {  	s0 =	sshll.u32 s0, $0x7  }
0x11a: {  	[smem:$0x7D5] =	sst s0;
	s0 =	ssub.s32 s21, s0  }
0x11b: {  	v10 =	vmov s0  }
0x11c: {  	vm4 =	veq.s32 v10, v0  }
0x11d: {  	vm5 =	veq.s32 v10, v2;
	vm6 =	veq.s32 v10, v3;
	vm7 =	veq.s32 v10, v4  }
0x11e: {  	vm8 =	veq.s32 v10, v5;
	vm11 =	veq.s32 v10, v8;
	v11 =	vnsel vm4, $0x0, v9  }
0x11f: {  	vm9 =	veq.s32 v10, v6;
	vm10 =	veq.s32 v10, v7;
	v10 =	vnsel vm11, $0x0, v9;
	[tilespmem:$0x6400] =	vst v11  }
0x120: {  	v11 =	vnsel vm5, $0x0, v9;
	[tilespmem:$0x6470] =	vst v10  }
0x121: {  	[tilespmem:$0x6410] =	vst v11;
	v11 =	vnsel vm6, $0x0, v9  }
0x122: {  	[tilespmem:$0x6420] =	vst v11;
	v11 =	vnsel vm7, $0x0, v9  }
0x123: {  	[tilespmem:$0x6430] =	vst v11;
	v11 =	vnsel vm8, $0x0, v9  }
0x124: {  	[tilespmem:$0x6440] =	vst v11;
	v11 =	vnsel vm9, $0x0, v9  }
0x125: {  	[tilespmem:$0x6450] =	vst v11;
	v11 =	vnsel vm10, $0x0, v9  }
0x126: {  	[tilespmem:$0x6460] =	vst v11  }
0x127: {  	v10 =	vld [tilespmem:s22+$0x6A00];
	_ =	sdelay $0x4  }
0x128: {  	(v2sf) =	vpush v10, $0x0;
	_ =	sdelay $0xe  }
0x129: {  	s11 =	spop (v2sf)  }
0x12a: {  	s29 =	sand.u32 $0x7F, s11  }
0x12b: {  	s31 =	sshra.s32 s11, $0x1F;
	p1 =	slt.s32 s11, $0x1;
	p4 =	sne.s32 s29, $0x0  }
0x12c: {  	[smem:$0x7D4] =	sst s3;
	s3 =	sshrl.u32 s31, $0x19;
	p0 =	por !p1, !p4  }
0x12d: {  	s1 =	simm.s32 $0x1;
	s0 =	sadd.s32 s3, s11;
	p0 =	por !p0, !p0  }
0x12e: {  	s0 =	sshrl.u32 s0, $0x7;
	s1 =	simm.s32 @!p0 $0x0  }
0x12f: {  	s0 =	ssub.s32 s0, s1  }
0x130: {  	s0 =	sshll.u32 s0, $0x7  }
0x131: {  	[smem:$0x7DA] =	sst s0;
	s0 =	ssub.s32 s11, s0  }
0x132: {  	v10 =	vmov s0  }
0x133: {  	vm12 =	veq.s32 v10, v0  }
0x134: {  	vm13 =	veq.s32 v10, v2;
	vm14 =	veq.s32 v10, v3;
	vm15 =	veq.s32 v10, v4  }
0x135: {  	vm4 =	veq.s32 v10, v5;
	vm7 =	veq.s32 v10, v8;
	v11 =	vnsel vm12, $0x0, v9  }
0x136: {  	vm5 =	veq.s32 v10, v6;
	vm6 =	veq.s32 v10, v7;
	v10 =	vnsel vm7, $0x0, v9;
	[tilespmem:$0x6480] =	vst v11  }
0x137: {  	v11 =	vnsel vm13, $0x0, v9;
	[tilespmem:$0x64F0] =	vst v10  }
0x138: {  	[tilespmem:$0x6490] =	vst v11;
	v11 =	vnsel vm14, $0x0, v9  }
0x139: {  	[tilespmem:$0x64A0] =	vst v11;
	v11 =	vnsel vm15, $0x0, v9  }
0x13a: {  	[tilespmem:$0x64B0] =	vst v11;
	v11 =	vnsel vm4, $0x0, v9  }
0x13b: {  	[tilespmem:$0x64C0] =	vst v11;
	v11 =	vnsel vm5, $0x0, v9  }
0x13c: {  	[tilespmem:$0x64D0] =	vst v11;
	v11 =	vnsel vm6, $0x0, v9  }
0x13d: {  	s4 =	rddreg [dreg:$0x18];
	[tilespmem:$0x64E0] =	vst v11  }
0x13e: {  	v10 =	vld [tilespmem:s4+$0x6A00];
	_ =	sdelay $0x4  }
0x13f: {  	(v2sf) =	vpush v10, $0x0;
	_ =	sdelay $0xe  }
0x140: {  	[smem:$0x7D3] =	sst s26;
	s2 =	simm.s32 @!p1 $0x0;
	s26 =	spop (v2sf)  }
0x141: {  	s2 =	simm.s32 @p1 $0x1;
	s6 =	sand.u32 $0x7F, s26  }
0x142: {  	s7 =	sshra.s32 s26, $0x1F;
	p1 =	slt.s32 s26, $0x1;
	p4 =	sne.s32 s6, $0x0  }
0x143: {  	s8 =	sshrl.u32 s7, $0x19;
	p0 =	por !p1, !p4  }
0x144: {  	s1 =	simm.s32 $0x1;
	s0 =	sadd.s32 s8, s26;
	p0 =	por !p0, !p0  }
0x145: {  	s0 =	sshrl.u32 s0, $0x7;
	s1 =	simm.s32 @!p0 $0x0  }
0x146: {  	s0 =	ssub.s32 s0, s1  }
0x147: {  	s0 =	sshll.u32 s0, $0x7  }
0x148: {  	[smem:$0x7DB] =	sst s0;
	s0 =	ssub.s32 s26, s0  }
0x149: {  	v10 =	vmov s0  }
0x14a: {  	vm8 =	veq.s32 v10, v0  }
0x14b: {  	vm9 =	veq.s32 v10, v2;
	vm10 =	veq.s32 v10, v3;
	vm11 =	veq.s32 v10, v4  }
0x14c: {  	vm12 =	veq.s32 v10, v5;
	vm15 =	veq.s32 v10, v8;
	v11 =	vnsel vm8, $0x0, v9  }
0x14d: {  	vm13 =	veq.s32 v10, v6;
	vm14 =	veq.s32 v10, v7;
	v10 =	vnsel vm15, $0x0, v9;
	[tilespmem:$0x6500] =	vst v11  }
0x14e: {  	v11 =	vnsel vm9, $0x0, v9;
	[tilespmem:$0x6570] =	vst v10  }
0x14f: {  	[tilespmem:$0x6510] =	vst v11;
	v11 =	vnsel vm10, $0x0, v9  }
0x150: {  	[tilespmem:$0x6520] =	vst v11;
	v11 =	vnsel vm11, $0x0, v9  }
0x151: {  	[tilespmem:$0x6530] =	vst v11;
	v11 =	vnsel vm12, $0x0, v9  }
0x152: {  	[tilespmem:$0x6540] =	vst v11;
	v11 =	vnsel vm13, $0x0, v9  }
0x153: {  	[tilespmem:$0x6550] =	vst v11;
	v11 =	vnsel vm14, $0x0, v9  }
0x154: {  	[tilespmem:$0x6560] =	vst v11  }
0x155: {  	v10 =	vld [tilespmem:s4+$0x6A00];
	_ =	sdelay $0x4  }
0x156: {  	(v2sf) =	vpush v10, $0x0;
	_ =	sdelay $0xe  }
0x157: {  	s3 =	simm.s32 @!p1 $0x0;
	s29 =	spop (v2sf)  }
0x158: {  	s3 =	simm.s32 @p1 $0x1;
	s9 =	sand.u32 $0x7F, s29  }
0x159: {  	s10 =	sshra.s32 s29, $0x1F;
	p1 =	slt.s32 s29, $0x1;
	p4 =	sne.s32 s9, $0x0  }
0x15a: {  	[smem:$0x7CF] =	sst s12;
	s12 =	sshrl.u32 s10, $0x19;
	p0 =	por !p1, !p4  }
0x15b: {  	s1 =	simm.s32 $0x1;
	s0 =	sadd.s32 s12, s29;
	p0 =	por !p0, !p0  }
0x15c: {  	s0 =	sshrl.u32 s0, $0x7;
	s1 =	simm.s32 @!p0 $0x0  }
0x15d: {  	s0 =	ssub.s32 s0, s1  }
0x15e: {  	s0 =	sshll.u32 s0, $0x7  }
0x15f: {  	[smem:$0x7DF] =	sst s0;
	s0 =	ssub.s32 s29, s0  }
0x160: {  	v10 =	vmov s0  }
0x161: {  	vm4 =	veq.s32 v10, v0  }
0x162: {  	vm5 =	veq.s32 v10, v2;
	vm6 =	veq.s32 v10, v3;
	vm7 =	veq.s32 v10, v4  }
0x163: {  	vm8 =	veq.s32 v10, v5;
	vm11 =	veq.s32 v10, v8;
	v11 =	vnsel vm4, $0x0, v9  }
0x164: {  	vm9 =	veq.s32 v10, v6;
	vm10 =	veq.s32 v10, v7;
	v10 =	vnsel vm11, $0x0, v9;
	[tilespmem:$0x6580] =	vst v11  }
0x165: {  	v11 =	vnsel vm5, $0x0, v9;
	[tilespmem:$0x65F0] =	vst v10  }
0x166: {  	[tilespmem:$0x6590] =	vst v11;
	v11 =	vnsel vm6, $0x0, v9  }
0x167: {  	[tilespmem:$0x65A0] =	vst v11;
	v11 =	vnsel vm7, $0x0, v9  }
0x168: {  	[tilespmem:$0x65B0] =	vst v11;
	v11 =	vnsel vm8, $0x0, v9  }
0x169: {  	[tilespmem:$0x65C0] =	vst v11;
	v11 =	vnsel vm9, $0x0, v9  }
0x16a: {  	[tilespmem:$0x65D0] =	vst v11;
	v11 =	vnsel vm10, $0x0, v9  }
0x16b: {  	s4 =	rddreg [dreg:$0x19];
	[tilespmem:$0x65E0] =	vst v11  }
0x16c: {  	v10 =	vld [tilespmem:s4+$0x6A00];
	_ =	sdelay $0x4  }
0x16d: {  	(v2sf) =	vpush v10, $0x0;
	_ =	sdelay $0xc  }
0x16e: {  	[smem:$0x7D8] =	sst s2;
	s2 =	simm.s32 @!p1 $0x0  }
0x16f: {  	[smem:$0x7D9] =	sst s3;
	s2 =	simm.s32 @p1 $0x1  }
0x170: {  	[smem:$0x7DD] =	sst s2;
	s1 =	spop (v2sf)  }
0x171: {  	s2 =	simm.s32 $0x1;
	s14 =	sand.u32 $0x7F, s1;
	p1 =	slt.s32 s1, $0x1  }
0x172: {  	s3 =	sshra.s32 s1, $0x1F;
	p4 =	sne.s32 s14, $0x0;
	s0 =	simm.s32 @!p1 $0x0  }
0x173: {  	s16 =	sshrl.u32 s3, $0x19;
	s0 =	simm.s32 @p1 $0x1;
	p0 =	por !p1, !p4  }
0x174: {  	[smem:$0x7DE] =	sst s0;
	s0 =	sadd.s32 s16, s1;
	p0 =	por !p0, !p0  }
0x175: {  	s2 =	simm.s32 @!p0 $0x0;
	s0 =	sshrl.u32 s0, $0x7  }
0x176: {  	s0 =	ssub.s32 s0, s2  }
0x177: {  	s0 =	sshll.u32 s0, $0x7  }
0x178: {  	[smem:$0x7E0] =	sst s0;
	s0 =	ssub.s32 s1, s0  }
0x179: {  	v10 =	vmov s0  }
0x17a: {  	vm12 =	veq.s32 v10, v0  }
0x17b: {  	vm13 =	veq.s32 v10, v2;
	vm14 =	veq.s32 v10, v3;
	vm15 =	veq.s32 v10, v4  }
0x17c: {  	vm4 =	veq.s32 v10, v5;
	vm7 =	veq.s32 v10, v8;
	v11 =	vnsel vm12, $0x0, v9  }
0x17d: {  	vm5 =	veq.s32 v10, v6;
	vm6 =	veq.s32 v10, v7;
	v10 =	vnsel vm7, $0x0, v9;
	[tilespmem:$0x6600] =	vst v11  }
0x17e: {  	v11 =	vnsel vm13, $0x0, v9;
	[tilespmem:$0x6670] =	vst v10  }
0x17f: {  	[tilespmem:$0x6610] =	vst v11;
	v11 =	vnsel vm14, $0x0, v9  }
0x180: {  	[tilespmem:$0x6620] =	vst v11;
	v11 =	vnsel vm15, $0x0, v9  }
0x181: {  	[tilespmem:$0x6630] =	vst v11;
	v11 =	vnsel vm4, $0x0, v9  }
0x182: {  	[tilespmem:$0x6640] =	vst v11;
	v11 =	vnsel vm5, $0x0, v9  }
0x183: {  	[tilespmem:$0x6650] =	vst v11;
	v11 =	vnsel vm6, $0x0, v9  }
0x184: {  	[tilespmem:$0x6660] =	vst v11  }
0x185: {  	v10 =	vld [tilespmem:s4+$0x6A00];
	_ =	sdelay $0x4  }
0x186: {  	(v2sf) =	vpush v10, $0x0;
	_ =	sdelay $0xd  }
0x187: {  	[smem:$0x7D1] =	sst s17  }
0x188: {  	[smem:$0x7D7] =	sst s7;
	s0 =	spop (v2sf)  }
0x189: {  	s6 =	simm.s32 $0x1;
	s17 =	sand.u32 $0x7F, s0;
	p1 =	slt.s32 s0, $0x1  }
0x18a: {  	s7 =	sshra.s32 s0, $0x1F;
	p4 =	sne.s32 s17, $0x0;
	s2 =	simm.s32 @!p1 $0x0  }
0x18b: {  	s22 =	sshrl.u32 s7, $0x19;
	s2 =	simm.s32 @p1 $0x1;
	p0 =	por !p1, !p4  }
0x18c: {  	[smem:$0x7E1] =	sst s2;
	s2 =	sadd.s32 s22, s0;
	p0 =	por !p0, !p0  }
0x18d: {  	s6 =	simm.s32 @!p0 $0x0;
	s2 =	sshrl.u32 s2, $0x7  }
0x18e: {  	s2 =	ssub.s32 s2, s6  }
0x18f: {  	s6 =	sshll.u32 s2, $0x7  }
0x190: {  	s2 =	ssub.s32 s0, s6  }
0x191: {  	v10 =	vmov s2  }
0x192: {  	vm8 =	veq.s32 v10, v0  }
0x193: {  	vm9 =	veq.s32 v10, v2;
	vm10 =	veq.s32 v10, v3;
	vm11 =	veq.s32 v10, v4  }
0x194: {  	vm12 =	veq.s32 v10, v5;
	vm15 =	veq.s32 v10, v8;
	v11 =	vnsel vm8, $0x0, v9  }
0x195: {  	vm13 =	veq.s32 v10, v6;
	vm14 =	veq.s32 v10, v7;
	v10 =	vnsel vm15, $0x0, v9;
	[tilespmem:$0x6680] =	vst v11  }
0x196: {  	v11 =	vnsel vm9, $0x0, v9;
	[tilespmem:$0x66F0] =	vst v10  }
0x197: {  	[tilespmem:$0x6690] =	vst v11;
	v11 =	vnsel vm10, $0x0, v9  }
0x198: {  	[tilespmem:$0x66A0] =	vst v11;
	v11 =	vnsel vm11, $0x0, v9  }
0x199: {  	[tilespmem:$0x66B0] =	vst v11;
	v11 =	vnsel vm12, $0x0, v9  }
0x19a: {  	[tilespmem:$0x66C0] =	vst v11;
	v11 =	vnsel vm13, $0x0, v9  }
0x19b: {  	[tilespmem:$0x66D0] =	vst v11;
	v11 =	vnsel vm14, $0x0, v9  }
0x19c: {  	s23 =	rddreg [dreg:$0x1a];
	[tilespmem:$0x66E0] =	vst v11  }
0x19d: {  	v10 =	vld [tilespmem:s23+$0x6A00];
	_ =	sdelay $0x4  }
0x19e: {  	(v2sf) =	vpush v10, $0x0;
	_ =	sdelay $0xe  }
0x19f: {  	[smem:$0x7D6] =	sst s31;
	s9 =	spop (v2sf)  }
0x1a0: {  	s8 =	simm.s32 $0x1;
	s28 =	sand.u32 $0x7F, s9;
	p1 =	slt.s32 s9, $0x1  }
0x1a1: {  	s16 =	sshra.s32 s9, $0x1F;
	p4 =	sne.s32 s28, $0x0;
	s2 =	simm.s32 @!p1 $0x0  }
0x1a2: {  	s31 =	sshrl.u32 s16, $0x19;
	s2 =	simm.s32 @p1 $0x1;
	p0 =	por !p1, !p4  }
0x1a3: {  	[smem:$0x7E2] =	sst s2;
	s2 =	sadd.s32 s31, s9;
	p0 =	por !p0, !p0  }
0x1a4: {  	s8 =	simm.s32 @!p0 $0x0;
	s2 =	sshrl.u32 s2, $0x7  }
0x1a5: {  	s2 =	ssub.s32 s2, s8  }
0x1a6: {  	s31 =	sshll.u32 s2, $0x7  }
0x1a7: {  	s2 =	ssub.s32 s9, s31  }
0x1a8: {  	v10 =	vmov s2  }
0x1a9: {  	vm4 =	veq.s32 v10, v0  }
0x1aa: {  	vm5 =	veq.s32 v10, v2;
	vm6 =	veq.s32 v10, v3;
	vm7 =	veq.s32 v10, v4  }
0x1ab: {  	vm8 =	veq.s32 v10, v5;
	vm11 =	veq.s32 v10, v8;
	v11 =	vnsel vm4, $0x0, v9  }
0x1ac: {  	vm9 =	veq.s32 v10, v6;
	vm10 =	veq.s32 v10, v7;
	v10 =	vnsel vm11, $0x0, v9;
	[tilespmem:$0x6700] =	vst v11  }
0x1ad: {  	v11 =	vnsel vm5, $0x0, v9;
	[tilespmem:$0x6770] =	vst v10  }
0x1ae: {  	[tilespmem:$0x6710] =	vst v11;
	v11 =	vnsel vm6, $0x0, v9  }
0x1af: {  	[tilespmem:$0x6720] =	vst v11;
	v11 =	vnsel vm7, $0x0, v9  }
0x1b0: {  	[tilespmem:$0x6730] =	vst v11;
	v11 =	vnsel vm8, $0x0, v9  }
0x1b1: {  	[tilespmem:$0x6740] =	vst v11;
	v11 =	vnsel vm9, $0x0, v9  }
0x1b2: {  	[tilespmem:$0x6750] =	vst v11;
	v11 =	vnsel vm10, $0x0, v9  }
0x1b3: {  	[tilespmem:$0x6760] =	vst v11  }
0x1b4: {  	v10 =	vld [tilespmem:s23+$0x6A00];
	_ =	sdelay $0x4  }
0x1b5: {  	(v2sf) =	vpush v10, $0x0;
	_ =	sdelay $0xe  }
0x1b6: {  	[smem:$0x7DC] =	sst s10;
	s10 =	spop (v2sf)  }
0x1b7: {  	s8 =	sand.u32 $0x7F, s10;
	p1 =	slt.s32 s10, $0x1;
	s17 =	sshra.s32 s10, $0x1F  }
0x1b8: {  	p4 =	sne.s32 s8, $0x0;
	s2 =	simm.s32 @!p1 $0x0;
	s12 =	sshrl.u32 s17, $0x19  }
0x1b9: {  	s8 =	simm.s32 $0x1;
	s2 =	simm.s32 @p1 $0x1;
	p0 =	por !p1, !p4  }
0x1ba: {  	[smem:$0x7E3] =	sst s2;
	s2 =	sadd.s32 s12, s10;
	p0 =	por !p0, !p0  }
0x1bb: {  	s8 =	simm.s32 @!p0 $0x0;
	s2 =	sshrl.u32 s2, $0x7  }
0x1bc: {  	s2 =	ssub.s32 s2, s8  }
0x1bd: {  	s23 =	sshll.u32 s2, $0x7  }
0x1be: {  	s2 =	ssub.s32 s10, s23  }
0x1bf: {  	v10 =	vmov s2  }
0x1c0: {  	vm12 =	veq.s32 v10, v0  }
0x1c1: {  	vm13 =	veq.s32 v10, v2;
	vm14 =	veq.s32 v10, v3;
	vm15 =	veq.s32 v10, v4  }
0x1c2: {  	vm4 =	veq.s32 v10, v5;
	vm7 =	veq.s32 v10, v8;
	v11 =	vnsel vm12, $0x0, v9  }
0x1c3: {  	vm5 =	veq.s32 v10, v6;
	vm6 =	veq.s32 v10, v7;
	v10 =	vnsel vm7, $0x0, v9;
	[tilespmem:$0x6780] =	vst v11  }
0x1c4: {  	v11 =	vnsel vm13, $0x0, v9;
	[tilespmem:$0x67F0] =	vst v10  }
0x1c5: {  	[tilespmem:$0x6790] =	vst v11;
	v11 =	vnsel vm14, $0x0, v9  }
0x1c6: {  	[tilespmem:$0x67A0] =	vst v11;
	v11 =	vnsel vm15, $0x0, v9  }
0x1c7: {  	[tilespmem:$0x67B0] =	vst v11;
	v11 =	vnsel vm4, $0x0, v9  }
0x1c8: {  	[tilespmem:$0x67C0] =	vst v11;
	v11 =	vnsel vm5, $0x0, v9  }
0x1c9: {  	[tilespmem:$0x67D0] =	vst v11;
	v11 =	vnsel vm6, $0x0, v9  }
0x1ca: {  	s14 =	rddreg [dreg:$0x7];
	[tilespmem:$0x67E0] =	vst v11  }
0x1cb: {  	v10 =	vld [tilespmem:s14+$0x6A00];
	_ =	sdelay $0x4  }
0x1cc: {  	(v2sf) =	vpush v10, $0x0;
	_ =	sdelay $0xe  }
0x1cd: {  	s8 =	spop (v2sf)  }
0x1ce: {  	s22 =	sand.u32 $0x7F, s8  }
0x1cf: {  	p4 =	slt.s32 s8, $0x1;
	s2 =	sshra.s32 s8, $0x1F;
	p1 =	sne.s32 s22, $0x0  }
0x1d0: {  	s12 =	sshrl.u32 s2, $0x19;
	p0 =	por !p4, !p1  }
0x1d1: {  	s22 =	simm.s32 $0x1;
	s12 =	sadd.s32 s12, s8;
	p0 =	por !p0, !p0  }
0x1d2: {  	s12 =	sshra.s32 s12, $0x7;
	s22 =	simm.s32 @!p0 $0x0  }
0x1d3: {  	s12 =	ssub.s32 s12, s22  }
0x1d4: {  	s22 =	sshll.u32 s12, $0x7  }
0x1d5: {  	s14 =	ssub.s32 s8, s22  }
0x1d6: {  	v10 =	vmov s14  }
0x1d7: {  	vm8 =	veq.s32 v10, v0  }
0x1d8: {  	vm9 =	veq.s32 v10, v2;
	v11 =	vnsel vm8, $0x0, v9  }
0x1d9: {  	vm10 =	veq.s32 v10, v3;
	[tilespmem:$0x6800] =	vst v11;
	v11 =	vnsel vm9, $0x0, v9  }
0x1da: {  	vm11 =	veq.s32 v10, v4;
	[tilespmem:$0x6810] =	vst v11;
	v11 =	vnsel vm10, $0x0, v9  }
0x1db: {  	vm12 =	veq.s32 v10, v5;
	[tilespmem:$0x6820] =	vst v11;
	v11 =	vnsel vm11, $0x0, v9  }
0x1dc: {  	vm13 =	veq.s32 v10, v6;
	[tilespmem:$0x6830] =	vst v11;
	v11 =	vnsel vm12, $0x0, v9  }
0x1dd: {  	vm14 =	veq.s32 v10, v7;
	[tilespmem:$0x6840] =	vst v11;
	v11 =	vnsel vm13, $0x0, v9  }
0x1de: {  	vm15 =	veq.s32 v10, v8;
	[tilespmem:$0x6850] =	vst v11;
	v11 =	vnsel vm14, $0x0, v9  }
0x1df: {  	v9 =	vnsel vm15, $0x0, v9;
	[tilespmem:$0x6860] =	vst v11  }
0x1e0: {  	[tilespmem:$0x6870] =	vst v9  }
0x1e1: {  	_ =	swait.ge [sflag:s30], $0x6180  }
0x1e2: {  	[sflag:s30] =	ssyncset.done $0x0  }
0x1e3: {  	[sflag:s30] =	ssyncadd.s32 $0xFFFF9E80  }
0x1e4: {  	_ =	swait.ge [sflag:s30], $0x6200  }
0x1e5: {  	[sflag:s30] =	ssyncset.done $0x0  }
0x1e6: {  	[sflag:s30] =	ssyncadd.s32 $0xFFFF9E00  }
0x1e7: {  	_ =	swait.ge [sflag:s30], $0x6180  }
0x1e8: {  	[sflag:s30] =	ssyncset.done $0x0  }
0x1e9: {  	[sflag:s30] =	ssyncadd.s32 $0xFFFF9E80  }
0x1ea: {  	_ =	swait.ge [sflag:s30], $0x6200  }
0x1eb: {  	[sflag:s30] =	ssyncset.done $0x0  }
0x1ec: {  	[sflag:s30] =	ssyncadd.s32 $0xFFFF9E00  }
0x1ed: {  	_ =	swait.ge [sflag:s30], $0x6180  }
0x1ee: {  	[sflag:s30] =	ssyncset.done $0x0  }
0x1ef: {  	[sflag:s30] =	ssyncadd.s32 $0xFFFF9E80  }
0x1f0: {  	_ =	swait.ge [sflag:s30], $0x6200  }
0x1f1: {  	[sflag:s30] =	ssyncset.done $0x0  }
0x1f2: {  	[sflag:s30] =	ssyncadd.s32 $0xFFFF9E00  }
0x1f3: {  	_ =	swait.ge [sflag:s30], $0x6180  }
0x1f4: {  	[sflag:s30] =	ssyncset.done $0x0  }
0x1f5: {  	[sflag:s30] =	ssyncadd.s32 $0xFFFF9E80  }
0x1f6: {  	_ =	swait.ge [sflag:s30], $0x6200  }
0x1f7: {  	[sflag:s30] =	ssyncset.done $0x0  }
0x1f8: {  	[sflag:s30] =	ssyncadd.s32 $0xFFFF9E00  }
0x1f9: {  	_ =	swait.ge [sflag:s30], $0x6180  }
0x1fa: {  	[sflag:s30] =	ssyncset.done $0x0  }
0x1fb: {  	[sflag:s30] =	ssyncadd.s32 $0xFFFF9E80  }
0x1fc: {  	_ =	swait.ge [sflag:s30], $0x6200  }
0x1fd: {  	[sflag:s30] =	ssyncset.done $0x0  }
0x1fe: {  	[sflag:s30] =	ssyncadd.s32 $0xFFFF9E00  }
0x1ff: {  	_ =	swait.ge [sflag:s30], $0x6180  }
0x200: {  	[sflag:s30] =	ssyncset.done $0x0  }
0x201: {  	[sflag:s30] =	ssyncadd.s32 $0xFFFF9E80  }
0x202: {  	_ =	swait.ge [sflag:s30], $0x6200  }
0x203: {  	[sflag:s30] =	ssyncset.done $0x0  }
0x204: {  	[sflag:s30] =	ssyncadd.s32 $0xFFFF9E00  }
0x205: {  	_ =	swait.ge [sflag:s30], $0x6180  }
0x206: {  	[sflag:s30] =	ssyncset.done $0x0  }
0x207: {  	[sflag:s30] =	ssyncadd.s32 $0xFFFF9E80  }
0x208: {  	_ =	swait.ge [sflag:s30], $0x6200  }
0x209: {  	[sflag:s30] =	ssyncset.done $0x0  }
0x20a: {  	[sflag:s30] =	ssyncadd.s32 $0xFFFF9E00  }
0x20b: {  	_ =	swait.ge [sflag:s30], $0x6180  }
0x20c: {  	[sflag:s30] =	ssyncset.done $0x0  }
0x20d: {  	[sflag:s30] =	ssyncadd.s32 $0xFFFF9E80  }
0x20e: {  	_ =	swait.ge [sflag:s30], $0x6200  }
0x20f: {  	[sflag:s30] =	ssyncset.done $0x0  }
0x210: {  	[sflag:s30] =	ssyncadd.s32 $0xFFFF9E00  }
0x211: {  	_ =	swait.ge [sflag:s30], $0x6180  }
0x212: {  	[sflag:s30] =	ssyncset.done $0x0  }
0x213: {  	[sflag:s30] =	ssyncadd.s32 $0xFFFF9E80  }
0x214: {  	_ =	swait.ge [sflag:s30], $0x6200  }
0x215: {  	[sflag:s30] =	ssyncset.done $0x0  }
0x216: {  	[sflag:s30] =	ssyncadd.s32 $0xFFFF9E00  }
0x217: {  	_ =	swait.ge [sflag:s30], $0x6180  }
0x218: {  	[sflag:s30] =	ssyncset.done $0x0  }
0x219: {  	[sflag:s30] =	ssyncadd.s32 $0xFFFF9E80  }
0x21a: {  	_ =	swait.ge [sflag:s30], $0x6200  }
0x21b: {  	[sflag:s30] =	ssyncset.done $0x0  }
0x21c: {  	[sflag:s30] =	ssyncadd.s32 $0xFFFF9E00  }
0x21d: {  	_ =	swait.ge [sflag:s30], $0x6180  }
0x21e: {  	[sflag:s30] =	ssyncset.done $0x0  }
0x21f: {  	s4 =	smulhi.u32 $0x14F38F63, s18;
	[sflag:s30] =	ssyncadd.s32 $0xFFFF9E80  }
0x220: {  	s28 =	smul.u32 $0x14F38F63, s13;
	_ =	swait.ge [sflag:s30], $0x6200  }
0x221: {  	[sflag:s30] =	ssyncset.done $0x0  }
0x222: {  	s13 =	sadd.s32 s28, s4;
	[sflag:s30] =	ssyncadd.s32 $0xFFFF9E00  }
0x223: {  	s14 =	sshrl.u32 s13, $0x1F;
	s13 =	sshra.s32 s13, $0xC;
	_ =	swait.ge [sflag:s30], $0x6180  }
0x224: {  	s13 =	sadd.s32 s14, s13;
	[sflag:s30] =	ssyncset.done $0x0  }
0x225: {  	s14 =	smul.u32 $0xFFFF3C80, s13;
	[sflag:s30] =	ssyncadd.s32 $0xFFFF9E80  }
0x226: {  	s18 =	ssub.s32 $0x0, s18;
	_ =	swait.ge [sflag:s30], $0x6200  }
0x227: {  	p0 =	sne.s32 s14, s18;
	s18 =	sld [smem:$0x7CC];
	_ =	sdelay $0x2  }
0x228: {  	p1 =	seq.s32 s18, $0x1  }
0x229: {  	p0 =	por !p1, !p0  }
0x22a: {  	s18 =	simm.s32 $0x1;
	p0 =	por !p0, !p0  }
0x22b: {  	[sflag:s30] =	ssyncset.done $0x0;
	s18 =	simm.s32 @!p0 $0x0  }
0x22c: {  	s14 =	simm.s32 @!p2 $0x1;
	[sflag:s30] =	ssyncadd.s32 $0xFFFF9E00;
	p0 =	sne.s32 s13, s18  }
0x22d: {  	_ =	swait.ge @!p2 [sflag:s14], $0x6180;
	s4 =	simm.s32 @!p0 $0x0  }
0x22e: {  	[sflag:s14] =	ssyncset.done @!p2 $0x0;
	s4 =	simm.s32 @p0 $0x1  }
0x22f: {  	[sflag:s14] =	ssyncadd.s32 @!p2 $0xFFFF9E80;
	s13 =	simm.s32 @p3 $0x1;
	[smem:$0x7E4] =	sst s4  }
0x230: {  	_ =	swait.ge @p3 [sflag:s13], $0x6200  }
0x231: {  	s18 =	smulhi.u32 $0x14F38F63, s25;
	s4 =	rddreg [dreg:$0x5];
	[sflag:s13] =	ssyncset.done @p3 $0x0  }
0x232: {  	s14 =	sadd.s32 @!p0 s4, s19;
	[sflag:s13] =	ssyncadd.s32 @p3 $0xFFFF9E00;
	s13 =	smul.u32 $0x14F38F63, s20  }
0x233: {  	s28 =	simm.s32 @!p0 $0x0;
	s14 =	sshrl.u32 @!p0 s14, $0x3;
	s19 =	rddreg [dreg:$0x2]  }
0x234: {  	s20 =	simm.s32 @!p0 $0x6200;
	s14 =	sadd.s32 @!p0 s19, s14;
	s13 =	sadd.s32 s13, s18  }
0x235: {  	[hbm4b:s14+s28] =	stream.linear.scatter @!p0 [tilespmem:s20], [sflag:$0x2], $0x80, $0x38;
	[tilespmem:$0x6B80] =	vst v63  }
0x236: {  	s20 =	sshrl.u32 s13, $0x1F;
	s13 =	sshra.s32 s13, $0xC  }
0x237: {  	s13 =	sadd.s32 s20, s13;
	s20 =	sld [smem:$0x7CD]  }
0x238: {  	s14 =	smul.u32 $0xFFFF3C80, s13  }
0x239: {  	s28 =	ssub.s32 $0x0, s25  }
0x23a: {  	p2 =	sne.s32 s14, s28;
	p3 =	seq.s32 s20, $0x1  }
0x23b: {  	p0 =	por !p3, !p2  }
0x23c: {  	s14 =	simm.s32 $0x1;
	p0 =	por !p0, !p0  }
0x23d: {  	s14 =	simm.s32 @!p0 $0x0  }
0x23e: {  	s13 =	ssub.s32 s13, s14  }
0x23f: {  	p0 =	sne.s32 s13, $0x1  }
0x240: {  	s13 =	simm.s32 @!p0 $0x0  }
0x241: {  	s13 =	simm.s32 @p0 $0x1  }
0x242: {  	[smem:$0x7E5] =	sst s13  }
0x243: {  	s13 =	sld [smem:$0x7CE]  }
0x244: {  	s25 =	sld [smem:$0x7CF];
	_ =	sdelay $0x1  }
0x245: {  	s13 =	sadd.s32 @!p0 s4, s13  }
0x246: {  	s28 =	smul.u32 $0x14F38F63, s25;
	s20 =	simm.s32 @!p0 $0x0;
	s13 =	sshrl.u32 @!p0 s13, $0x3  }
0x247: {  	s25 =	simm.s32 @!p0 $0x6280;
	s4 =	smulhi.u32 $0x14F38F63, s5;
	s13 =	sadd.s32 @!p0 s19, s13  }
0x248: {  	[hbm4b:s13+s20] =	stream.linear.scatter @!p0 [tilespmem:s25], [sflag:$0x2], $0x80, $0x38;
	[tilespmem:$0x6B80] =	vst v63  }
0x249: {  	s20 =	sadd.s32 s28, s4  }
0x24a: {  	s14 =	sshrl.u32 s20, $0x1F;
	s13 =	sshra.s32 s20, $0xC  }
0x24b: {  	s13 =	sadd.s32 s14, s13  }
0x24c: {  	s14 =	smul.u32 $0xFFFF3C80, s13  }
0x24d: {  	s5 =	ssub.s32 $0x0, s5  }
0x24e: {  	p2 =	sne.s32 s14, s5  }
0x24f: {  	p0 =	por !p5, !p2  }
0x250: {  	s5 =	simm.s32 $0x1;
	p0 =	por !p0, !p0  }
0x251: {  	s5 =	simm.s32 @!p0 $0x0  }
0x252: {  	p0 =	sne.s32 s13, s5  }
0x253: {  	s25 =	sld [smem:$0x7D1];
	s4 =	simm.s32 @!p0 $0x0  }
0x254: {  	s5 =	sld [smem:$0x7D0];
	s4 =	simm.s32 @p0 $0x1  }
0x255: {  	[smem:$0x7E6] =	sst s4  }
0x256: {  	s4 =	rddreg [dreg:$0xb]  }
0x257: {  	s28 =	smulhi.u32 $0x14F38F63, s24;
	s5 =	sadd.s32 @!p0 s4, s5  }
0x258: {  	s13 =	smul.u32 $0x14F38F63, s25;
	s5 =	sshrl.u32 @!p0 s5, $0x3  }
0x259: {  	s18 =	simm.s32 @!p0 $0x0;
	s20 =	simm.s32 @!p0 $0x6300;
	s5 =	sadd.s32 @!p0 s19, s5  }
0x25a: {  	[hbm4b:s5+s18] =	stream.linear.scatter @!p0 [tilespmem:s20], [sflag:$0x2], $0x80, $0x38;
	[tilespmem:$0x6B80] =	vst v63  }
0x25b: {  	s20 =	sadd.s32 s13, s28  }
0x25c: {  	s13 =	sshrl.u32 s20, $0x1F;
	s5 =	sshra.s32 s20, $0xC  }
0x25d: {  	s5 =	sadd.s32 s13, s5  }
0x25e: {  	s13 =	smul.u32 $0xFFFF3C80, s5  }
0x25f: {  	s24 =	ssub.s32 $0x0, s24  }
0x260: {  	p3 =	sne.s32 s13, s24  }
0x261: {  	p0 =	por !p6, !p3  }
0x262: {  	s13 =	simm.s32 $0x1;
	p0 =	por !p0, !p0  }
0x263: {  	s13 =	simm.s32 @!p0 $0x0  }
0x264: {  	s5 =	ssub.s32 s5, s13  }
0x265: {  	p0 =	sne.s32 s5, $0x1  }
0x266: {  	s5 =	simm.s32 @!p0 $0x0  }
0x267: {  	s25 =	sld [smem:$0x7D3];
	s5 =	simm.s32 @p0 $0x1  }
0x268: {  	[smem:$0x7E7] =	sst s5  }
0x269: {  	s5 =	sld [smem:$0x7D2];
	_ =	sdelay $0x1  }
0x26a: {  	s28 =	smul.u32 $0x14F38F63, s25  }
0x26b: {  	s5 =	sadd.s32 @!p0 s4, s5;
	s4 =	smulhi.u32 $0x14F38F63, s21  }
0x26c: {  	s18 =	simm.s32 @!p0 $0x0;
	s5 =	sshrl.u32 @!p0 s5, $0x3  }
0x26d: {  	s20 =	simm.s32 @!p0 $0x6380;
	s5 =	sadd.s32 @!p0 s19, s5;
	s14 =	sadd.s32 s28, s4  }
0x26e: {  	[hbm4b:s5+s18] =	stream.linear.scatter @!p0 [tilespmem:s20], [sflag:$0x2], $0x80, $0x38;
	[tilespmem:$0x6B80] =	vst v63  }
0x26f: {  	s13 =	sshrl.u32 s14, $0x1F;
	s5 =	sshra.s32 s14, $0xC  }
0x270: {  	s20 =	sld [smem:$0x7D4];
	s5 =	sadd.s32 s13, s5  }
0x271: {  	s13 =	smul.u32 $0xFFFF3C80, s5  }
0x272: {  	s18 =	ssub.s32 $0x0, s21  }
0x273: {  	p6 =	seq.s32 s20, $0x1;
	p5 =	sne.s32 s13, s18  }
0x274: {  	p0 =	por !p6, !p5  }
0x275: {  	s13 =	simm.s32 $0x1;
	p0 =	por !p0, !p0  }
0x276: {  	s13 =	simm.s32 @!p0 $0x0  }
0x277: {  	p0 =	sne.s32 s5, s13  }
0x278: {  	s21 =	sld [smem:$0x7D6];
	s4 =	simm.s32 @!p0 $0x0  }
0x279: {  	s5 =	sld [smem:$0x7D5];
	s4 =	simm.s32 @p0 $0x1  }
0x27a: {  	[smem:$0x7E8] =	sst s4  }
0x27b: {  	s24 =	smulhi.u32 $0x14F38F63, s11;
	s4 =	rddreg [dreg:$0x9]  }
0x27c: {  	s13 =	smul.u32 $0x14F38F63, s21;
	s5 =	sadd.s32 @!p0 s4, s5  }
0x27d: {  	s18 =	simm.s32 @!p0 $0x0;
	s5 =	sshrl.u32 @!p0 s5, $0x3  }
0x27e: {  	s20 =	simm.s32 @!p0 $0x6400;
	s25 =	sadd.s32 s13, s24;
	s5 =	sadd.s32 @!p0 s19, s5  }
0x27f: {  	[hbm4b:s5+s18] =	stream.linear.scatter @!p0 [tilespmem:s20], [sflag:$0x2], $0x80, $0x38;
	[tilespmem:$0x6B80] =	vst v63  }
0x280: {  	s13 =	sshrl.u32 s25, $0x1F;
	s5 =	sshra.s32 s25, $0xC;
	s18 =	sld [smem:$0x7D7]  }
0x281: {  	s28 =	smulhi.u32 $0x14F38F63, s26;
	s24 =	sld [smem:$0x7D8];
	s5 =	sadd.s32 s13, s5  }
0x282: {  	s20 =	smul.u32 $0xFFFF3C80, s5  }
0x283: {  	s13 =	smul.u32 $0x14F38F63, s18  }
0x284: {  	s11 =	ssub.s32 $0x0, s11;
	p3 =	seq.s32 s24, $0x1  }
0x285: {  	p2 =	sne.s32 s20, s11;
	s20 =	sld [smem:$0x7D9];
	s13 =	sadd.s32 s13, s28  }
0x286: {  	p0 =	por !p3, !p2;
	s21 =	sshrl.u32 s13, $0x1F;
	s13 =	sshra.s32 s13, $0xC  }
0x287: {  	p0 =	por !p0, !p0;
	s11 =	sadd.s32 s21, s13;
	s13 =	simm.s32 $0x1  }
0x288: {  	s25 =	smul.u32 $0xFFFF3C80, s11;
	s13 =	simm.s32 @!p0 $0x0  }
0x289: {  	s28 =	ssub.s32 $0x0, s26;
	s5 =	ssub.s32 s5, s13;
	s13 =	sld [smem:$0x7DA]  }
0x28a: {  	p6 =	seq.s32 s20, $0x1;
	p5 =	sne.s32 s25, s28;
	p1 =	sne.s32 s5, $0x1  }
0x28b: {  	p0 =	por !p6, !p5;
	s5 =	simm.s32 @!p1 $0x0;
	s14 =	simm.s32 @!p1 $0x0  }
0x28c: {  	s5 =	simm.s32 @p1 $0x1;
	p0 =	por !p0, !p0;
	s13 =	sadd.s32 @!p1 s4, s13  }
0x28d: {  	[smem:$0x7E9] =	sst s5;
	s5 =	simm.s32 $0x1;
	s13 =	sshrl.u32 @!p1 s13, $0x3  }
0x28e: {  	s18 =	simm.s32 @!p1 $0x6480;
	s5 =	simm.s32 @!p0 $0x0;
	s13 =	sadd.s32 @!p1 s19, s13  }
0x28f: {  	[hbm4b:s13+s14] =	stream.linear.scatter @!p1 [tilespmem:s18], [sflag:$0x2], $0x80, $0x38;
	[tilespmem:$0x6B80] =	vst v63  }
0x290: {  	s24 =	sld [smem:$0x7DC];
	s21 =	smulhi.u32 $0x14F38F63, s29;
	p0 =	sne.s32 s11, s5  }
0x291: {  	s28 =	ssub.s32 $0x0, s29;
	s29 =	sld [smem:$0x7DD];
	s4 =	simm.s32 @!p0 $0x0  }
0x292: {  	s3 =	smul.u32 $0x14F38F63, s3;
	s11 =	sld [smem:$0x7DB];
	s4 =	simm.s32 @p0 $0x1  }
0x293: {  	s13 =	smul.u32 $0x14F38F63, s24;
	[smem:$0x7EA] =	sst s4  }
0x294: {  	s26 =	smulhi.u32 $0x14F38F63, s1;
	s4 =	rddreg [dreg:$0xc]  }
0x295: {  	s14 =	simm.s32 @!p0 $0x0;
	s5 =	sadd.s32 s13, s21;
	s11 =	sadd.s32 @!p0 s4, s11  }
0x296: {  	s25 =	sshrl.u32 s5, $0x1F;
	s5 =	sshra.s32 s5, $0xC;
	s11 =	sshrl.u32 @!p0 s11, $0x3  }
0x297: {  	s18 =	simm.s32 @!p0 $0x6500;
	s5 =	sadd.s32 s25, s5;
	s11 =	sadd.s32 @!p0 s19, s11  }
0x298: {  	[hbm4b:s11+s14] =	stream.linear.scatter @!p0 [tilespmem:s18], [sflag:$0x2], $0x80, $0x38;
	[tilespmem:$0x6B80] =	vst v63  }
0x299: {  	s11 =	smul.u32 $0xFFFF3C80, s5;
	_ =	sdelay $0x1  }
0x29a: {  	s3 =	sadd.s32 s3, s26;
	p3 =	seq.s32 s29, $0x1;
	p2 =	sne.s32 s11, s28  }
0x29b: {  	s13 =	sshrl.u32 s3, $0x1F;
	p0 =	por !p3, !p2  }
0x29c: {  	s3 =	sshra.s32 s3, $0xC;
	s11 =	simm.s32 $0x1;
	p0 =	por !p0, !p0  }
0x29d: {  	s3 =	sadd.s32 s13, s3;
	s11 =	simm.s32 @!p0 $0x0  }
0x29e: {  	s13 =	smul.u32 $0xFFFF3C80, s3;
	s5 =	ssub.s32 s5, s11;
	s11 =	sld [smem:$0x7DE]  }
0x29f: {  	s1 =	ssub.s32 $0x0, s1;
	p1 =	sne.s32 s5, $0x1;
	s5 =	sld [smem:$0x7DF]  }
0x2a0: {  	p5 =	sne.s32 s13, s1;
	s14 =	smul.u32 $0x14F38F63, s7;
	s1 =	simm.s32 @!p1 $0x0  }
0x2a1: {  	s13 =	simm.s32 @!p1 $0x6580;
	p6 =	seq.s32 s11, $0x1;
	s1 =	simm.s32 @p1 $0x1  }
0x2a2: {  	p0 =	por !p6, !p5;
	[smem:$0x7EB] =	sst s1;
	s5 =	sadd.s32 @!p1 s4, s5  }
0x2a3: {  	s1 =	simm.s32 $0x1;
	p0 =	por !p0, !p0;
	s5 =	sshrl.u32 @!p1 s5, $0x3  }
0x2a4: {  	s11 =	simm.s32 @!p1 $0x0;
	s1 =	simm.s32 @!p0 $0x0;
	s5 =	sadd.s32 @!p1 s19, s5  }
0x2a5: {  	[hbm4b:s5+s11] =	stream.linear.scatter @!p1 [tilespmem:s13], [sflag:$0x2], $0x80, $0x38;
	[tilespmem:$0x6B80] =	vst v63  }
0x2a6: {  	p5 =	sne.s32 s3, s1;
	s13 =	smulhi.u32 $0x14F38F63, s0;
	s3 =	sld [smem:$0x7E0]  }
0x2a7: {  	s20 =	smulhi.u32 $0x14F38F63, s9;
	s25 =	sld [smem:$0x7E1]  }
0x2a8: {  	s21 =	smul.u32 $0x14F38F63, s16;
	s4 =	rddreg [dreg:$0x11];
	s1 =	sadd.s32 s14, s13  }
0x2a9: {  	s3 =	sadd.s32 @!p5 s4, s3;
	s18 =	sshrl.u32 s1, $0x1F;
	s1 =	sshra.s32 s1, $0xC  }
0x2aa: {  	s7 =	simm.s32 @!p5 $0x0;
	s3 =	sshrl.u32 @!p5 s3, $0x3;
	s1 =	sadd.s32 s18, s1  }
0x2ab: {  	s11 =	simm.s32 @!p5 $0x6600;
	s3 =	sadd.s32 @!p5 s19, s3;
	s24 =	smul.u32 $0xFFFF3C80, s1  }
0x2ac: {  	[hbm4b:s3+s7] =	stream.linear.scatter @!p5 [tilespmem:s11], [sflag:$0x2], $0x80, $0x38;
	[tilespmem:$0x6B80] =	vst v63  }
0x2ad: {  	p2 =	seq.s32 s25, $0x1;
	s0 =	ssub.s32 $0x0, s0;
	s3 =	sadd.s32 s21, s20  }
0x2ae: {  	s5 =	sshrl.u32 s3, $0x1F;
	s3 =	sshra.s32 s3, $0xC;
	p1 =	sne.s32 s24, s0  }
0x2af: {  	s29 =	sld [smem:$0x7E2];
	p0 =	por !p2, !p1;
	s26 =	sadd.s32 s5, s3  }
0x2b0: {  	s3 =	simm.s32 $0x1;
	p0 =	por !p0, !p0;
	s5 =	smul.u32 $0xFFFF3C80, s26  }
0x2b1: {  	s28 =	ssub.s32 $0x0, s9;
	s3 =	simm.s32 @!p0 $0x0  }
0x2b2: {  	p6 =	seq.s32 s29, $0x1;
	s1 =	ssub.s32 s1, s3;
	p3 =	sne.s32 s5, s28  }
0x2b3: {  	p0 =	por !p6, !p3;
	p3 =	sne.s32 s1, $0x1;
	s1 =	simm.s32 $0x1  }
0x2b4: {  	p0 =	por !p0, !p0;
	s3 =	sadd.s32 @!p3 s4, s6;
	s5 =	simm.s32 @!p3 $0x0  }
0x2b5: {  	s6 =	simm.s32 @!p3 $0x6680;
	s1 =	simm.s32 @!p0 $0x0;
	s3 =	sshrl.u32 @!p3 s3, $0x3  }
0x2b6: {  	s4 =	rddreg [dreg:$0x12];
	s3 =	sadd.s32 @!p3 s19, s3;
	p2 =	sne.s32 s26, s1  }
0x2b7: {  	[hbm4b:s3+s5] =	stream.linear.scatter @!p3 [tilespmem:s6], [sflag:$0x2], $0x80, $0x38;
	[tilespmem:$0x6B80] =	vst v63  }
0x2b8: {  	s0 =	sadd.s32 @!p2 s4, s31  }
0x2b9: {  	s0 =	sshrl.u32 @!p2 s0, $0x3  }
0x2ba: {  	s1 =	simm.s32 @!p2 $0x0;
	s3 =	simm.s32 @!p2 $0x6700;
	s0 =	sadd.s32 @!p2 s19, s0  }
0x2bb: {  	[hbm4b:s0+s1] =	stream.linear.scatter @!p2 [tilespmem:s3], [sflag:$0x2], $0x80, $0x38;
	[tilespmem:$0x6B80] =	vst v63  }
0x2bc: {  	s1 =	smulhi.u32 $0x14F38F63, s10  }
0x2bd: {  	s3 =	smul.u32 $0x14F38F63, s17  }
0x2be: {  	s2 =	smul.u32 $0x14F38F63, s2;
	s16 =	sld [smem:$0x7EF];
	s9 =	ssub.s32 $0x0, s10  }
0x2bf: {  	s13 =	sld [smem:$0x7E3];
	s5 =	smulhi.u32 $0x14F38F63, s8;
	s0 =	sadd.s32 s3, s1  }
0x2c0: {  	s14 =	rddreg [dreg:$0x16];
	s1 =	sshrl.u32 s0, $0x1F;
	s0 =	sshra.s32 s0, $0xC  }
0x2c1: {  	s18 =	rddreg [dreg:$0x8];
	s2 =	sadd.s32 s2, s5;
	s0 =	sadd.s32 s1, s0  }
0x2c2: {  	s6 =	sshrl.u32 s2, $0x1F;
	s2 =	sshra.s32 s2, $0xC;
	s7 =	smul.u32 $0xFFFF3C80, s0  }
0x2c3: {  	s11 =	ssub.s32 $0x0, s8;
	s20 =	sld [smem:$0x7E4];
	s1 =	sadd.s32 s6, s2  }
0x2c4: {  	p6 =	seq.s32 s13, $0x1;
	s10 =	smul.u32 $0xFFFF3C80, s1;
	p1 =	sne.s32 s7, s9  }
0x2c5: {  	s17 =	sld [smem:$0x7EE];
	s3 =	simm.s32 $0x1;
	p0 =	por !p6, !p1  }
0x2c6: {  	s2 =	simm.s32 $0x1;
	p6 =	sne.s32 s10, s11;
	p0 =	por !p0, !p0  }
0x2c7: {  	p1 =	por !p4, !p6;
	p4 =	slt.s32 s12, s14;
	s2 =	simm.s32 @!p0 $0x0  }
0x2c8: {  	p6 =	seq.s32 s17, $0x1;
	p0 =	por !p1, !p1;
	s0 =	ssub.s32 s0, s2  }
0x2c9: {  	s3 =	simm.s32 @!p0 $0x0;
	p0 =	seq.s32 s16, $0x1;
	p1 =	sne.s32 s0, $0x1  }
0x2ca: {  	s1 =	ssub.s32 s1, s3;
	p0 =	por @!p4 p6, p6;
	s0 =	sadd.s32 @!p1 s4, s23  }
0x2cb: {  	p6 =	seq.s32 s1, s18;
	s1 =	simm.s32 @!p1 $0x0;
	s0 =	sshrl.u32 @!p1 s0, $0x3  }
0x2cc: {  	s2 =	simm.s32 @!p1 $0x6780;
	p0 =	por !p6, !p0;
	s0 =	sadd.s32 @!p1 s19, s0  }
0x2cd: {  	[hbm4b:s0+s1] =	stream.linear.scatter @!p1 [tilespmem:s2], [sflag:$0x2], $0x80, $0x38;
	[tilespmem:$0x6B80] =	vst v63  }
0x2ce: {  	p0 =	por !p0, !p0;
	s0 =	rddreg [dreg:$0x10]  }
0x2cf: {  	s0 =	sadd.s32 @p0 s0, s22  }
0x2d0: {  	p4 =	seq.s32 s20, $0x1;
	s0 =	sshrl.u32 @p0 s0, $0x3  }
0x2d1: {  	s1 =	simm.s32 @p0 $0x0;
	s2 =	simm.s32 @p0 $0x6800;
	s0 =	sadd.s32 @p0 s19, s0  }
0x2d2: {  	[hbm4b:s0+s1] =	stream.linear.scatter @p0 [tilespmem:s2], [sflag:$0x2], $0x80, $0x38;
	[tilespmem:$0x6B80] =	vst v63  }
0x2d3: {  	s0 =	simm.s32 @!p4 $0x2  }
0x2d4: {  	_ =	swait.ge @!p4 [sflag:s0], $0x80  }
0x2d5: {  	s21 =	sld [smem:$0x7E5];
	_ =	sdelay $0x1  }
0x2d6: {  	[sflag:s0] =	ssyncset.done @!p4 $0x0  }
0x2d7: {  	[sflag:s0] =	ssyncadd.s32 @!p4 $0xFFFFFF80;
	p4 =	seq.s32 s21, $0x1  }
0x2d8: {  	s0 =	simm.s32 @!p4 $0x2  }
0x2d9: {  	_ =	swait.ge @!p4 [sflag:s0], $0x80  }
0x2da: {  	s22 =	sld [smem:$0x7E6];
	_ =	sdelay $0x1  }
0x2db: {  	[sflag:s0] =	ssyncset.done @!p4 $0x0  }
0x2dc: {  	[sflag:s0] =	ssyncadd.s32 @!p4 $0xFFFFFF80;
	p4 =	seq.s32 s22, $0x1  }
0x2dd: {  	s0 =	simm.s32 @!p4 $0x2  }
0x2de: {  	_ =	swait.ge @!p4 [sflag:s0], $0x80  }
0x2df: {  	s23 =	sld [smem:$0x7E7];
	_ =	sdelay $0x1  }
0x2e0: {  	[sflag:s0] =	ssyncset.done @!p4 $0x0  }
0x2e1: {  	[sflag:s0] =	ssyncadd.s32 @!p4 $0xFFFFFF80;
	p4 =	seq.s32 s23, $0x1  }
0x2e2: {  	s0 =	simm.s32 @!p4 $0x2  }
0x2e3: {  	_ =	swait.ge @!p4 [sflag:s0], $0x80  }
0x2e4: {  	s24 =	sld [smem:$0x7E8];
	_ =	sdelay $0x1  }
0x2e5: {  	[sflag:s0] =	ssyncset.done @!p4 $0x0  }
0x2e6: {  	[sflag:s0] =	ssyncadd.s32 @!p4 $0xFFFFFF80;
	p4 =	seq.s32 s24, $0x1  }
0x2e7: {  	s0 =	simm.s32 @!p4 $0x2  }
0x2e8: {  	_ =	swait.ge @!p4 [sflag:s0], $0x80  }
0x2e9: {  	s25 =	sld [smem:$0x7E9];
	_ =	sdelay $0x1  }
0x2ea: {  	[sflag:s0] =	ssyncset.done @!p4 $0x0  }
0x2eb: {  	[sflag:s0] =	ssyncadd.s32 @!p4 $0xFFFFFF80;
	p4 =	seq.s32 s25, $0x1  }
0x2ec: {  	s0 =	simm.s32 @!p4 $0x2  }
0x2ed: {  	_ =	swait.ge @!p4 [sflag:s0], $0x80  }
0x2ee: {  	s26 =	sld [smem:$0x7EA];
	_ =	sdelay $0x1  }
0x2ef: {  	[sflag:s0] =	ssyncset.done @!p4 $0x0  }
0x2f0: {  	[sflag:s0] =	ssyncadd.s32 @!p4 $0xFFFFFF80;
	p4 =	seq.s32 s26, $0x1  }
0x2f1: {  	s0 =	simm.s32 @!p4 $0x2  }
0x2f2: {  	_ =	swait.ge @!p4 [sflag:s0], $0x80  }
0x2f3: {  	s28 =	sld [smem:$0x7EB];
	_ =	sdelay $0x1  }
0x2f4: {  	[sflag:s0] =	ssyncset.done @!p4 $0x0  }
0x2f5: {  	[sflag:s0] =	ssyncadd.s32 @!p4 $0xFFFFFF80;
	p4 =	seq.s32 s28, $0x1  }
0x2f6: {  	s0 =	simm.s32 @!p4 $0x2  }
0x2f7: {  	_ =	swait.ge @!p4 [sflag:s0], $0x80  }
0x2f8: {  	[sflag:s0] =	ssyncset.done @!p4 $0x0  }
0x2f9: {  	[sflag:s0] =	ssyncadd.s32 @!p4 $0xFFFFFF80;
	s0 =	simm.s32 @!p5 $0x2  }
0x2fa: {  	_ =	swait.ge @!p5 [sflag:s0], $0x80  }
0x2fb: {  	[sflag:s0] =	ssyncset.done @!p5 $0x0  }
0x2fc: {  	[sflag:s0] =	ssyncadd.s32 @!p5 $0xFFFFFF80;
	s0 =	simm.s32 @!p3 $0x2  }
0x2fd: {  	_ =	swait.ge @!p3 [sflag:s0], $0x80  }
0x2fe: {  	[sflag:s0] =	ssyncset.done @!p3 $0x0  }
0x2ff: {  	[sflag:s0] =	ssyncadd.s32 @!p3 $0xFFFFFF80;
	s0 =	simm.s32 @!p2 $0x2  }
0x300: {  	_ =	swait.ge @!p2 [sflag:s0], $0x80  }
0x301: {  	[sflag:s0] =	ssyncset.done @!p2 $0x0  }
0x302: {  	[sflag:s0] =	ssyncadd.s32 @!p2 $0xFFFFFF80;
	s0 =	simm.s32 @!p1 $0x2  }
0x303: {  	_ =	swait.ge @!p1 [sflag:s0], $0x80  }
0x304: {  	[sflag:s0] =	ssyncset.done @!p1 $0x0  }
0x305: {  	[sflag:s0] =	ssyncadd.s32 @!p1 $0xFFFFFF80;
	s0 =	simm.s32 @p0 $0x2  }
0x306: {  	_ =	swait.ge @p0 [sflag:s0], $0x80  }
0x307: {  	s29 =	sld [smem:$0x7EC];
	_ =	sdelay $0x2  }
0x308: {  	s31 =	rddreg [dreg:$0x17];
	s2 =	sadd.s32 $0x1, s29  }
0x309: {  	p1 =	sne.s32 s2, s31  }
.Ltmp1:
0x30a: {  	_ = 	snop;
	(pc) =	sbr.rel @p1 .LBB2_1-.Ltmp1, $3  }
0x30b: {  	_ =	sdelay $0x1  }
0x30c: {  	[sflag:s0] =	ssyncset.done @p0 $0x0  }
0x30d: {  	[sflag:s0] =	ssyncadd.s32 @p0 $0xFFFFFF80  }
0x30e: {  	_ =	sfence.sel $0x180000  }
0x30f: {  	[bflag:$0x0] =	sbarrier.arrive $0xFFFF  }
0x310: {  	_ =	strace $0x90000047  }
0x311: {  	s0 =	stileid.u32;
	[bflag:$0x2] =	sbarrier.arrive $0xFFFF  }
0x312: {  	p0 =	sne.s32 s0, $0x0;
	s0 =	rddreg [dreg:$0x3]  }
0x313: {  	s0 =	sadd.s32 @!p0 $0x100000, s0  }
0x314: {  	[sflag:s0] =	ssyncadd.tile.s32 @!p0 $0x1;
	_ =	shalt  }
.Lfunc_end2:
_tile_overlayer_lowered:
.L_overlay_start_2:
0x315: {  	(tag) =	ssettag $0x2  }
0x316: {  	s0 =	rddreg [dreg:$0x0];
	s2 =	stileid.u32  }
0x317: {  	s1 =	rddreg [dreg:$0x1];
	p0 =	sne.s32 s2, $0x0  }
0x318: {  	s3 =	rddreg [dreg:$0x2];
	[bflag:$0x3] =	sbarrier.arrive $0xFFFF;
	s2 =	simm.s32 @!p0 $0x1C03  }
0x319: {  	[timem:s3], [sflag:s2] =	dma.local @!p0 [hbm:s0], s1  }
0x31a: {  	s0 =	simm.s32 @!p0 $0x3  }
0x31b: {  	_ =	swait.ge @!p0 [sflag:s0], s1  }
0x31c: {  	s1 =	ssub.s32 @!p0 $0x0, s1;
	[sflag:s0] =	ssyncset.done @!p0 $0x0  }
0x31d: {  	[sflag:s0] =	ssyncadd.s32 @!p0 s1  }
0x31e: {  	[bflag:$0x3] =	sbarrier.arrive $0xFFFF  }
0x31f: {  	_ =	shalt  }

</sc_bundles>
